<compile_context>
chip_gen: v7x
topology: tpu7x:2x2x1
jax: 0.10.2.dev20260603
libtpu: 0.0.44.dev20260713+nightly
codegen_flags: <defaults>
</compile_context>

<pallas_src>
import functools

import jax
import jax.numpy as jnp
from jax import lax
from jax.experimental import pallas as pl
from jax.experimental.pallas import tpu as pltpu
from jax.experimental.pallas import tpu_sc as plsc

B, T, D, S = 8, 2048, 512, 256
TW = 256
L = 16
NW = 32
SPW = (B * S) // NW


HB = 4


def _tc_logits_body(seq_ref, w_ref, b_ref, expz_ref):
    seq = seq_ref[...].reshape(HB * TW, D)
    z = jnp.dot(seq, w_ref[...], preferred_element_type=jnp.float32)
    z = z.reshape(HB, TW) + b_ref[0]
    mx = jnp.max(z, axis=1, keepdims=True)
    expz_ref[...] = jnp.exp(z - mx).reshape(HB, 1, TW)


def _tc_logits(sequence_tensor, w, b):
    return pl.pallas_call(
        _tc_logits_body,
        grid=(B // HB,),
        in_specs=[
            pl.BlockSpec((HB, TW, D), lambda i: (i, 0, 0)),
            pl.BlockSpec((D, 1), lambda i: (0, 0)),
            pl.BlockSpec((1,), lambda i: (0,)),
        ],
        out_specs=pl.BlockSpec((HB, 1, TW), lambda i: (i, 0, 0)),
        out_shape=jax.ShapeDtypeStruct((B, 1, TW), jnp.float32),
    )(sequence_tensor, w, b)


_sc_mesh = plsc.VectorSubcoreMesh(core_axis_name="c", subcore_axis_name="s")


@functools.partial(
    pl.kernel,
    mesh=_sc_mesh,
    out_type=jax.ShapeDtypeStruct((B * S, TW), jnp.float32),
    scratch_types=[
        pltpu.VMEM((SPW,), jnp.int32),
        pltpu.VMEM((SPW,), jnp.int32),
        pltpu.VMEM((SPW, TW), jnp.float32),
        pltpu.SemaphoreType.DMA,
    ],
)
def _sc_build_mask(starts_hbm, ends_hbm, a_hbm, starts_v, ends_v, a_v, sem):
    wid = lax.axis_index("s") * 2 + lax.axis_index("c")
    r0 = wid * SPW
    pltpu.sync_copy(starts_hbm.at[pl.ds(r0, SPW)], starts_v)
    pltpu.sync_copy(ends_hbm.at[pl.ds(r0, SPW)], ends_v)

    iota = lax.iota(jnp.int32, L)
    lanes_j = [iota + j * L for j in range(TW // L)]
    one = jnp.full((L,), 1.0, dtype=jnp.float32)
    zero = jnp.zeros((L,), dtype=jnp.float32)

    def group_body(g, carry):
        base = g * L
        sv = starts_v[pl.ds(base, L)]
        ev = ends_v[pl.ds(base, L)]
        for k in range(L):
            s0 = sv[k]
            width = plsc.bitcast((ev[k] - s0).reshape(1), jnp.uint32)[0]
            for j in range(TW // L):
                off = plsc.bitcast(lanes_j[j] - s0, jnp.uint32)
                a_v[base + k, pl.ds(j * L, L)] = jnp.where(off <= width, one, zero)
        pltpu.async_copy(a_v.at[pl.ds(base, L), :],
                         a_hbm.at[pl.ds(r0 + base, L), :], sem)
        return carry

    lax.fori_loop(0, SPW // L, group_body, 0)
    for g in range(SPW // L):
        pltpu.make_async_copy(a_v.at[pl.ds(g * L, L), :],
                              a_hbm.at[pl.ds(r0 + g * L, L), :], sem).wait()


BB = 4


def _tc_reduce_body(mask_ref, expz_ref, seq_ref, out_ref):
    for q in range(BB):
        a = mask_ref[q] * expz_ref[q]
        att = a / jnp.sum(a, axis=1, keepdims=True)
        out_ref[q] = jnp.dot(att, seq_ref[q], preferred_element_type=jnp.float32)


def _tc_reduce(mask, expz, sequence_tensor):
    return pl.pallas_call(
        _tc_reduce_body,
        grid=(B // BB,),
        in_specs=[
            pl.BlockSpec((BB, S, TW), lambda i: (i, 0, 0)),
            pl.BlockSpec((BB, 1, TW), lambda i: (i, 0, 0)),
            pl.BlockSpec((BB, TW, D), lambda i: (i, 0, 0)),
        ],
        out_specs=pl.BlockSpec((BB, S, D), lambda i: (i, 0, 0)),
        out_shape=jax.ShapeDtypeStruct((B, S, D), jnp.float32),
    )(mask, expz, sequence_tensor)


def kernel(sequence_tensor, span_indices, w, b):
    expz = _tc_logits(sequence_tensor, w, b)
    starts = span_indices[:, :, 0].reshape(B * S)
    ends = span_indices[:, :, 1].reshape(B * S)
    mask = _sc_build_mask(starts, ends)
    return _tc_reduce(mask.reshape(B, S, TW), expz, sequence_tensor)

# --- scband reference (transcript-rebuilt; emitter-appended) ---
"""Pipeline reference for scband-self-attentive-span-extractor-21723944583202 (READ-ONLY COPY).

The authoritative reference and input builder live on the scoring server;
editing this copy changes nothing except your own understanding.
"""

import jax, jax.numpy as jnp
import numpy as np


def setup_inputs(seed: int = 0) -> dict:
    key = jax.random.key(seed)
    k1, k2, k3, k4 = jax.random.split(key, 4)
    B, T, D, S = 8, 2048, 512, 256
    sequence_tensor = jax.random.normal(k1, (B, T, D), dtype=jnp.float32)
    span_indices = jnp.sort(jax.random.randint(k2, (B, S, 2), 0, 128), axis=-1)
    # Linear(input_dim, 1) parameters of the global attention head
    w = jax.random.normal(k3, (D, 1), dtype=jnp.float32) / np.sqrt(D)
    b = jax.random.normal(k4, (1,), dtype=jnp.float32) * 0.01
    return {"sequence_tensor": sequence_tensor, "span_indices": span_indices, "w": w, "b": b}


def reference(sequence_tensor, span_indices, w, b):
    B, T, D = sequence_tensor.shape
    S = span_indices.shape[1]
    # global attention logits over every token
    global_attention_logits = sequence_tensor @ w + b  # [B, T, 1]
    concat_tensor = jnp.concatenate([sequence_tensor, global_attention_logits], axis=-1)  # [B, T, D+1]
    # ---- batched_span_select ----
    span_starts = span_indices[..., 0:1]  # [B, S, 1]
    span_ends = span_indices[..., 1:2]    # [B, S, 1]
    span_widths = span_ends - span_starts
    max_batch_span_width = 128  # static bound: span indices lie in [0, 128)
    max_span_range_indices = jnp.arange(max_batch_span_width).reshape(1, 1, -1)
    span_mask = max_span_range_indices <= span_widths  # [B, S, W]
    raw_span_indices = span_starts + max_span_range_indices
    span_mask = span_mask & (raw_span_indices < T) & (raw_span_indices >= 0)
    clamped_indices = raw_span_indices * span_mask  # [B, S, W]
    flat_idx = clamped_indices.reshape(B, S * max_batch_span_width)
    concat_output = jnp.take_along_axis(concat_tensor, flat_idx[:, :, None], axis=1)
    concat_output = concat_output.reshape(B, S, max_batch_span_width, D + 1)
    # ---- split embeddings / logits ----
    span_embeddings = concat_output[:, :, :, :-1]      # [B, S, W, D]
    span_attention_logits = concat_output[:, :, :, -1]  # [B, S, W]
    # ---- masked_softmax (allennlp default, non memory-efficient) ----
    mf = span_mask.astype(span_attention_logits.dtype)
    valid = max_span_range_indices <= jnp.max(span_widths)  # [1, 1, W]
    z = span_attention_logits * mf
    z_max = jnp.max(jnp.where(valid, z, -jnp.inf), axis=-1, keepdims=True)
    exp_z = jnp.where(valid, jnp.exp(z - z_max), 0.0)
    att = exp_z / jnp.sum(exp_z, axis=-1, keepdims=True)
    att = att * mf
    att = att / (jnp.sum(att, axis=-1, keepdims=True) + 1e-13)
    # ---- weighted_sum ----
    attended_text_embeddings = jnp.sum(att[..., None] * span_embeddings, axis=-2)  # [B, S, D]
    return attended_text_embeddings

if __name__ == "__main__":
    import jax
    _d = setup_inputs()
    print(jax.jit(kernel)(*tuple(_d.values())))

</pallas_src>

<mosaic_0001>
#map = affine_map<(d0, d1) -> (0)>
#map1 = affine_map<(d0, d1) -> (0, 0)>
module attributes {stable_mosaic.version = 14 : i64} {
  func.func @_sc_build_mask(%arg0: i32, %arg1: i32, %arg2: memref<2048xi32, #tpu.memory_space<hbm>>, %arg3: memref<2048xi32, #tpu.memory_space<hbm>>, %arg4: memref<2048x256xf32, #tpu.memory_space<hbm>>, %arg5: memref<64xi32, #tpu.memory_space<vmem>>, %arg6: memref<64xi32, #tpu.memory_space<vmem>>, %arg7: memref<64x256xf32, #tpu.memory_space<vmem>>, %arg8: memref<!tpu.dma_semaphore, #tpu.memory_space<semaphore_mem>>) attributes {dimension_semantics = [#tpu.dimension_semantics<core_parallel>, #tpu.dimension_semantics<subcore_parallel>], iteration_bounds = array<i64: 2, 16>, scalar_prefetch = 0 : i64, scratch_operands = 4 : i64, tpu.core_type = #tpu.core_type<sc_vector_subcore>, window_params = [{transform_indices = #map}, {transform_indices = #map}, {transform_indices = #map1}]} {
    %mul3A = arith.constant 2 : i32
    %mul3A_0 = arith.muli %arg1, %mul3A : i32
    %add3A = arith.addi %mul3A_0, %arg0 : i32
    %mul3A_1 = arith.constant 64 : i32
    %mul3A_2 = arith.muli %add3A, %mul3A_1 : i32
    "tpu.region"() ({
      %run_scoped3A = tpu.sem_alloc : memref<!tpu.dma_semaphore, #tpu.memory_space<semaphore_mem>>
      %dma_start3A = tpu.memref_slice %arg2[%mul3A_2] : memref<2048xi32, #tpu.memory_space<hbm>> -> memref<64xi32, #tpu.memory_space<hbm>>
      %dma_start3A_106 = tpu.memref_slice %arg2[%mul3A_2] : memref<2048xi32, #tpu.memory_space<hbm>> -> memref<64xi32, #tpu.memory_space<hbm>>
      tpu.enqueue_dma source(%dma_start3A_106 : memref<64xi32, #tpu.memory_space<hbm>>) target(%arg5 : memref<64xi32, #tpu.memory_space<vmem>>) target_semaphore(%run_scoped3A : memref<!tpu.dma_semaphore, #tpu.memory_space<semaphore_mem>>)
      %dma_wait3A_107 = tpu.memref_slice %arg2[%mul3A_2] : memref<2048xi32, #tpu.memory_space<hbm>> -> memref<64xi32, #tpu.memory_space<hbm>>
      %dma_wait3A_108 = tpu.memref_slice %arg2[%mul3A_2] : memref<2048xi32, #tpu.memory_space<hbm>> -> memref<64xi32, #tpu.memory_space<hbm>>
      tpu.wait_dma2 semaphore(%run_scoped3A : memref<!tpu.dma_semaphore, #tpu.memory_space<semaphore_mem>>) src(%dma_wait3A_108 : memref<64xi32, #tpu.memory_space<hbm>>) dst(%arg5 : memref<64xi32, #tpu.memory_space<vmem>>)
      tpu.yield
    }) : () -> ()
    "tpu.region"() ({
      %run_scoped3A = tpu.sem_alloc : memref<!tpu.dma_semaphore, #tpu.memory_space<semaphore_mem>>
      %dma_start3A = tpu.memref_slice %arg3[%mul3A_2] : memref<2048xi32, #tpu.memory_space<hbm>> -> memref<64xi32, #tpu.memory_space<hbm>>
      %dma_start3A_106 = tpu.memref_slice %arg3[%mul3A_2] : memref<2048xi32, #tpu.memory_space<hbm>> -> memref<64xi32, #tpu.memory_space<hbm>>
      tpu.enqueue_dma source(%dma_start3A_106 : memref<64xi32, #tpu.memory_space<hbm>>) target(%arg6 : memref<64xi32, #tpu.memory_space<vmem>>) target_semaphore(%run_scoped3A : memref<!tpu.dma_semaphore, #tpu.memory_space<semaphore_mem>>)
      %dma_wait3A_107 = tpu.memref_slice %arg3[%mul3A_2] : memref<2048xi32, #tpu.memory_space<hbm>> -> memref<64xi32, #tpu.memory_space<hbm>>
      %dma_wait3A_108 = tpu.memref_slice %arg3[%mul3A_2] : memref<2048xi32, #tpu.memory_space<hbm>> -> memref<64xi32, #tpu.memory_space<hbm>>
      tpu.wait_dma2 semaphore(%run_scoped3A : memref<!tpu.dma_semaphore, #tpu.memory_space<semaphore_mem>>) src(%dma_wait3A_108 : memref<64xi32, #tpu.memory_space<hbm>>) dst(%arg6 : memref<64xi32, #tpu.memory_space<vmem>>)
      tpu.yield
    }) : () -> ()
    %iota3A = tpu.iota {dimensions = array<i32: 0>} : vector<16xi32>
    %add3A_3 = arith.constant 0 : i32
    %add3A_4 = vector.broadcast %add3A_3 : i32 to vector<16xi32>
    %add3A_5 = arith.addi %iota3A, %add3A_4 : vector<16xi32>
    %add3A_6 = arith.constant 16 : i32
    %add3A_7 = vector.broadcast %add3A_6 : i32 to vector<16xi32>
    %add3A_8 = arith.addi %iota3A, %add3A_7 : vector<16xi32>
    %add3A_9 = arith.constant 32 : i32
    %add3A_10 = vector.broadcast %add3A_9 : i32 to vector<16xi32>
    %add3A_11 = arith.addi %iota3A, %add3A_10 : vector<16xi32>
    %add3A_12 = arith.constant 48 : i32
    %add3A_13 = vector.broadcast %add3A_12 : i32 to vector<16xi32>
    %add3A_14 = arith.addi %iota3A, %add3A_13 : vector<16xi32>
    %add3A_15 = arith.constant 64 : i32
    %add3A_16 = vector.broadcast %add3A_15 : i32 to vector<16xi32>
    %add3A_17 = arith.addi %iota3A, %add3A_16 : vector<16xi32>
    %add3A_18 = arith.constant 80 : i32
    %add3A_19 = vector.broadcast %add3A_18 : i32 to vector<16xi32>
    %add3A_20 = arith.addi %iota3A, %add3A_19 : vector<16xi32>
    %add3A_21 = arith.constant 96 : i32
    %add3A_22 = vector.broadcast %add3A_21 : i32 to vector<16xi32>
    %add3A_23 = arith.addi %iota3A, %add3A_22 : vector<16xi32>
    %add3A_24 = arith.constant 112 : i32
    %add3A_25 = vector.broadcast %add3A_24 : i32 to vector<16xi32>
    %add3A_26 = arith.addi %iota3A, %add3A_25 : vector<16xi32>
    %add3A_27 = arith.constant 128 : i32
    %add3A_28 = vector.broadcast %add3A_27 : i32 to vector<16xi32>
    %add3A_29 = arith.addi %iota3A, %add3A_28 : vector<16xi32>
    %add3A_30 = arith.constant 144 : i32
    %add3A_31 = vector.broadcast %add3A_30 : i32 to vector<16xi32>
    %add3A_32 = arith.addi %iota3A, %add3A_31 : vector<16xi32>
    %add3A_33 = arith.constant 160 : i32
    %add3A_34 = vector.broadcast %add3A_33 : i32 to vector<16xi32>
    %add3A_35 = arith.addi %iota3A, %add3A_34 : vector<16xi32>
    %add3A_36 = arith.constant 176 : i32
    %add3A_37 = vector.broadcast %add3A_36 : i32 to vector<16xi32>
    %add3A_38 = arith.addi %iota3A, %add3A_37 : vector<16xi32>
    %add3A_39 = arith.constant 192 : i32
    %add3A_40 = vector.broadcast %add3A_39 : i32 to vector<16xi32>
    %add3A_41 = arith.addi %iota3A, %add3A_40 : vector<16xi32>
    %add3A_42 = arith.constant 208 : i32
    %add3A_43 = vector.broadcast %add3A_42 : i32 to vector<16xi32>
    %add3A_44 = arith.addi %iota3A, %add3A_43 : vector<16xi32>
    %add3A_45 = arith.constant 224 : i32
    %add3A_46 = vector.broadcast %add3A_45 : i32 to vector<16xi32>
    %add3A_47 = arith.addi %iota3A, %add3A_46 : vector<16xi32>
    %add3A_48 = arith.constant 240 : i32
    %add3A_49 = vector.broadcast %add3A_48 : i32 to vector<16xi32>
    %add3A_50 = arith.addi %iota3A, %add3A_49 : vector<16xi32>
    %broadcast_in_dim3A = arith.constant 1.000000e+00 : f32
    %broadcast_in_dim3A_51 = vector.broadcast %broadcast_in_dim3A : f32 to vector<16xf32>
    %broadcast_in_dim3A_52 = arith.constant 0.000000e+00 : f32
    %broadcast_in_dim3A_53 = vector.broadcast %broadcast_in_dim3A_52 : f32 to vector<16xf32>
    %scan3A = arith.constant 0 : i32
    %scan3A_54 = arith.constant 0 : i32
    %scan3A_55 = arith.constant 4 : i32
    %scan3A_56 = arith.addi %scan3A_54, %scan3A_55 : i32
    %scan3A_57 = arith.constant 1 : i32
    scf.for %scan3A_106 = %scan3A_54 to %scan3A_56 step %scan3A_57  : i32 {
      %mul3A_107 = arith.constant 16 : i32
      %mul3A_108 = arith.muli %scan3A_106, %mul3A_107 : i32
      %get3A = arith.index_cast %mul3A_108 : i32 to index
      %get3A_109 = tpu.vector_load %arg5[%get3A] {strides = array<i32>} : memref<64xi32, #tpu.memory_space<vmem>>, vector<16xi32>,
      %get3A_110 = vector.shape_cast %get3A_109 : vector<16xi32> to vector<16xi32>
      %get3A_111 = arith.index_cast %mul3A_108 : i32 to index
      %get3A_112 = tpu.vector_load %arg6[%get3A_111] {strides = array<i32>} : memref<64xi32, #tpu.memory_space<vmem>>, vector<16xi32>,
      %get3A_113 = vector.shape_cast %get3A_112 : vector<16xi32> to vector<16xi32>
      %slice3A = vector.extract_strided_slice %get3A_110 {offsets = [0], sizes = [1], strides = [1]} : vector<16xi32> to vector<1xi32>
      %squeeze3A = vector.extract %slice3A[0] : i32 from vector<1xi32>
      %slice3A_114 = vector.extract_strided_slice %get3A_113 {offsets = [0], sizes = [1], strides = [1]} : vector<16xi32> to vector<1xi32>
      %squeeze3A_115 = vector.extract %slice3A_114[0] : i32 from vector<1xi32>
      %sub3A = arith.subi %squeeze3A_115, %squeeze3A : i32
      %reshape3A = vector.broadcast %sub3A : i32 to vector<1xi32>
      %bitcast3A = vector.bitcast %reshape3A : vector<1xi32> to vector<1xi32>
      %squeeze3A_116 = vector.extract %bitcast3A[0] : i32 from vector<1xi32>
      %sub3A_117 = vector.broadcast %squeeze3A : i32 to vector<16xi32>
      %sub3A_118 = arith.subi %add3A_5, %sub3A_117 : vector<16xi32>
      %bitcast3A_119 = vector.bitcast %sub3A_118 : vector<16xi32> to vector<16xi32>
      %le3A = vector.broadcast %squeeze3A_116 : i32 to vector<16xi32>
      %le3A_120 = arith.cmpi ule, %bitcast3A_119, %le3A : vector<16xi32>
      %select_n3A = arith.select %le3A_120, %broadcast_in_dim3A_51, %broadcast_in_dim3A_53 : vector<16xi1>, vector<16xf32>
      %add3A_121 = arith.constant 0 : i32
      %add3A_122 = arith.addi %mul3A_108, %add3A_121 : i32
      %swap3A = arith.index_cast %add3A_122 : i32 to index
      %swap3A_123 = arith.constant 0 : index
      %swap3A_124 = tpu.vector_load %arg7[%swap3A, %swap3A_123] {strides = array<i32>} : memref<64x256xf32, #tpu.memory_space<vmem>>, vector<1x16xf32>,
      %swap3A_125 = vector.shape_cast %swap3A_124 : vector<1x16xf32> to vector<16xf32>
      %swap3A_126 = vector.shape_cast %select_n3A : vector<16xf32> to vector<1x16xf32>
      tpu.vector_store %arg7[%swap3A, %swap3A_123], %swap3A_126 {strides = array<i32>} : memref<64x256xf32, #tpu.memory_space<vmem>>, vector<1x16xf32>,
      %sub3A_127 = vector.broadcast %squeeze3A : i32 to vector<16xi32>
      %sub3A_128 = arith.subi %add3A_8, %sub3A_127 : vector<16xi32>
      %bitcast3A_129 = vector.bitcast %sub3A_128 : vector<16xi32> to vector<16xi32>
      %le3A_130 = vector.broadcast %squeeze3A_116 : i32 to vector<16xi32>
      %le3A_131 = arith.cmpi ule, %bitcast3A_129, %le3A_130 : vector<16xi32>
      %select_n3A_132 = arith.select %le3A_131, %broadcast_in_dim3A_51, %broadcast_in_dim3A_53 : vector<16xi1>, vector<16xf32>
      %add3A_133 = arith.constant 0 : i32
      %add3A_134 = arith.addi %mul3A_108, %add3A_133 : i32
      %swap3A_135 = arith.index_cast %add3A_134 : i32 to index
      %swap3A_136 = arith.constant 16 : index
      %swap3A_137 = tpu.vector_load %arg7[%swap3A_135, %swap3A_136] {strides = array<i32>} : memref<64x256xf32, #tpu.memory_space<vmem>>, vector<1x16xf32>,
      %swap3A_138 = vector.shape_cast %swap3A_137 : vector<1x16xf32> to vector<16xf32>
      %swap3A_139 = vector.shape_cast %select_n3A_132 : vector<16xf32> to vector<1x16xf32>
      tpu.vector_store %arg7[%swap3A_135, %swap3A_136], %swap3A_139 {strides = array<i32>} : memref<64x256xf32, #tpu.memory_space<vmem>>, vector<1x16xf32>,
      %sub3A_140 = vector.broadcast %squeeze3A : i32 to vector<16xi32>
      %sub3A_141 = arith.subi %add3A_11, %sub3A_140 : vector<16xi32>
      %bitcast3A_142 = vector.bitcast %sub3A_141 : vector<16xi32> to vector<16xi32>
      %le3A_143 = vector.broadcast %squeeze3A_116 : i32 to vector<16xi32>
      %le3A_144 = arith.cmpi ule, %bitcast3A_142, %le3A_143 : vector<16xi32>
      %select_n3A_145 = arith.select %le3A_144, %broadcast_in_dim3A_51, %broadcast_in_dim3A_53 : vector<16xi1>, vector<16xf32>
      %add3A_146 = arith.constant 0 : i32
      %add3A_147 = arith.addi %mul3A_108, %add3A_146 : i32
      %swap3A_148 = arith.index_cast %add3A_147 : i32 to index
      %swap3A_149 = arith.constant 32 : index
      %swap3A_150 = tpu.vector_load %arg7[%swap3A_148, %swap3A_149] {strides = array<i32>} : memref<64x256xf32, #tpu.memory_space<vmem>>, vector<1x16xf32>,
      %swap3A_151 = vector.shape_cast %swap3A_150 : vector<1x16xf32> to vector<16xf32>
      %swap3A_152 = vector.shape_cast %select_n3A_145 : vector<16xf32> to vector<1x16xf32>
      tpu.vector_store %arg7[%swap3A_148, %swap3A_149], %swap3A_152 {strides = array<i32>} : memref<64x256xf32, #tpu.memory_space<vmem>>, vector<1x16xf32>,
      %sub3A_153 = vector.broadcast %squeeze3A : i32 to vector<16xi32>
      %sub3A_154 = arith.subi %add3A_14, %sub3A_153 : vector<16xi32>
      %bitcast3A_155 = vector.bitcast %sub3A_154 : vector<16xi32> to vector<16xi32>
      %le3A_156 = vector.broadcast %squeeze3A_116 : i32 to vector<16xi32>
      %le3A_157 = arith.cmpi ule, %bitcast3A_155, %le3A_156 : vector<16xi32>
      %select_n3A_158 = arith.select %le3A_157, %broadcast_in_dim3A_51, %broadcast_in_dim3A_53 : vector<16xi1>, vector<16xf32>
      %add3A_159 = arith.constant 0 : i32
      %add3A_160 = arith.addi %mul3A_108, %add3A_159 : i32
      %swap3A_161 = arith.index_cast %add3A_160 : i32 to index
      %swap3A_162 = arith.constant 48 : index
      %swap3A_163 = tpu.vector_load %arg7[%swap3A_161, %swap3A_162] {strides = array<i32>} : memref<64x256xf32, #tpu.memory_space<vmem>>, vector<1x16xf32>,
      %swap3A_164 = vector.shape_cast %swap3A_163 : vector<1x16xf32> to vector<16xf32>
      %swap3A_165 = vector.shape_cast %select_n3A_158 : vector<16xf32> to vector<1x16xf32>
      tpu.vector_store %arg7[%swap3A_161, %swap3A_162], %swap3A_165 {strides = array<i32>} : memref<64x256xf32, #tpu.memory_space<vmem>>, vector<1x16xf32>,
      %sub3A_166 = vector.broadcast %squeeze3A : i32 to vector<16xi32>
      %sub3A_167 = arith.subi %add3A_17, %sub3A_166 : vector<16xi32>
      %bitcast3A_168 = vector.bitcast %sub3A_167 : vector<16xi32> to vector<16xi32>
      %le3A_169 = vector.broadcast %squeeze3A_116 : i32 to vector<16xi32>
      %le3A_170 = arith.cmpi ule, %bitcast3A_168, %le3A_169 : vector<16xi32>
      %select_n3A_171 = arith.select %le3A_170, %broadcast_in_dim3A_51, %broadcast_in_dim3A_53 : vector<16xi1>, vector<16xf32>
      %add3A_172 = arith.constant 0 : i32
      %add3A_173 = arith.addi %mul3A_108, %add3A_172 : i32
      %swap3A_174 = arith.index_cast %add3A_173 : i32 to index
      %swap3A_175 = arith.constant 64 : index
      %swap3A_176 = tpu.vector_load %arg7[%swap3A_174, %swap3A_175] {strides = array<i32>} : memref<64x256xf32, #tpu.memory_space<vmem>>, vector<1x16xf32>,
      %swap3A_177 = vector.shape_cast %swap3A_176 : vector<1x16xf32> to vector<16xf32>
      %swap3A_178 = vector.shape_cast %select_n3A_171 : vector<16xf32> to vector<1x16xf32>
      tpu.vector_store %arg7[%swap3A_174, %swap3A_175], %swap3A_178 {strides = array<i32>} : memref<64x256xf32, #tpu.memory_space<vmem>>, vector<1x16xf32>,
      %sub3A_179 = vector.broadcast %squeeze3A : i32 to vector<16xi32>
      %sub3A_180 = arith.subi %add3A_20, %sub3A_179 : vector<16xi32>
      %bitcast3A_181 = vector.bitcast %sub3A_180 : vector<16xi32> to vector<16xi32>
      %le3A_182 = vector.broadcast %squeeze3A_116 : i32 to vector<16xi32>
      %le3A_183 = arith.cmpi ule, %bitcast3A_181, %le3A_182 : vector<16xi32>
      %select_n3A_184 = arith.select %le3A_183, %broadcast_in_dim3A_51, %broadcast_in_dim3A_53 : vector<16xi1>, vector<16xf32>
      %add3A_185 = arith.constant 0 : i32
      %add3A_186 = arith.addi %mul3A_108, %add3A_185 : i32
      %swap3A_187 = arith.index_cast %add3A_186 : i32 to index
      %swap3A_188 = arith.constant 80 : index
      %swap3A_189 = tpu.vector_load %arg7[%swap3A_187, %swap3A_188] {strides = array<i32>} : memref<64x256xf32, #tpu.memory_space<vmem>>, vector<1x16xf32>,
      %swap3A_190 = vector.shape_cast %swap3A_189 : vector<1x16xf32> to vector<16xf32>
      %swap3A_191 = vector.shape_cast %select_n3A_184 : vector<16xf32> to vector<1x16xf32>
      tpu.vector_store %arg7[%swap3A_187, %swap3A_188], %swap3A_191 {strides = array<i32>} : memref<64x256xf32, #tpu.memory_space<vmem>>, vector<1x16xf32>,
      %sub3A_192 = vector.broadcast %squeeze3A : i32 to vector<16xi32>
      %sub3A_193 = arith.subi %add3A_23, %sub3A_192 : vector<16xi32>
      %bitcast3A_194 = vector.bitcast %sub3A_193 : vector<16xi32> to vector<16xi32>
      %le3A_195 = vector.broadcast %squeeze3A_116 : i32 to vector<16xi32>
      %le3A_196 = arith.cmpi ule, %bitcast3A_194, %le3A_195 : vector<16xi32>
      %select_n3A_197 = arith.select %le3A_196, %broadcast_in_dim3A_51, %broadcast_in_dim3A_53 : vector<16xi1>, vector<16xf32>
      %add3A_198 = arith.constant 0 : i32
      %add3A_199 = arith.addi %mul3A_108, %add3A_198 : i32
      %swap3A_200 = arith.index_cast %add3A_199 : i32 to index
      %swap3A_201 = arith.constant 96 : index
      %swap3A_202 = tpu.vector_load %arg7[%swap3A_200, %swap3A_201] {strides = array<i32>} : memref<64x256xf32, #tpu.memory_space<vmem>>, vector<1x16xf32>,
      %swap3A_203 = vector.shape_cast %swap3A_202 : vector<1x16xf32> to vector<16xf32>
      %swap3A_204 = vector.shape_cast %select_n3A_197 : vector<16xf32> to vector<1x16xf32>
      tpu.vector_store %arg7[%swap3A_200, %swap3A_201], %swap3A_204 {strides = array<i32>} : memref<64x256xf32, #tpu.memory_space<vmem>>, vector<1x16xf32>,
      %sub3A_205 = vector.broadcast %squeeze3A : i32 to vector<16xi32>
      %sub3A_206 = arith.subi %add3A_26, %sub3A_205 : vector<16xi32>
      %bitcast3A_207 = vector.bitcast %sub3A_206 : vector<16xi32> to vector<16xi32>
      %le3A_208 = vector.broadcast %squeeze3A_116 : i32 to vector<16xi32>
      %le3A_209 = arith.cmpi ule, %bitcast3A_207, %le3A_208 : vector<16xi32>
      %select_n3A_210 = arith.select %le3A_209, %broadcast_in_dim3A_51, %broadcast_in_dim3A_53 : vector<16xi1>, vector<16xf32>
      %add3A_211 = arith.constant 0 : i32
      %add3A_212 = arith.addi %mul3A_108, %add3A_211 : i32
      %swap3A_213 = arith.index_cast %add3A_212 : i32 to index
      %swap3A_214 = arith.constant 112 : index
      %swap3A_215 = tpu.vector_load %arg7[%swap3A_213, %swap3A_214] {strides = array<i32>} : memref<64x256xf32, #tpu.memory_space<vmem>>, vector<1x16xf32>,
      %swap3A_216 = vector.shape_cast %swap3A_215 : vector<1x16xf32> to vector<16xf32>
      %swap3A_217 = vector.shape_cast %select_n3A_210 : vector<16xf32> to vector<1x16xf32>
      tpu.vector_store %arg7[%swap3A_213, %swap3A_214], %swap3A_217 {strides = array<i32>} : memref<64x256xf32, #tpu.memory_space<vmem>>, vector<1x16xf32>,
      %sub3A_218 = vector.broadcast %squeeze3A : i32 to vector<16xi32>
      %sub3A_219 = arith.subi %add3A_29, %sub3A_218 : vector<16xi32>
      %bitcast3A_220 = vector.bitcast %sub3A_219 : vector<16xi32> to vector<16xi32>
      %le3A_221 = vector.broadcast %squeeze3A_116 : i32 to vector<16xi32>
      %le3A_222 = arith.cmpi ule, %bitcast3A_220, %le3A_221 : vector<16xi32>
      %select_n3A_223 = arith.select %le3A_222, %broadcast_in_dim3A_51, %broadcast_in_dim3A_53 : vector<16xi1>, vector<16xf32>
      %add3A_224 = arith.constant 0 : i32
      %add3A_225 = arith.addi %mul3A_108, %add3A_224 : i32
      %swap3A_226 = arith.index_cast %add3A_225 : i32 to index
      %swap3A_227 = arith.constant 128 : index
      %swap3A_228 = tpu.vector_load %arg7[%swap3A_226, %swap3A_227] {strides = array<i32>} : memref<64x256xf32, #tpu.memory_space<vmem>>, vector<1x16xf32>,
      %swap3A_229 = vector.shape_cast %swap3A_228 : vector<1x16xf32> to vector<16xf32>
      %swap3A_230 = vector.shape_cast %select_n3A_223 : vector<16xf32> to vector<1x16xf32>
      tpu.vector_store %arg7[%swap3A_226, %swap3A_227], %swap3A_230 {strides = array<i32>} : memref<64x256xf32, #tpu.memory_space<vmem>>, vector<1x16xf32>,
      %sub3A_231 = vector.broadcast %squeeze3A : i32 to vector<16xi32>
      %sub3A_232 = arith.subi %add3A_32, %sub3A_231 : vector<16xi32>
      %bitcast3A_233 = vector.bitcast %sub3A_232 : vector<16xi32> to vector<16xi32>
      %le3A_234 = vector.broadcast %squeeze3A_116 : i32 to vector<16xi32>
      %le3A_235 = arith.cmpi ule, %bitcast3A_233, %le3A_234 : vector<16xi32>
      %select_n3A_236 = arith.select %le3A_235, %broadcast_in_dim3A_51, %broadcast_in_dim3A_53 : vector<16xi1>, vector<16xf32>
      %add3A_237 = arith.constant 0 : i32
      %add3A_238 = arith.addi %mul3A_108, %add3A_237 : i32
      %swap3A_239 = arith.index_cast %add3A_238 : i32 to index
      %swap3A_240 = arith.constant 144 : index
      %swap3A_241 = tpu.vector_load %arg7[%swap3A_239, %swap3A_240] {strides = array<i32>} : memref<64x256xf32, #tpu.memory_space<vmem>>, vector<1x16xf32>,
      %swap3A_242 = vector.shape_cast %swap3A_241 : vector<1x16xf32> to vector<16xf32>
      %swap3A_243 = vector.shape_cast %select_n3A_236 : vector<16xf32> to vector<1x16xf32>
      tpu.vector_store %arg7[%swap3A_239, %swap3A_240], %swap3A_243 {strides = array<i32>} : memref<64x256xf32, #tpu.memory_space<vmem>>, vector<1x16xf32>,
      %sub3A_244 = vector.broadcast %squeeze3A : i32 to vector<16xi32>
      %sub3A_245 = arith.subi %add3A_35, %sub3A_244 : vector<16xi32>
      %bitcast3A_246 = vector.bitcast %sub3A_245 : vector<16xi32> to vector<16xi32>
      %le3A_247 = vector.broadcast %squeeze3A_116 : i32 to vector<16xi32>
      %le3A_248 = arith.cmpi ule, %bitcast3A_246, %le3A_247 : vector<16xi32>
      %select_n3A_249 = arith.select %le3A_248, %broadcast_in_dim3A_51, %broadcast_in_dim3A_53 : vector<16xi1>, vector<16xf32>
      %add3A_250 = arith.constant 0 : i32
      %add3A_251 = arith.addi %mul3A_108, %add3A_250 : i32
      %swap3A_252 = arith.index_cast %add3A_251 : i32 to index
      %swap3A_253 = arith.constant 160 : index
      %swap3A_254 = tpu.vector_load %arg7[%swap3A_252, %swap3A_253] {strides = array<i32>} : memref<64x256xf32, #tpu.memory_space<vmem>>, vector<1x16xf32>,
      %swap3A_255 = vector.shape_cast %swap3A_254 : vector<1x16xf32> to vector<16xf32>
      %swap3A_256 = vector.shape_cast %select_n3A_249 : vector<16xf32> to vector<1x16xf32>
      tpu.vector_store %arg7[%swap3A_252, %swap3A_253], %swap3A_256 {strides = array<i32>} : memref<64x256xf32, #tpu.memory_space<vmem>>, vector<1x16xf32>,
      %sub3A_257 = vector.broadcast %squeeze3A : i32 to vector<16xi32>
      %sub3A_258 = arith.subi %add3A_38, %sub3A_257 : vector<16xi32>
      %bitcast3A_259 = vector.bitcast %sub3A_258 : vector<16xi32> to vector<16xi32>
      %le3A_260 = vector.broadcast %squeeze3A_116 : i32 to vector<16xi32>
      %le3A_261 = arith.cmpi ule, %bitcast3A_259, %le3A_260 : vector<16xi32>
      %select_n3A_262 = arith.select %le3A_261, %broadcast_in_dim3A_51, %broadcast_in_dim3A_53 : vector<16xi1>, vector<16xf32>
      %add3A_263 = arith.constant 0 : i32
      %add3A_264 = arith.addi %mul3A_108, %add3A_263 : i32
      %swap3A_265 = arith.index_cast %add3A_264 : i32 to index
      %swap3A_266 = arith.constant 176 : index
      %swap3A_267 = tpu.vector_load %arg7[%swap3A_265, %swap3A_266] {strides = array<i32>} : memref<64x256xf32, #tpu.memory_space<vmem>>, vector<1x16xf32>,
      %swap3A_268 = vector.shape_cast %swap3A_267 : vector<1x16xf32> to vector<16xf32>
      %swap3A_269 = vector.shape_cast %select_n3A_262 : vector<16xf32> to vector<1x16xf32>
      tpu.vector_store %arg7[%swap3A_265, %swap3A_266], %swap3A_269 {strides = array<i32>} : memref<64x256xf32, #tpu.memory_space<vmem>>, vector<1x16xf32>,
      %sub3A_270 = vector.broadcast %squeeze3A : i32 to vector<16xi32>
      %sub3A_271 = arith.subi %add3A_41, %sub3A_270 : vector<16xi32>
      %bitcast3A_272 = vector.bitcast %sub3A_271 : vector<16xi32> to vector<16xi32>
      %le3A_273 = vector.broadcast %squeeze3A_116 : i32 to vector<16xi32>
      %le3A_274 = arith.cmpi ule, %bitcast3A_272, %le3A_273 : vector<16xi32>
      %select_n3A_275 = arith.select %le3A_274, %broadcast_in_dim3A_51, %broadcast_in_dim3A_53 : vector<16xi1>, vector<16xf32>
      %add3A_276 = arith.constant 0 : i32
      %add3A_277 = arith.addi %mul3A_108, %add3A_276 : i32
      %swap3A_278 = arith.index_cast %add3A_277 : i32 to index
      %swap3A_279 = arith.constant 192 : index
      %swap3A_280 = tpu.vector_load %arg7[%swap3A_278, %swap3A_279] {strides = array<i32>} : memref<64x256xf32, #tpu.memory_space<vmem>>, vector<1x16xf32>,
      %swap3A_281 = vector.shape_cast %swap3A_280 : vector<1x16xf32> to vector<16xf32>
      %swap3A_282 = vector.shape_cast %select_n3A_275 : vector<16xf32> to vector<1x16xf32>
      tpu.vector_store %arg7[%swap3A_278, %swap3A_279], %swap3A_282 {strides = array<i32>} : memref<64x256xf32, #tpu.memory_space<vmem>>, vector<1x16xf32>,
      %sub3A_283 = vector.broadcast %squeeze3A : i32 to vector<16xi32>
      %sub3A_284 = arith.subi %add3A_44, %sub3A_283 : vector<16xi32>
      %bitcast3A_285 = vector.bitcast %sub3A_284 : vector<16xi32> to vector<16xi32>
      %le3A_286 = vector.broadcast %squeeze3A_116 : i32 to vector<16xi32>
      %le3A_287 = arith.cmpi ule, %bitcast3A_285, %le3A_286 : vector<16xi32>
      %select_n3A_288 = arith.select %le3A_287, %broadcast_in_dim3A_51, %broadcast_in_dim3A_53 : vector<16xi1>, vector<16xf32>
      %add3A_289 = arith.constant 0 : i32
      %add3A_290 = arith.addi %mul3A_108, %add3A_289 : i32
      %swap3A_291 = arith.index_cast %add3A_290 : i32 to index
      %swap3A_292 = arith.constant 208 : index
      %swap3A_293 = tpu.vector_load %arg7[%swap3A_291, %swap3A_292] {strides = array<i32>} : memref<64x256xf32, #tpu.memory_space<vmem>>, vector<1x16xf32>,
      %swap3A_294 = vector.shape_cast %swap3A_293 : vector<1x16xf32> to vector<16xf32>
      %swap3A_295 = vector.shape_cast %select_n3A_288 : vector<16xf32> to vector<1x16xf32>
      tpu.vector_store %arg7[%swap3A_291, %swap3A_292], %swap3A_295 {strides = array<i32>} : memref<64x256xf32, #tpu.memory_space<vmem>>, vector<1x16xf32>,
      %sub3A_296 = vector.broadcast %squeeze3A : i32 to vector<16xi32>
      %sub3A_297 = arith.subi %add3A_47, %sub3A_296 : vector<16xi32>
      %bitcast3A_298 = vector.bitcast %sub3A_297 : vector<16xi32> to vector<16xi32>
      %le3A_299 = vector.broadcast %squeeze3A_116 : i32 to vector<16xi32>
      %le3A_300 = arith.cmpi ule, %bitcast3A_298, %le3A_299 : vector<16xi32>
      %select_n3A_301 = arith.select %le3A_300, %broadcast_in_dim3A_51, %broadcast_in_dim3A_53 : vector<16xi1>, vector<16xf32>
      %add3A_302 = arith.constant 0 : i32
      %add3A_303 = arith.addi %mul3A_108, %add3A_302 : i32
      %swap3A_304 = arith.index_cast %add3A_303 : i32 to index
      %swap3A_305 = arith.constant 224 : index
      %swap3A_306 = tpu.vector_load %arg7[%swap3A_304, %swap3A_305] {strides = array<i32>} : memref<64x256xf32, #tpu.memory_space<vmem>>, vector<1x16xf32>,
      %swap3A_307 = vector.shape_cast %swap3A_306 : vector<1x16xf32> to vector<16xf32>
      %swap3A_308 = vector.shape_cast %select_n3A_301 : vector<16xf32> to vector<1x16xf32>
      tpu.vector_store %arg7[%swap3A_304, %swap3A_305], %swap3A_308 {strides = array<i32>} : memref<64x256xf32, #tpu.memory_space<vmem>>, vector<1x16xf32>,
      %sub3A_309 = vector.broadcast %squeeze3A : i32 to vector<16xi32>
      %sub3A_310 = arith.subi %add3A_50, %sub3A_309 : vector<16xi32>
      %bitcast3A_311 = vector.bitcast %sub3A_310 : vector<16xi32> to vector<16xi32>
      %le3A_312 = vector.broadcast %squeeze3A_116 : i32 to vector<16xi32>
      %le3A_313 = arith.cmpi ule, %bitcast3A_311, %le3A_312 : vector<16xi32>
      %select_n3A_314 = arith.select %le3A_313, %broadcast_in_dim3A_51, %broadcast_in_dim3A_53 : vector<16xi1>, vector<16xf32>
      %add3A_315 = arith.constant 0 : i32
      %add3A_316 = arith.addi %mul3A_108, %add3A_315 : i32
      %swap3A_317 = arith.index_cast %add3A_316 : i32 to index
      %swap3A_318 = arith.constant 240 : index
      %swap3A_319 = tpu.vector_load %arg7[%swap3A_317, %swap3A_318] {strides = array<i32>} : memref<64x256xf32, #tpu.memory_space<vmem>>, vector<1x16xf32>,
      %swap3A_320 = vector.shape_cast %swap3A_319 : vector<1x16xf32> to vector<16xf32>
      %swap3A_321 = vector.shape_cast %select_n3A_314 : vector<16xf32> to vector<1x16xf32>
      tpu.vector_store %arg7[%swap3A_317, %swap3A_318], %swap3A_321 {strides = array<i32>} : memref<64x256xf32, #tpu.memory_space<vmem>>, vector<1x16xf32>,
      %slice3A_322 = vector.extract_strided_slice %get3A_110 {offsets = [1], sizes = [1], strides = [1]} : vector<16xi32> to vector<1xi32>
      %squeeze3A_323 = vector.extract %slice3A_322[0] : i32 from vector<1xi32>
      %slice3A_324 = vector.extract_strided_slice %get3A_113 {offsets = [1], sizes = [1], strides = [1]} : vector<16xi32> to vector<1xi32>
      %squeeze3A_325 = vector.extract %slice3A_324[0] : i32 from vector<1xi32>
      %sub3A_326 = arith.subi %squeeze3A_325, %squeeze3A_323 : i32
      %reshape3A_327 = vector.broadcast %sub3A_326 : i32 to vector<1xi32>
      %bitcast3A_328 = vector.bitcast %reshape3A_327 : vector<1xi32> to vector<1xi32>
      %squeeze3A_329 = vector.extract %bitcast3A_328[0] : i32 from vector<1xi32>
      %sub3A_330 = vector.broadcast %squeeze3A_323 : i32 to vector<16xi32>
      %sub3A_331 = arith.subi %add3A_5, %sub3A_330 : vector<16xi32>
      %bitcast3A_332 = vector.bitcast %sub3A_331 : vector<16xi32> to vector<16xi32>
      %le3A_333 = vector.broadcast %squeeze3A_329 : i32 to vector<16xi32>
      %le3A_334 = arith.cmpi ule, %bitcast3A_332, %le3A_333 : vector<16xi32>
      %select_n3A_335 = arith.select %le3A_334, %broadcast_in_dim3A_51, %broadcast_in_dim3A_53 : vector<16xi1>, vector<16xf32>
      %add3A_336 = arith.constant 1 : i32
      %add3A_337 = arith.addi %mul3A_108, %add3A_336 : i32
      %swap3A_338 = arith.index_cast %add3A_337 : i32 to index
      %swap3A_339 = arith.constant 0 : index
      %swap3A_340 = tpu.vector_load %arg7[%swap3A_338, %swap3A_339] {strides = array<i32>} : memref<64x256xf32, #tpu.memory_space<vmem>>, vector<1x16xf32>,
      %swap3A_341 = vector.shape_cast %swap3A_340 : vector<1x16xf32> to vector<16xf32>
      %swap3A_342 = vector.shape_cast %select_n3A_335 : vector<16xf32> to vector<1x16xf32>
      tpu.vector_store %arg7[%swap3A_338, %swap3A_339], %swap3A_342 {strides = array<i32>} : memref<64x256xf32, #tpu.memory_space<vmem>>, vector<1x16xf32>,
      %sub3A_343 = vector.broadcast %squeeze3A_323 : i32 to vector<16xi32>
      %sub3A_344 = arith.subi %add3A_8, %sub3A_343 : vector<16xi32>
      %bitcast3A_345 = vector.bitcast %sub3A_344 : vector<16xi32> to vector<16xi32>
      %le3A_346 = vector.broadcast %squeeze3A_329 : i32 to vector<16xi32>
      %le3A_347 = arith.cmpi ule, %bitcast3A_345, %le3A_346 : vector<16xi32>
      %select_n3A_348 = arith.select %le3A_347, %broadcast_in_dim3A_51, %broadcast_in_dim3A_53 : vector<16xi1>, vector<16xf32>
      %add3A_349 = arith.constant 1 : i32
      %add3A_350 = arith.addi %mul3A_108, %add3A_349 : i32
      %swap3A_351 = arith.index_cast %add3A_350 : i32 to index
      %swap3A_352 = arith.constant 16 : index
      %swap3A_353 = tpu.vector_load %arg7[%swap3A_351, %swap3A_352] {strides = array<i32>} : memref<64x256xf32, #tpu.memory_space<vmem>>, vector<1x16xf32>,
      %swap3A_354 = vector.shape_cast %swap3A_353 : vector<1x16xf32> to vector<16xf32>
      %swap3A_355 = vector.shape_cast %select_n3A_348 : vector<16xf32> to vector<1x16xf32>
      tpu.vector_store %arg7[%swap3A_351, %swap3A_352], %swap3A_355 {strides = array<i32>} : memref<64x256xf32, #tpu.memory_space<vmem>>, vector<1x16xf32>,
      %sub3A_356 = vector.broadcast %squeeze3A_323 : i32 to vector<16xi32>
      %sub3A_357 = arith.subi %add3A_11, %sub3A_356 : vector<16xi32>
      %bitcast3A_358 = vector.bitcast %sub3A_357 : vector<16xi32> to vector<16xi32>
      %le3A_359 = vector.broadcast %squeeze3A_329 : i32 to vector<16xi32>
      %le3A_360 = arith.cmpi ule, %bitcast3A_358, %le3A_359 : vector<16xi32>
      %select_n3A_361 = arith.select %le3A_360, %broadcast_in_dim3A_51, %broadcast_in_dim3A_53 : vector<16xi1>, vector<16xf32>
      %add3A_362 = arith.constant 1 : i32
      %add3A_363 = arith.addi %mul3A_108, %add3A_362 : i32
      %swap3A_364 = arith.index_cast %add3A_363 : i32 to index
      %swap3A_365 = arith.constant 32 : index
      %swap3A_366 = tpu.vector_load %arg7[%swap3A_364, %swap3A_365] {strides = array<i32>} : memref<64x256xf32, #tpu.memory_space<vmem>>, vector<1x16xf32>,
      %swap3A_367 = vector.shape_cast %swap3A_366 : vector<1x16xf32> to vector<16xf32>
      %swap3A_368 = vector.shape_cast %select_n3A_361 : vector<16xf32> to vector<1x16xf32>
      tpu.vector_store %arg7[%swap3A_364, %swap3A_365], %swap3A_368 {strides = array<i32>} : memref<64x256xf32, #tpu.memory_space<vmem>>, vector<1x16xf32>,
      %sub3A_369 = vector.broadcast %squeeze3A_323 : i32 to vector<16xi32>
      %sub3A_370 = arith.subi %add3A_14, %sub3A_369 : vector<16xi32>
      %bitcast3A_371 = vector.bitcast %sub3A_370 : vector<16xi32> to vector<16xi32>
      %le3A_372 = vector.broadcast %squeeze3A_329 : i32 to vector<16xi32>
      %le3A_373 = arith.cmpi ule, %bitcast3A_371, %le3A_372 : vector<16xi32>
      %select_n3A_374 = arith.select %le3A_373, %broadcast_in_dim3A_51, %broadcast_in_dim3A_53 : vector<16xi1>, vector<16xf32>
      %add3A_375 = arith.constant 1 : i32
      %add3A_376 = arith.addi %mul3A_108, %add3A_375 : i32
      %swap3A_377 = arith.index_cast %add3A_376 : i32 to index
      %swap3A_378 = arith.constant 48 : index
      %swap3A_379 = tpu.vector_load %arg7[%swap3A_377, %swap3A_378] {strides = array<i32>} : memref<64x256xf32, #tpu.memory_space<vmem>>, vector<1x16xf32>,
      %swap3A_380 = vector.shape_cast %swap3A_379 : vector<1x16xf32> to vector<16xf32>
      %swap3A_381 = vector.shape_cast %select_n3A_374 : vector<16xf32> to vector<1x16xf32>
      tpu.vector_store %arg7[%swap3A_377, %swap3A_378], %swap3A_381 {strides = array<i32>} : memref<64x256xf32, #tpu.memory_space<vmem>>, vector<1x16xf32>,
      %sub3A_382 = vector.broadcast %squeeze3A_323 : i32 to vector<16xi32>
      %sub3A_383 = arith.subi %add3A_17, %sub3A_382 : vector<16xi32>
      %bitcast3A_384 = vector.bitcast %sub3A_383 : vector<16xi32> to vector<16xi32>
      %le3A_385 = vector.broadcast %squeeze3A_329 : i32 to vector<16xi32>
      %le3A_386 = arith.cmpi ule, %bitcast3A_384, %le3A_385 : vector<16xi32>
      %select_n3A_387 = arith.select %le3A_386, %broadcast_in_dim3A_51, %broadcast_in_dim3A_53 : vector<16xi1>, vector<16xf32>
      %add3A_388 = arith.constant 1 : i32
      %add3A_389 = arith.addi %mul3A_108, %add3A_388 : i32
      %swap3A_390 = arith.index_cast %add3A_389 : i32 to index
      %swap3A_391 = arith.constant 64 : index
      %swap3A_392 = tpu.vector_load %arg7[%swap3A_390, %swap3A_391] {strides = array<i32>} : memref<64x256xf32, #tpu.memory_space<vmem>>, vector<1x16xf32>,
      %swap3A_393 = vector.shape_cast %swap3A_392 : vector<1x16xf32> to vector<16xf32>
      %swap3A_394 = vector.shape_cast %select_n3A_387 : vector<16xf32> to vector<1x16xf32>
      tpu.vector_store %arg7[%swap3A_390, %swap3A_391], %swap3A_394 {strides = array<i32>} : memref<64x256xf32, #tpu.memory_space<vmem>>, vector<1x16xf32>,
      %sub3A_395 = vector.broadcast %squeeze3A_323 : i32 to vector<16xi32>
      %sub3A_396 = arith.subi %add3A_20, %sub3A_395 : vector<16xi32>
      %bitcast3A_397 = vector.bitcast %sub3A_396 : vector<16xi32> to vector<16xi32>
      %le3A_398 = vector.broadcast %squeeze3A_329 : i32 to vector<16xi32>
      %le3A_399 = arith.cmpi ule, %bitcast3A_397, %le3A_398 : vector<16xi32>
      %select_n3A_400 = arith.select %le3A_399, %broadcast_in_dim3A_51, %broadcast_in_dim3A_53 : vector<16xi1>, vector<16xf32>
      %add3A_401 = arith.constant 1 : i32
      %add3A_402 = arith.addi %mul3A_108, %add3A_401 : i32
      %swap3A_403 = arith.index_cast %add3A_402 : i32 to index
      %swap3A_404 = arith.constant 80 : index
      %swap3A_405 = tpu.vector_load %arg7[%swap3A_403, %swap3A_404] {strides = array<i32>} : memref<64x256xf32, #tpu.memory_space<vmem>>, vector<1x16xf32>,
      %swap3A_406 = vector.shape_cast %swap3A_405 : vector<1x16xf32> to vector<16xf32>
      %swap3A_407 = vector.shape_cast %select_n3A_400 : vector<16xf32> to vector<1x16xf32>
      tpu.vector_store %arg7[%swap3A_403, %swap3A_404], %swap3A_407 {strides = array<i32>} : memref<64x256xf32, #tpu.memory_space<vmem>>, vector<1x16xf32>,
      %sub3A_408 = vector.broadcast %squeeze3A_323 : i32 to vector<16xi32>
      %sub3A_409 = arith.subi %add3A_23, %sub3A_408 : vector<16xi32>
      %bitcast3A_410 = vector.bitcast %sub3A_409 : vector<16xi32> to vector<16xi32>
      %le3A_411 = vector.broadcast %squeeze3A_329 : i32 to vector<16xi32>
      %le3A_412 = arith.cmpi ule, %bitcast3A_410, %le3A_411 : vector<16xi32>
      %select_n3A_413 = arith.select %le3A_412, %broadcast_in_dim3A_51, %broadcast_in_dim3A_53 : vector<16xi1>, vector<16xf32>
      %add3A_414 = arith.constant 1 : i32
      %add3A_415 = arith.addi %mul3A_108, %add3A_414 : i32
      %swap3A_416 = arith.index_cast %add3A_415 : i32 to index
      %swap3A_417 = arith.constant 96 : index
      %swap3A_418 = tpu.vector_load %arg7[%swap3A_416, %swap3A_417] {strides = array<i32>} : memref<64x256xf32, #tpu.memory_space<vmem>>, vector<1x16xf32>,
      %swap3A_419 = vector.shape_cast %swap3A_418 : vector<1x16xf32> to vector<16xf32>
      %swap3A_420 = vector.shape_cast %select_n3A_413 : vector<16xf32> to vector<1x16xf32>
      tpu.vector_store %arg7[%swap3A_416, %swap3A_417], %swap3A_420 {strides = array<i32>} : memref<64x256xf32, #tpu.memory_space<vmem>>, vector<1x16xf32>,
      %sub3A_421 = vector.broadcast %squeeze3A_323 : i32 to vector<16xi32>
      %sub3A_422 = arith.subi %add3A_26, %sub3A_421 : vector<16xi32>
      %bitcast3A_423 = vector.bitcast %sub3A_422 : vector<16xi32> to vector<16xi32>
      %le3A_424 = vector.broadcast %squeeze3A_329 : i32 to vector<16xi32>
      %le3A_425 = arith.cmpi ule, %bitcast3A_423, %le3A_424 : vector<16xi32>
      %select_n3A_426 = arith.select %le3A_425, %broadcast_in_dim3A_51, %broadcast_in_dim3A_53 : vector<16xi1>, vector<16xf32>
      %add3A_427 = arith.constant 1 : i32
      %add3A_428 = arith.addi %mul3A_108, %add3A_427 : i32
      %swap3A_429 = arith.index_cast %add3A_428 : i32 to index
      %swap3A_430 = arith.constant 112 : index
      %swap3A_431 = tpu.vector_load %arg7[%swap3A_429, %swap3A_430] {strides = array<i32>} : memref<64x256xf32, #tpu.memory_space<vmem>>, vector<1x16xf32>,
      %swap3A_432 = vector.shape_cast %swap3A_431 : vector<1x16xf32> to vector<16xf32>
      %swap3A_433 = vector.shape_cast %select_n3A_426 : vector<16xf32> to vector<1x16xf32>
      tpu.vector_store %arg7[%swap3A_429, %swap3A_430], %swap3A_433 {strides = array<i32>} : memref<64x256xf32, #tpu.memory_space<vmem>>, vector<1x16xf32>,
      %sub3A_434 = vector.broadcast %squeeze3A_323 : i32 to vector<16xi32>
      %sub3A_435 = arith.subi %add3A_29, %sub3A_434 : vector<16xi32>
      %bitcast3A_436 = vector.bitcast %sub3A_435 : vector<16xi32> to vector<16xi32>
      %le3A_437 = vector.broadcast %squeeze3A_329 : i32 to vector<16xi32>
      %le3A_438 = arith.cmpi ule, %bitcast3A_436, %le3A_437 : vector<16xi32>
      %select_n3A_439 = arith.select %le3A_438, %broadcast_in_dim3A_51, %broadcast_in_dim3A_53 : vector<16xi1>, vector<16xf32>
      %add3A_440 = arith.constant 1 : i32
      %add3A_441 = arith.addi %mul3A_108, %add3A_440 : i32
      %swap3A_442 = arith.index_cast %add3A_441 : i32 to index
      %swap3A_443 = arith.constant 128 : index
      %swap3A_444 = tpu.vector_load %arg7[%swap3A_442, %swap3A_443] {strides = array<i32>} : memref<64x256xf32, #tpu.memory_space<vmem>>, vector<1x16xf32>,
      %swap3A_445 = vector.shape_cast %swap3A_444 : vector<1x16xf32> to vector<16xf32>
      %swap3A_446 = vector.shape_cast %select_n3A_439 : vector<16xf32> to vector<1x16xf32>
      tpu.vector_store %arg7[%swap3A_442, %swap3A_443], %swap3A_446 {strides = array<i32>} : memref<64x256xf32, #tpu.memory_space<vmem>>, vector<1x16xf32>,
      %sub3A_447 = vector.broadcast %squeeze3A_323 : i32 to vector<16xi32>
      %sub3A_448 = arith.subi %add3A_32, %sub3A_447 : vector<16xi32>
      %bitcast3A_449 = vector.bitcast %sub3A_448 : vector<16xi32> to vector<16xi32>
      %le3A_450 = vector.broadcast %squeeze3A_329 : i32 to vector<16xi32>
      %le3A_451 = arith.cmpi ule, %bitcast3A_449, %le3A_450 : vector<16xi32>
      %select_n3A_452 = arith.select %le3A_451, %broadcast_in_dim3A_51, %broadcast_in_dim3A_53 : vector<16xi1>, vector<16xf32>
      %add3A_453 = arith.constant 1 : i32
      %add3A_454 = arith.addi %mul3A_108, %add3A_453 : i32
      %swap3A_455 = arith.index_cast %add3A_454 : i32 to index
      %swap3A_456 = arith.constant 144 : index
      %swap3A_457 = tpu.vector_load %arg7[%swap3A_455, %swap3A_456] {strides = array<i32>} : memref<64x256xf32, #tpu.memory_space<vmem>>, vector<1x16xf32>,
      %swap3A_458 = vector.shape_cast %swap3A_457 : vector<1x16xf32> to vector<16xf32>
      %swap3A_459 = vector.shape_cast %select_n3A_452 : vector<16xf32> to vector<1x16xf32>
      tpu.vector_store %arg7[%swap3A_455, %swap3A_456], %swap3A_459 {strides = array<i32>} : memref<64x256xf32, #tpu.memory_space<vmem>>, vector<1x16xf32>,
      %sub3A_460 = vector.broadcast %squeeze3A_323 : i32 to vector<16xi32>
      %sub3A_461 = arith.subi %add3A_35, %sub3A_460 : vector<16xi32>
      %bitcast3A_462 = vector.bitcast %sub3A_461 : vector<16xi32> to vector<16xi32>
      %le3A_463 = vector.broadcast %squeeze3A_329 : i32 to vector<16xi32>
      %le3A_464 = arith.cmpi ule, %bitcast3A_462, %le3A_463 : vector<16xi32>
      %select_n3A_465 = arith.select %le3A_464, %broadcast_in_dim3A_51, %broadcast_in_dim3A_53 : vector<16xi1>, vector<16xf32>
      %add3A_466 = arith.constant 1 : i32
      %add3A_467 = arith.addi %mul3A_108, %add3A_466 : i32
      %swap3A_468 = arith.index_cast %add3A_467 : i32 to index
      %swap3A_469 = arith.constant 160 : index
      %swap3A_470 = tpu.vector_load %arg7[%swap3A_468, %swap3A_469] {strides = array<i32>} : memref<64x256xf32, #tpu.memory_space<vmem>>, vector<1x16xf32>,
      %swap3A_471 = vector.shape_cast %swap3A_470 : vector<1x16xf32> to vector<16xf32>
      %swap3A_472 = vector.shape_cast %select_n3A_465 : vector<16xf32> to vector<1x16xf32>
      tpu.vector_store %arg7[%swap3A_468, %swap3A_469], %swap3A_472 {strides = array<i32>} : memref<64x256xf32, #tpu.memory_space<vmem>>, vector<1x16xf32>,
      %sub3A_473 = vector.broadcast %squeeze3A_323 : i32 to vector<16xi32>
      %sub3A_474 = arith.subi %add3A_38, %sub3A_473 : vector<16xi32>
      %bitcast3A_475 = vector.bitcast %sub3A_474 : vector<16xi32> to vector<16xi32>
      %le3A_476 = vector.broadcast %squeeze3A_329 : i32 to vector<16xi32>
      %le3A_477 = arith.cmpi ule, %bitcast3A_475, %le3A_476 : vector<16xi32>
      %select_n3A_478 = arith.select %le3A_477, %broadcast_in_dim3A_51, %broadcast_in_dim3A_53 : vector<16xi1>, vector<16xf32>
      %add3A_479 = arith.constant 1 : i32
      %add3A_480 = arith.addi %mul3A_108, %add3A_479 : i32
      %swap3A_481 = arith.index_cast %add3A_480 : i32 to index
      %swap3A_482 = arith.constant 176 : index
      %swap3A_483 = tpu.vector_load %arg7[%swap3A_481, %swap3A_482] {strides = array<i32>} : memref<64x256xf32, #tpu.memory_space<vmem>>, vector<1x16xf32>,
      %swap3A_484 = vector.shape_cast %swap3A_483 : vector<1x16xf32> to vector<16xf32>
      %swap3A_485 = vector.shape_cast %select_n3A_478 : vector<16xf32> to vector<1x16xf32>
      tpu.vector_store %arg7[%swap3A_481, %swap3A_482], %swap3A_485 {strides = array<i32>} : memref<64x256xf32, #tpu.memory_space<vmem>>, vector<1x16xf32>,
      %sub3A_486 = vector.broadcast %squeeze3A_323 : i32 to vector<16xi32>
      %sub3A_487 = arith.subi %add3A_41, %sub3A_486 : vector<16xi32>
      %bitcast3A_488 = vector.bitcast %sub3A_487 : vector<16xi32> to vector<16xi32>
      %le3A_489 = vector.broadcast %squeeze3A_329 : i32 to vector<16xi32>
      %le3A_490 = arith.cmpi ule, %bitcast3A_488, %le3A_489 : vector<16xi32>
      %select_n3A_491 = arith.select %le3A_490, %broadcast_in_dim3A_51, %broadcast_in_dim3A_53 : vector<16xi1>, vector<16xf32>
      %add3A_492 = arith.constant 1 : i32
      %add3A_493 = arith.addi %mul3A_108, %add3A_492 : i32
      %swap3A_494 = arith.index_cast %add3A_493 : i32 to index
      %swap3A_495 = arith.constant 192 : index
      %swap3A_496 = tpu.vector_load %arg7[%swap3A_494, %swap3A_495] {strides = array<i32>} : memref<64x256xf32, #tpu.memory_space<vmem>>, vector<1x16xf32>,
      %swap3A_497 = vector.shape_cast %swap3A_496 : vector<1x16xf32> to vector<16xf32>
      %swap3A_498 = vector.shape_cast %select_n3A_491 : vector<16xf32> to vector<1x16xf32>
      tpu.vector_store %arg7[%swap3A_494, %swap3A_495], %swap3A_498 {strides = array<i32>} : memref<64x256xf32, #tpu.memory_space<vmem>>, vector<1x16xf32>,
      %sub3A_499 = vector.broadcast %squeeze3A_323 : i32 to vector<16xi32>
      %sub3A_500 = arith.subi %add3A_44, %sub3A_499 : vector<16xi32>
      %bitcast3A_501 = vector.bitcast %sub3A_500 : vector<16xi32> to vector<16xi32>
      %le3A_502 = vector.broadcast %squeeze3A_329 : i32 to vector<16xi32>
      %le3A_503 = arith.cmpi ule, %bitcast3A_501, %le3A_502 : vector<16xi32>
      %select_n3A_504 = arith.select %le3A_503, %broadcast_in_dim3A_51, %broadcast_in_dim3A_53 : vector<16xi1>, vector<16xf32>
      %add3A_505 = arith.constant 1 : i32
      %add3A_506 = arith.addi %mul3A_108, %add3A_505 : i32
      %swap3A_507 = arith.index_cast %add3A_506 : i32 to index
      %swap3A_508 = arith.constant 208 : index
      %swap3A_509 = tpu.vector_load %arg7[%swap3A_507, %swap3A_508] {strides = array<i32>} : memref<64x256xf32, #tpu.memory_space<vmem>>, vector<1x16xf32>,
      %swap3A_510 = vector.shape_cast %swap3A_509 : vector<1x16xf32> to vector<16xf32>
      %swap3A_511 = vector.shape_cast %select_n3A_504 : vector<16xf32> to vector<1x16xf32>
      tpu.vector_store %arg7[%swap3A_507, %swap3A_508], %swap3A_511 {strides = array<i32>} : memref<64x256xf32, #tpu.memory_space<vmem>>, vector<1x16xf32>,
      %sub3A_512 = vector.broadcast %squeeze3A_323 : i32 to vector<16xi32>
      %sub3A_513 = arith.subi %add3A_47, %sub3A_512 : vector<16xi32>
      %bitcast3A_514 = vector.bitcast %sub3A_513 : vector<16xi32> to vector<16xi32>
      %le3A_515 = vector.broadcast %squeeze3A_329 : i32 to vector<16xi32>
      %le3A_516 = arith.cmpi ule, %bitcast3A_514, %le3A_515 : vector<16xi32>
      %select_n3A_517 = arith.select %le3A_516, %broadcast_in_dim3A_51, %broadcast_in_dim3A_53 : vector<16xi1>, vector<16xf32>
      %add3A_518 = arith.constant 1 : i32
      %add3A_519 = arith.addi %mul3A_108, %add3A_518 : i32
      %swap3A_520 = arith.index_cast %add3A_519 : i32 to index
      %swap3A_521 = arith.constant 224 : index
      %swap3A_522 = tpu.vector_load %arg7[%swap3A_520, %swap3A_521] {strides = array<i32>} : memref<64x256xf32, #tpu.memory_space<vmem>>, vector<1x16xf32>,
      %swap3A_523 = vector.shape_cast %swap3A_522 : vector<1x16xf32> to vector<16xf32>
      %swap3A_524 = vector.shape_cast %select_n3A_517 : vector<16xf32> to vector<1x16xf32>
      tpu.vector_store %arg7[%swap3A_520, %swap3A_521], %swap3A_524 {strides = array<i32>} : memref<64x256xf32, #tpu.memory_space<vmem>>, vector<1x16xf32>,
      %sub3A_525 = vector.broadcast %squeeze3A_323 : i32 to vector<16xi32>
      %sub3A_526 = arith.subi %add3A_50, %sub3A_525 : vector<16xi32>
      %bitcast3A_527 = vector.bitcast %sub3A_526 : vector<16xi32> to vector<16xi32>
      %le3A_528 = vector.broadcast %squeeze3A_329 : i32 to vector<16xi32>
      %le3A_529 = arith.cmpi ule, %bitcast3A_527, %le3A_528 : vector<16xi32>
      %select_n3A_530 = arith.select %le3A_529, %broadcast_in_dim3A_51, %broadcast_in_dim3A_53 : vector<16xi1>, vector<16xf32>
      %add3A_531 = arith.constant 1 : i32
      %add3A_532 = arith.addi %mul3A_108, %add3A_531 : i32
      %swap3A_533 = arith.index_cast %add3A_532 : i32 to index
      %swap3A_534 = arith.constant 240 : index
      %swap3A_535 = tpu.vector_load %arg7[%swap3A_533, %swap3A_534] {strides = array<i32>} : memref<64x256xf32, #tpu.memory_space<vmem>>, vector<1x16xf32>,
      %swap3A_536 = vector.shape_cast %swap3A_535 : vector<1x16xf32> to vector<16xf32>
      %swap3A_537 = vector.shape_cast %select_n3A_530 : vector<16xf32> to vector<1x16xf32>
      tpu.vector_store %arg7[%swap3A_533, %swap3A_534], %swap3A_537 {strides = array<i32>} : memref<64x256xf32, #tpu.memory_space<vmem>>, vector<1x16xf32>,
      %slice3A_538 = vector.extract_strided_slice %get3A_110 {offsets = [2], sizes = [1], strides = [1]} : vector<16xi32> to vector<1xi32>
      %squeeze3A_539 = vector.extract %slice3A_538[0] : i32 from vector<1xi32>
      %slice3A_540 = vector.extract_strided_slice %get3A_113 {offsets = [2], sizes = [1], strides = [1]} : vector<16xi32> to vector<1xi32>
      %squeeze3A_541 = vector.extract %slice3A_540[0] : i32 from vector<1xi32>
      %sub3A_542 = arith.subi %squeeze3A_541, %squeeze3A_539 : i32
      %reshape3A_543 = vector.broadcast %sub3A_542 : i32 to vector<1xi32>
      %bitcast3A_544 = vector.bitcast %reshape3A_543 : vector<1xi32> to vector<1xi32>
      %squeeze3A_545 = vector.extract %bitcast3A_544[0] : i32 from vector<1xi32>
      %sub3A_546 = vector.broadcast %squeeze3A_539 : i32 to vector<16xi32>
      %sub3A_547 = arith.subi %add3A_5, %sub3A_546 : vector<16xi32>
      %bitcast3A_548 = vector.bitcast %sub3A_547 : vector<16xi32> to vector<16xi32>
      %le3A_549 = vector.broadcast %squeeze3A_545 : i32 to vector<16xi32>
      %le3A_550 = arith.cmpi ule, %bitcast3A_548, %le3A_549 : vector<16xi32>
      %select_n3A_551 = arith.select %le3A_550, %broadcast_in_dim3A_51, %broadcast_in_dim3A_53 : vector<16xi1>, vector<16xf32>
      %add3A_552 = arith.constant 2 : i32
      %add3A_553 = arith.addi %mul3A_108, %add3A_552 : i32
      %swap3A_554 = arith.index_cast %add3A_553 : i32 to index
      %swap3A_555 = arith.constant 0 : index
      %swap3A_556 = tpu.vector_load %arg7[%swap3A_554, %swap3A_555] {strides = array<i32>} : memref<64x256xf32, #tpu.memory_space<vmem>>, vector<1x16xf32>,
      %swap3A_557 = vector.shape_cast %swap3A_556 : vector<1x16xf32> to vector<16xf32>
      %swap3A_558 = vector.shape_cast %select_n3A_551 : vector<16xf32> to vector<1x16xf32>
      tpu.vector_store %arg7[%swap3A_554, %swap3A_555], %swap3A_558 {strides = array<i32>} : memref<64x256xf32, #tpu.memory_space<vmem>>, vector<1x16xf32>,
      %sub3A_559 = vector.broadcast %squeeze3A_539 : i32 to vector<16xi32>
      %sub3A_560 = arith.subi %add3A_8, %sub3A_559 : vector<16xi32>
      %bitcast3A_561 = vector.bitcast %sub3A_560 : vector<16xi32> to vector<16xi32>
      %le3A_562 = vector.broadcast %squeeze3A_545 : i32 to vector<16xi32>
      %le3A_563 = arith.cmpi ule, %bitcast3A_561, %le3A_562 : vector<16xi32>
      %select_n3A_564 = arith.select %le3A_563, %broadcast_in_dim3A_51, %broadcast_in_dim3A_53 : vector<16xi1>, vector<16xf32>
      %add3A_565 = arith.constant 2 : i32
      %add3A_566 = arith.addi %mul3A_108, %add3A_565 : i32
      %swap3A_567 = arith.index_cast %add3A_566 : i32 to index
      %swap3A_568 = arith.constant 16 : index
      %swap3A_569 = tpu.vector_load %arg7[%swap3A_567, %swap3A_568] {strides = array<i32>} : memref<64x256xf32, #tpu.memory_space<vmem>>, vector<1x16xf32>,
      %swap3A_570 = vector.shape_cast %swap3A_569 : vector<1x16xf32> to vector<16xf32>
      %swap3A_571 = vector.shape_cast %select_n3A_564 : vector<16xf32> to vector<1x16xf32>
      tpu.vector_store %arg7[%swap3A_567, %swap3A_568], %swap3A_571 {strides = array<i32>} : memref<64x256xf32, #tpu.memory_space<vmem>>, vector<1x16xf32>,
      %sub3A_572 = vector.broadcast %squeeze3A_539 : i32 to vector<16xi32>
      %sub3A_573 = arith.subi %add3A_11, %sub3A_572 : vector<16xi32>
      %bitcast3A_574 = vector.bitcast %sub3A_573 : vector<16xi32> to vector<16xi32>
      %le3A_575 = vector.broadcast %squeeze3A_545 : i32 to vector<16xi32>
      %le3A_576 = arith.cmpi ule, %bitcast3A_574, %le3A_575 : vector<16xi32>
      %select_n3A_577 = arith.select %le3A_576, %broadcast_in_dim3A_51, %broadcast_in_dim3A_53 : vector<16xi1>, vector<16xf32>
      %add3A_578 = arith.constant 2 : i32
      %add3A_579 = arith.addi %mul3A_108, %add3A_578 : i32
      %swap3A_580 = arith.index_cast %add3A_579 : i32 to index
      %swap3A_581 = arith.constant 32 : index
      %swap3A_582 = tpu.vector_load %arg7[%swap3A_580, %swap3A_581] {strides = array<i32>} : memref<64x256xf32, #tpu.memory_space<vmem>>, vector<1x16xf32>,
      %swap3A_583 = vector.shape_cast %swap3A_582 : vector<1x16xf32> to vector<16xf32>
      %swap3A_584 = vector.shape_cast %select_n3A_577 : vector<16xf32> to vector<1x16xf32>
      tpu.vector_store %arg7[%swap3A_580, %swap3A_581], %swap3A_584 {strides = array<i32>} : memref<64x256xf32, #tpu.memory_space<vmem>>, vector<1x16xf32>,
      %sub3A_585 = vector.broadcast %squeeze3A_539 : i32 to vector<16xi32>
      %sub3A_586 = arith.subi %add3A_14, %sub3A_585 : vector<16xi32>
      %bitcast3A_587 = vector.bitcast %sub3A_586 : vector<16xi32> to vector<16xi32>
      %le3A_588 = vector.broadcast %squeeze3A_545 : i32 to vector<16xi32>
      %le3A_589 = arith.cmpi ule, %bitcast3A_587, %le3A_588 : vector<16xi32>
      %select_n3A_590 = arith.select %le3A_589, %broadcast_in_dim3A_51, %broadcast_in_dim3A_53 : vector<16xi1>, vector<16xf32>
      %add3A_591 = arith.constant 2 : i32
      %add3A_592 = arith.addi %mul3A_108, %add3A_591 : i32
      %swap3A_593 = arith.index_cast %add3A_592 : i32 to index
      %swap3A_594 = arith.constant 48 : index
      %swap3A_595 = tpu.vector_load %arg7[%swap3A_593, %swap3A_594] {strides = array<i32>} : memref<64x256xf32, #tpu.memory_space<vmem>>, vector<1x16xf32>,
      %swap3A_596 = vector.shape_cast %swap3A_595 : vector<1x16xf32> to vector<16xf32>
      %swap3A_597 = vector.shape_cast %select_n3A_590 : vector<16xf32> to vector<1x16xf32>
      tpu.vector_store %arg7[%swap3A_593, %swap3A_594], %swap3A_597 {strides = array<i32>} : memref<64x256xf32, #tpu.memory_space<vmem>>, vector<1x16xf32>,
      %sub3A_598 = vector.broadcast %squeeze3A_539 : i32 to vector<16xi32>
      %sub3A_599 = arith.subi %add3A_17, %sub3A_598 : vector<16xi32>
      %bitcast3A_600 = vector.bitcast %sub3A_599 : vector<16xi32> to vector<16xi32>
      %le3A_601 = vector.broadcast %squeeze3A_545 : i32 to vector<16xi32>
      %le3A_602 = arith.cmpi ule, %bitcast3A_600, %le3A_601 : vector<16xi32>
      %select_n3A_603 = arith.select %le3A_602, %broadcast_in_dim3A_51, %broadcast_in_dim3A_53 : vector<16xi1>, vector<16xf32>
      %add3A_604 = arith.constant 2 : i32
      %add3A_605 = arith.addi %mul3A_108, %add3A_604 : i32
      %swap3A_606 = arith.index_cast %add3A_605 : i32 to index
      %swap3A_607 = arith.constant 64 : index
      %swap3A_608 = tpu.vector_load %arg7[%swap3A_606, %swap3A_607] {strides = array<i32>} : memref<64x256xf32, #tpu.memory_space<vmem>>, vector<1x16xf32>,
      %swap3A_609 = vector.shape_cast %swap3A_608 : vector<1x16xf32> to vector<16xf32>
      %swap3A_610 = vector.shape_cast %select_n3A_603 : vector<16xf32> to vector<1x16xf32>
      tpu.vector_store %arg7[%swap3A_606, %swap3A_607], %swap3A_610 {strides = array<i32>} : memref<64x256xf32, #tpu.memory_space<vmem>>, vector<1x16xf32>,
      %sub3A_611 = vector.broadcast %squeeze3A_539 : i32 to vector<16xi32>
      %sub3A_612 = arith.subi %add3A_20, %sub3A_611 : vector<16xi32>
      %bitcast3A_613 = vector.bitcast %sub3A_612 : vector<16xi32> to vector<16xi32>
      %le3A_614 = vector.broadcast %squeeze3A_545 : i32 to vector<16xi32>
      %le3A_615 = arith.cmpi ule, %bitcast3A_613, %le3A_614 : vector<16xi32>
      %select_n3A_616 = arith.select %le3A_615, %broadcast_in_dim3A_51, %broadcast_in_dim3A_53 : vector<16xi1>, vector<16xf32>
      %add3A_617 = arith.constant 2 : i32
      %add3A_618 = arith.addi %mul3A_108, %add3A_617 : i32
      %swap3A_619 = arith.index_cast %add3A_618 : i32 to index
      %swap3A_620 = arith.constant 80 : index
      %swap3A_621 = tpu.vector_load %arg7[%swap3A_619, %swap3A_620] {strides = array<i32>} : memref<64x256xf32, #tpu.memory_space<vmem>>, vector<1x16xf32>,
      %swap3A_622 = vector.shape_cast %swap3A_621 : vector<1x16xf32> to vector<16xf32>
      %swap3A_623 = vector.shape_cast %select_n3A_616 : vector<16xf32> to vector<1x16xf32>
      tpu.vector_store %arg7[%swap3A_619, %swap3A_620], %swap3A_623 {strides = array<i32>} : memref<64x256xf32, #tpu.memory_space<vmem>>, vector<1x16xf32>,
      %sub3A_624 = vector.broadcast %squeeze3A_539 : i32 to vector<16xi32>
      %sub3A_625 = arith.subi %add3A_23, %sub3A_624 : vector<16xi32>
      %bitcast3A_626 = vector.bitcast %sub3A_625 : vector<16xi32> to vector<16xi32>
      %le3A_627 = vector.broadcast %squeeze3A_545 : i32 to vector<16xi32>
      %le3A_628 = arith.cmpi ule, %bitcast3A_626, %le3A_627 : vector<16xi32>
      %select_n3A_629 = arith.select %le3A_628, %broadcast_in_dim3A_51, %broadcast_in_dim3A_53 : vector<16xi1>, vector<16xf32>
      %add3A_630 = arith.constant 2 : i32
      %add3A_631 = arith.addi %mul3A_108, %add3A_630 : i32
      %swap3A_632 = arith.index_cast %add3A_631 : i32 to index
      %swap3A_633 = arith.constant 96 : index
      %swap3A_634 = tpu.vector_load %arg7[%swap3A_632, %swap3A_633] {strides = array<i32>} : memref<64x256xf32, #tpu.memory_space<vmem>>, vector<1x16xf32>,
      %swap3A_635 = vector.shape_cast %swap3A_634 : vector<1x16xf32> to vector<16xf32>
      %swap3A_636 = vector.shape_cast %select_n3A_629 : vector<16xf32> to vector<1x16xf32>
      tpu.vector_store %arg7[%swap3A_632, %swap3A_633], %swap3A_636 {strides = array<i32>} : memref<64x256xf32, #tpu.memory_space<vmem>>, vector<1x16xf32>,
      %sub3A_637 = vector.broadcast %squeeze3A_539 : i32 to vector<16xi32>
      %sub3A_638 = arith.subi %add3A_26, %sub3A_637 : vector<16xi32>
      %bitcast3A_639 = vector.bitcast %sub3A_638 : vector<16xi32> to vector<16xi32>
      %le3A_640 = vector.broadcast %squeeze3A_545 : i32 to vector<16xi32>
      %le3A_641 = arith.cmpi ule, %bitcast3A_639, %le3A_640 : vector<16xi32>
      %select_n3A_642 = arith.select %le3A_641, %broadcast_in_dim3A_51, %broadcast_in_dim3A_53 : vector<16xi1>, vector<16xf32>
      %add3A_643 = arith.constant 2 : i32
      %add3A_644 = arith.addi %mul3A_108, %add3A_643 : i32
      %swap3A_645 = arith.index_cast %add3A_644 : i32 to index
      %swap3A_646 = arith.constant 112 : index
      %swap3A_647 = tpu.vector_load %arg7[%swap3A_645, %swap3A_646] {strides = array<i32>} : memref<64x256xf32, #tpu.memory_space<vmem>>, vector<1x16xf32>,
      %swap3A_648 = vector.shape_cast %swap3A_647 : vector<1x16xf32> to vector<16xf32>
      %swap3A_649 = vector.shape_cast %select_n3A_642 : vector<16xf32> to vector<1x16xf32>
      tpu.vector_store %arg7[%swap3A_645, %swap3A_646], %swap3A_649 {strides = array<i32>} : memref<64x256xf32, #tpu.memory_space<vmem>>, vector<1x16xf32>,
      %sub3A_650 = vector.broadcast %squeeze3A_539 : i32 to vector<16xi32>
      %sub3A_651 = arith.subi %add3A_29, %sub3A_650 : vector<16xi32>
      %bitcast3A_652 = vector.bitcast %sub3A_651 : vector<16xi32> to vector<16xi32>
      %le3A_653 = vector.broadcast %squeeze3A_545 : i32 to vector<16xi32>
      %le3A_654 = arith.cmpi ule, %bitcast3A_652, %le3A_653 : vector<16xi32>
      %select_n3A_655 = arith.select %le3A_654, %broadcast_in_dim3A_51, %broadcast_in_dim3A_53 : vector<16xi1>, vector<16xf32>
      %add3A_656 = arith.constant 2 : i32
      %add3A_657 = arith.addi %mul3A_108, %add3A_656 : i32
      %swap3A_658 = arith.index_cast %add3A_657 : i32 to index
      %swap3A_659 = arith.constant 128 : index
      %swap3A_660 = tpu.vector_load %arg7[%swap3A_658, %swap3A_659] {strides = array<i32>} : memref<64x256xf32, #tpu.memory_space<vmem>>, vector<1x16xf32>,
      %swap3A_661 = vector.shape_cast %swap3A_660 : vector<1x16xf32> to vector<16xf32>
      %swap3A_662 = vector.shape_cast %select_n3A_655 : vector<16xf32> to vector<1x16xf32>
      tpu.vector_store %arg7[%swap3A_658, %swap3A_659], %swap3A_662 {strides = array<i32>} : memref<64x256xf32, #tpu.memory_space<vmem>>, vector<1x16xf32>,
      %sub3A_663 = vector.broadcast %squeeze3A_539 : i32 to vector<16xi32>
      %sub3A_664 = arith.subi %add3A_32, %sub3A_663 : vector<16xi32>
      %bitcast3A_665 = vector.bitcast %sub3A_664 : vector<16xi32> to vector<16xi32>
      %le3A_666 = vector.broadcast %squeeze3A_545 : i32 to vector<16xi32>
      %le3A_667 = arith.cmpi ule, %bitcast3A_665, %le3A_666 : vector<16xi32>
      %select_n3A_668 = arith.select %le3A_667, %broadcast_in_dim3A_51, %broadcast_in_dim3A_53 : vector<16xi1>, vector<16xf32>
      %add3A_669 = arith.constant 2 : i32
      %add3A_670 = arith.addi %mul3A_108, %add3A_669 : i32
      %swap3A_671 = arith.index_cast %add3A_670 : i32 to index
      %swap3A_672 = arith.constant 144 : index
      %swap3A_673 = tpu.vector_load %arg7[%swap3A_671, %swap3A_672] {strides = array<i32>} : memref<64x256xf32, #tpu.memory_space<vmem>>, vector<1x16xf32>,
      %swap3A_674 = vector.shape_cast %swap3A_673 : vector<1x16xf32> to vector<16xf32>
      %swap3A_675 = vector.shape_cast %select_n3A_668 : vector<16xf32> to vector<1x16xf32>
      tpu.vector_store %arg7[%swap3A_671, %swap3A_672], %swap3A_675 {strides = array<i32>} : memref<64x256xf32, #tpu.memory_space<vmem>>, vector<1x16xf32>,
      %sub3A_676 = vector.broadcast %squeeze3A_539 : i32 to vector<16xi32>
      %sub3A_677 = arith.subi %add3A_35, %sub3A_676 : vector<16xi32>
      %bitcast3A_678 = vector.bitcast %sub3A_677 : vector<16xi32> to vector<16xi32>
      %le3A_679 = vector.broadcast %squeeze3A_545 : i32 to vector<16xi32>
      %le3A_680 = arith.cmpi ule, %bitcast3A_678, %le3A_679 : vector<16xi32>
      %select_n3A_681 = arith.select %le3A_680, %broadcast_in_dim3A_51, %broadcast_in_dim3A_53 : vector<16xi1>, vector<16xf32>
      %add3A_682 = arith.constant 2 : i32
      %add3A_683 = arith.addi %mul3A_108, %add3A_682 : i32
      %swap3A_684 = arith.index_cast %add3A_683 : i32 to index
      %swap3A_685 = arith.constant 160 : index
      %swap3A_686 = tpu.vector_load %arg7[%swap3A_684, %swap3A_685] {strides = array<i32>} : memref<64x256xf32, #tpu.memory_space<vmem>>, vector<1x16xf32>,
      %swap3A_687 = vector.shape_cast %swap3A_686 : vector<1x16xf32> to vector<16xf32>
      %swap3A_688 = vector.shape_cast %select_n3A_681 : vector<16xf32> to vector<1x16xf32>
      tpu.vector_store %arg7[%swap3A_684, %swap3A_685], %swap3A_688 {strides = array<i32>} : memref<64x256xf32, #tpu.memory_space<vmem>>, vector<1x16xf32>,
      %sub3A_689 = vector.broadcast %squeeze3A_539 : i32 to vector<16xi32>
      %sub3A_690 = arith.subi %add3A_38, %sub3A_689 : vector<16xi32>
      %bitcast3A_691 = vector.bitcast %sub3A_690 : vector<16xi32> to vector<16xi32>
      %le3A_692 = vector.broadcast %squeeze3A_545 : i32 to vector<16xi32>
      %le3A_693 = arith.cmpi ule, %bitcast3A_691, %le3A_692 : vector<16xi32>
      %select_n3A_694 = arith.select %le3A_693, %broadcast_in_dim3A_51, %broadcast_in_dim3A_53 : vector<16xi1>, vector<16xf32>
      %add3A_695 = arith.constant 2 : i32
      %add3A_696 = arith.addi %mul3A_108, %add3A_695 : i32
      %swap3A_697 = arith.index_cast %add3A_696 : i32 to index
      %swap3A_698 = arith.constant 176 : index
      %swap3A_699 = tpu.vector_load %arg7[%swap3A_697, %swap3A_698] {strides = array<i32>} : memref<64x256xf32, #tpu.memory_space<vmem>>, vector<1x16xf32>,
      %swap3A_700 = vector.shape_cast %swap3A_699 : vector<1x16xf32> to vector<16xf32>
      %swap3A_701 = vector.shape_cast %select_n3A_694 : vector<16xf32> to vector<1x16xf32>
      tpu.vector_store %arg7[%swap3A_697, %swap3A_698], %swap3A_701 {strides = array<i32>} : memref<64x256xf32, #tpu.memory_space<vmem>>, vector<1x16xf32>,
      %sub3A_702 = vector.broadcast %squeeze3A_539 : i32 to vector<16xi32>
      %sub3A_703 = arith.subi %add3A_41, %sub3A_702 : vector<16xi32>
      %bitcast3A_704 = vector.bitcast %sub3A_703 : vector<16xi32> to vector<16xi32>
      %le3A_705 = vector.broadcast %squeeze3A_545 : i32 to vector<16xi32>
      %le3A_706 = arith.cmpi ule, %bitcast3A_704, %le3A_705 : vector<16xi32>
      %select_n3A_707 = arith.select %le3A_706, %broadcast_in_dim3A_51, %broadcast_in_dim3A_53 : vector<16xi1>, vector<16xf32>
      %add3A_708 = arith.constant 2 : i32
      %add3A_709 = arith.addi %mul3A_108, %add3A_708 : i32
      %swap3A_710 = arith.index_cast %add3A_709 : i32 to index
      %swap3A_711 = arith.constant 192 : index
      %swap3A_712 = tpu.vector_load %arg7[%swap3A_710, %swap3A_711] {strides = array<i32>} : memref<64x256xf32, #tpu.memory_space<vmem>>, vector<1x16xf32>,
      %swap3A_713 = vector.shape_cast %swap3A_712 : vector<1x16xf32> to vector<16xf32>
      %swap3A_714 = vector.shape_cast %select_n3A_707 : vector<16xf32> to vector<1x16xf32>
      tpu.vector_store %arg7[%swap3A_710, %swap3A_711], %swap3A_714 {strides = array<i32>} : memref<64x256xf32, #tpu.memory_space<vmem>>, vector<1x16xf32>,
      %sub3A_715 = vector.broadcast %squeeze3A_539 : i32 to vector<16xi32>
      %sub3A_716 = arith.subi %add3A_44, %sub3A_715 : vector<16xi32>
      %bitcast3A_717 = vector.bitcast %sub3A_716 : vector<16xi32> to vector<16xi32>
      %le3A_718 = vector.broadcast %squeeze3A_545 : i32 to vector<16xi32>
      %le3A_719 = arith.cmpi ule, %bitcast3A_717, %le3A_718 : vector<16xi32>
      %select_n3A_720 = arith.select %le3A_719, %broadcast_in_dim3A_51, %broadcast_in_dim3A_53 : vector<16xi1>, vector<16xf32>
      %add3A_721 = arith.constant 2 : i32
      %add3A_722 = arith.addi %mul3A_108, %add3A_721 : i32
      %swap3A_723 = arith.index_cast %add3A_722 : i32 to index
      %swap3A_724 = arith.constant 208 : index
      %swap3A_725 = tpu.vector_load %arg7[%swap3A_723, %swap3A_724] {strides = array<i32>} : memref<64x256xf32, #tpu.memory_space<vmem>>, vector<1x16xf32>,
      %swap3A_726 = vector.shape_cast %swap3A_725 : vector<1x16xf32> to vector<16xf32>
      %swap3A_727 = vector.shape_cast %select_n3A_720 : vector<16xf32> to vector<1x16xf32>
      tpu.vector_store %arg7[%swap3A_723, %swap3A_724], %swap3A_727 {strides = array<i32>} : memref<64x256xf32, #tpu.memory_space<vmem>>, vector<1x16xf32>,
      %sub3A_728 = vector.broadcast %squeeze3A_539 : i32 to vector<16xi32>
      %sub3A_729 = arith.subi %add3A_47, %sub3A_728 : vector<16xi32>
      %bitcast3A_730 = vector.bitcast %sub3A_729 : vector<16xi32> to vector<16xi32>
      %le3A_731 = vector.broadcast %squeeze3A_545 : i32 to vector<16xi32>
      %le3A_732 = arith.cmpi ule, %bitcast3A_730, %le3A_731 : vector<16xi32>
      %select_n3A_733 = arith.select %le3A_732, %broadcast_in_dim3A_51, %broadcast_in_dim3A_53 : vector<16xi1>, vector<16xf32>
      %add3A_734 = arith.constant 2 : i32
      %add3A_735 = arith.addi %mul3A_108, %add3A_734 : i32
      %swap3A_736 = arith.index_cast %add3A_735 : i32 to index
      %swap3A_737 = arith.constant 224 : index
      %swap3A_738 = tpu.vector_load %arg7[%swap3A_736, %swap3A_737] {strides = array<i32>} : memref<64x256xf32, #tpu.memory_space<vmem>>, vector<1x16xf32>,
      %swap3A_739 = vector.shape_cast %swap3A_738 : vector<1x16xf32> to vector<16xf32>
      %swap3A_740 = vector.shape_cast %select_n3A_733 : vector<16xf32> to vector<1x16xf32>
      tpu.vector_store %arg7[%swap3A_736, %swap3A_737], %swap3A_740 {strides = array<i32>} : memref<64x256xf32, #tpu.memory_space<vmem>>, vector<1x16xf32>,
      %sub3A_741 = vector.broadcast %squeeze3A_539 : i32 to vector<16xi32>
      %sub3A_742 = arith.subi %add3A_50, %sub3A_741 : vector<16xi32>
      %bitcast3A_743 = vector.bitcast %sub3A_742 : vector<16xi32> to vector<16xi32>
      %le3A_744 = vector.broadcast %squeeze3A_545 : i32 to vector<16xi32>
      %le3A_745 = arith.cmpi ule, %bitcast3A_743, %le3A_744 : vector<16xi32>
      %select_n3A_746 = arith.select %le3A_745, %broadcast_in_dim3A_51, %broadcast_in_dim3A_53 : vector<16xi1>, vector<16xf32>
      %add3A_747 = arith.constant 2 : i32
      %add3A_748 = arith.addi %mul3A_108, %add3A_747 : i32
      %swap3A_749 = arith.index_cast %add3A_748 : i32 to index
      %swap3A_750 = arith.constant 240 : index
      %swap3A_751 = tpu.vector_load %arg7[%swap3A_749, %swap3A_750] {strides = array<i32>} : memref<64x256xf32, #tpu.memory_space<vmem>>, vector<1x16xf32>,
      %swap3A_752 = vector.shape_cast %swap3A_751 : vector<1x16xf32> to vector<16xf32>
      %swap3A_753 = vector.shape_cast %select_n3A_746 : vector<16xf32> to vector<1x16xf32>
      tpu.vector_store %arg7[%swap3A_749, %swap3A_750], %swap3A_753 {strides = array<i32>} : memref<64x256xf32, #tpu.memory_space<vmem>>, vector<1x16xf32>,
      %slice3A_754 = vector.extract_strided_slice %get3A_110 {offsets = [3], sizes = [1], strides = [1]} : vector<16xi32> to vector<1xi32>
      %squeeze3A_755 = vector.extract %slice3A_754[0] : i32 from vector<1xi32>
      %slice3A_756 = vector.extract_strided_slice %get3A_113 {offsets = [3], sizes = [1], strides = [1]} : vector<16xi32> to vector<1xi32>
      %squeeze3A_757 = vector.extract %slice3A_756[0] : i32 from vector<1xi32>
      %sub3A_758 = arith.subi %squeeze3A_757, %squeeze3A_755 : i32
      %reshape3A_759 = vector.broadcast %sub3A_758 : i32 to vector<1xi32>
      %bitcast3A_760 = vector.bitcast %reshape3A_759 : vector<1xi32> to vector<1xi32>
      %squeeze3A_761 = vector.extract %bitcast3A_760[0] : i32 from vector<1xi32>
      %sub3A_762 = vector.broadcast %squeeze3A_755 : i32 to vector<16xi32>
      %sub3A_763 = arith.subi %add3A_5, %sub3A_762 : vector<16xi32>
      %bitcast3A_764 = vector.bitcast %sub3A_763 : vector<16xi32> to vector<16xi32>
      %le3A_765 = vector.broadcast %squeeze3A_761 : i32 to vector<16xi32>
      %le3A_766 = arith.cmpi ule, %bitcast3A_764, %le3A_765 : vector<16xi32>
      %select_n3A_767 = arith.select %le3A_766, %broadcast_in_dim3A_51, %broadcast_in_dim3A_53 : vector<16xi1>, vector<16xf32>
      %add3A_768 = arith.constant 3 : i32
      %add3A_769 = arith.addi %mul3A_108, %add3A_768 : i32
      %swap3A_770 = arith.index_cast %add3A_769 : i32 to index
      %swap3A_771 = arith.constant 0 : index
      %swap3A_772 = tpu.vector_load %arg7[%swap3A_770, %swap3A_771] {strides = array<i32>} : memref<64x256xf32, #tpu.memory_space<vmem>>, vector<1x16xf32>,
      %swap3A_773 = vector.shape_cast %swap3A_772 : vector<1x16xf32> to vector<16xf32>
      %swap3A_774 = vector.shape_cast %select_n3A_767 : vector<16xf32> to vector<1x16xf32>
      tpu.vector_store %arg7[%swap3A_770, %swap3A_771], %swap3A_774 {strides = array<i32>} : memref<64x256xf32, #tpu.memory_space<vmem>>, vector<1x16xf32>,
      %sub3A_775 = vector.broadcast %squeeze3A_755 : i32 to vector<16xi32>
      %sub3A_776 = arith.subi %add3A_8, %sub3A_775 : vector<16xi32>
      %bitcast3A_777 = vector.bitcast %sub3A_776 : vector<16xi32> to vector<16xi32>
      %le3A_778 = vector.broadcast %squeeze3A_761 : i32 to vector<16xi32>
      %le3A_779 = arith.cmpi ule, %bitcast3A_777, %le3A_778 : vector<16xi32>
      %select_n3A_780 = arith.select %le3A_779, %broadcast_in_dim3A_51, %broadcast_in_dim3A_53 : vector<16xi1>, vector<16xf32>
      %add3A_781 = arith.constant 3 : i32
      %add3A_782 = arith.addi %mul3A_108, %add3A_781 : i32
      %swap3A_783 = arith.index_cast %add3A_782 : i32 to index
      %swap3A_784 = arith.constant 16 : index
      %swap3A_785 = tpu.vector_load %arg7[%swap3A_783, %swap3A_784] {strides = array<i32>} : memref<64x256xf32, #tpu.memory_space<vmem>>, vector<1x16xf32>,
      %swap3A_786 = vector.shape_cast %swap3A_785 : vector<1x16xf32> to vector<16xf32>
      %swap3A_787 = vector.shape_cast %select_n3A_780 : vector<16xf32> to vector<1x16xf32>
      tpu.vector_store %arg7[%swap3A_783, %swap3A_784], %swap3A_787 {strides = array<i32>} : memref<64x256xf32, #tpu.memory_space<vmem>>, vector<1x16xf32>,
      %sub3A_788 = vector.broadcast %squeeze3A_755 : i32 to vector<16xi32>
      %sub3A_789 = arith.subi %add3A_11, %sub3A_788 : vector<16xi32>
      %bitcast3A_790 = vector.bitcast %sub3A_789 : vector<16xi32> to vector<16xi32>
      %le3A_791 = vector.broadcast %squeeze3A_761 : i32 to vector<16xi32>
      %le3A_792 = arith.cmpi ule, %bitcast3A_790, %le3A_791 : vector<16xi32>
      %select_n3A_793 = arith.select %le3A_792, %broadcast_in_dim3A_51, %broadcast_in_dim3A_53 : vector<16xi1>, vector<16xf32>
      %add3A_794 = arith.constant 3 : i32
      %add3A_795 = arith.addi %mul3A_108, %add3A_794 : i32
      %swap3A_796 = arith.index_cast %add3A_795 : i32 to index
      %swap3A_797 = arith.constant 32 : index
      %swap3A_798 = tpu.vector_load %arg7[%swap3A_796, %swap3A_797] {strides = array<i32>} : memref<64x256xf32, #tpu.memory_space<vmem>>, vector<1x16xf32>,
      %swap3A_799 = vector.shape_cast %swap3A_798 : vector<1x16xf32> to vector<16xf32>
      %swap3A_800 = vector.shape_cast %select_n3A_793 : vector<16xf32> to vector<1x16xf32>
      tpu.vector_store %arg7[%swap3A_796, %swap3A_797], %swap3A_800 {strides = array<i32>} : memref<64x256xf32, #tpu.memory_space<vmem>>, vector<1x16xf32>,
      %sub3A_801 = vector.broadcast %squeeze3A_755 : i32 to vector<16xi32>
      %sub3A_802 = arith.subi %add3A_14, %sub3A_801 : vector<16xi32>
      %bitcast3A_803 = vector.bitcast %sub3A_802 : vector<16xi32> to vector<16xi32>
      %le3A_804 = vector.broadcast %squeeze3A_761 : i32 to vector<16xi32>
      %le3A_805 = arith.cmpi ule, %bitcast3A_803, %le3A_804 : vector<16xi32>
      %select_n3A_806 = arith.select %le3A_805, %broadcast_in_dim3A_51, %broadcast_in_dim3A_53 : vector<16xi1>, vector<16xf32>
      %add3A_807 = arith.constant 3 : i32
      %add3A_808 = arith.addi %mul3A_108, %add3A_807 : i32
      %swap3A_809 = arith.index_cast %add3A_808 : i32 to index
      %swap3A_810 = arith.constant 48 : index
      %swap3A_811 = tpu.vector_load %arg7[%swap3A_809, %swap3A_810] {strides = array<i32>} : memref<64x256xf32, #tpu.memory_space<vmem>>, vector<1x16xf32>,
      %swap3A_812 = vector.shape_cast %swap3A_811 : vector<1x16xf32> to vector<16xf32>
      %swap3A_813 = vector.shape_cast %select_n3A_806 : vector<16xf32> to vector<1x16xf32>
      tpu.vector_store %arg7[%swap3A_809, %swap3A_810], %swap3A_813 {strides = array<i32>} : memref<64x256xf32, #tpu.memory_space<vmem>>, vector<1x16xf32>,
      %sub3A_814 = vector.broadcast %squeeze3A_755 : i32 to vector<16xi32>
      %sub3A_815 = arith.subi %add3A_17, %sub3A_814 : vector<16xi32>
      %bitcast3A_816 = vector.bitcast %sub3A_815 : vector<16xi32> to vector<16xi32>
      %le3A_817 = vector.broadcast %squeeze3A_761 : i32 to vector<16xi32>
      %le3A_818 = arith.cmpi ule, %bitcast3A_816, %le3A_817 : vector<16xi32>
      %select_n3A_819 = arith.select %le3A_818, %broadcast_in_dim3A_51, %broadcast_in_dim3A_53 : vector<16xi1>, vector<16xf32>
      %add3A_820 = arith.constant 3 : i32
      %add3A_821 = arith.addi %mul3A_108, %add3A_820 : i32
      %swap3A_822 = arith.index_cast %add3A_821 : i32 to index
      %swap3A_823 = arith.constant 64 : index
      %swap3A_824 = tpu.vector_load %arg7[%swap3A_822, %swap3A_823] {strides = array<i32>} : memref<64x256xf32, #tpu.memory_space<vmem>>, vector<1x16xf32>,
      %swap3A_825 = vector.shape_cast %swap3A_824 : vector<1x16xf32> to vector<16xf32>
      %swap3A_826 = vector.shape_cast %select_n3A_819 : vector<16xf32> to vector<1x16xf32>
      tpu.vector_store %arg7[%swap3A_822, %swap3A_823], %swap3A_826 {strides = array<i32>} : memref<64x256xf32, #tpu.memory_space<vmem>>, vector<1x16xf32>,
      %sub3A_827 = vector.broadcast %squeeze3A_755 : i32 to vector<16xi32>
      %sub3A_828 = arith.subi %add3A_20, %sub3A_827 : vector<16xi32>
      %bitcast3A_829 = vector.bitcast %sub3A_828 : vector<16xi32> to vector<16xi32>
      %le3A_830 = vector.broadcast %squeeze3A_761 : i32 to vector<16xi32>
      %le3A_831 = arith.cmpi ule, %bitcast3A_829, %le3A_830 : vector<16xi32>
      %select_n3A_832 = arith.select %le3A_831, %broadcast_in_dim3A_51, %broadcast_in_dim3A_53 : vector<16xi1>, vector<16xf32>
      %add3A_833 = arith.constant 3 : i32
      %add3A_834 = arith.addi %mul3A_108, %add3A_833 : i32
      %swap3A_835 = arith.index_cast %add3A_834 : i32 to index
      %swap3A_836 = arith.constant 80 : index
      %swap3A_837 = tpu.vector_load %arg7[%swap3A_835, %swap3A_836] {strides = array<i32>} : memref<64x256xf32, #tpu.memory_space<vmem>>, vector<1x16xf32>,
      %swap3A_838 = vector.shape_cast %swap3A_837 : vector<1x16xf32> to vector<16xf32>
      %swap3A_839 = vector.shape_cast %select_n3A_832 : vector<16xf32> to vector<1x16xf32>
      tpu.vector_store %arg7[%swap3A_835, %swap3A_836], %swap3A_839 {strides = array<i32>} : memref<64x256xf32, #tpu.memory_space<vmem>>, vector<1x16xf32>,
      %sub3A_840 = vector.broadcast %squeeze3A_755 : i32 to vector<16xi32>
      %sub3A_841 = arith.subi %add3A_23, %sub3A_840 : vector<16xi32>
      %bitcast3A_842 = vector.bitcast %sub3A_841 : vector<16xi32> to vector<16xi32>
      %le3A_843 = vector.broadcast %squeeze3A_761 : i32 to vector<16xi32>
      %le3A_844 = arith.cmpi ule, %bitcast3A_842, %le3A_843 : vector<16xi32>
      %select_n3A_845 = arith.select %le3A_844, %broadcast_in_dim3A_51, %broadcast_in_dim3A_53 : vector<16xi1>, vector<16xf32>
      %add3A_846 = arith.constant 3 : i32
      %add3A_847 = arith.addi %mul3A_108, %add3A_846 : i32
      %swap3A_848 = arith.index_cast %add3A_847 : i32 to index
      %swap3A_849 = arith.constant 96 : index
      %swap3A_850 = tpu.vector_load %arg7[%swap3A_848, %swap3A_849] {strides = array<i32>} : memref<64x256xf32, #tpu.memory_space<vmem>>, vector<1x16xf32>,
      %swap3A_851 = vector.shape_cast %swap3A_850 : vector<1x16xf32> to vector<16xf32>
      %swap3A_852 = vector.shape_cast %select_n3A_845 : vector<16xf32> to vector<1x16xf32>
      tpu.vector_store %arg7[%swap3A_848, %swap3A_849], %swap3A_852 {strides = array<i32>} : memref<64x256xf32, #tpu.memory_space<vmem>>, vector<1x16xf32>,
      %sub3A_853 = vector.broadcast %squeeze3A_755 : i32 to vector<16xi32>
      %sub3A_854 = arith.subi %add3A_26, %sub3A_853 : vector<16xi32>
      %bitcast3A_855 = vector.bitcast %sub3A_854 : vector<16xi32> to vector<16xi32>
      %le3A_856 = vector.broadcast %squeeze3A_761 : i32 to vector<16xi32>
      %le3A_857 = arith.cmpi ule, %bitcast3A_855, %le3A_856 : vector<16xi32>
      %select_n3A_858 = arith.select %le3A_857, %broadcast_in_dim3A_51, %broadcast_in_dim3A_53 : vector<16xi1>, vector<16xf32>
      %add3A_859 = arith.constant 3 : i32
      %add3A_860 = arith.addi %mul3A_108, %add3A_859 : i32
      %swap3A_861 = arith.index_cast %add3A_860 : i32 to index
      %swap3A_862 = arith.constant 112 : index
      %swap3A_863 = tpu.vector_load %arg7[%swap3A_861, %swap3A_862] {strides = array<i32>} : memref<64x256xf32, #tpu.memory_space<vmem>>, vector<1x16xf32>,
      %swap3A_864 = vector.shape_cast %swap3A_863 : vector<1x16xf32> to vector<16xf32>
      %swap3A_865 = vector.shape_cast %select_n3A_858 : vector<16xf32> to vector<1x16xf32>
      tpu.vector_store %arg7[%swap3A_861, %swap3A_862], %swap3A_865 {strides = array<i32>} : memref<64x256xf32, #tpu.memory_space<vmem>>, vector<1x16xf32>,
      %sub3A_866 = vector.broadcast %squeeze3A_755 : i32 to vector<16xi32>
      %sub3A_867 = arith.subi %add3A_29, %sub3A_866 : vector<16xi32>
      %bitcast3A_868 = vector.bitcast %sub3A_867 : vector<16xi32> to vector<16xi32>
      %le3A_869 = vector.broadcast %squeeze3A_761 : i32 to vector<16xi32>
      %le3A_870 = arith.cmpi ule, %bitcast3A_868, %le3A_869 : vector<16xi32>
      %select_n3A_871 = arith.select %le3A_870, %broadcast_in_dim3A_51, %broadcast_in_dim3A_53 : vector<16xi1>, vector<16xf32>
      %add3A_872 = arith.constant 3 : i32
      %add3A_873 = arith.addi %mul3A_108, %add3A_872 : i32
      %swap3A_874 = arith.index_cast %add3A_873 : i32 to index
      %swap3A_875 = arith.constant 128 : index
      %swap3A_876 = tpu.vector_load %arg7[%swap3A_874, %swap3A_875] {strides = array<i32>} : memref<64x256xf32, #tpu.memory_space<vmem>>, vector<1x16xf32>,
      %swap3A_877 = vector.shape_cast %swap3A_876 : vector<1x16xf32> to vector<16xf32>
      %swap3A_878 = vector.shape_cast %select_n3A_871 : vector<16xf32> to vector<1x16xf32>
      tpu.vector_store %arg7[%swap3A_874, %swap3A_875], %swap3A_878 {strides = array<i32>} : memref<64x256xf32, #tpu.memory_space<vmem>>, vector<1x16xf32>,
      %sub3A_879 = vector.broadcast %squeeze3A_755 : i32 to vector<16xi32>
      %sub3A_880 = arith.subi %add3A_32, %sub3A_879 : vector<16xi32>
      %bitcast3A_881 = vector.bitcast %sub3A_880 : vector<16xi32> to vector<16xi32>
      %le3A_882 = vector.broadcast %squeeze3A_761 : i32 to vector<16xi32>
      %le3A_883 = arith.cmpi ule, %bitcast3A_881, %le3A_882 : vector<16xi32>
      %select_n3A_884 = arith.select %le3A_883, %broadcast_in_dim3A_51, %broadcast_in_dim3A_53 : vector<16xi1>, vector<16xf32>
      %add3A_885 = arith.constant 3 : i32
      %add3A_886 = arith.addi %mul3A_108, %add3A_885 : i32
      %swap3A_887 = arith.index_cast %add3A_886 : i32 to index
      %swap3A_888 = arith.constant 144 : index
      %swap3A_889 = tpu.vector_load %arg7[%swap3A_887, %swap3A_888] {strides = array<i32>} : memref<64x256xf32, #tpu.memory_space<vmem>>, vector<1x16xf32>,
      %swap3A_890 = vector.shape_cast %swap3A_889 : vector<1x16xf32> to vector<16xf32>
      %swap3A_891 = vector.shape_cast %select_n3A_884 : vector<16xf32> to vector<1x16xf32>
      tpu.vector_store %arg7[%swap3A_887, %swap3A_888], %swap3A_891 {strides = array<i32>} : memref<64x256xf32, #tpu.memory_space<vmem>>, vector<1x16xf32>,
      %sub3A_892 = vector.broadcast %squeeze3A_755 : i32 to vector<16xi32>
      %sub3A_893 = arith.subi %add3A_35, %sub3A_892 : vector<16xi32>
      %bitcast3A_894 = vector.bitcast %sub3A_893 : vector<16xi32> to vector<16xi32>
      %le3A_895 = vector.broadcast %squeeze3A_761 : i32 to vector<16xi32>
      %le3A_896 = arith.cmpi ule, %bitcast3A_894, %le3A_895 : vector<16xi32>
      %select_n3A_897 = arith.select %le3A_896, %broadcast_in_dim3A_51, %broadcast_in_dim3A_53 : vector<16xi1>, vector<16xf32>
      %add3A_898 = arith.constant 3 : i32
      %add3A_899 = arith.addi %mul3A_108, %add3A_898 : i32
      %swap3A_900 = arith.index_cast %add3A_899 : i32 to index
      %swap3A_901 = arith.constant 160 : index
      %swap3A_902 = tpu.vector_load %arg7[%swap3A_900, %swap3A_901] {strides = array<i32>} : memref<64x256xf32, #tpu.memory_space<vmem>>, vector<1x16xf32>,
      %swap3A_903 = vector.shape_cast %swap3A_902 : vector<1x16xf32> to vector<16xf32>
      %swap3A_904 = vector.shape_cast %select_n3A_897 : vector<16xf32> to vector<1x16xf32>
      tpu.vector_store %arg7[%swap3A_900, %swap3A_901], %swap3A_904 {strides = array<i32>} : memref<64x256xf32, #tpu.memory_space<vmem>>, vector<1x16xf32>,
      %sub3A_905 = vector.broadcast %squeeze3A_755 : i32 to vector<16xi32>
      %sub3A_906 = arith.subi %add3A_38, %sub3A_905 : vector<16xi32>
      %bitcast3A_907 = vector.bitcast %sub3A_906 : vector<16xi32> to vector<16xi32>
      %le3A_908 = vector.broadcast %squeeze3A_761 : i32 to vector<16xi32>
      %le3A_909 = arith.cmpi ule, %bitcast3A_907, %le3A_908 : vector<16xi32>
      %select_n3A_910 = arith.select %le3A_909, %broadcast_in_dim3A_51, %broadcast_in_dim3A_53 : vector<16xi1>, vector<16xf32>
      %add3A_911 = arith.constant 3 : i32
      %add3A_912 = arith.addi %mul3A_108, %add3A_911 : i32
      %swap3A_913 = arith.index_cast %add3A_912 : i32 to index
      %swap3A_914 = arith.constant 176 : index
      %swap3A_915 = tpu.vector_load %arg7[%swap3A_913, %swap3A_914] {strides = array<i32>} : memref<64x256xf32, #tpu.memory_space<vmem>>, vector<1x16xf32>,
      %swap3A_916 = vector.shape_cast %swap3A_915 : vector<1x16xf32> to vector<16xf32>
      %swap3A_917 = vector.shape_cast %select_n3A_910 : vector<16xf32> to vector<1x16xf32>
      tpu.vector_store %arg7[%swap3A_913, %swap3A_914], %swap3A_917 {strides = array<i32>} : memref<64x256xf32, #tpu.memory_space<vmem>>, vector<1x16xf32>,
      %sub3A_918 = vector.broadcast %squeeze3A_755 : i32 to vector<16xi32>
      %sub3A_919 = arith.subi %add3A_41, %sub3A_918 : vector<16xi32>
      %bitcast3A_920 = vector.bitcast %sub3A_919 : vector<16xi32> to vector<16xi32>
      %le3A_921 = vector.broadcast %squeeze3A_761 : i32 to vector<16xi32>
      %le3A_922 = arith.cmpi ule, %bitcast3A_920, %le3A_921 : vector<16xi32>
      %select_n3A_923 = arith.select %le3A_922, %broadcast_in_dim3A_51, %broadcast_in_dim3A_53 : vector<16xi1>, vector<16xf32>
      %add3A_924 = arith.constant 3 : i32
      %add3A_925 = arith.addi %mul3A_108, %add3A_924 : i32
      %swap3A_926 = arith.index_cast %add3A_925 : i32 to index
      %swap3A_927 = arith.constant 192 : index
      %swap3A_928 = tpu.vector_load %arg7[%swap3A_926, %swap3A_927] {strides = array<i32>} : memref<64x256xf32, #tpu.memory_space<vmem>>, vector<1x16xf32>,
      %swap3A_929 = vector.shape_cast %swap3A_928 : vector<1x16xf32> to vector<16xf32>
      %swap3A_930 = vector.shape_cast %select_n3A_923 : vector<16xf32> to vector<1x16xf32>
      tpu.vector_store %arg7[%swap3A_926, %swap3A_927], %swap3A_930 {strides = array<i32>} : memref<64x256xf32, #tpu.memory_space<vmem>>, vector<1x16xf32>,
      %sub3A_931 = vector.broadcast %squeeze3A_755 : i32 to vector<16xi32>
      %sub3A_932 = arith.subi %add3A_44, %sub3A_931 : vector<16xi32>
      %bitcast3A_933 = vector.bitcast %sub3A_932 : vector<16xi32> to vector<16xi32>
      %le3A_934 = vector.broadcast %squeeze3A_761 : i32 to vector<16xi32>
      %le3A_935 = arith.cmpi ule, %bitcast3A_933, %le3A_934 : vector<16xi32>
      %select_n3A_936 = arith.select %le3A_935, %broadcast_in_dim3A_51, %broadcast_in_dim3A_53 : vector<16xi1>, vector<16xf32>
      %add3A_937 = arith.constant 3 : i32
      %add3A_938 = arith.addi %mul3A_108, %add3A_937 : i32
      %swap3A_939 = arith.index_cast %add3A_938 : i32 to index
      %swap3A_940 = arith.constant 208 : index
      %swap3A_941 = tpu.vector_load %arg7[%swap3A_939, %swap3A_940] {strides = array<i32>} : memref<64x256xf32, #tpu.memory_space<vmem>>, vector<1x16xf32>,
      %swap3A_942 = vector.shape_cast %swap3A_941 : vector<1x16xf32> to vector<16xf32>
      %swap3A_943 = vector.shape_cast %select_n3A_936 : vector<16xf32> to vector<1x16xf32>
      tpu.vector_store %arg7[%swap3A_939, %swap3A_940], %swap3A_943 {strides = array<i32>} : memref<64x256xf32, #tpu.memory_space<vmem>>, vector<1x16xf32>,
      %sub3A_944 = vector.broadcast %squeeze3A_755 : i32 to vector<16xi32>
      %sub3A_945 = arith.subi %add3A_47, %sub3A_944 : vector<16xi32>
      %bitcast3A_946 = vector.bitcast %sub3A_945 : vector<16xi32> to vector<16xi32>
      %le3A_947 = vector.broadcast %squeeze3A_761 : i32 to vector<16xi32>
      %le3A_948 = arith.cmpi ule, %bitcast3A_946, %le3A_947 : vector<16xi32>
      %select_n3A_949 = arith.select %le3A_948, %broadcast_in_dim3A_51, %broadcast_in_dim3A_53 : vector<16xi1>, vector<16xf32>
      %add3A_950 = arith.constant 3 : i32
      %add3A_951 = arith.addi %mul3A_108, %add3A_950 : i32
      %swap3A_952 = arith.index_cast %add3A_951 : i32 to index
      %swap3A_953 = arith.constant 224 : index
      %swap3A_954 = tpu.vector_load %arg7[%swap3A_952, %swap3A_953] {strides = array<i32>} : memref<64x256xf32, #tpu.memory_space<vmem>>, vector<1x16xf32>,
      %swap3A_955 = vector.shape_cast %swap3A_954 : vector<1x16xf32> to vector<16xf32>
      %swap3A_956 = vector.shape_cast %select_n3A_949 : vector<16xf32> to vector<1x16xf32>
      tpu.vector_store %arg7[%swap3A_952, %swap3A_953], %swap3A_956 {strides = array<i32>} : memref<64x256xf32, #tpu.memory_space<vmem>>, vector<1x16xf32>,
      %sub3A_957 = vector.broadcast %squeeze3A_755 : i32 to vector<16xi32>
      %sub3A_958 = arith.subi %add3A_50, %sub3A_957 : vector<16xi32>
      %bitcast3A_959 = vector.bitcast %sub3A_958 : vector<16xi32> to vector<16xi32>
      %le3A_960 = vector.broadcast %squeeze3A_761 : i32 to vector<16xi32>
      %le3A_961 = arith.cmpi ule, %bitcast3A_959, %le3A_960 : vector<16xi32>
      %select_n3A_962 = arith.select %le3A_961, %broadcast_in_dim3A_51, %broadcast_in_dim3A_53 : vector<16xi1>, vector<16xf32>
      %add3A_963 = arith.constant 3 : i32
      %add3A_964 = arith.addi %mul3A_108, %add3A_963 : i32
      %swap3A_965 = arith.index_cast %add3A_964 : i32 to index
      %swap3A_966 = arith.constant 240 : index
      %swap3A_967 = tpu.vector_load %arg7[%swap3A_965, %swap3A_966] {strides = array<i32>} : memref<64x256xf32, #tpu.memory_space<vmem>>, vector<1x16xf32>,
      %swap3A_968 = vector.shape_cast %swap3A_967 : vector<1x16xf32> to vector<16xf32>
      %swap3A_969 = vector.shape_cast %select_n3A_962 : vector<16xf32> to vector<1x16xf32>
      tpu.vector_store %arg7[%swap3A_965, %swap3A_966], %swap3A_969 {strides = array<i32>} : memref<64x256xf32, #tpu.memory_space<vmem>>, vector<1x16xf32>,
      %slice3A_970 = vector.extract_strided_slice %get3A_110 {offsets = [4], sizes = [1], strides = [1]} : vector<16xi32> to vector<1xi32>
      %squeeze3A_971 = vector.extract %slice3A_970[0] : i32 from vector<1xi32>
      %slice3A_972 = vector.extract_strided_slice %get3A_113 {offsets = [4], sizes = [1], strides = [1]} : vector<16xi32> to vector<1xi32>
      %squeeze3A_973 = vector.extract %slice3A_972[0] : i32 from vector<1xi32>
      %sub3A_974 = arith.subi %squeeze3A_973, %squeeze3A_971 : i32
      %reshape3A_975 = vector.broadcast %sub3A_974 : i32 to vector<1xi32>
      %bitcast3A_976 = vector.bitcast %reshape3A_975 : vector<1xi32> to vector<1xi32>
      %squeeze3A_977 = vector.extract %bitcast3A_976[0] : i32 from vector<1xi32>
      %sub3A_978 = vector.broadcast %squeeze3A_971 : i32 to vector<16xi32>
      %sub3A_979 = arith.subi %add3A_5, %sub3A_978 : vector<16xi32>
      %bitcast3A_980 = vector.bitcast %sub3A_979 : vector<16xi32> to vector<16xi32>
      %le3A_981 = vector.broadcast %squeeze3A_977 : i32 to vector<16xi32>
      %le3A_982 = arith.cmpi ule, %bitcast3A_980, %le3A_981 : vector<16xi32>
      %select_n3A_983 = arith.select %le3A_982, %broadcast_in_dim3A_51, %broadcast_in_dim3A_53 : vector<16xi1>, vector<16xf32>
      %add3A_984 = arith.constant 4 : i32
      %add3A_985 = arith.addi %mul3A_108, %add3A_984 : i32
      %swap3A_986 = arith.index_cast %add3A_985 : i32 to index
      %swap3A_987 = arith.constant 0 : index
      %swap3A_988 = tpu.vector_load %arg7[%swap3A_986, %swap3A_987] {strides = array<i32>} : memref<64x256xf32, #tpu.memory_space<vmem>>, vector<1x16xf32>,
      %swap3A_989 = vector.shape_cast %swap3A_988 : vector<1x16xf32> to vector<16xf32>
      %swap3A_990 = vector.shape_cast %select_n3A_983 : vector<16xf32> to vector<1x16xf32>
      tpu.vector_store %arg7[%swap3A_986, %swap3A_987], %swap3A_990 {strides = array<i32>} : memref<64x256xf32, #tpu.memory_space<vmem>>, vector<1x16xf32>,
      %sub3A_991 = vector.broadcast %squeeze3A_971 : i32 to vector<16xi32>
      %sub3A_992 = arith.subi %add3A_8, %sub3A_991 : vector<16xi32>
      %bitcast3A_993 = vector.bitcast %sub3A_992 : vector<16xi32> to vector<16xi32>
      %le3A_994 = vector.broadcast %squeeze3A_977 : i32 to vector<16xi32>
      %le3A_995 = arith.cmpi ule, %bitcast3A_993, %le3A_994 : vector<16xi32>
      %select_n3A_996 = arith.select %le3A_995, %broadcast_in_dim3A_51, %broadcast_in_dim3A_53 : vector<16xi1>, vector<16xf32>
      %add3A_997 = arith.constant 4 : i32
      %add3A_998 = arith.addi %mul3A_108, %add3A_997 : i32
      %swap3A_999 = arith.index_cast %add3A_998 : i32 to index
      %swap3A_1000 = arith.constant 16 : index
      %swap3A_1001 = tpu.vector_load %arg7[%swap3A_999, %swap3A_1000] {strides = array<i32>} : memref<64x256xf32, #tpu.memory_space<vmem>>, vector<1x16xf32>,
      %swap3A_1002 = vector.shape_cast %swap3A_1001 : vector<1x16xf32> to vector<16xf32>
      %swap3A_1003 = vector.shape_cast %select_n3A_996 : vector<16xf32> to vector<1x16xf32>
      tpu.vector_store %arg7[%swap3A_999, %swap3A_1000], %swap3A_1003 {strides = array<i32>} : memref<64x256xf32, #tpu.memory_space<vmem>>, vector<1x16xf32>,
      %sub3A_1004 = vector.broadcast %squeeze3A_971 : i32 to vector<16xi32>
      %sub3A_1005 = arith.subi %add3A_11, %sub3A_1004 : vector<16xi32>
      %bitcast3A_1006 = vector.bitcast %sub3A_1005 : vector<16xi32> to vector<16xi32>
      %le3A_1007 = vector.broadcast %squeeze3A_977 : i32 to vector<16xi32>
      %le3A_1008 = arith.cmpi ule, %bitcast3A_1006, %le3A_1007 : vector<16xi32>
      %select_n3A_1009 = arith.select %le3A_1008, %broadcast_in_dim3A_51, %broadcast_in_dim3A_53 : vector<16xi1>, vector<16xf32>
      %add3A_1010 = arith.constant 4 : i32
      %add3A_1011 = arith.addi %mul3A_108, %add3A_1010 : i32
      %swap3A_1012 = arith.index_cast %add3A_1011 : i32 to index
      %swap3A_1013 = arith.constant 32 : index
      %swap3A_1014 = tpu.vector_load %arg7[%swap3A_1012, %swap3A_1013] {strides = array<i32>} : memref<64x256xf32, #tpu.memory_space<vmem>>, vector<1x16xf32>,
      %swap3A_1015 = vector.shape_cast %swap3A_1014 : vector<1x16xf32> to vector<16xf32>
      %swap3A_1016 = vector.shape_cast %select_n3A_1009 : vector<16xf32> to vector<1x16xf32>
      tpu.vector_store %arg7[%swap3A_1012, %swap3A_1013], %swap3A_1016 {strides = array<i32>} : memref<64x256xf32, #tpu.memory_space<vmem>>, vector<1x16xf32>,
      %sub3A_1017 = vector.broadcast %squeeze3A_971 : i32 to vector<16xi32>
      %sub3A_1018 = arith.subi %add3A_14, %sub3A_1017 : vector<16xi32>
      %bitcast3A_1019 = vector.bitcast %sub3A_1018 : vector<16xi32> to vector<16xi32>
      %le3A_1020 = vector.broadcast %squeeze3A_977 : i32 to vector<16xi32>
      %le3A_1021 = arith.cmpi ule, %bitcast3A_1019, %le3A_1020 : vector<16xi32>
      %select_n3A_1022 = arith.select %le3A_1021, %broadcast_in_dim3A_51, %broadcast_in_dim3A_53 : vector<16xi1>, vector<16xf32>
      %add3A_1023 = arith.constant 4 : i32
      %add3A_1024 = arith.addi %mul3A_108, %add3A_1023 : i32
      %swap3A_1025 = arith.index_cast %add3A_1024 : i32 to index
      %swap3A_1026 = arith.constant 48 : index
      %swap3A_1027 = tpu.vector_load %arg7[%swap3A_1025, %swap3A_1026] {strides = array<i32>} : memref<64x256xf32, #tpu.memory_space<vmem>>, vector<1x16xf32>,
      %swap3A_1028 = vector.shape_cast %swap3A_1027 : vector<1x16xf32> to vector<16xf32>
      %swap3A_1029 = vector.shape_cast %select_n3A_1022 : vector<16xf32> to vector<1x16xf32>
      tpu.vector_store %arg7[%swap3A_1025, %swap3A_1026], %swap3A_1029 {strides = array<i32>} : memref<64x256xf32, #tpu.memory_space<vmem>>, vector<1x16xf32>,
      %sub3A_1030 = vector.broadcast %squeeze3A_971 : i32 to vector<16xi32>
      %sub3A_1031 = arith.subi %add3A_17, %sub3A_1030 : vector<16xi32>
      %bitcast3A_1032 = vector.bitcast %sub3A_1031 : vector<16xi32> to vector<16xi32>
      %le3A_1033 = vector.broadcast %squeeze3A_977 : i32 to vector<16xi32>
      %le3A_1034 = arith.cmpi ule, %bitcast3A_1032, %le3A_1033 : vector<16xi32>
      %select_n3A_1035 = arith.select %le3A_1034, %broadcast_in_dim3A_51, %broadcast_in_dim3A_53 : vector<16xi1>, vector<16xf32>
      %add3A_1036 = arith.constant 4 : i32
      %add3A_1037 = arith.addi %mul3A_108, %add3A_1036 : i32
      %swap3A_1038 = arith.index_cast %add3A_1037 : i32 to index
      %swap3A_1039 = arith.constant 64 : index
      %swap3A_1040 = tpu.vector_load %arg7[%swap3A_1038, %swap3A_1039] {strides = array<i32>} : memref<64x256xf32, #tpu.memory_space<vmem>>, vector<1x16xf32>,
      %swap3A_1041 = vector.shape_cast %swap3A_1040 : vector<1x16xf32> to vector<16xf32>
      %swap3A_1042 = vector.shape_cast %select_n3A_1035 : vector<16xf32> to vector<1x16xf32>
      tpu.vector_store %arg7[%swap3A_1038, %swap3A_1039], %swap3A_1042 {strides = array<i32>} : memref<64x256xf32, #tpu.memory_space<vmem>>, vector<1x16xf32>,
      %sub3A_1043 = vector.broadcast %squeeze3A_971 : i32 to vector<16xi32>
      %sub3A_1044 = arith.subi %add3A_20, %sub3A_1043 : vector<16xi32>
      %bitcast3A_1045 = vector.bitcast %sub3A_1044 : vector<16xi32> to vector<16xi32>
      %le3A_1046 = vector.broadcast %squeeze3A_977 : i32 to vector<16xi32>
      %le3A_1047 = arith.cmpi ule, %bitcast3A_1045, %le3A_1046 : vector<16xi32>
      %select_n3A_1048 = arith.select %le3A_1047, %broadcast_in_dim3A_51, %broadcast_in_dim3A_53 : vector<16xi1>, vector<16xf32>
      %add3A_1049 = arith.constant 4 : i32
      %add3A_1050 = arith.addi %mul3A_108, %add3A_1049 : i32
      %swap3A_1051 = arith.index_cast %add3A_1050 : i32 to index
      %swap3A_1052 = arith.constant 80 : index
      %swap3A_1053 = tpu.vector_load %arg7[%swap3A_1051, %swap3A_1052] {strides = array<i32>} : memref<64x256xf32, #tpu.memory_space<vmem>>, vector<1x16xf32>,
      %swap3A_1054 = vector.shape_cast %swap3A_1053 : vector<1x16xf32> to vector<16xf32>
      %swap3A_1055 = vector.shape_cast %select_n3A_1048 : vector<16xf32> to vector<1x16xf32>
      tpu.vector_store %arg7[%swap3A_1051, %swap3A_1052], %swap3A_1055 {strides = array<i32>} : memref<64x256xf32, #tpu.memory_space<vmem>>, vector<1x16xf32>,
      %sub3A_1056 = vector.broadcast %squeeze3A_971 : i32 to vector<16xi32>
      %sub3A_1057 = arith.subi %add3A_23, %sub3A_1056 : vector<16xi32>
      %bitcast3A_1058 = vector.bitcast %sub3A_1057 : vector<16xi32> to vector<16xi32>
      %le3A_1059 = vector.broadcast %squeeze3A_977 : i32 to vector<16xi32>
      %le3A_1060 = arith.cmpi ule, %bitcast3A_1058, %le3A_1059 : vector<16xi32>
      %select_n3A_1061 = arith.select %le3A_1060, %broadcast_in_dim3A_51, %broadcast_in_dim3A_53 : vector<16xi1>, vector<16xf32>
      %add3A_1062 = arith.constant 4 : i32
      %add3A_1063 = arith.addi %mul3A_108, %add3A_1062 : i32
      %swap3A_1064 = arith.index_cast %add3A_1063 : i32 to index
      %swap3A_1065 = arith.constant 96 : index
      %swap3A_1066 = tpu.vector_load %arg7[%swap3A_1064, %swap3A_1065] {strides = array<i32>} : memref<64x256xf32, #tpu.memory_space<vmem>>, vector<1x16xf32>,
      %swap3A_1067 = vector.shape_cast %swap3A_1066 : vector<1x16xf32> to vector<16xf32>
      %swap3A_1068 = vector.shape_cast %select_n3A_1061 : vector<16xf32> to vector<1x16xf32>
      tpu.vector_store %arg7[%swap3A_1064, %swap3A_1065], %swap3A_1068 {strides = array<i32>} : memref<64x256xf32, #tpu.memory_space<vmem>>, vector<1x16xf32>,
      %sub3A_1069 = vector.broadcast %squeeze3A_971 : i32 to vector<16xi32>
      %sub3A_1070 = arith.subi %add3A_26, %sub3A_1069 : vector<16xi32>
      %bitcast3A_1071 = vector.bitcast %sub3A_1070 : vector<16xi32> to vector<16xi32>
      %le3A_1072 = vector.broadcast %squeeze3A_977 : i32 to vector<16xi32>
      %le3A_1073 = arith.cmpi ule, %bitcast3A_1071, %le3A_1072 : vector<16xi32>
      %select_n3A_1074 = arith.select %le3A_1073, %broadcast_in_dim3A_51, %broadcast_in_dim3A_53 : vector<16xi1>, vector<16xf32>
      %add3A_1075 = arith.constant 4 : i32
      %add3A_1076 = arith.addi %mul3A_108, %add3A_1075 : i32
      %swap3A_1077 = arith.index_cast %add3A_1076 : i32 to index
      %swap3A_1078 = arith.constant 112 : index
      %swap3A_1079 = tpu.vector_load %arg7[%swap3A_1077, %swap3A_1078] {strides = array<i32>} : memref<64x256xf32, #tpu.memory_space<vmem>>, vector<1x16xf32>,
      %swap3A_1080 = vector.shape_cast %swap3A_1079 : vector<1x16xf32> to vector<16xf32>
      %swap3A_1081 = vector.shape_cast %select_n3A_1074 : vector<16xf32> to vector<1x16xf32>
      tpu.vector_store %arg7[%swap3A_1077, %swap3A_1078], %swap3A_1081 {strides = array<i32>} : memref<64x256xf32, #tpu.memory_space<vmem>>, vector<1x16xf32>,
      %sub3A_1082 = vector.broadcast %squeeze3A_971 : i32 to vector<16xi32>
      %sub3A_1083 = arith.subi %add3A_29, %sub3A_1082 : vector<16xi32>
      %bitcast3A_1084 = vector.bitcast %sub3A_1083 : vector<16xi32> to vector<16xi32>
      %le3A_1085 = vector.broadcast %squeeze3A_977 : i32 to vector<16xi32>
      %le3A_1086 = arith.cmpi ule, %bitcast3A_1084, %le3A_1085 : vector<16xi32>
      %select_n3A_1087 = arith.select %le3A_1086, %broadcast_in_dim3A_51, %broadcast_in_dim3A_53 : vector<16xi1>, vector<16xf32>
      %add3A_1088 = arith.constant 4 : i32
      %add3A_1089 = arith.addi %mul3A_108, %add3A_1088 : i32
      %swap3A_1090 = arith.index_cast %add3A_1089 : i32 to index
      %swap3A_1091 = arith.constant 128 : index
      %swap3A_1092 = tpu.vector_load %arg7[%swap3A_1090, %swap3A_1091] {strides = array<i32>} : memref<64x256xf32, #tpu.memory_space<vmem>>, vector<1x16xf32>,
      %swap3A_1093 = vector.shape_cast %swap3A_1092 : vector<1x16xf32> to vector<16xf32>
      %swap3A_1094 = vector.shape_cast %select_n3A_1087 : vector<16xf32> to vector<1x16xf32>
      tpu.vector_store %arg7[%swap3A_1090, %swap3A_1091], %swap3A_1094 {strides = array<i32>} : memref<64x256xf32, #tpu.memory_space<vmem>>, vector<1x16xf32>,
      %sub3A_1095 = vector.broadcast %squeeze3A_971 : i32 to vector<16xi32>
      %sub3A_1096 = arith.subi %add3A_32, %sub3A_1095 : vector<16xi32>
      %bitcast3A_1097 = vector.bitcast %sub3A_1096 : vector<16xi32> to vector<16xi32>
      %le3A_1098 = vector.broadcast %squeeze3A_977 : i32 to vector<16xi32>
      %le3A_1099 = arith.cmpi ule, %bitcast3A_1097, %le3A_1098 : vector<16xi32>
      %select_n3A_1100 = arith.select %le3A_1099, %broadcast_in_dim3A_51, %broadcast_in_dim3A_53 : vector<16xi1>, vector<16xf32>
      %add3A_1101 = arith.constant 4 : i32
      %add3A_1102 = arith.addi %mul3A_108, %add3A_1101 : i32
      %swap3A_1103 = arith.index_cast %add3A_1102 : i32 to index
      %swap3A_1104 = arith.constant 144 : index
      %swap3A_1105 = tpu.vector_load %arg7[%swap3A_1103, %swap3A_1104] {strides = array<i32>} : memref<64x256xf32, #tpu.memory_space<vmem>>, vector<1x16xf32>,
      %swap3A_1106 = vector.shape_cast %swap3A_1105 : vector<1x16xf32> to vector<16xf32>
      %swap3A_1107 = vector.shape_cast %select_n3A_1100 : vector<16xf32> to vector<1x16xf32>
      tpu.vector_store %arg7[%swap3A_1103, %swap3A_1104], %swap3A_1107 {strides = array<i32>} : memref<64x256xf32, #tpu.memory_space<vmem>>, vector<1x16xf32>,
      %sub3A_1108 = vector.broadcast %squeeze3A_971 : i32 to vector<16xi32>
      %sub3A_1109 = arith.subi %add3A_35, %sub3A_1108 : vector<16xi32>
      %bitcast3A_1110 = vector.bitcast %sub3A_1109 : vector<16xi32> to vector<16xi32>
      %le3A_1111 = vector.broadcast %squeeze3A_977 : i32 to vector<16xi32>
      %le3A_1112 = arith.cmpi ule, %bitcast3A_1110, %le3A_1111 : vector<16xi32>
      %select_n3A_1113 = arith.select %le3A_1112, %broadcast_in_dim3A_51, %broadcast_in_dim3A_53 : vector<16xi1>, vector<16xf32>
      %add3A_1114 = arith.constant 4 : i32
      %add3A_1115 = arith.addi %mul3A_108, %add3A_1114 : i32
      %swap3A_1116 = arith.index_cast %add3A_1115 : i32 to index
      %swap3A_1117 = arith.constant 160 : index
      %swap3A_1118 = tpu.vector_load %arg7[%swap3A_1116, %swap3A_1117] {strides = array<i32>} : memref<64x256xf32, #tpu.memory_space<vmem>>, vector<1x16xf32>,
      %swap3A_1119 = vector.shape_cast %swap3A_1118 : vector<1x16xf32> to vector<16xf32>
      %swap3A_1120 = vector.shape_cast %select_n3A_1113 : vector<16xf32> to vector<1x16xf32>
      tpu.vector_store %arg7[%swap3A_1116, %swap3A_1117], %swap3A_1120 {strides = array<i32>} : memref<64x256xf32, #tpu.memory_space<vmem>>, vector<1x16xf32>,
      %sub3A_1121 = vector.broadcast %squeeze3A_971 : i32 to vector<16xi32>
      %sub3A_1122 = arith.subi %add3A_38, %sub3A_1121 : vector<16xi32>
      %bitcast3A_1123 = vector.bitcast %sub3A_1122 : vector<16xi32> to vector<16xi32>
      %le3A_1124 = vector.broadcast %squeeze3A_977 : i32 to vector<16xi32>
      %le3A_1125 = arith.cmpi ule, %bitcast3A_1123, %le3A_1124 : vector<16xi32>
      %select_n3A_1126 = arith.select %le3A_1125, %broadcast_in_dim3A_51, %broadcast_in_dim3A_53 : vector<16xi1>, vector<16xf32>
      %add3A_1127 = arith.constant 4 : i32
      %add3A_1128 = arith.addi %mul3A_108, %add3A_1127 : i32
      %swap3A_1129 = arith.index_cast %add3A_1128 : i32 to index
      %swap3A_1130 = arith.constant 176 : index
      %swap3A_1131 = tpu.vector_load %arg7[%swap3A_1129, %swap3A_1130] {strides = array<i32>} : memref<64x256xf32, #tpu.memory_space<vmem>>, vector<1x16xf32>,
      %swap3A_1132 = vector.shape_cast %swap3A_1131 : vector<1x16xf32> to vector<16xf32>
      %swap3A_1133 = vector.shape_cast %select_n3A_1126 : vector<16xf32> to vector<1x16xf32>
      tpu.vector_store %arg7[%swap3A_1129, %swap3A_1130], %swap3A_1133 {strides = array<i32>} : memref<64x256xf32, #tpu.memory_space<vmem>>, vector<1x16xf32>,
      %sub3A_1134 = vector.broadcast %squeeze3A_971 : i32 to vector<16xi32>
      %sub3A_1135 = arith.subi %add3A_41, %sub3A_1134 : vector<16xi32>
      %bitcast3A_1136 = vector.bitcast %sub3A_1135 : vector<16xi32> to vector<16xi32>
      %le3A_1137 = vector.broadcast %squeeze3A_977 : i32 to vector<16xi32>
      %le3A_1138 = arith.cmpi ule, %bitcast3A_1136, %le3A_1137 : vector<16xi32>
      %select_n3A_1139 = arith.select %le3A_1138, %broadcast_in_dim3A_51, %broadcast_in_dim3A_53 : vector<16xi1>, vector<16xf32>
      %add3A_1140 = arith.constant 4 : i32
      %add3A_1141 = arith.addi %mul3A_108, %add3A_1140 : i32
      %swap3A_1142 = arith.index_cast %add3A_1141 : i32 to index
      %swap3A_1143 = arith.constant 192 : index
      %swap3A_1144 = tpu.vector_load %arg7[%swap3A_1142, %swap3A_1143] {strides = array<i32>} : memref<64x256xf32, #tpu.memory_space<vmem>>, vector<1x16xf32>,
      %swap3A_1145 = vector.shape_cast %swap3A_1144 : vector<1x16xf32> to vector<16xf32>
      %swap3A_1146 = vector.shape_cast %select_n3A_1139 : vector<16xf32> to vector<1x16xf32>
      tpu.vector_store %arg7[%swap3A_1142, %swap3A_1143], %swap3A_1146 {strides = array<i32>} : memref<64x256xf32, #tpu.memory_space<vmem>>, vector<1x16xf32>,
      %sub3A_1147 = vector.broadcast %squeeze3A_971 : i32 to vector<16xi32>
      %sub3A_1148 = arith.subi %add3A_44, %sub3A_1147 : vector<16xi32>
      %bitcast3A_1149 = vector.bitcast %sub3A_1148 : vector<16xi32> to vector<16xi32>
      %le3A_1150 = vector.broadcast %squeeze3A_977 : i32 to vector<16xi32>
      %le3A_1151 = arith.cmpi ule, %bitcast3A_1149, %le3A_1150 : vector<16xi32>
      %select_n3A_1152 = arith.select %le3A_1151, %broadcast_in_dim3A_51, %broadcast_in_dim3A_53 : vector<16xi1>, vector<16xf32>
      %add3A_1153 = arith.constant 4 : i32
      %add3A_1154 = arith.addi %mul3A_108, %add3A_1153 : i32
      %swap3A_1155 = arith.index_cast %add3A_1154 : i32 to index
      %swap3A_1156 = arith.constant 208 : index
      %swap3A_1157 = tpu.vector_load %arg7[%swap3A_1155, %swap3A_1156] {strides = array<i32>} : memref<64x256xf32, #tpu.memory_space<vmem>>, vector<1x16xf32>,
      %swap3A_1158 = vector.shape_cast %swap3A_1157 : vector<1x16xf32> to vector<16xf32>
      %swap3A_1159 = vector.shape_cast %select_n3A_1152 : vector<16xf32> to vector<1x16xf32>
      tpu.vector_store %arg7[%swap3A_1155, %swap3A_1156], %swap3A_1159 {strides = array<i32>} : memref<64x256xf32, #tpu.memory_space<vmem>>, vector<1x16xf32>,
      %sub3A_1160 = vector.broadcast %squeeze3A_971 : i32 to vector<16xi32>
      %sub3A_1161 = arith.subi %add3A_47, %sub3A_1160 : vector<16xi32>
      %bitcast3A_1162 = vector.bitcast %sub3A_1161 : vector<16xi32> to vector<16xi32>
      %le3A_1163 = vector.broadcast %squeeze3A_977 : i32 to vector<16xi32>
      %le3A_1164 = arith.cmpi ule, %bitcast3A_1162, %le3A_1163 : vector<16xi32>
      %select_n3A_1165 = arith.select %le3A_1164, %broadcast_in_dim3A_51, %broadcast_in_dim3A_53 : vector<16xi1>, vector<16xf32>
      %add3A_1166 = arith.constant 4 : i32
      %add3A_1167 = arith.addi %mul3A_108, %add3A_1166 : i32
      %swap3A_1168 = arith.index_cast %add3A_1167 : i32 to index
      %swap3A_1169 = arith.constant 224 : index
      %swap3A_1170 = tpu.vector_load %arg7[%swap3A_1168, %swap3A_1169] {strides = array<i32>} : memref<64x256xf32, #tpu.memory_space<vmem>>, vector<1x16xf32>,
      %swap3A_1171 = vector.shape_cast %swap3A_1170 : vector<1x16xf32> to vector<16xf32>
      %swap3A_1172 = vector.shape_cast %select_n3A_1165 : vector<16xf32> to vector<1x16xf32>
      tpu.vector_store %arg7[%swap3A_1168, %swap3A_1169], %swap3A_1172 {strides = array<i32>} : memref<64x256xf32, #tpu.memory_space<vmem>>, vector<1x16xf32>,
      %sub3A_1173 = vector.broadcast %squeeze3A_971 : i32 to vector<16xi32>
      %sub3A_1174 = arith.subi %add3A_50, %sub3A_1173 : vector<16xi32>
      %bitcast3A_1175 = vector.bitcast %sub3A_1174 : vector<16xi32> to vector<16xi32>
      %le3A_1176 = vector.broadcast %squeeze3A_977 : i32 to vector<16xi32>
      %le3A_1177 = arith.cmpi ule, %bitcast3A_1175, %le3A_1176 : vector<16xi32>
      %select_n3A_1178 = arith.select %le3A_1177, %broadcast_in_dim3A_51, %broadcast_in_dim3A_53 : vector<16xi1>, vector<16xf32>
      %add3A_1179 = arith.constant 4 : i32
      %add3A_1180 = arith.addi %mul3A_108, %add3A_1179 : i32
      %swap3A_1181 = arith.index_cast %add3A_1180 : i32 to index
      %swap3A_1182 = arith.constant 240 : index
      %swap3A_1183 = tpu.vector_load %arg7[%swap3A_1181, %swap3A_1182] {strides = array<i32>} : memref<64x256xf32, #tpu.memory_space<vmem>>, vector<1x16xf32>,
      %swap3A_1184 = vector.shape_cast %swap3A_1183 : vector<1x16xf32> to vector<16xf32>
      %swap3A_1185 = vector.shape_cast %select_n3A_1178 : vector<16xf32> to vector<1x16xf32>
      tpu.vector_store %arg7[%swap3A_1181, %swap3A_1182], %swap3A_1185 {strides = array<i32>} : memref<64x256xf32, #tpu.memory_space<vmem>>, vector<1x16xf32>,
      %slice3A_1186 = vector.extract_strided_slice %get3A_110 {offsets = [5], sizes = [1], strides = [1]} : vector<16xi32> to vector<1xi32>
      %squeeze3A_1187 = vector.extract %slice3A_1186[0] : i32 from vector<1xi32>
      %slice3A_1188 = vector.extract_strided_slice %get3A_113 {offsets = [5], sizes = [1], strides = [1]} : vector<16xi32> to vector<1xi32>
      %squeeze3A_1189 = vector.extract %slice3A_1188[0] : i32 from vector<1xi32>
      %sub3A_1190 = arith.subi %squeeze3A_1189, %squeeze3A_1187 : i32
      %reshape3A_1191 = vector.broadcast %sub3A_1190 : i32 to vector<1xi32>
      %bitcast3A_1192 = vector.bitcast %reshape3A_1191 : vector<1xi32> to vector<1xi32>
      %squeeze3A_1193 = vector.extract %bitcast3A_1192[0] : i32 from vector<1xi32>
      %sub3A_1194 = vector.broadcast %squeeze3A_1187 : i32 to vector<16xi32>
      %sub3A_1195 = arith.subi %add3A_5, %sub3A_1194 : vector<16xi32>
      %bitcast3A_1196 = vector.bitcast %sub3A_1195 : vector<16xi32> to vector<16xi32>
      %le3A_1197 = vector.broadcast %squeeze3A_1193 : i32 to vector<16xi32>
      %le3A_1198 = arith.cmpi ule, %bitcast3A_1196, %le3A_1197 : vector<16xi32>
      %select_n3A_1199 = arith.select %le3A_1198, %broadcast_in_dim3A_51, %broadcast_in_dim3A_53 : vector<16xi1>, vector<16xf32>
      %add3A_1200 = arith.constant 5 : i32
      %add3A_1201 = arith.addi %mul3A_108, %add3A_1200 : i32
      %swap3A_1202 = arith.index_cast %add3A_1201 : i32 to index
      %swap3A_1203 = arith.constant 0 : index
      %swap3A_1204 = tpu.vector_load %arg7[%swap3A_1202, %swap3A_1203] {strides = array<i32>} : memref<64x256xf32, #tpu.memory_space<vmem>>, vector<1x16xf32>,
      %swap3A_1205 = vector.shape_cast %swap3A_1204 : vector<1x16xf32> to vector<16xf32>
      %swap3A_1206 = vector.shape_cast %select_n3A_1199 : vector<16xf32> to vector<1x16xf32>
      tpu.vector_store %arg7[%swap3A_1202, %swap3A_1203], %swap3A_1206 {strides = array<i32>} : memref<64x256xf32, #tpu.memory_space<vmem>>, vector<1x16xf32>,
      %sub3A_1207 = vector.broadcast %squeeze3A_1187 : i32 to vector<16xi32>
      %sub3A_1208 = arith.subi %add3A_8, %sub3A_1207 : vector<16xi32>
      %bitcast3A_1209 = vector.bitcast %sub3A_1208 : vector<16xi32> to vector<16xi32>
      %le3A_1210 = vector.broadcast %squeeze3A_1193 : i32 to vector<16xi32>
      %le3A_1211 = arith.cmpi ule, %bitcast3A_1209, %le3A_1210 : vector<16xi32>
      %select_n3A_1212 = arith.select %le3A_1211, %broadcast_in_dim3A_51, %broadcast_in_dim3A_53 : vector<16xi1>, vector<16xf32>
      %add3A_1213 = arith.constant 5 : i32
      %add3A_1214 = arith.addi %mul3A_108, %add3A_1213 : i32
      %swap3A_1215 = arith.index_cast %add3A_1214 : i32 to index
      %swap3A_1216 = arith.constant 16 : index
      %swap3A_1217 = tpu.vector_load %arg7[%swap3A_1215, %swap3A_1216] {strides = array<i32>} : memref<64x256xf32, #tpu.memory_space<vmem>>, vector<1x16xf32>,
      %swap3A_1218 = vector.shape_cast %swap3A_1217 : vector<1x16xf32> to vector<16xf32>
      %swap3A_1219 = vector.shape_cast %select_n3A_1212 : vector<16xf32> to vector<1x16xf32>
      tpu.vector_store %arg7[%swap3A_1215, %swap3A_1216], %swap3A_1219 {strides = array<i32>} : memref<64x256xf32, #tpu.memory_space<vmem>>, vector<1x16xf32>,
      %sub3A_1220 = vector.broadcast %squeeze3A_1187 : i32 to vector<16xi32>
      %sub3A_1221 = arith.subi %add3A_11, %sub3A_1220 : vector<16xi32>
      %bitcast3A_1222 = vector.bitcast %sub3A_1221 : vector<16xi32> to vector<16xi32>
      %le3A_1223 = vector.broadcast %squeeze3A_1193 : i32 to vector<16xi32>
      %le3A_1224 = arith.cmpi ule, %bitcast3A_1222, %le3A_1223 : vector<16xi32>
      %select_n3A_1225 = arith.select %le3A_1224, %broadcast_in_dim3A_51, %broadcast_in_dim3A_53 : vector<16xi1>, vector<16xf32>
      %add3A_1226 = arith.constant 5 : i32
      %add3A_1227 = arith.addi %mul3A_108, %add3A_1226 : i32
      %swap3A_1228 = arith.index_cast %add3A_1227 : i32 to index
      %swap3A_1229 = arith.constant 32 : index
      %swap3A_1230 = tpu.vector_load %arg7[%swap3A_1228, %swap3A_1229] {strides = array<i32>} : memref<64x256xf32, #tpu.memory_space<vmem>>, vector<1x16xf32>,
      %swap3A_1231 = vector.shape_cast %swap3A_1230 : vector<1x16xf32> to vector<16xf32>
      %swap3A_1232 = vector.shape_cast %select_n3A_1225 : vector<16xf32> to vector<1x16xf32>
      tpu.vector_store %arg7[%swap3A_1228, %swap3A_1229], %swap3A_1232 {strides = array<i32>} : memref<64x256xf32, #tpu.memory_space<vmem>>, vector<1x16xf32>,
      %sub3A_1233 = vector.broadcast %squeeze3A_1187 : i32 to vector<16xi32>
      %sub3A_1234 = arith.subi %add3A_14, %sub3A_1233 : vector<16xi32>
      %bitcast3A_1235 = vector.bitcast %sub3A_1234 : vector<16xi32> to vector<16xi32>
      %le3A_1236 = vector.broadcast %squeeze3A_1193 : i32 to vector<16xi32>
      %le3A_1237 = arith.cmpi ule, %bitcast3A_1235, %le3A_1236 : vector<16xi32>
      %select_n3A_1238 = arith.select %le3A_1237, %broadcast_in_dim3A_51, %broadcast_in_dim3A_53 : vector<16xi1>, vector<16xf32>
      %add3A_1239 = arith.constant 5 : i32
      %add3A_1240 = arith.addi %mul3A_108, %add3A_1239 : i32
      %swap3A_1241 = arith.index_cast %add3A_1240 : i32 to index
      %swap3A_1242 = arith.constant 48 : index
      %swap3A_1243 = tpu.vector_load %arg7[%swap3A_1241, %swap3A_1242] {strides = array<i32>} : memref<64x256xf32, #tpu.memory_space<vmem>>, vector<1x16xf32>,
      %swap3A_1244 = vector.shape_cast %swap3A_1243 : vector<1x16xf32> to vector<16xf32>
      %swap3A_1245 = vector.shape_cast %select_n3A_1238 : vector<16xf32> to vector<1x16xf32>
      tpu.vector_store %arg7[%swap3A_1241, %swap3A_1242], %swap3A_1245 {strides = array<i32>} : memref<64x256xf32, #tpu.memory_space<vmem>>, vector<1x16xf32>,
      %sub3A_1246 = vector.broadcast %squeeze3A_1187 : i32 to vector<16xi32>
      %sub3A_1247 = arith.subi %add3A_17, %sub3A_1246 : vector<16xi32>
      %bitcast3A_1248 = vector.bitcast %sub3A_1247 : vector<16xi32> to vector<16xi32>
      %le3A_1249 = vector.broadcast %squeeze3A_1193 : i32 to vector<16xi32>
      %le3A_1250 = arith.cmpi ule, %bitcast3A_1248, %le3A_1249 : vector<16xi32>
      %select_n3A_1251 = arith.select %le3A_1250, %broadcast_in_dim3A_51, %broadcast_in_dim3A_53 : vector<16xi1>, vector<16xf32>
      %add3A_1252 = arith.constant 5 : i32
      %add3A_1253 = arith.addi %mul3A_108, %add3A_1252 : i32
      %swap3A_1254 = arith.index_cast %add3A_1253 : i32 to index
      %swap3A_1255 = arith.constant 64 : index
      %swap3A_1256 = tpu.vector_load %arg7[%swap3A_1254, %swap3A_1255] {strides = array<i32>} : memref<64x256xf32, #tpu.memory_space<vmem>>, vector<1x16xf32>,
      %swap3A_1257 = vector.shape_cast %swap3A_1256 : vector<1x16xf32> to vector<16xf32>
      %swap3A_1258 = vector.shape_cast %select_n3A_1251 : vector<16xf32> to vector<1x16xf32>
      tpu.vector_store %arg7[%swap3A_1254, %swap3A_1255], %swap3A_1258 {strides = array<i32>} : memref<64x256xf32, #tpu.memory_space<vmem>>, vector<1x16xf32>,
      %sub3A_1259 = vector.broadcast %squeeze3A_1187 : i32 to vector<16xi32>
      %sub3A_1260 = arith.subi %add3A_20, %sub3A_1259 : vector<16xi32>
      %bitcast3A_1261 = vector.bitcast %sub3A_1260 : vector<16xi32> to vector<16xi32>
      %le3A_1262 = vector.broadcast %squeeze3A_1193 : i32 to vector<16xi32>
      %le3A_1263 = arith.cmpi ule, %bitcast3A_1261, %le3A_1262 : vector<16xi32>
      %select_n3A_1264 = arith.select %le3A_1263, %broadcast_in_dim3A_51, %broadcast_in_dim3A_53 : vector<16xi1>, vector<16xf32>
      %add3A_1265 = arith.constant 5 : i32
      %add3A_1266 = arith.addi %mul3A_108, %add3A_1265 : i32
      %swap3A_1267 = arith.index_cast %add3A_1266 : i32 to index
      %swap3A_1268 = arith.constant 80 : index
      %swap3A_1269 = tpu.vector_load %arg7[%swap3A_1267, %swap3A_1268] {strides = array<i32>} : memref<64x256xf32, #tpu.memory_space<vmem>>, vector<1x16xf32>,
      %swap3A_1270 = vector.shape_cast %swap3A_1269 : vector<1x16xf32> to vector<16xf32>
      %swap3A_1271 = vector.shape_cast %select_n3A_1264 : vector<16xf32> to vector<1x16xf32>
      tpu.vector_store %arg7[%swap3A_1267, %swap3A_1268], %swap3A_1271 {strides = array<i32>} : memref<64x256xf32, #tpu.memory_space<vmem>>, vector<1x16xf32>,
      %sub3A_1272 = vector.broadcast %squeeze3A_1187 : i32 to vector<16xi32>
      %sub3A_1273 = arith.subi %add3A_23, %sub3A_1272 : vector<16xi32>
      %bitcast3A_1274 = vector.bitcast %sub3A_1273 : vector<16xi32> to vector<16xi32>
      %le3A_1275 = vector.broadcast %squeeze3A_1193 : i32 to vector<16xi32>
      %le3A_1276 = arith.cmpi ule, %bitcast3A_1274, %le3A_1275 : vector<16xi32>
      %select_n3A_1277 = arith.select %le3A_1276, %broadcast_in_dim3A_51, %broadcast_in_dim3A_53 : vector<16xi1>, vector<16xf32>
      %add3A_1278 = arith.constant 5 : i32
      %add3A_1279 = arith.addi %mul3A_108, %add3A_1278 : i32
      %swap3A_1280 = arith.index_cast %add3A_1279 : i32 to index
      %swap3A_1281 = arith.constant 96 : index
      %swap3A_1282 = tpu.vector_load %arg7[%swap3A_1280, %swap3A_1281] {strides = array<i32>} : memref<64x256xf32, #tpu.memory_space<vmem>>, vector<1x16xf32>,
      %swap3A_1283 = vector.shape_cast %swap3A_1282 : vector<1x16xf32> to vector<16xf32>
      %swap3A_1284 = vector.shape_cast %select_n3A_1277 : vector<16xf32> to vector<1x16xf32>
      tpu.vector_store %arg7[%swap3A_1280, %swap3A_1281], %swap3A_1284 {strides = array<i32>} : memref<64x256xf32, #tpu.memory_space<vmem>>, vector<1x16xf32>,
      %sub3A_1285 = vector.broadcast %squeeze3A_1187 : i32 to vector<16xi32>
      %sub3A_1286 = arith.subi %add3A_26, %sub3A_1285 : vector<16xi32>
      %bitcast3A_1287 = vector.bitcast %sub3A_1286 : vector<16xi32> to vector<16xi32>
      %le3A_1288 = vector.broadcast %squeeze3A_1193 : i32 to vector<16xi32>
      %le3A_1289 = arith.cmpi ule, %bitcast3A_1287, %le3A_1288 : vector<16xi32>
      %select_n3A_1290 = arith.select %le3A_1289, %broadcast_in_dim3A_51, %broadcast_in_dim3A_53 : vector<16xi1>, vector<16xf32>
      %add3A_1291 = arith.constant 5 : i32
      %add3A_1292 = arith.addi %mul3A_108, %add3A_1291 : i32
      %swap3A_1293 = arith.index_cast %add3A_1292 : i32 to index
      %swap3A_1294 = arith.constant 112 : index
      %swap3A_1295 = tpu.vector_load %arg7[%swap3A_1293, %swap3A_1294] {strides = array<i32>} : memref<64x256xf32, #tpu.memory_space<vmem>>, vector<1x16xf32>,
      %swap3A_1296 = vector.shape_cast %swap3A_1295 : vector<1x16xf32> to vector<16xf32>
      %swap3A_1297 = vector.shape_cast %select_n3A_1290 : vector<16xf32> to vector<1x16xf32>
      tpu.vector_store %arg7[%swap3A_1293, %swap3A_1294], %swap3A_1297 {strides = array<i32>} : memref<64x256xf32, #tpu.memory_space<vmem>>, vector<1x16xf32>,
      %sub3A_1298 = vector.broadcast %squeeze3A_1187 : i32 to vector<16xi32>
      %sub3A_1299 = arith.subi %add3A_29, %sub3A_1298 : vector<16xi32>
      %bitcast3A_1300 = vector.bitcast %sub3A_1299 : vector<16xi32> to vector<16xi32>
      %le3A_1301 = vector.broadcast %squeeze3A_1193 : i32 to vector<16xi32>
      %le3A_1302 = arith.cmpi ule, %bitcast3A_1300, %le3A_1301 : vector<16xi32>
      %select_n3A_1303 = arith.select %le3A_1302, %broadcast_in_dim3A_51, %broadcast_in_dim3A_53 : vector<16xi1>, vector<16xf32>
      %add3A_1304 = arith.constant 5 : i32
      %add3A_1305 = arith.addi %mul3A_108, %add3A_1304 : i32
      %swap3A_1306 = arith.index_cast %add3A_1305 : i32 to index
      %swap3A_1307 = arith.constant 128 : index
      %swap3A_1308 = tpu.vector_load %arg7[%swap3A_1306, %swap3A_1307] {strides = array<i32>} : memref<64x256xf32, #tpu.memory_space<vmem>>, vector<1x16xf32>,
      %swap3A_1309 = vector.shape_cast %swap3A_1308 : vector<1x16xf32> to vector<16xf32>
      %swap3A_1310 = vector.shape_cast %select_n3A_1303 : vector<16xf32> to vector<1x16xf32>
      tpu.vector_store %arg7[%swap3A_1306, %swap3A_1307], %swap3A_1310 {strides = array<i32>} : memref<64x256xf32, #tpu.memory_space<vmem>>, vector<1x16xf32>,
      %sub3A_1311 = vector.broadcast %squeeze3A_1187 : i32 to vector<16xi32>
      %sub3A_1312 = arith.subi %add3A_32, %sub3A_1311 : vector<16xi32>
      %bitcast3A_1313 = vector.bitcast %sub3A_1312 : vector<16xi32> to vector<16xi32>
      %le3A_1314 = vector.broadcast %squeeze3A_1193 : i32 to vector<16xi32>
      %le3A_1315 = arith.cmpi ule, %bitcast3A_1313, %le3A_1314 : vector<16xi32>
      %select_n3A_1316 = arith.select %le3A_1315, %broadcast_in_dim3A_51, %broadcast_in_dim3A_53 : vector<16xi1>, vector<16xf32>
      %add3A_1317 = arith.constant 5 : i32
      %add3A_1318 = arith.addi %mul3A_108, %add3A_1317 : i32
      %swap3A_1319 = arith.index_cast %add3A_1318 : i32 to index
      %swap3A_1320 = arith.constant 144 : index
      %swap3A_1321 = tpu.vector_load %arg7[%swap3A_1319, %swap3A_1320] {strides = array<i32>} : memref<64x256xf32, #tpu.memory_space<vmem>>, vector<1x16xf32>,
      %swap3A_1322 = vector.shape_cast %swap3A_1321 : vector<1x16xf32> to vector<16xf32>
      %swap3A_1323 = vector.shape_cast %select_n3A_1316 : vector<16xf32> to vector<1x16xf32>
      tpu.vector_store %arg7[%swap3A_1319, %swap3A_1320], %swap3A_1323 {strides = array<i32>} : memref<64x256xf32, #tpu.memory_space<vmem>>, vector<1x16xf32>,
      %sub3A_1324 = vector.broadcast %squeeze3A_1187 : i32 to vector<16xi32>
      %sub3A_1325 = arith.subi %add3A_35, %sub3A_1324 : vector<16xi32>
      %bitcast3A_1326 = vector.bitcast %sub3A_1325 : vector<16xi32> to vector<16xi32>
      %le3A_1327 = vector.broadcast %squeeze3A_1193 : i32 to vector<16xi32>
      %le3A_1328 = arith.cmpi ule, %bitcast3A_1326, %le3A_1327 : vector<16xi32>
      %select_n3A_1329 = arith.select %le3A_1328, %broadcast_in_dim3A_51, %broadcast_in_dim3A_53 : vector<16xi1>, vector<16xf32>
      %add3A_1330 = arith.constant 5 : i32
      %add3A_1331 = arith.addi %mul3A_108, %add3A_1330 : i32
      %swap3A_1332 = arith.index_cast %add3A_1331 : i32 to index
      %swap3A_1333 = arith.constant 160 : index
      %swap3A_1334 = tpu.vector_load %arg7[%swap3A_1332, %swap3A_1333] {strides = array<i32>} : memref<64x256xf32, #tpu.memory_space<vmem>>, vector<1x16xf32>,
      %swap3A_1335 = vector.shape_cast %swap3A_1334 : vector<1x16xf32> to vector<16xf32>
      %swap3A_1336 = vector.shape_cast %select_n3A_1329 : vector<16xf32> to vector<1x16xf32>
      tpu.vector_store %arg7[%swap3A_1332, %swap3A_1333], %swap3A_1336 {strides = array<i32>} : memref<64x256xf32, #tpu.memory_space<vmem>>, vector<1x16xf32>,
      %sub3A_1337 = vector.broadcast %squeeze3A_1187 : i32 to vector<16xi32>
      %sub3A_1338 = arith.subi %add3A_38, %sub3A_1337 : vector<16xi32>
      %bitcast3A_1339 = vector.bitcast %sub3A_1338 : vector<16xi32> to vector<16xi32>
      %le3A_1340 = vector.broadcast %squeeze3A_1193 : i32 to vector<16xi32>
      %le3A_1341 = arith.cmpi ule, %bitcast3A_1339, %le3A_1340 : vector<16xi32>
      %select_n3A_1342 = arith.select %le3A_1341, %broadcast_in_dim3A_51, %broadcast_in_dim3A_53 : vector<16xi1>, vector<16xf32>
      %add3A_1343 = arith.constant 5 : i32
      %add3A_1344 = arith.addi %mul3A_108, %add3A_1343 : i32
      %swap3A_1345 = arith.index_cast %add3A_1344 : i32 to index
      %swap3A_1346 = arith.constant 176 : index
      %swap3A_1347 = tpu.vector_load %arg7[%swap3A_1345, %swap3A_1346] {strides = array<i32>} : memref<64x256xf32, #tpu.memory_space<vmem>>, vector<1x16xf32>,
      %swap3A_1348 = vector.shape_cast %swap3A_1347 : vector<1x16xf32> to vector<16xf32>
      %swap3A_1349 = vector.shape_cast %select_n3A_1342 : vector<16xf32> to vector<1x16xf32>
      tpu.vector_store %arg7[%swap3A_1345, %swap3A_1346], %swap3A_1349 {strides = array<i32>} : memref<64x256xf32, #tpu.memory_space<vmem>>, vector<1x16xf32>,
      %sub3A_1350 = vector.broadcast %squeeze3A_1187 : i32 to vector<16xi32>
      %sub3A_1351 = arith.subi %add3A_41, %sub3A_1350 : vector<16xi32>
      %bitcast3A_1352 = vector.bitcast %sub3A_1351 : vector<16xi32> to vector<16xi32>
      %le3A_1353 = vector.broadcast %squeeze3A_1193 : i32 to vector<16xi32>
      %le3A_1354 = arith.cmpi ule, %bitcast3A_1352, %le3A_1353 : vector<16xi32>
      %select_n3A_1355 = arith.select %le3A_1354, %broadcast_in_dim3A_51, %broadcast_in_dim3A_53 : vector<16xi1>, vector<16xf32>
      %add3A_1356 = arith.constant 5 : i32
      %add3A_1357 = arith.addi %mul3A_108, %add3A_1356 : i32
      %swap3A_1358 = arith.index_cast %add3A_1357 : i32 to index
      %swap3A_1359 = arith.constant 192 : index
      %swap3A_1360 = tpu.vector_load %arg7[%swap3A_1358, %swap3A_1359] {strides = array<i32>} : memref<64x256xf32, #tpu.memory_space<vmem>>, vector<1x16xf32>,
      %swap3A_1361 = vector.shape_cast %swap3A_1360 : vector<1x16xf32> to vector<16xf32>
      %swap3A_1362 = vector.shape_cast %select_n3A_1355 : vector<16xf32> to vector<1x16xf32>
      tpu.vector_store %arg7[%swap3A_1358, %swap3A_1359], %swap3A_1362 {strides = array<i32>} : memref<64x256xf32, #tpu.memory_space<vmem>>, vector<1x16xf32>,
      %sub3A_1363 = vector.broadcast %squeeze3A_1187 : i32 to vector<16xi32>
      %sub3A_1364 = arith.subi %add3A_44, %sub3A_1363 : vector<16xi32>
      %bitcast3A_1365 = vector.bitcast %sub3A_1364 : vector<16xi32> to vector<16xi32>
      %le3A_1366 = vector.broadcast %squeeze3A_1193 : i32 to vector<16xi32>
      %le3A_1367 = arith.cmpi ule, %bitcast3A_1365, %le3A_1366 : vector<16xi32>
      %select_n3A_1368 = arith.select %le3A_1367, %broadcast_in_dim3A_51, %broadcast_in_dim3A_53 : vector<16xi1>, vector<16xf32>
      %add3A_1369 = arith.constant 5 : i32
      %add3A_1370 = arith.addi %mul3A_108, %add3A_1369 : i32
      %swap3A_1371 = arith.index_cast %add3A_1370 : i32 to index
      %swap3A_1372 = arith.constant 208 : index
      %swap3A_1373 = tpu.vector_load %arg7[%swap3A_1371, %swap3A_1372] {strides = array<i32>} : memref<64x256xf32, #tpu.memory_space<vmem>>, vector<1x16xf32>,
      %swap3A_1374 = vector.shape_cast %swap3A_1373 : vector<1x16xf32> to vector<16xf32>
      %swap3A_1375 = vector.shape_cast %select_n3A_1368 : vector<16xf32> to vector<1x16xf32>
      tpu.vector_store %arg7[%swap3A_1371, %swap3A_1372], %swap3A_1375 {strides = array<i32>} : memref<64x256xf32, #tpu.memory_space<vmem>>, vector<1x16xf32>,
      %sub3A_1376 = vector.broadcast %squeeze3A_1187 : i32 to vector<16xi32>
      %sub3A_1377 = arith.subi %add3A_47, %sub3A_1376 : vector<16xi32>
      %bitcast3A_1378 = vector.bitcast %sub3A_1377 : vector<16xi32> to vector<16xi32>
      %le3A_1379 = vector.broadcast %squeeze3A_1193 : i32 to vector<16xi32>
      %le3A_1380 = arith.cmpi ule, %bitcast3A_1378, %le3A_1379 : vector<16xi32>
      %select_n3A_1381 = arith.select %le3A_1380, %broadcast_in_dim3A_51, %broadcast_in_dim3A_53 : vector<16xi1>, vector<16xf32>
      %add3A_1382 = arith.constant 5 : i32
      %add3A_1383 = arith.addi %mul3A_108, %add3A_1382 : i32
      %swap3A_1384 = arith.index_cast %add3A_1383 : i32 to index
      %swap3A_1385 = arith.constant 224 : index
      %swap3A_1386 = tpu.vector_load %arg7[%swap3A_1384, %swap3A_1385] {strides = array<i32>} : memref<64x256xf32, #tpu.memory_space<vmem>>, vector<1x16xf32>,
      %swap3A_1387 = vector.shape_cast %swap3A_1386 : vector<1x16xf32> to vector<16xf32>
      %swap3A_1388 = vector.shape_cast %select_n3A_1381 : vector<16xf32> to vector<1x16xf32>
      tpu.vector_store %arg7[%swap3A_1384, %swap3A_1385], %swap3A_1388 {strides = array<i32>} : memref<64x256xf32, #tpu.memory_space<vmem>>, vector<1x16xf32>,
      %sub3A_1389 = vector.broadcast %squeeze3A_1187 : i32 to vector<16xi32>
      %sub3A_1390 = arith.subi %add3A_50, %sub3A_1389 : vector<16xi32>
      %bitcast3A_1391 = vector.bitcast %sub3A_1390 : vector<16xi32> to vector<16xi32>
      %le3A_1392 = vector.broadcast %squeeze3A_1193 : i32 to vector<16xi32>
      %le3A_1393 = arith.cmpi ule, %bitcast3A_1391, %le3A_1392 : vector<16xi32>
      %select_n3A_1394 = arith.select %le3A_1393, %broadcast_in_dim3A_51, %broadcast_in_dim3A_53 : vector<16xi1>, vector<16xf32>
      %add3A_1395 = arith.constant 5 : i32
      %add3A_1396 = arith.addi %mul3A_108, %add3A_1395 : i32
      %swap3A_1397 = arith.index_cast %add3A_1396 : i32 to index
      %swap3A_1398 = arith.constant 240 : index
      %swap3A_1399 = tpu.vector_load %arg7[%swap3A_1397, %swap3A_1398] {strides = array<i32>} : memref<64x256xf32, #tpu.memory_space<vmem>>, vector<1x16xf32>,
      %swap3A_1400 = vector.shape_cast %swap3A_1399 : vector<1x16xf32> to vector<16xf32>
      %swap3A_1401 = vector.shape_cast %select_n3A_1394 : vector<16xf32> to vector<1x16xf32>
      tpu.vector_store %arg7[%swap3A_1397, %swap3A_1398], %swap3A_1401 {strides = array<i32>} : memref<64x256xf32, #tpu.memory_space<vmem>>, vector<1x16xf32>,
      %slice3A_1402 = vector.extract_strided_slice %get3A_110 {offsets = [6], sizes = [1], strides = [1]} : vector<16xi32> to vector<1xi32>
      %squeeze3A_1403 = vector.extract %slice3A_1402[0] : i32 from vector<1xi32>
      %slice3A_1404 = vector.extract_strided_slice %get3A_113 {offsets = [6], sizes = [1], strides = [1]} : vector<16xi32> to vector<1xi32>
      %squeeze3A_1405 = vector.extract %slice3A_1404[0] : i32 from vector<1xi32>
      %sub3A_1406 = arith.subi %squeeze3A_1405, %squeeze3A_1403 : i32
      %reshape3A_1407 = vector.broadcast %sub3A_1406 : i32 to vector<1xi32>
      %bitcast3A_1408 = vector.bitcast %reshape3A_1407 : vector<1xi32> to vector<1xi32>
      %squeeze3A_1409 = vector.extract %bitcast3A_1408[0] : i32 from vector<1xi32>
      %sub3A_1410 = vector.broadcast %squeeze3A_1403 : i32 to vector<16xi32>
      %sub3A_1411 = arith.subi %add3A_5, %sub3A_1410 : vector<16xi32>
      %bitcast3A_1412 = vector.bitcast %sub3A_1411 : vector<16xi32> to vector<16xi32>
      %le3A_1413 = vector.broadcast %squeeze3A_1409 : i32 to vector<16xi32>
      %le3A_1414 = arith.cmpi ule, %bitcast3A_1412, %le3A_1413 : vector<16xi32>
      %select_n3A_1415 = arith.select %le3A_1414, %broadcast_in_dim3A_51, %broadcast_in_dim3A_53 : vector<16xi1>, vector<16xf32>
      %add3A_1416 = arith.constant 6 : i32
      %add3A_1417 = arith.addi %mul3A_108, %add3A_1416 : i32
      %swap3A_1418 = arith.index_cast %add3A_1417 : i32 to index
      %swap3A_1419 = arith.constant 0 : index
      %swap3A_1420 = tpu.vector_load %arg7[%swap3A_1418, %swap3A_1419] {strides = array<i32>} : memref<64x256xf32, #tpu.memory_space<vmem>>, vector<1x16xf32>,
      %swap3A_1421 = vector.shape_cast %swap3A_1420 : vector<1x16xf32> to vector<16xf32>
      %swap3A_1422 = vector.shape_cast %select_n3A_1415 : vector<16xf32> to vector<1x16xf32>
      tpu.vector_store %arg7[%swap3A_1418, %swap3A_1419], %swap3A_1422 {strides = array<i32>} : memref<64x256xf32, #tpu.memory_space<vmem>>, vector<1x16xf32>,
      %sub3A_1423 = vector.broadcast %squeeze3A_1403 : i32 to vector<16xi32>
      %sub3A_1424 = arith.subi %add3A_8, %sub3A_1423 : vector<16xi32>
      %bitcast3A_1425 = vector.bitcast %sub3A_1424 : vector<16xi32> to vector<16xi32>
      %le3A_1426 = vector.broadcast %squeeze3A_1409 : i32 to vector<16xi32>
      %le3A_1427 = arith.cmpi ule, %bitcast3A_1425, %le3A_1426 : vector<16xi32>
      %select_n3A_1428 = arith.select %le3A_1427, %broadcast_in_dim3A_51, %broadcast_in_dim3A_53 : vector<16xi1>, vector<16xf32>
      %add3A_1429 = arith.constant 6 : i32
      %add3A_1430 = arith.addi %mul3A_108, %add3A_1429 : i32
      %swap3A_1431 = arith.index_cast %add3A_1430 : i32 to index
      %swap3A_1432 = arith.constant 16 : index
      %swap3A_1433 = tpu.vector_load %arg7[%swap3A_1431, %swap3A_1432] {strides = array<i32>} : memref<64x256xf32, #tpu.memory_space<vmem>>, vector<1x16xf32>,
      %swap3A_1434 = vector.shape_cast %swap3A_1433 : vector<1x16xf32> to vector<16xf32>
      %swap3A_1435 = vector.shape_cast %select_n3A_1428 : vector<16xf32> to vector<1x16xf32>
      tpu.vector_store %arg7[%swap3A_1431, %swap3A_1432], %swap3A_1435 {strides = array<i32>} : memref<64x256xf32, #tpu.memory_space<vmem>>, vector<1x16xf32>,
      %sub3A_1436 = vector.broadcast %squeeze3A_1403 : i32 to vector<16xi32>
      %sub3A_1437 = arith.subi %add3A_11, %sub3A_1436 : vector<16xi32>
      %bitcast3A_1438 = vector.bitcast %sub3A_1437 : vector<16xi32> to vector<16xi32>
      %le3A_1439 = vector.broadcast %squeeze3A_1409 : i32 to vector<16xi32>
      %le3A_1440 = arith.cmpi ule, %bitcast3A_1438, %le3A_1439 : vector<16xi32>
      %select_n3A_1441 = arith.select %le3A_1440, %broadcast_in_dim3A_51, %broadcast_in_dim3A_53 : vector<16xi1>, vector<16xf32>
      %add3A_1442 = arith.constant 6 : i32
      %add3A_1443 = arith.addi %mul3A_108, %add3A_1442 : i32
      %swap3A_1444 = arith.index_cast %add3A_1443 : i32 to index
      %swap3A_1445 = arith.constant 32 : index
      %swap3A_1446 = tpu.vector_load %arg7[%swap3A_1444, %swap3A_1445] {strides = array<i32>} : memref<64x256xf32, #tpu.memory_space<vmem>>, vector<1x16xf32>,
      %swap3A_1447 = vector.shape_cast %swap3A_1446 : vector<1x16xf32> to vector<16xf32>
      %swap3A_1448 = vector.shape_cast %select_n3A_1441 : vector<16xf32> to vector<1x16xf32>
      tpu.vector_store %arg7[%swap3A_1444, %swap3A_1445], %swap3A_1448 {strides = array<i32>} : memref<64x256xf32, #tpu.memory_space<vmem>>, vector<1x16xf32>,
      %sub3A_1449 = vector.broadcast %squeeze3A_1403 : i32 to vector<16xi32>
      %sub3A_1450 = arith.subi %add3A_14, %sub3A_1449 : vector<16xi32>
      %bitcast3A_1451 = vector.bitcast %sub3A_1450 : vector<16xi32> to vector<16xi32>
      %le3A_1452 = vector.broadcast %squeeze3A_1409 : i32 to vector<16xi32>
      %le3A_1453 = arith.cmpi ule, %bitcast3A_1451, %le3A_1452 : vector<16xi32>
      %select_n3A_1454 = arith.select %le3A_1453, %broadcast_in_dim3A_51, %broadcast_in_dim3A_53 : vector<16xi1>, vector<16xf32>
      %add3A_1455 = arith.constant 6 : i32
      %add3A_1456 = arith.addi %mul3A_108, %add3A_1455 : i32
      %swap3A_1457 = arith.index_cast %add3A_1456 : i32 to index
      %swap3A_1458 = arith.constant 48 : index
      %swap3A_1459 = tpu.vector_load %arg7[%swap3A_1457, %swap3A_1458] {strides = array<i32>} : memref<64x256xf32, #tpu.memory_space<vmem>>, vector<1x16xf32>,
      %swap3A_1460 = vector.shape_cast %swap3A_1459 : vector<1x16xf32> to vector<16xf32>
      %swap3A_1461 = vector.shape_cast %select_n3A_1454 : vector<16xf32> to vector<1x16xf32>
      tpu.vector_store %arg7[%swap3A_1457, %swap3A_1458], %swap3A_1461 {strides = array<i32>} : memref<64x256xf32, #tpu.memory_space<vmem>>, vector<1x16xf32>,
      %sub3A_1462 = vector.broadcast %squeeze3A_1403 : i32 to vector<16xi32>
      %sub3A_1463 = arith.subi %add3A_17, %sub3A_1462 : vector<16xi32>
      %bitcast3A_1464 = vector.bitcast %sub3A_1463 : vector<16xi32> to vector<16xi32>
      %le3A_1465 = vector.broadcast %squeeze3A_1409 : i32 to vector<16xi32>
      %le3A_1466 = arith.cmpi ule, %bitcast3A_1464, %le3A_1465 : vector<16xi32>
      %select_n3A_1467 = arith.select %le3A_1466, %broadcast_in_dim3A_51, %broadcast_in_dim3A_53 : vector<16xi1>, vector<16xf32>
      %add3A_1468 = arith.constant 6 : i32
      %add3A_1469 = arith.addi %mul3A_108, %add3A_1468 : i32
      %swap3A_1470 = arith.index_cast %add3A_1469 : i32 to index
      %swap3A_1471 = arith.constant 64 : index
      %swap3A_1472 = tpu.vector_load %arg7[%swap3A_1470, %swap3A_1471] {strides = array<i32>} : memref<64x256xf32, #tpu.memory_space<vmem>>, vector<1x16xf32>,
      %swap3A_1473 = vector.shape_cast %swap3A_1472 : vector<1x16xf32> to vector<16xf32>
      %swap3A_1474 = vector.shape_cast %select_n3A_1467 : vector<16xf32> to vector<1x16xf32>
      tpu.vector_store %arg7[%swap3A_1470, %swap3A_1471], %swap3A_1474 {strides = array<i32>} : memref<64x256xf32, #tpu.memory_space<vmem>>, vector<1x16xf32>,
      %sub3A_1475 = vector.broadcast %squeeze3A_1403 : i32 to vector<16xi32>
      %sub3A_1476 = arith.subi %add3A_20, %sub3A_1475 : vector<16xi32>
      %bitcast3A_1477 = vector.bitcast %sub3A_1476 : vector<16xi32> to vector<16xi32>
      %le3A_1478 = vector.broadcast %squeeze3A_1409 : i32 to vector<16xi32>
      %le3A_1479 = arith.cmpi ule, %bitcast3A_1477, %le3A_1478 : vector<16xi32>
      %select_n3A_1480 = arith.select %le3A_1479, %broadcast_in_dim3A_51, %broadcast_in_dim3A_53 : vector<16xi1>, vector<16xf32>
      %add3A_1481 = arith.constant 6 : i32
      %add3A_1482 = arith.addi %mul3A_108, %add3A_1481 : i32
      %swap3A_1483 = arith.index_cast %add3A_1482 : i32 to index
      %swap3A_1484 = arith.constant 80 : index
      %swap3A_1485 = tpu.vector_load %arg7[%swap3A_1483, %swap3A_1484] {strides = array<i32>} : memref<64x256xf32, #tpu.memory_space<vmem>>, vector<1x16xf32>,
      %swap3A_1486 = vector.shape_cast %swap3A_1485 : vector<1x16xf32> to vector<16xf32>
      %swap3A_1487 = vector.shape_cast %select_n3A_1480 : vector<16xf32> to vector<1x16xf32>
      tpu.vector_store %arg7[%swap3A_1483, %swap3A_1484], %swap3A_1487 {strides = array<i32>} : memref<64x256xf32, #tpu.memory_space<vmem>>, vector<1x16xf32>,
      %sub3A_1488 = vector.broadcast %squeeze3A_1403 : i32 to vector<16xi32>
      %sub3A_1489 = arith.subi %add3A_23, %sub3A_1488 : vector<16xi32>
      %bitcast3A_1490 = vector.bitcast %sub3A_1489 : vector<16xi32> to vector<16xi32>
      %le3A_1491 = vector.broadcast %squeeze3A_1409 : i32 to vector<16xi32>
      %le3A_1492 = arith.cmpi ule, %bitcast3A_1490, %le3A_1491 : vector<16xi32>
      %select_n3A_1493 = arith.select %le3A_1492, %broadcast_in_dim3A_51, %broadcast_in_dim3A_53 : vector<16xi1>, vector<16xf32>
      %add3A_1494 = arith.constant 6 : i32
      %add3A_1495 = arith.addi %mul3A_108, %add3A_1494 : i32
      %swap3A_1496 = arith.index_cast %add3A_1495 : i32 to index
      %swap3A_1497 = arith.constant 96 : index
      %swap3A_1498 = tpu.vector_load %arg7[%swap3A_1496, %swap3A_1497] {strides = array<i32>} : memref<64x256xf32, #tpu.memory_space<vmem>>, vector<1x16xf32>,
      %swap3A_1499 = vector.shape_cast %swap3A_1498 : vector<1x16xf32> to vector<16xf32>
      %swap3A_1500 = vector.shape_cast %select_n3A_1493 : vector<16xf32> to vector<1x16xf32>
      tpu.vector_store %arg7[%swap3A_1496, %swap3A_1497], %swap3A_1500 {strides = array<i32>} : memref<64x256xf32, #tpu.memory_space<vmem>>, vector<1x16xf32>,
      %sub3A_1501 = vector.broadcast %squeeze3A_1403 : i32 to vector<16xi32>
      %sub3A_1502 = arith.subi %add3A_26, %sub3A_1501 : vector<16xi32>
      %bitcast3A_1503 = vector.bitcast %sub3A_1502 : vector<16xi32> to vector<16xi32>
      %le3A_1504 = vector.broadcast %squeeze3A_1409 : i32 to vector<16xi32>
      %le3A_1505 = arith.cmpi ule, %bitcast3A_1503, %le3A_1504 : vector<16xi32>
      %select_n3A_1506 = arith.select %le3A_1505, %broadcast_in_dim3A_51, %broadcast_in_dim3A_53 : vector<16xi1>, vector<16xf32>
      %add3A_1507 = arith.constant 6 : i32
      %add3A_1508 = arith.addi %mul3A_108, %add3A_1507 : i32
      %swap3A_1509 = arith.index_cast %add3A_1508 : i32 to index
      %swap3A_1510 = arith.constant 112 : index
      %swap3A_1511 = tpu.vector_load %arg7[%swap3A_1509, %swap3A_1510] {strides = array<i32>} : memref<64x256xf32, #tpu.memory_space<vmem>>, vector<1x16xf32>,
      %swap3A_1512 = vector.shape_cast %swap3A_1511 : vector<1x16xf32> to vector<16xf32>
      %swap3A_1513 = vector.shape_cast %select_n3A_1506 : vector<16xf32> to vector<1x16xf32>
      tpu.vector_store %arg7[%swap3A_1509, %swap3A_1510], %swap3A_1513 {strides = array<i32>} : memref<64x256xf32, #tpu.memory_space<vmem>>, vector<1x16xf32>,
      %sub3A_1514 = vector.broadcast %squeeze3A_1403 : i32 to vector<16xi32>
      %sub3A_1515 = arith.subi %add3A_29, %sub3A_1514 : vector<16xi32>
      %bitcast3A_1516 = vector.bitcast %sub3A_1515 : vector<16xi32> to vector<16xi32>
      %le3A_1517 = vector.broadcast %squeeze3A_1409 : i32 to vector<16xi32>
      %le3A_1518 = arith.cmpi ule, %bitcast3A_1516, %le3A_1517 : vector<16xi32>
      %select_n3A_1519 = arith.select %le3A_1518, %broadcast_in_dim3A_51, %broadcast_in_dim3A_53 : vector<16xi1>, vector<16xf32>
      %add3A_1520 = arith.constant 6 : i32
      %add3A_1521 = arith.addi %mul3A_108, %add3A_1520 : i32
      %swap3A_1522 = arith.index_cast %add3A_1521 : i32 to index
      %swap3A_1523 = arith.constant 128 : index
      %swap3A_1524 = tpu.vector_load %arg7[%swap3A_1522, %swap3A_1523] {strides = array<i32>} : memref<64x256xf32, #tpu.memory_space<vmem>>, vector<1x16xf32>,
      %swap3A_1525 = vector.shape_cast %swap3A_1524 : vector<1x16xf32> to vector<16xf32>
      %swap3A_1526 = vector.shape_cast %select_n3A_1519 : vector<16xf32> to vector<1x16xf32>
      tpu.vector_store %arg7[%swap3A_1522, %swap3A_1523], %swap3A_1526 {strides = array<i32>} : memref<64x256xf32, #tpu.memory_space<vmem>>, vector<1x16xf32>,
      %sub3A_1527 = vector.broadcast %squeeze3A_1403 : i32 to vector<16xi32>
      %sub3A_1528 = arith.subi %add3A_32, %sub3A_1527 : vector<16xi32>
      %bitcast3A_1529 = vector.bitcast %sub3A_1528 : vector<16xi32> to vector<16xi32>
      %le3A_1530 = vector.broadcast %squeeze3A_1409 : i32 to vector<16xi32>
      %le3A_1531 = arith.cmpi ule, %bitcast3A_1529, %le3A_1530 : vector<16xi32>
      %select_n3A_1532 = arith.select %le3A_1531, %broadcast_in_dim3A_51, %broadcast_in_dim3A_53 : vector<16xi1>, vector<16xf32>
      %add3A_1533 = arith.constant 6 : i32
      %add3A_1534 = arith.addi %mul3A_108, %add3A_1533 : i32
      %swap3A_1535 = arith.index_cast %add3A_1534 : i32 to index
      %swap3A_1536 = arith.constant 144 : index
      %swap3A_1537 = tpu.vector_load %arg7[%swap3A_1535, %swap3A_1536] {strides = array<i32>} : memref<64x256xf32, #tpu.memory_space<vmem>>, vector<1x16xf32>,
      %swap3A_1538 = vector.shape_cast %swap3A_1537 : vector<1x16xf32> to vector<16xf32>
      %swap3A_1539 = vector.shape_cast %select_n3A_1532 : vector<16xf32> to vector<1x16xf32>
      tpu.vector_store %arg7[%swap3A_1535, %swap3A_1536], %swap3A_1539 {strides = array<i32>} : memref<64x256xf32, #tpu.memory_space<vmem>>, vector<1x16xf32>,
      %sub3A_1540 = vector.broadcast %squeeze3A_1403 : i32 to vector<16xi32>
      %sub3A_1541 = arith.subi %add3A_35, %sub3A_1540 : vector<16xi32>
      %bitcast3A_1542 = vector.bitcast %sub3A_1541 : vector<16xi32> to vector<16xi32>
      %le3A_1543 = vector.broadcast %squeeze3A_1409 : i32 to vector<16xi32>
      %le3A_1544 = arith.cmpi ule, %bitcast3A_1542, %le3A_1543 : vector<16xi32>
      %select_n3A_1545 = arith.select %le3A_1544, %broadcast_in_dim3A_51, %broadcast_in_dim3A_53 : vector<16xi1>, vector<16xf32>
      %add3A_1546 = arith.constant 6 : i32
      %add3A_1547 = arith.addi %mul3A_108, %add3A_1546 : i32
      %swap3A_1548 = arith.index_cast %add3A_1547 : i32 to index
      %swap3A_1549 = arith.constant 160 : index
      %swap3A_1550 = tpu.vector_load %arg7[%swap3A_1548, %swap3A_1549] {strides = array<i32>} : memref<64x256xf32, #tpu.memory_space<vmem>>, vector<1x16xf32>,
      %swap3A_1551 = vector.shape_cast %swap3A_1550 : vector<1x16xf32> to vector<16xf32>
      %swap3A_1552 = vector.shape_cast %select_n3A_1545 : vector<16xf32> to vector<1x16xf32>
      tpu.vector_store %arg7[%swap3A_1548, %swap3A_1549], %swap3A_1552 {strides = array<i32>} : memref<64x256xf32, #tpu.memory_space<vmem>>, vector<1x16xf32>,
      %sub3A_1553 = vector.broadcast %squeeze3A_1403 : i32 to vector<16xi32>
      %sub3A_1554 = arith.subi %add3A_38, %sub3A_1553 : vector<16xi32>
      %bitcast3A_1555 = vector.bitcast %sub3A_1554 : vector<16xi32> to vector<16xi32>
      %le3A_1556 = vector.broadcast %squeeze3A_1409 : i32 to vector<16xi32>
      %le3A_1557 = arith.cmpi ule, %bitcast3A_1555, %le3A_1556 : vector<16xi32>
      %select_n3A_1558 = arith.select %le3A_1557, %broadcast_in_dim3A_51, %broadcast_in_dim3A_53 : vector<16xi1>, vector<16xf32>
      %add3A_1559 = arith.constant 6 : i32
      %add3A_1560 = arith.addi %mul3A_108, %add3A_1559 : i32
      %swap3A_1561 = arith.index_cast %add3A_1560 : i32 to index
      %swap3A_1562 = arith.constant 176 : index
      %swap3A_1563 = tpu.vector_load %arg7[%swap3A_1561, %swap3A_1562] {strides = array<i32>} : memref<64x256xf32, #tpu.memory_space<vmem>>, vector<1x16xf32>,
      %swap3A_1564 = vector.shape_cast %swap3A_1563 : vector<1x16xf32> to vector<16xf32>
      %swap3A_1565 = vector.shape_cast %select_n3A_1558 : vector<16xf32> to vector<1x16xf32>
      tpu.vector_store %arg7[%swap3A_1561, %swap3A_1562], %swap3A_1565 {strides = array<i32>} : memref<64x256xf32, #tpu.memory_space<vmem>>, vector<1x16xf32>,
      %sub3A_1566 = vector.broadcast %squeeze3A_1403 : i32 to vector<16xi32>
      %sub3A_1567 = arith.subi %add3A_41, %sub3A_1566 : vector<16xi32>
      %bitcast3A_1568 = vector.bitcast %sub3A_1567 : vector<16xi32> to vector<16xi32>
      %le3A_1569 = vector.broadcast %squeeze3A_1409 : i32 to vector<16xi32>
      %le3A_1570 = arith.cmpi ule, %bitcast3A_1568, %le3A_1569 : vector<16xi32>
      %select_n3A_1571 = arith.select %le3A_1570, %broadcast_in_dim3A_51, %broadcast_in_dim3A_53 : vector<16xi1>, vector<16xf32>
      %add3A_1572 = arith.constant 6 : i32
      %add3A_1573 = arith.addi %mul3A_108, %add3A_1572 : i32
      %swap3A_1574 = arith.index_cast %add3A_1573 : i32 to index
      %swap3A_1575 = arith.constant 192 : index
      %swap3A_1576 = tpu.vector_load %arg7[%swap3A_1574, %swap3A_1575] {strides = array<i32>} : memref<64x256xf32, #tpu.memory_space<vmem>>, vector<1x16xf32>,
      %swap3A_1577 = vector.shape_cast %swap3A_1576 : vector<1x16xf32> to vector<16xf32>
      %swap3A_1578 = vector.shape_cast %select_n3A_1571 : vector<16xf32> to vector<1x16xf32>
      tpu.vector_store %arg7[%swap3A_1574, %swap3A_1575], %swap3A_1578 {strides = array<i32>} : memref<64x256xf32, #tpu.memory_space<vmem>>, vector<1x16xf32>,
      %sub3A_1579 = vector.broadcast %squeeze3A_1403 : i32 to vector<16xi32>
      %sub3A_1580 = arith.subi %add3A_44, %sub3A_1579 : vector<16xi32>
      %bitcast3A_1581 = vector.bitcast %sub3A_1580 : vector<16xi32> to vector<16xi32>
      %le3A_1582 = vector.broadcast %squeeze3A_1409 : i32 to vector<16xi32>
      %le3A_1583 = arith.cmpi ule, %bitcast3A_1581, %le3A_1582 : vector<16xi32>
      %select_n3A_1584 = arith.select %le3A_1583, %broadcast_in_dim3A_51, %broadcast_in_dim3A_53 : vector<16xi1>, vector<16xf32>
      %add3A_1585 = arith.constant 6 : i32
      %add3A_1586 = arith.addi %mul3A_108, %add3A_1585 : i32
      %swap3A_1587 = arith.index_cast %add3A_1586 : i32 to index
      %swap3A_1588 = arith.constant 208 : index
      %swap3A_1589 = tpu.vector_load %arg7[%swap3A_1587, %swap3A_1588] {strides = array<i32>} : memref<64x256xf32, #tpu.memory_space<vmem>>, vector<1x16xf32>,
      %swap3A_1590 = vector.shape_cast %swap3A_1589 : vector<1x16xf32> to vector<16xf32>
      %swap3A_1591 = vector.shape_cast %select_n3A_1584 : vector<16xf32> to vector<1x16xf32>
      tpu.vector_store %arg7[%swap3A_1587, %swap3A_1588], %swap3A_1591 {strides = array<i32>} : memref<64x256xf32, #tpu.memory_space<vmem>>, vector<1x16xf32>,
      %sub3A_1592 = vector.broadcast %squeeze3A_1403 : i32 to vector<16xi32>
      %sub3A_1593 = arith.subi %add3A_47, %sub3A_1592 : vector<16xi32>
      %bitcast3A_1594 = vector.bitcast %sub3A_1593 : vector<16xi32> to vector<16xi32>
      %le3A_1595 = vector.broadcast %squeeze3A_1409 : i32 to vector<16xi32>
      %le3A_1596 = arith.cmpi ule, %bitcast3A_1594, %le3A_1595 : vector<16xi32>
      %select_n3A_1597 = arith.select %le3A_1596, %broadcast_in_dim3A_51, %broadcast_in_dim3A_53 : vector<16xi1>, vector<16xf32>
      %add3A_1598 = arith.constant 6 : i32
      %add3A_1599 = arith.addi %mul3A_108, %add3A_1598 : i32
      %swap3A_1600 = arith.index_cast %add3A_1599 : i32 to index
      %swap3A_1601 = arith.constant 224 : index
      %swap3A_1602 = tpu.vector_load %arg7[%swap3A_1600, %swap3A_1601] {strides = array<i32>} : memref<64x256xf32, #tpu.memory_space<vmem>>, vector<1x16xf32>,
      %swap3A_1603 = vector.shape_cast %swap3A_1602 : vector<1x16xf32> to vector<16xf32>
      %swap3A_1604 = vector.shape_cast %select_n3A_1597 : vector<16xf32> to vector<1x16xf32>
      tpu.vector_store %arg7[%swap3A_1600, %swap3A_1601], %swap3A_1604 {strides = array<i32>} : memref<64x256xf32, #tpu.memory_space<vmem>>, vector<1x16xf32>,
      %sub3A_1605 = vector.broadcast %squeeze3A_1403 : i32 to vector<16xi32>
      %sub3A_1606 = arith.subi %add3A_50, %sub3A_1605 : vector<16xi32>
      %bitcast3A_1607 = vector.bitcast %sub3A_1606 : vector<16xi32> to vector<16xi32>
      %le3A_1608 = vector.broadcast %squeeze3A_1409 : i32 to vector<16xi32>
      %le3A_1609 = arith.cmpi ule, %bitcast3A_1607, %le3A_1608 : vector<16xi32>
      %select_n3A_1610 = arith.select %le3A_1609, %broadcast_in_dim3A_51, %broadcast_in_dim3A_53 : vector<16xi1>, vector<16xf32>
      %add3A_1611 = arith.constant 6 : i32
      %add3A_1612 = arith.addi %mul3A_108, %add3A_1611 : i32
      %swap3A_1613 = arith.index_cast %add3A_1612 : i32 to index
      %swap3A_1614 = arith.constant 240 : index
      %swap3A_1615 = tpu.vector_load %arg7[%swap3A_1613, %swap3A_1614] {strides = array<i32>} : memref<64x256xf32, #tpu.memory_space<vmem>>, vector<1x16xf32>,
      %swap3A_1616 = vector.shape_cast %swap3A_1615 : vector<1x16xf32> to vector<16xf32>
      %swap3A_1617 = vector.shape_cast %select_n3A_1610 : vector<16xf32> to vector<1x16xf32>
      tpu.vector_store %arg7[%swap3A_1613, %swap3A_1614], %swap3A_1617 {strides = array<i32>} : memref<64x256xf32, #tpu.memory_space<vmem>>, vector<1x16xf32>,
      %slice3A_1618 = vector.extract_strided_slice %get3A_110 {offsets = [7], sizes = [1], strides = [1]} : vector<16xi32> to vector<1xi32>
      %squeeze3A_1619 = vector.extract %slice3A_1618[0] : i32 from vector<1xi32>
      %slice3A_1620 = vector.extract_strided_slice %get3A_113 {offsets = [7], sizes = [1], strides = [1]} : vector<16xi32> to vector<1xi32>
      %squeeze3A_1621 = vector.extract %slice3A_1620[0] : i32 from vector<1xi32>
      %sub3A_1622 = arith.subi %squeeze3A_1621, %squeeze3A_1619 : i32
      %reshape3A_1623 = vector.broadcast %sub3A_1622 : i32 to vector<1xi32>
      %bitcast3A_1624 = vector.bitcast %reshape3A_1623 : vector<1xi32> to vector<1xi32>
      %squeeze3A_1625 = vector.extract %bitcast3A_1624[0] : i32 from vector<1xi32>
      %sub3A_1626 = vector.broadcast %squeeze3A_1619 : i32 to vector<16xi32>
      %sub3A_1627 = arith.subi %add3A_5, %sub3A_1626 : vector<16xi32>
      %bitcast3A_1628 = vector.bitcast %sub3A_1627 : vector<16xi32> to vector<16xi32>
      %le3A_1629 = vector.broadcast %squeeze3A_1625 : i32 to vector<16xi32>
      %le3A_1630 = arith.cmpi ule, %bitcast3A_1628, %le3A_1629 : vector<16xi32>
      %select_n3A_1631 = arith.select %le3A_1630, %broadcast_in_dim3A_51, %broadcast_in_dim3A_53 : vector<16xi1>, vector<16xf32>
      %add3A_1632 = arith.constant 7 : i32
      %add3A_1633 = arith.addi %mul3A_108, %add3A_1632 : i32
      %swap3A_1634 = arith.index_cast %add3A_1633 : i32 to index
      %swap3A_1635 = arith.constant 0 : index
      %swap3A_1636 = tpu.vector_load %arg7[%swap3A_1634, %swap3A_1635] {strides = array<i32>} : memref<64x256xf32, #tpu.memory_space<vmem>>, vector<1x16xf32>,
      %swap3A_1637 = vector.shape_cast %swap3A_1636 : vector<1x16xf32> to vector<16xf32>
      %swap3A_1638 = vector.shape_cast %select_n3A_1631 : vector<16xf32> to vector<1x16xf32>
      tpu.vector_store %arg7[%swap3A_1634, %swap3A_1635], %swap3A_1638 {strides = array<i32>} : memref<64x256xf32, #tpu.memory_space<vmem>>, vector<1x16xf32>,
      %sub3A_1639 = vector.broadcast %squeeze3A_1619 : i32 to vector<16xi32>
      %sub3A_1640 = arith.subi %add3A_8, %sub3A_1639 : vector<16xi32>
      %bitcast3A_1641 = vector.bitcast %sub3A_1640 : vector<16xi32> to vector<16xi32>
      %le3A_1642 = vector.broadcast %squeeze3A_1625 : i32 to vector<16xi32>
      %le3A_1643 = arith.cmpi ule, %bitcast3A_1641, %le3A_1642 : vector<16xi32>
      %select_n3A_1644 = arith.select %le3A_1643, %broadcast_in_dim3A_51, %broadcast_in_dim3A_53 : vector<16xi1>, vector<16xf32>
      %add3A_1645 = arith.constant 7 : i32
      %add3A_1646 = arith.addi %mul3A_108, %add3A_1645 : i32
      %swap3A_1647 = arith.index_cast %add3A_1646 : i32 to index
      %swap3A_1648 = arith.constant 16 : index
      %swap3A_1649 = tpu.vector_load %arg7[%swap3A_1647, %swap3A_1648] {strides = array<i32>} : memref<64x256xf32, #tpu.memory_space<vmem>>, vector<1x16xf32>,
      %swap3A_1650 = vector.shape_cast %swap3A_1649 : vector<1x16xf32> to vector<16xf32>
      %swap3A_1651 = vector.shape_cast %select_n3A_1644 : vector<16xf32> to vector<1x16xf32>
      tpu.vector_store %arg7[%swap3A_1647, %swap3A_1648], %swap3A_1651 {strides = array<i32>} : memref<64x256xf32, #tpu.memory_space<vmem>>, vector<1x16xf32>,
      %sub3A_1652 = vector.broadcast %squeeze3A_1619 : i32 to vector<16xi32>
      %sub3A_1653 = arith.subi %add3A_11, %sub3A_1652 : vector<16xi32>
      %bitcast3A_1654 = vector.bitcast %sub3A_1653 : vector<16xi32> to vector<16xi32>
      %le3A_1655 = vector.broadcast %squeeze3A_1625 : i32 to vector<16xi32>
      %le3A_1656 = arith.cmpi ule, %bitcast3A_1654, %le3A_1655 : vector<16xi32>
      %select_n3A_1657 = arith.select %le3A_1656, %broadcast_in_dim3A_51, %broadcast_in_dim3A_53 : vector<16xi1>, vector<16xf32>
      %add3A_1658 = arith.constant 7 : i32
      %add3A_1659 = arith.addi %mul3A_108, %add3A_1658 : i32
      %swap3A_1660 = arith.index_cast %add3A_1659 : i32 to index
      %swap3A_1661 = arith.constant 32 : index
      %swap3A_1662 = tpu.vector_load %arg7[%swap3A_1660, %swap3A_1661] {strides = array<i32>} : memref<64x256xf32, #tpu.memory_space<vmem>>, vector<1x16xf32>,
      %swap3A_1663 = vector.shape_cast %swap3A_1662 : vector<1x16xf32> to vector<16xf32>
      %swap3A_1664 = vector.shape_cast %select_n3A_1657 : vector<16xf32> to vector<1x16xf32>
      tpu.vector_store %arg7[%swap3A_1660, %swap3A_1661], %swap3A_1664 {strides = array<i32>} : memref<64x256xf32, #tpu.memory_space<vmem>>, vector<1x16xf32>,
      %sub3A_1665 = vector.broadcast %squeeze3A_1619 : i32 to vector<16xi32>
      %sub3A_1666 = arith.subi %add3A_14, %sub3A_1665 : vector<16xi32>
      %bitcast3A_1667 = vector.bitcast %sub3A_1666 : vector<16xi32> to vector<16xi32>
      %le3A_1668 = vector.broadcast %squeeze3A_1625 : i32 to vector<16xi32>
      %le3A_1669 = arith.cmpi ule, %bitcast3A_1667, %le3A_1668 : vector<16xi32>
      %select_n3A_1670 = arith.select %le3A_1669, %broadcast_in_dim3A_51, %broadcast_in_dim3A_53 : vector<16xi1>, vector<16xf32>
      %add3A_1671 = arith.constant 7 : i32
      %add3A_1672 = arith.addi %mul3A_108, %add3A_1671 : i32
      %swap3A_1673 = arith.index_cast %add3A_1672 : i32 to index
      %swap3A_1674 = arith.constant 48 : index
      %swap3A_1675 = tpu.vector_load %arg7[%swap3A_1673, %swap3A_1674] {strides = array<i32>} : memref<64x256xf32, #tpu.memory_space<vmem>>, vector<1x16xf32>,
      %swap3A_1676 = vector.shape_cast %swap3A_1675 : vector<1x16xf32> to vector<16xf32>
      %swap3A_1677 = vector.shape_cast %select_n3A_1670 : vector<16xf32> to vector<1x16xf32>
      tpu.vector_store %arg7[%swap3A_1673, %swap3A_1674], %swap3A_1677 {strides = array<i32>} : memref<64x256xf32, #tpu.memory_space<vmem>>, vector<1x16xf32>,
      %sub3A_1678 = vector.broadcast %squeeze3A_1619 : i32 to vector<16xi32>
      %sub3A_1679 = arith.subi %add3A_17, %sub3A_1678 : vector<16xi32>
      %bitcast3A_1680 = vector.bitcast %sub3A_1679 : vector<16xi32> to vector<16xi32>
      %le3A_1681 = vector.broadcast %squeeze3A_1625 : i32 to vector<16xi32>
      %le3A_1682 = arith.cmpi ule, %bitcast3A_1680, %le3A_1681 : vector<16xi32>
      %select_n3A_1683 = arith.select %le3A_1682, %broadcast_in_dim3A_51, %broadcast_in_dim3A_53 : vector<16xi1>, vector<16xf32>
      %add3A_1684 = arith.constant 7 : i32
      %add3A_1685 = arith.addi %mul3A_108, %add3A_1684 : i32
      %swap3A_1686 = arith.index_cast %add3A_1685 : i32 to index
      %swap3A_1687 = arith.constant 64 : index
      %swap3A_1688 = tpu.vector_load %arg7[%swap3A_1686, %swap3A_1687] {strides = array<i32>} : memref<64x256xf32, #tpu.memory_space<vmem>>, vector<1x16xf32>,
      %swap3A_1689 = vector.shape_cast %swap3A_1688 : vector<1x16xf32> to vector<16xf32>
      %swap3A_1690 = vector.shape_cast %select_n3A_1683 : vector<16xf32> to vector<1x16xf32>
      tpu.vector_store %arg7[%swap3A_1686, %swap3A_1687], %swap3A_1690 {strides = array<i32>} : memref<64x256xf32, #tpu.memory_space<vmem>>, vector<1x16xf32>,
      %sub3A_1691 = vector.broadcast %squeeze3A_1619 : i32 to vector<16xi32>
      %sub3A_1692 = arith.subi %add3A_20, %sub3A_1691 : vector<16xi32>
      %bitcast3A_1693 = vector.bitcast %sub3A_1692 : vector<16xi32> to vector<16xi32>
      %le3A_1694 = vector.broadcast %squeeze3A_1625 : i32 to vector<16xi32>
      %le3A_1695 = arith.cmpi ule, %bitcast3A_1693, %le3A_1694 : vector<16xi32>
      %select_n3A_1696 = arith.select %le3A_1695, %broadcast_in_dim3A_51, %broadcast_in_dim3A_53 : vector<16xi1>, vector<16xf32>
      %add3A_1697 = arith.constant 7 : i32
      %add3A_1698 = arith.addi %mul3A_108, %add3A_1697 : i32
      %swap3A_1699 = arith.index_cast %add3A_1698 : i32 to index
      %swap3A_1700 = arith.constant 80 : index
      %swap3A_1701 = tpu.vector_load %arg7[%swap3A_1699, %swap3A_1700] {strides = array<i32>} : memref<64x256xf32, #tpu.memory_space<vmem>>, vector<1x16xf32>,
      %swap3A_1702 = vector.shape_cast %swap3A_1701 : vector<1x16xf32> to vector<16xf32>
      %swap3A_1703 = vector.shape_cast %select_n3A_1696 : vector<16xf32> to vector<1x16xf32>
      tpu.vector_store %arg7[%swap3A_1699, %swap3A_1700], %swap3A_1703 {strides = array<i32>} : memref<64x256xf32, #tpu.memory_space<vmem>>, vector<1x16xf32>,
      %sub3A_1704 = vector.broadcast %squeeze3A_1619 : i32 to vector<16xi32>
      %sub3A_1705 = arith.subi %add3A_23, %sub3A_1704 : vector<16xi32>
      %bitcast3A_1706 = vector.bitcast %sub3A_1705 : vector<16xi32> to vector<16xi32>
      %le3A_1707 = vector.broadcast %squeeze3A_1625 : i32 to vector<16xi32>
      %le3A_1708 = arith.cmpi ule, %bitcast3A_1706, %le3A_1707 : vector<16xi32>
      %select_n3A_1709 = arith.select %le3A_1708, %broadcast_in_dim3A_51, %broadcast_in_dim3A_53 : vector<16xi1>, vector<16xf32>
      %add3A_1710 = arith.constant 7 : i32
      %add3A_1711 = arith.addi %mul3A_108, %add3A_1710 : i32
      %swap3A_1712 = arith.index_cast %add3A_1711 : i32 to index
      %swap3A_1713 = arith.constant 96 : index
      %swap3A_1714 = tpu.vector_load %arg7[%swap3A_1712, %swap3A_1713] {strides = array<i32>} : memref<64x256xf32, #tpu.memory_space<vmem>>, vector<1x16xf32>,
      %swap3A_1715 = vector.shape_cast %swap3A_1714 : vector<1x16xf32> to vector<16xf32>
      %swap3A_1716 = vector.shape_cast %select_n3A_1709 : vector<16xf32> to vector<1x16xf32>
      tpu.vector_store %arg7[%swap3A_1712, %swap3A_1713], %swap3A_1716 {strides = array<i32>} : memref<64x256xf32, #tpu.memory_space<vmem>>, vector<1x16xf32>,
      %sub3A_1717 = vector.broadcast %squeeze3A_1619 : i32 to vector<16xi32>
      %sub3A_1718 = arith.subi %add3A_26, %sub3A_1717 : vector<16xi32>
      %bitcast3A_1719 = vector.bitcast %sub3A_1718 : vector<16xi32> to vector<16xi32>
      %le3A_1720 = vector.broadcast %squeeze3A_1625 : i32 to vector<16xi32>
      %le3A_1721 = arith.cmpi ule, %bitcast3A_1719, %le3A_1720 : vector<16xi32>
      %select_n3A_1722 = arith.select %le3A_1721, %broadcast_in_dim3A_51, %broadcast_in_dim3A_53 : vector<16xi1>, vector<16xf32>
      %add3A_1723 = arith.constant 7 : i32
      %add3A_1724 = arith.addi %mul3A_108, %add3A_1723 : i32
      %swap3A_1725 = arith.index_cast %add3A_1724 : i32 to index
      %swap3A_1726 = arith.constant 112 : index
      %swap3A_1727 = tpu.vector_load %arg7[%swap3A_1725, %swap3A_1726] {strides = array<i32>} : memref<64x256xf32, #tpu.memory_space<vmem>>, vector<1x16xf32>,
      %swap3A_1728 = vector.shape_cast %swap3A_1727 : vector<1x16xf32> to vector<16xf32>
      %swap3A_1729 = vector.shape_cast %select_n3A_1722 : vector<16xf32> to vector<1x16xf32>
      tpu.vector_store %arg7[%swap3A_1725, %swap3A_1726], %swap3A_1729 {strides = array<i32>} : memref<64x256xf32, #tpu.memory_space<vmem>>, vector<1x16xf32>,
      %sub3A_1730 = vector.broadcast %squeeze3A_1619 : i32 to vector<16xi32>
      %sub3A_1731 = arith.subi %add3A_29, %sub3A_1730 : vector<16xi32>
      %bitcast3A_1732 = vector.bitcast %sub3A_1731 : vector<16xi32> to vector<16xi32>
      %le3A_1733 = vector.broadcast %squeeze3A_1625 : i32 to vector<16xi32>
      %le3A_1734 = arith.cmpi ule, %bitcast3A_1732, %le3A_1733 : vector<16xi32>
      %select_n3A_1735 = arith.select %le3A_1734, %broadcast_in_dim3A_51, %broadcast_in_dim3A_53 : vector<16xi1>, vector<16xf32>
      %add3A_1736 = arith.constant 7 : i32
      %add3A_1737 = arith.addi %mul3A_108, %add3A_1736 : i32
      %swap3A_1738 = arith.index_cast %add3A_1737 : i32 to index
      %swap3A_1739 = arith.constant 128 : index
      %swap3A_1740 = tpu.vector_load %arg7[%swap3A_1738, %swap3A_1739] {strides = array<i32>} : memref<64x256xf32, #tpu.memory_space<vmem>>, vector<1x16xf32>,
      %swap3A_1741 = vector.shape_cast %swap3A_1740 : vector<1x16xf32> to vector<16xf32>
      %swap3A_1742 = vector.shape_cast %select_n3A_1735 : vector<16xf32> to vector<1x16xf32>
      tpu.vector_store %arg7[%swap3A_1738, %swap3A_1739], %swap3A_1742 {strides = array<i32>} : memref<64x256xf32, #tpu.memory_space<vmem>>, vector<1x16xf32>,
      %sub3A_1743 = vector.broadcast %squeeze3A_1619 : i32 to vector<16xi32>
      %sub3A_1744 = arith.subi %add3A_32, %sub3A_1743 : vector<16xi32>
      %bitcast3A_1745 = vector.bitcast %sub3A_1744 : vector<16xi32> to vector<16xi32>
      %le3A_1746 = vector.broadcast %squeeze3A_1625 : i32 to vector<16xi32>
      %le3A_1747 = arith.cmpi ule, %bitcast3A_1745, %le3A_1746 : vector<16xi32>
      %select_n3A_1748 = arith.select %le3A_1747, %broadcast_in_dim3A_51, %broadcast_in_dim3A_53 : vector<16xi1>, vector<16xf32>
      %add3A_1749 = arith.constant 7 : i32
      %add3A_1750 = arith.addi %mul3A_108, %add3A_1749 : i32
      %swap3A_1751 = arith.index_cast %add3A_1750 : i32 to index
      %swap3A_1752 = arith.constant 144 : index
      %swap3A_1753 = tpu.vector_load %arg7[%swap3A_1751, %swap3A_1752] {strides = array<i32>} : memref<64x256xf32, #tpu.memory_space<vmem>>, vector<1x16xf32>,
      %swap3A_1754 = vector.shape_cast %swap3A_1753 : vector<1x16xf32> to vector<16xf32>
      %swap3A_1755 = vector.shape_cast %select_n3A_1748 : vector<16xf32> to vector<1x16xf32>
      tpu.vector_store %arg7[%swap3A_1751, %swap3A_1752], %swap3A_1755 {strides = array<i32>} : memref<64x256xf32, #tpu.memory_space<vmem>>, vector<1x16xf32>,
      %sub3A_1756 = vector.broadcast %squeeze3A_1619 : i32 to vector<16xi32>
      %sub3A_1757 = arith.subi %add3A_35, %sub3A_1756 : vector<16xi32>
      %bitcast3A_1758 = vector.bitcast %sub3A_1757 : vector<16xi32> to vector<16xi32>
      %le3A_1759 = vector.broadcast %squeeze3A_1625 : i32 to vector<16xi32>
      %le3A_1760 = arith.cmpi ule, %bitcast3A_1758, %le3A_1759 : vector<16xi32>
      %select_n3A_1761 = arith.select %le3A_1760, %broadcast_in_dim3A_51, %broadcast_in_dim3A_53 : vector<16xi1>, vector<16xf32>
      %add3A_1762 = arith.constant 7 : i32
      %add3A_1763 = arith.addi %mul3A_108, %add3A_1762 : i32
      %swap3A_1764 = arith.index_cast %add3A_1763 : i32 to index
      %swap3A_1765 = arith.constant 160 : index
      %swap3A_1766 = tpu.vector_load %arg7[%swap3A_1764, %swap3A_1765] {strides = array<i32>} : memref<64x256xf32, #tpu.memory_space<vmem>>, vector<1x16xf32>,
      %swap3A_1767 = vector.shape_cast %swap3A_1766 : vector<1x16xf32> to vector<16xf32>
      %swap3A_1768 = vector.shape_cast %select_n3A_1761 : vector<16xf32> to vector<1x16xf32>
      tpu.vector_store %arg7[%swap3A_1764, %swap3A_1765], %swap3A_1768 {strides = array<i32>} : memref<64x256xf32, #tpu.memory_space<vmem>>, vector<1x16xf32>,
      %sub3A_1769 = vector.broadcast %squeeze3A_1619 : i32 to vector<16xi32>
      %sub3A_1770 = arith.subi %add3A_38, %sub3A_1769 : vector<16xi32>
      %bitcast3A_1771 = vector.bitcast %sub3A_1770 : vector<16xi32> to vector<16xi32>
      %le3A_1772 = vector.broadcast %squeeze3A_1625 : i32 to vector<16xi32>
      %le3A_1773 = arith.cmpi ule, %bitcast3A_1771, %le3A_1772 : vector<16xi32>
      %select_n3A_1774 = arith.select %le3A_1773, %broadcast_in_dim3A_51, %broadcast_in_dim3A_53 : vector<16xi1>, vector<16xf32>
      %add3A_1775 = arith.constant 7 : i32
      %add3A_1776 = arith.addi %mul3A_108, %add3A_1775 : i32
      %swap3A_1777 = arith.index_cast %add3A_1776 : i32 to index
      %swap3A_1778 = arith.constant 176 : index
      %swap3A_1779 = tpu.vector_load %arg7[%swap3A_1777, %swap3A_1778] {strides = array<i32>} : memref<64x256xf32, #tpu.memory_space<vmem>>, vector<1x16xf32>,
      %swap3A_1780 = vector.shape_cast %swap3A_1779 : vector<1x16xf32> to vector<16xf32>
      %swap3A_1781 = vector.shape_cast %select_n3A_1774 : vector<16xf32> to vector<1x16xf32>
      tpu.vector_store %arg7[%swap3A_1777, %swap3A_1778], %swap3A_1781 {strides = array<i32>} : memref<64x256xf32, #tpu.memory_space<vmem>>, vector<1x16xf32>,
      %sub3A_1782 = vector.broadcast %squeeze3A_1619 : i32 to vector<16xi32>
      %sub3A_1783 = arith.subi %add3A_41, %sub3A_1782 : vector<16xi32>
      %bitcast3A_1784 = vector.bitcast %sub3A_1783 : vector<16xi32> to vector<16xi32>
      %le3A_1785 = vector.broadcast %squeeze3A_1625 : i32 to vector<16xi32>
      %le3A_1786 = arith.cmpi ule, %bitcast3A_1784, %le3A_1785 : vector<16xi32>
      %select_n3A_1787 = arith.select %le3A_1786, %broadcast_in_dim3A_51, %broadcast_in_dim3A_53 : vector<16xi1>, vector<16xf32>
      %add3A_1788 = arith.constant 7 : i32
      %add3A_1789 = arith.addi %mul3A_108, %add3A_1788 : i32
      %swap3A_1790 = arith.index_cast %add3A_1789 : i32 to index
      %swap3A_1791 = arith.constant 192 : index
      %swap3A_1792 = tpu.vector_load %arg7[%swap3A_1790, %swap3A_1791] {strides = array<i32>} : memref<64x256xf32, #tpu.memory_space<vmem>>, vector<1x16xf32>,
      %swap3A_1793 = vector.shape_cast %swap3A_1792 : vector<1x16xf32> to vector<16xf32>
      %swap3A_1794 = vector.shape_cast %select_n3A_1787 : vector<16xf32> to vector<1x16xf32>
      tpu.vector_store %arg7[%swap3A_1790, %swap3A_1791], %swap3A_1794 {strides = array<i32>} : memref<64x256xf32, #tpu.memory_space<vmem>>, vector<1x16xf32>,
      %sub3A_1795 = vector.broadcast %squeeze3A_1619 : i32 to vector<16xi32>
      %sub3A_1796 = arith.subi %add3A_44, %sub3A_1795 : vector<16xi32>
      %bitcast3A_1797 = vector.bitcast %sub3A_1796 : vector<16xi32> to vector<16xi32>
      %le3A_1798 = vector.broadcast %squeeze3A_1625 : i32 to vector<16xi32>
      %le3A_1799 = arith.cmpi ule, %bitcast3A_1797, %le3A_1798 : vector<16xi32>
      %select_n3A_1800 = arith.select %le3A_1799, %broadcast_in_dim3A_51, %broadcast_in_dim3A_53 : vector<16xi1>, vector<16xf32>
      %add3A_1801 = arith.constant 7 : i32
      %add3A_1802 = arith.addi %mul3A_108, %add3A_1801 : i32
      %swap3A_1803 = arith.index_cast %add3A_1802 : i32 to index
      %swap3A_1804 = arith.constant 208 : index
      %swap3A_1805 = tpu.vector_load %arg7[%swap3A_1803, %swap3A_1804] {strides = array<i32>} : memref<64x256xf32, #tpu.memory_space<vmem>>, vector<1x16xf32>,
      %swap3A_1806 = vector.shape_cast %swap3A_1805 : vector<1x16xf32> to vector<16xf32>
      %swap3A_1807 = vector.shape_cast %select_n3A_1800 : vector<16xf32> to vector<1x16xf32>
      tpu.vector_store %arg7[%swap3A_1803, %swap3A_1804], %swap3A_1807 {strides = array<i32>} : memref<64x256xf32, #tpu.memory_space<vmem>>, vector<1x16xf32>,
      %sub3A_1808 = vector.broadcast %squeeze3A_1619 : i32 to vector<16xi32>
      %sub3A_1809 = arith.subi %add3A_47, %sub3A_1808 : vector<16xi32>
      %bitcast3A_1810 = vector.bitcast %sub3A_1809 : vector<16xi32> to vector<16xi32>
      %le3A_1811 = vector.broadcast %squeeze3A_1625 : i32 to vector<16xi32>
      %le3A_1812 = arith.cmpi ule, %bitcast3A_1810, %le3A_1811 : vector<16xi32>
      %select_n3A_1813 = arith.select %le3A_1812, %broadcast_in_dim3A_51, %broadcast_in_dim3A_53 : vector<16xi1>, vector<16xf32>
      %add3A_1814 = arith.constant 7 : i32
      %add3A_1815 = arith.addi %mul3A_108, %add3A_1814 : i32
      %swap3A_1816 = arith.index_cast %add3A_1815 : i32 to index
      %swap3A_1817 = arith.constant 224 : index
      %swap3A_1818 = tpu.vector_load %arg7[%swap3A_1816, %swap3A_1817] {strides = array<i32>} : memref<64x256xf32, #tpu.memory_space<vmem>>, vector<1x16xf32>,
      %swap3A_1819 = vector.shape_cast %swap3A_1818 : vector<1x16xf32> to vector<16xf32>
      %swap3A_1820 = vector.shape_cast %select_n3A_1813 : vector<16xf32> to vector<1x16xf32>
      tpu.vector_store %arg7[%swap3A_1816, %swap3A_1817], %swap3A_1820 {strides = array<i32>} : memref<64x256xf32, #tpu.memory_space<vmem>>, vector<1x16xf32>,
      %sub3A_1821 = vector.broadcast %squeeze3A_1619 : i32 to vector<16xi32>
      %sub3A_1822 = arith.subi %add3A_50, %sub3A_1821 : vector<16xi32>
      %bitcast3A_1823 = vector.bitcast %sub3A_1822 : vector<16xi32> to vector<16xi32>
      %le3A_1824 = vector.broadcast %squeeze3A_1625 : i32 to vector<16xi32>
      %le3A_1825 = arith.cmpi ule, %bitcast3A_1823, %le3A_1824 : vector<16xi32>
      %select_n3A_1826 = arith.select %le3A_1825, %broadcast_in_dim3A_51, %broadcast_in_dim3A_53 : vector<16xi1>, vector<16xf32>
      %add3A_1827 = arith.constant 7 : i32
      %add3A_1828 = arith.addi %mul3A_108, %add3A_1827 : i32
      %swap3A_1829 = arith.index_cast %add3A_1828 : i32 to index
      %swap3A_1830 = arith.constant 240 : index
      %swap3A_1831 = tpu.vector_load %arg7[%swap3A_1829, %swap3A_1830] {strides = array<i32>} : memref<64x256xf32, #tpu.memory_space<vmem>>, vector<1x16xf32>,
      %swap3A_1832 = vector.shape_cast %swap3A_1831 : vector<1x16xf32> to vector<16xf32>
      %swap3A_1833 = vector.shape_cast %select_n3A_1826 : vector<16xf32> to vector<1x16xf32>
      tpu.vector_store %arg7[%swap3A_1829, %swap3A_1830], %swap3A_1833 {strides = array<i32>} : memref<64x256xf32, #tpu.memory_space<vmem>>, vector<1x16xf32>,
      %slice3A_1834 = vector.extract_strided_slice %get3A_110 {offsets = [8], sizes = [1], strides = [1]} : vector<16xi32> to vector<1xi32>
      %squeeze3A_1835 = vector.extract %slice3A_1834[0] : i32 from vector<1xi32>
      %slice3A_1836 = vector.extract_strided_slice %get3A_113 {offsets = [8], sizes = [1], strides = [1]} : vector<16xi32> to vector<1xi32>
      %squeeze3A_1837 = vector.extract %slice3A_1836[0] : i32 from vector<1xi32>
      %sub3A_1838 = arith.subi %squeeze3A_1837, %squeeze3A_1835 : i32
      %reshape3A_1839 = vector.broadcast %sub3A_1838 : i32 to vector<1xi32>
      %bitcast3A_1840 = vector.bitcast %reshape3A_1839 : vector<1xi32> to vector<1xi32>
      %squeeze3A_1841 = vector.extract %bitcast3A_1840[0] : i32 from vector<1xi32>
      %sub3A_1842 = vector.broadcast %squeeze3A_1835 : i32 to vector<16xi32>
      %sub3A_1843 = arith.subi %add3A_5, %sub3A_1842 : vector<16xi32>
      %bitcast3A_1844 = vector.bitcast %sub3A_1843 : vector<16xi32> to vector<16xi32>
      %le3A_1845 = vector.broadcast %squeeze3A_1841 : i32 to vector<16xi32>
      %le3A_1846 = arith.cmpi ule, %bitcast3A_1844, %le3A_1845 : vector<16xi32>
      %select_n3A_1847 = arith.select %le3A_1846, %broadcast_in_dim3A_51, %broadcast_in_dim3A_53 : vector<16xi1>, vector<16xf32>
      %add3A_1848 = arith.constant 8 : i32
      %add3A_1849 = arith.addi %mul3A_108, %add3A_1848 : i32
      %swap3A_1850 = arith.index_cast %add3A_1849 : i32 to index
      %swap3A_1851 = arith.constant 0 : index
      %swap3A_1852 = tpu.vector_load %arg7[%swap3A_1850, %swap3A_1851] {strides = array<i32>} : memref<64x256xf32, #tpu.memory_space<vmem>>, vector<1x16xf32>,
      %swap3A_1853 = vector.shape_cast %swap3A_1852 : vector<1x16xf32> to vector<16xf32>
      %swap3A_1854 = vector.shape_cast %select_n3A_1847 : vector<16xf32> to vector<1x16xf32>
      tpu.vector_store %arg7[%swap3A_1850, %swap3A_1851], %swap3A_1854 {strides = array<i32>} : memref<64x256xf32, #tpu.memory_space<vmem>>, vector<1x16xf32>,
      %sub3A_1855 = vector.broadcast %squeeze3A_1835 : i32 to vector<16xi32>
      %sub3A_1856 = arith.subi %add3A_8, %sub3A_1855 : vector<16xi32>
      %bitcast3A_1857 = vector.bitcast %sub3A_1856 : vector<16xi32> to vector<16xi32>
      %le3A_1858 = vector.broadcast %squeeze3A_1841 : i32 to vector<16xi32>
      %le3A_1859 = arith.cmpi ule, %bitcast3A_1857, %le3A_1858 : vector<16xi32>
      %select_n3A_1860 = arith.select %le3A_1859, %broadcast_in_dim3A_51, %broadcast_in_dim3A_53 : vector<16xi1>, vector<16xf32>
      %add3A_1861 = arith.constant 8 : i32
      %add3A_1862 = arith.addi %mul3A_108, %add3A_1861 : i32
      %swap3A_1863 = arith.index_cast %add3A_1862 : i32 to index
      %swap3A_1864 = arith.constant 16 : index
      %swap3A_1865 = tpu.vector_load %arg7[%swap3A_1863, %swap3A_1864] {strides = array<i32>} : memref<64x256xf32, #tpu.memory_space<vmem>>, vector<1x16xf32>,
      %swap3A_1866 = vector.shape_cast %swap3A_1865 : vector<1x16xf32> to vector<16xf32>
      %swap3A_1867 = vector.shape_cast %select_n3A_1860 : vector<16xf32> to vector<1x16xf32>
      tpu.vector_store %arg7[%swap3A_1863, %swap3A_1864], %swap3A_1867 {strides = array<i32>} : memref<64x256xf32, #tpu.memory_space<vmem>>, vector<1x16xf32>,
      %sub3A_1868 = vector.broadcast %squeeze3A_1835 : i32 to vector<16xi32>
      %sub3A_1869 = arith.subi %add3A_11, %sub3A_1868 : vector<16xi32>
      %bitcast3A_1870 = vector.bitcast %sub3A_1869 : vector<16xi32> to vector<16xi32>
      %le3A_1871 = vector.broadcast %squeeze3A_1841 : i32 to vector<16xi32>
      %le3A_1872 = arith.cmpi ule, %bitcast3A_1870, %le3A_1871 : vector<16xi32>
      %select_n3A_1873 = arith.select %le3A_1872, %broadcast_in_dim3A_51, %broadcast_in_dim3A_53 : vector<16xi1>, vector<16xf32>
      %add3A_1874 = arith.constant 8 : i32
      %add3A_1875 = arith.addi %mul3A_108, %add3A_1874 : i32
      %swap3A_1876 = arith.index_cast %add3A_1875 : i32 to index
      %swap3A_1877 = arith.constant 32 : index
      %swap3A_1878 = tpu.vector_load %arg7[%swap3A_1876, %swap3A_1877] {strides = array<i32>} : memref<64x256xf32, #tpu.memory_space<vmem>>, vector<1x16xf32>,
      %swap3A_1879 = vector.shape_cast %swap3A_1878 : vector<1x16xf32> to vector<16xf32>
      %swap3A_1880 = vector.shape_cast %select_n3A_1873 : vector<16xf32> to vector<1x16xf32>
      tpu.vector_store %arg7[%swap3A_1876, %swap3A_1877], %swap3A_1880 {strides = array<i32>} : memref<64x256xf32, #tpu.memory_space<vmem>>, vector<1x16xf32>,
      %sub3A_1881 = vector.broadcast %squeeze3A_1835 : i32 to vector<16xi32>
      %sub3A_1882 = arith.subi %add3A_14, %sub3A_1881 : vector<16xi32>
      %bitcast3A_1883 = vector.bitcast %sub3A_1882 : vector<16xi32> to vector<16xi32>
      %le3A_1884 = vector.broadcast %squeeze3A_1841 : i32 to vector<16xi32>
      %le3A_1885 = arith.cmpi ule, %bitcast3A_1883, %le3A_1884 : vector<16xi32>
      %select_n3A_1886 = arith.select %le3A_1885, %broadcast_in_dim3A_51, %broadcast_in_dim3A_53 : vector<16xi1>, vector<16xf32>
      %add3A_1887 = arith.constant 8 : i32
      %add3A_1888 = arith.addi %mul3A_108, %add3A_1887 : i32
      %swap3A_1889 = arith.index_cast %add3A_1888 : i32 to index
      %swap3A_1890 = arith.constant 48 : index
      %swap3A_1891 = tpu.vector_load %arg7[%swap3A_1889, %swap3A_1890] {strides = array<i32>} : memref<64x256xf32, #tpu.memory_space<vmem>>, vector<1x16xf32>,
      %swap3A_1892 = vector.shape_cast %swap3A_1891 : vector<1x16xf32> to vector<16xf32>
      %swap3A_1893 = vector.shape_cast %select_n3A_1886 : vector<16xf32> to vector<1x16xf32>
      tpu.vector_store %arg7[%swap3A_1889, %swap3A_1890], %swap3A_1893 {strides = array<i32>} : memref<64x256xf32, #tpu.memory_space<vmem>>, vector<1x16xf32>,
      %sub3A_1894 = vector.broadcast %squeeze3A_1835 : i32 to vector<16xi32>
      %sub3A_1895 = arith.subi %add3A_17, %sub3A_1894 : vector<16xi32>
      %bitcast3A_1896 = vector.bitcast %sub3A_1895 : vector<16xi32> to vector<16xi32>
      %le3A_1897 = vector.broadcast %squeeze3A_1841 : i32 to vector<16xi32>
      %le3A_1898 = arith.cmpi ule, %bitcast3A_1896, %le3A_1897 : vector<16xi32>
      %select_n3A_1899 = arith.select %le3A_1898, %broadcast_in_dim3A_51, %broadcast_in_dim3A_53 : vector<16xi1>, vector<16xf32>
      %add3A_1900 = arith.constant 8 : i32
      %add3A_1901 = arith.addi %mul3A_108, %add3A_1900 : i32
      %swap3A_1902 = arith.index_cast %add3A_1901 : i32 to index
      %swap3A_1903 = arith.constant 64 : index
      %swap3A_1904 = tpu.vector_load %arg7[%swap3A_1902, %swap3A_1903] {strides = array<i32>} : memref<64x256xf32, #tpu.memory_space<vmem>>, vector<1x16xf32>,
      %swap3A_1905 = vector.shape_cast %swap3A_1904 : vector<1x16xf32> to vector<16xf32>
      %swap3A_1906 = vector.shape_cast %select_n3A_1899 : vector<16xf32> to vector<1x16xf32>
      tpu.vector_store %arg7[%swap3A_1902, %swap3A_1903], %swap3A_1906 {strides = array<i32>} : memref<64x256xf32, #tpu.memory_space<vmem>>, vector<1x16xf32>,
      %sub3A_1907 = vector.broadcast %squeeze3A_1835 : i32 to vector<16xi32>
      %sub3A_1908 = arith.subi %add3A_20, %sub3A_1907 : vector<16xi32>
      %bitcast3A_1909 = vector.bitcast %sub3A_1908 : vector<16xi32> to vector<16xi32>
      %le3A_1910 = vector.broadcast %squeeze3A_1841 : i32 to vector<16xi32>
      %le3A_1911 = arith.cmpi ule, %bitcast3A_1909, %le3A_1910 : vector<16xi32>
      %select_n3A_1912 = arith.select %le3A_1911, %broadcast_in_dim3A_51, %broadcast_in_dim3A_53 : vector<16xi1>, vector<16xf32>
      %add3A_1913 = arith.constant 8 : i32
      %add3A_1914 = arith.addi %mul3A_108, %add3A_1913 : i32
      %swap3A_1915 = arith.index_cast %add3A_1914 : i32 to index
      %swap3A_1916 = arith.constant 80 : index
      %swap3A_1917 = tpu.vector_load %arg7[%swap3A_1915, %swap3A_1916] {strides = array<i32>} : memref<64x256xf32, #tpu.memory_space<vmem>>, vector<1x16xf32>,
      %swap3A_1918 = vector.shape_cast %swap3A_1917 : vector<1x16xf32> to vector<16xf32>
      %swap3A_1919 = vector.shape_cast %select_n3A_1912 : vector<16xf32> to vector<1x16xf32>
      tpu.vector_store %arg7[%swap3A_1915, %swap3A_1916], %swap3A_1919 {strides = array<i32>} : memref<64x256xf32, #tpu.memory_space<vmem>>, vector<1x16xf32>,
      %sub3A_1920 = vector.broadcast %squeeze3A_1835 : i32 to vector<16xi32>
      %sub3A_1921 = arith.subi %add3A_23, %sub3A_1920 : vector<16xi32>
      %bitcast3A_1922 = vector.bitcast %sub3A_1921 : vector<16xi32> to vector<16xi32>
      %le3A_1923 = vector.broadcast %squeeze3A_1841 : i32 to vector<16xi32>
      %le3A_1924 = arith.cmpi ule, %bitcast3A_1922, %le3A_1923 : vector<16xi32>
      %select_n3A_1925 = arith.select %le3A_1924, %broadcast_in_dim3A_51, %broadcast_in_dim3A_53 : vector<16xi1>, vector<16xf32>
      %add3A_1926 = arith.constant 8 : i32
      %add3A_1927 = arith.addi %mul3A_108, %add3A_1926 : i32
      %swap3A_1928 = arith.index_cast %add3A_1927 : i32 to index
      %swap3A_1929 = arith.constant 96 : index
      %swap3A_1930 = tpu.vector_load %arg7[%swap3A_1928, %swap3A_1929] {strides = array<i32>} : memref<64x256xf32, #tpu.memory_space<vmem>>, vector<1x16xf32>,
      %swap3A_1931 = vector.shape_cast %swap3A_1930 : vector<1x16xf32> to vector<16xf32>
      %swap3A_1932 = vector.shape_cast %select_n3A_1925 : vector<16xf32> to vector<1x16xf32>
      tpu.vector_store %arg7[%swap3A_1928, %swap3A_1929], %swap3A_1932 {strides = array<i32>} : memref<64x256xf32, #tpu.memory_space<vmem>>, vector<1x16xf32>,
      %sub3A_1933 = vector.broadcast %squeeze3A_1835 : i32 to vector<16xi32>
      %sub3A_1934 = arith.subi %add3A_26, %sub3A_1933 : vector<16xi32>
      %bitcast3A_1935 = vector.bitcast %sub3A_1934 : vector<16xi32> to vector<16xi32>
      %le3A_1936 = vector.broadcast %squeeze3A_1841 : i32 to vector<16xi32>
      %le3A_1937 = arith.cmpi ule, %bitcast3A_1935, %le3A_1936 : vector<16xi32>
      %select_n3A_1938 = arith.select %le3A_1937, %broadcast_in_dim3A_51, %broadcast_in_dim3A_53 : vector<16xi1>, vector<16xf32>
      %add3A_1939 = arith.constant 8 : i32
      %add3A_1940 = arith.addi %mul3A_108, %add3A_1939 : i32
      %swap3A_1941 = arith.index_cast %add3A_1940 : i32 to index
      %swap3A_1942 = arith.constant 112 : index
      %swap3A_1943 = tpu.vector_load %arg7[%swap3A_1941, %swap3A_1942] {strides = array<i32>} : memref<64x256xf32, #tpu.memory_space<vmem>>, vector<1x16xf32>,
      %swap3A_1944 = vector.shape_cast %swap3A_1943 : vector<1x16xf32> to vector<16xf32>
      %swap3A_1945 = vector.shape_cast %select_n3A_1938 : vector<16xf32> to vector<1x16xf32>
      tpu.vector_store %arg7[%swap3A_1941, %swap3A_1942], %swap3A_1945 {strides = array<i32>} : memref<64x256xf32, #tpu.memory_space<vmem>>, vector<1x16xf32>,
      %sub3A_1946 = vector.broadcast %squeeze3A_1835 : i32 to vector<16xi32>
      %sub3A_1947 = arith.subi %add3A_29, %sub3A_1946 : vector<16xi32>
      %bitcast3A_1948 = vector.bitcast %sub3A_1947 : vector<16xi32> to vector<16xi32>
      %le3A_1949 = vector.broadcast %squeeze3A_1841 : i32 to vector<16xi32>
      %le3A_1950 = arith.cmpi ule, %bitcast3A_1948, %le3A_1949 : vector<16xi32>
      %select_n3A_1951 = arith.select %le3A_1950, %broadcast_in_dim3A_51, %broadcast_in_dim3A_53 : vector<16xi1>, vector<16xf32>
      %add3A_1952 = arith.constant 8 : i32
      %add3A_1953 = arith.addi %mul3A_108, %add3A_1952 : i32
      %swap3A_1954 = arith.index_cast %add3A_1953 : i32 to index
      %swap3A_1955 = arith.constant 128 : index
      %swap3A_1956 = tpu.vector_load %arg7[%swap3A_1954, %swap3A_1955] {strides = array<i32>} : memref<64x256xf32, #tpu.memory_space<vmem>>, vector<1x16xf32>,
      %swap3A_1957 = vector.shape_cast %swap3A_1956 : vector<1x16xf32> to vector<16xf32>
      %swap3A_1958 = vector.shape_cast %select_n3A_1951 : vector<16xf32> to vector<1x16xf32>
      tpu.vector_store %arg7[%swap3A_1954, %swap3A_1955], %swap3A_1958 {strides = array<i32>} : memref<64x256xf32, #tpu.memory_space<vmem>>, vector<1x16xf32>,
      %sub3A_1959 = vector.broadcast %squeeze3A_1835 : i32 to vector<16xi32>
      %sub3A_1960 = arith.subi %add3A_32, %sub3A_1959 : vector<16xi32>
      %bitcast3A_1961 = vector.bitcast %sub3A_1960 : vector<16xi32> to vector<16xi32>
      %le3A_1962 = vector.broadcast %squeeze3A_1841 : i32 to vector<16xi32>
      %le3A_1963 = arith.cmpi ule, %bitcast3A_1961, %le3A_1962 : vector<16xi32>
      %select_n3A_1964 = arith.select %le3A_1963, %broadcast_in_dim3A_51, %broadcast_in_dim3A_53 : vector<16xi1>, vector<16xf32>
      %add3A_1965 = arith.constant 8 : i32
      %add3A_1966 = arith.addi %mul3A_108, %add3A_1965 : i32
      %swap3A_1967 = arith.index_cast %add3A_1966 : i32 to index
      %swap3A_1968 = arith.constant 144 : index
      %swap3A_1969 = tpu.vector_load %arg7[%swap3A_1967, %swap3A_1968] {strides = array<i32>} : memref<64x256xf32, #tpu.memory_space<vmem>>, vector<1x16xf32>,
      %swap3A_1970 = vector.shape_cast %swap3A_1969 : vector<1x16xf32> to vector<16xf32>
      %swap3A_1971 = vector.shape_cast %select_n3A_1964 : vector<16xf32> to vector<1x16xf32>
      tpu.vector_store %arg7[%swap3A_1967, %swap3A_1968], %swap3A_1971 {strides = array<i32>} : memref<64x256xf32, #tpu.memory_space<vmem>>, vector<1x16xf32>,
      %sub3A_1972 = vector.broadcast %squeeze3A_1835 : i32 to vector<16xi32>
      %sub3A_1973 = arith.subi %add3A_35, %sub3A_1972 : vector<16xi32>
      %bitcast3A_1974 = vector.bitcast %sub3A_1973 : vector<16xi32> to vector<16xi32>
      %le3A_1975 = vector.broadcast %squeeze3A_1841 : i32 to vector<16xi32>
      %le3A_1976 = arith.cmpi ule, %bitcast3A_1974, %le3A_1975 : vector<16xi32>
      %select_n3A_1977 = arith.select %le3A_1976, %broadcast_in_dim3A_51, %broadcast_in_dim3A_53 : vector<16xi1>, vector<16xf32>
      %add3A_1978 = arith.constant 8 : i32
      %add3A_1979 = arith.addi %mul3A_108, %add3A_1978 : i32
      %swap3A_1980 = arith.index_cast %add3A_1979 : i32 to index
      %swap3A_1981 = arith.constant 160 : index
      %swap3A_1982 = tpu.vector_load %arg7[%swap3A_1980, %swap3A_1981] {strides = array<i32>} : memref<64x256xf32, #tpu.memory_space<vmem>>, vector<1x16xf32>,
      %swap3A_1983 = vector.shape_cast %swap3A_1982 : vector<1x16xf32> to vector<16xf32>
      %swap3A_1984 = vector.shape_cast %select_n3A_1977 : vector<16xf32> to vector<1x16xf32>
      tpu.vector_store %arg7[%swap3A_1980, %swap3A_1981], %swap3A_1984 {strides = array<i32>} : memref<64x256xf32, #tpu.memory_space<vmem>>, vector<1x16xf32>,
      %sub3A_1985 = vector.broadcast %squeeze3A_1835 : i32 to vector<16xi32>
      %sub3A_1986 = arith.subi %add3A_38, %sub3A_1985 : vector<16xi32>
      %bitcast3A_1987 = vector.bitcast %sub3A_1986 : vector<16xi32> to vector<16xi32>
      %le3A_1988 = vector.broadcast %squeeze3A_1841 : i32 to vector<16xi32>
      %le3A_1989 = arith.cmpi ule, %bitcast3A_1987, %le3A_1988 : vector<16xi32>
      %select_n3A_1990 = arith.select %le3A_1989, %broadcast_in_dim3A_51, %broadcast_in_dim3A_53 : vector<16xi1>, vector<16xf32>
      %add3A_1991 = arith.constant 8 : i32
      %add3A_1992 = arith.addi %mul3A_108, %add3A_1991 : i32
      %swap3A_1993 = arith.index_cast %add3A_1992 : i32 to index
      %swap3A_1994 = arith.constant 176 : index
      %swap3A_1995 = tpu.vector_load %arg7[%swap3A_1993, %swap3A_1994] {strides = array<i32>} : memref<64x256xf32, #tpu.memory_space<vmem>>, vector<1x16xf32>,
      %swap3A_1996 = vector.shape_cast %swap3A_1995 : vector<1x16xf32> to vector<16xf32>
      %swap3A_1997 = vector.shape_cast %select_n3A_1990 : vector<16xf32> to vector<1x16xf32>
      tpu.vector_store %arg7[%swap3A_1993, %swap3A_1994], %swap3A_1997 {strides = array<i32>} : memref<64x256xf32, #tpu.memory_space<vmem>>, vector<1x16xf32>,
      %sub3A_1998 = vector.broadcast %squeeze3A_1835 : i32 to vector<16xi32>
      %sub3A_1999 = arith.subi %add3A_41, %sub3A_1998 : vector<16xi32>
      %bitcast3A_2000 = vector.bitcast %sub3A_1999 : vector<16xi32> to vector<16xi32>
      %le3A_2001 = vector.broadcast %squeeze3A_1841 : i32 to vector<16xi32>
      %le3A_2002 = arith.cmpi ule, %bitcast3A_2000, %le3A_2001 : vector<16xi32>
      %select_n3A_2003 = arith.select %le3A_2002, %broadcast_in_dim3A_51, %broadcast_in_dim3A_53 : vector<16xi1>, vector<16xf32>
      %add3A_2004 = arith.constant 8 : i32
      %add3A_2005 = arith.addi %mul3A_108, %add3A_2004 : i32
      %swap3A_2006 = arith.index_cast %add3A_2005 : i32 to index
      %swap3A_2007 = arith.constant 192 : index
      %swap3A_2008 = tpu.vector_load %arg7[%swap3A_2006, %swap3A_2007] {strides = array<i32>} : memref<64x256xf32, #tpu.memory_space<vmem>>, vector<1x16xf32>,
      %swap3A_2009 = vector.shape_cast %swap3A_2008 : vector<1x16xf32> to vector<16xf32>
      %swap3A_2010 = vector.shape_cast %select_n3A_2003 : vector<16xf32> to vector<1x16xf32>
      tpu.vector_store %arg7[%swap3A_2006, %swap3A_2007], %swap3A_2010 {strides = array<i32>} : memref<64x256xf32, #tpu.memory_space<vmem>>, vector<1x16xf32>,
      %sub3A_2011 = vector.broadcast %squeeze3A_1835 : i32 to vector<16xi32>
      %sub3A_2012 = arith.subi %add3A_44, %sub3A_2011 : vector<16xi32>
      %bitcast3A_2013 = vector.bitcast %sub3A_2012 : vector<16xi32> to vector<16xi32>
      %le3A_2014 = vector.broadcast %squeeze3A_1841 : i32 to vector<16xi32>
      %le3A_2015 = arith.cmpi ule, %bitcast3A_2013, %le3A_2014 : vector<16xi32>
      %select_n3A_2016 = arith.select %le3A_2015, %broadcast_in_dim3A_51, %broadcast_in_dim3A_53 : vector<16xi1>, vector<16xf32>
      %add3A_2017 = arith.constant 8 : i32
      %add3A_2018 = arith.addi %mul3A_108, %add3A_2017 : i32
      %swap3A_2019 = arith.index_cast %add3A_2018 : i32 to index
      %swap3A_2020 = arith.constant 208 : index
      %swap3A_2021 = tpu.vector_load %arg7[%swap3A_2019, %swap3A_2020] {strides = array<i32>} : memref<64x256xf32, #tpu.memory_space<vmem>>, vector<1x16xf32>,
      %swap3A_2022 = vector.shape_cast %swap3A_2021 : vector<1x16xf32> to vector<16xf32>
      %swap3A_2023 = vector.shape_cast %select_n3A_2016 : vector<16xf32> to vector<1x16xf32>
      tpu.vector_store %arg7[%swap3A_2019, %swap3A_2020], %swap3A_2023 {strides = array<i32>} : memref<64x256xf32, #tpu.memory_space<vmem>>, vector<1x16xf32>,
      %sub3A_2024 = vector.broadcast %squeeze3A_1835 : i32 to vector<16xi32>
      %sub3A_2025 = arith.subi %add3A_47, %sub3A_2024 : vector<16xi32>
      %bitcast3A_2026 = vector.bitcast %sub3A_2025 : vector<16xi32> to vector<16xi32>
      %le3A_2027 = vector.broadcast %squeeze3A_1841 : i32 to vector<16xi32>
      %le3A_2028 = arith.cmpi ule, %bitcast3A_2026, %le3A_2027 : vector<16xi32>
      %select_n3A_2029 = arith.select %le3A_2028, %broadcast_in_dim3A_51, %broadcast_in_dim3A_53 : vector<16xi1>, vector<16xf32>
      %add3A_2030 = arith.constant 8 : i32
      %add3A_2031 = arith.addi %mul3A_108, %add3A_2030 : i32
      %swap3A_2032 = arith.index_cast %add3A_2031 : i32 to index
      %swap3A_2033 = arith.constant 224 : index
      %swap3A_2034 = tpu.vector_load %arg7[%swap3A_2032, %swap3A_2033] {strides = array<i32>} : memref<64x256xf32, #tpu.memory_space<vmem>>, vector<1x16xf32>,
      %swap3A_2035 = vector.shape_cast %swap3A_2034 : vector<1x16xf32> to vector<16xf32>
      %swap3A_2036 = vector.shape_cast %select_n3A_2029 : vector<16xf32> to vector<1x16xf32>
      tpu.vector_store %arg7[%swap3A_2032, %swap3A_2033], %swap3A_2036 {strides = array<i32>} : memref<64x256xf32, #tpu.memory_space<vmem>>, vector<1x16xf32>,
      %sub3A_2037 = vector.broadcast %squeeze3A_1835 : i32 to vector<16xi32>
      %sub3A_2038 = arith.subi %add3A_50, %sub3A_2037 : vector<16xi32>
      %bitcast3A_2039 = vector.bitcast %sub3A_2038 : vector<16xi32> to vector<16xi32>
      %le3A_2040 = vector.broadcast %squeeze3A_1841 : i32 to vector<16xi32>
      %le3A_2041 = arith.cmpi ule, %bitcast3A_2039, %le3A_2040 : vector<16xi32>
      %select_n3A_2042 = arith.select %le3A_2041, %broadcast_in_dim3A_51, %broadcast_in_dim3A_53 : vector<16xi1>, vector<16xf32>
      %add3A_2043 = arith.constant 8 : i32
      %add3A_2044 = arith.addi %mul3A_108, %add3A_2043 : i32
      %swap3A_2045 = arith.index_cast %add3A_2044 : i32 to index
      %swap3A_2046 = arith.constant 240 : index
      %swap3A_2047 = tpu.vector_load %arg7[%swap3A_2045, %swap3A_2046] {strides = array<i32>} : memref<64x256xf32, #tpu.memory_space<vmem>>, vector<1x16xf32>,
      %swap3A_2048 = vector.shape_cast %swap3A_2047 : vector<1x16xf32> to vector<16xf32>
      %swap3A_2049 = vector.shape_cast %select_n3A_2042 : vector<16xf32> to vector<1x16xf32>
      tpu.vector_store %arg7[%swap3A_2045, %swap3A_2046], %swap3A_2049 {strides = array<i32>} : memref<64x256xf32, #tpu.memory_space<vmem>>, vector<1x16xf32>,
      %slice3A_2050 = vector.extract_strided_slice %get3A_110 {offsets = [9], sizes = [1], strides = [1]} : vector<16xi32> to vector<1xi32>
      %squeeze3A_2051 = vector.extract %slice3A_2050[0] : i32 from vector<1xi32>
      %slice3A_2052 = vector.extract_strided_slice %get3A_113 {offsets = [9], sizes = [1], strides = [1]} : vector<16xi32> to vector<1xi32>
      %squeeze3A_2053 = vector.extract %slice3A_2052[0] : i32 from vector<1xi32>
      %sub3A_2054 = arith.subi %squeeze3A_2053, %squeeze3A_2051 : i32
      %reshape3A_2055 = vector.broadcast %sub3A_2054 : i32 to vector<1xi32>
      %bitcast3A_2056 = vector.bitcast %reshape3A_2055 : vector<1xi32> to vector<1xi32>
      %squeeze3A_2057 = vector.extract %bitcast3A_2056[0] : i32 from vector<1xi32>
      %sub3A_2058 = vector.broadcast %squeeze3A_2051 : i32 to vector<16xi32>
      %sub3A_2059 = arith.subi %add3A_5, %sub3A_2058 : vector<16xi32>
      %bitcast3A_2060 = vector.bitcast %sub3A_2059 : vector<16xi32> to vector<16xi32>
      %le3A_2061 = vector.broadcast %squeeze3A_2057 : i32 to vector<16xi32>
      %le3A_2062 = arith.cmpi ule, %bitcast3A_2060, %le3A_2061 : vector<16xi32>
      %select_n3A_2063 = arith.select %le3A_2062, %broadcast_in_dim3A_51, %broadcast_in_dim3A_53 : vector<16xi1>, vector<16xf32>
      %add3A_2064 = arith.constant 9 : i32
      %add3A_2065 = arith.addi %mul3A_108, %add3A_2064 : i32
      %swap3A_2066 = arith.index_cast %add3A_2065 : i32 to index
      %swap3A_2067 = arith.constant 0 : index
      %swap3A_2068 = tpu.vector_load %arg7[%swap3A_2066, %swap3A_2067] {strides = array<i32>} : memref<64x256xf32, #tpu.memory_space<vmem>>, vector<1x16xf32>,
      %swap3A_2069 = vector.shape_cast %swap3A_2068 : vector<1x16xf32> to vector<16xf32>
      %swap3A_2070 = vector.shape_cast %select_n3A_2063 : vector<16xf32> to vector<1x16xf32>
      tpu.vector_store %arg7[%swap3A_2066, %swap3A_2067], %swap3A_2070 {strides = array<i32>} : memref<64x256xf32, #tpu.memory_space<vmem>>, vector<1x16xf32>,
      %sub3A_2071 = vector.broadcast %squeeze3A_2051 : i32 to vector<16xi32>
      %sub3A_2072 = arith.subi %add3A_8, %sub3A_2071 : vector<16xi32>
      %bitcast3A_2073 = vector.bitcast %sub3A_2072 : vector<16xi32> to vector<16xi32>
      %le3A_2074 = vector.broadcast %squeeze3A_2057 : i32 to vector<16xi32>
      %le3A_2075 = arith.cmpi ule, %bitcast3A_2073, %le3A_2074 : vector<16xi32>
      %select_n3A_2076 = arith.select %le3A_2075, %broadcast_in_dim3A_51, %broadcast_in_dim3A_53 : vector<16xi1>, vector<16xf32>
      %add3A_2077 = arith.constant 9 : i32
      %add3A_2078 = arith.addi %mul3A_108, %add3A_2077 : i32
      %swap3A_2079 = arith.index_cast %add3A_2078 : i32 to index
      %swap3A_2080 = arith.constant 16 : index
      %swap3A_2081 = tpu.vector_load %arg7[%swap3A_2079, %swap3A_2080] {strides = array<i32>} : memref<64x256xf32, #tpu.memory_space<vmem>>, vector<1x16xf32>,
      %swap3A_2082 = vector.shape_cast %swap3A_2081 : vector<1x16xf32> to vector<16xf32>
      %swap3A_2083 = vector.shape_cast %select_n3A_2076 : vector<16xf32> to vector<1x16xf32>
      tpu.vector_store %arg7[%swap3A_2079, %swap3A_2080], %swap3A_2083 {strides = array<i32>} : memref<64x256xf32, #tpu.memory_space<vmem>>, vector<1x16xf32>,
      %sub3A_2084 = vector.broadcast %squeeze3A_2051 : i32 to vector<16xi32>
      %sub3A_2085 = arith.subi %add3A_11, %sub3A_2084 : vector<16xi32>
      %bitcast3A_2086 = vector.bitcast %sub3A_2085 : vector<16xi32> to vector<16xi32>
      %le3A_2087 = vector.broadcast %squeeze3A_2057 : i32 to vector<16xi32>
      %le3A_2088 = arith.cmpi ule, %bitcast3A_2086, %le3A_2087 : vector<16xi32>
      %select_n3A_2089 = arith.select %le3A_2088, %broadcast_in_dim3A_51, %broadcast_in_dim3A_53 : vector<16xi1>, vector<16xf32>
      %add3A_2090 = arith.constant 9 : i32
      %add3A_2091 = arith.addi %mul3A_108, %add3A_2090 : i32
      %swap3A_2092 = arith.index_cast %add3A_2091 : i32 to index
      %swap3A_2093 = arith.constant 32 : index
      %swap3A_2094 = tpu.vector_load %arg7[%swap3A_2092, %swap3A_2093] {strides = array<i32>} : memref<64x256xf32, #tpu.memory_space<vmem>>, vector<1x16xf32>,
      %swap3A_2095 = vector.shape_cast %swap3A_2094 : vector<1x16xf32> to vector<16xf32>
      %swap3A_2096 = vector.shape_cast %select_n3A_2089 : vector<16xf32> to vector<1x16xf32>
      tpu.vector_store %arg7[%swap3A_2092, %swap3A_2093], %swap3A_2096 {strides = array<i32>} : memref<64x256xf32, #tpu.memory_space<vmem>>, vector<1x16xf32>,
      %sub3A_2097 = vector.broadcast %squeeze3A_2051 : i32 to vector<16xi32>
      %sub3A_2098 = arith.subi %add3A_14, %sub3A_2097 : vector<16xi32>
      %bitcast3A_2099 = vector.bitcast %sub3A_2098 : vector<16xi32> to vector<16xi32>
      %le3A_2100 = vector.broadcast %squeeze3A_2057 : i32 to vector<16xi32>
      %le3A_2101 = arith.cmpi ule, %bitcast3A_2099, %le3A_2100 : vector<16xi32>
      %select_n3A_2102 = arith.select %le3A_2101, %broadcast_in_dim3A_51, %broadcast_in_dim3A_53 : vector<16xi1>, vector<16xf32>
      %add3A_2103 = arith.constant 9 : i32
      %add3A_2104 = arith.addi %mul3A_108, %add3A_2103 : i32
      %swap3A_2105 = arith.index_cast %add3A_2104 : i32 to index
      %swap3A_2106 = arith.constant 48 : index
      %swap3A_2107 = tpu.vector_load %arg7[%swap3A_2105, %swap3A_2106] {strides = array<i32>} : memref<64x256xf32, #tpu.memory_space<vmem>>, vector<1x16xf32>,
      %swap3A_2108 = vector.shape_cast %swap3A_2107 : vector<1x16xf32> to vector<16xf32>
      %swap3A_2109 = vector.shape_cast %select_n3A_2102 : vector<16xf32> to vector<1x16xf32>
      tpu.vector_store %arg7[%swap3A_2105, %swap3A_2106], %swap3A_2109 {strides = array<i32>} : memref<64x256xf32, #tpu.memory_space<vmem>>, vector<1x16xf32>,
      %sub3A_2110 = vector.broadcast %squeeze3A_2051 : i32 to vector<16xi32>
      %sub3A_2111 = arith.subi %add3A_17, %sub3A_2110 : vector<16xi32>
      %bitcast3A_2112 = vector.bitcast %sub3A_2111 : vector<16xi32> to vector<16xi32>
      %le3A_2113 = vector.broadcast %squeeze3A_2057 : i32 to vector<16xi32>
      %le3A_2114 = arith.cmpi ule, %bitcast3A_2112, %le3A_2113 : vector<16xi32>
      %select_n3A_2115 = arith.select %le3A_2114, %broadcast_in_dim3A_51, %broadcast_in_dim3A_53 : vector<16xi1>, vector<16xf32>
      %add3A_2116 = arith.constant 9 : i32
      %add3A_2117 = arith.addi %mul3A_108, %add3A_2116 : i32
      %swap3A_2118 = arith.index_cast %add3A_2117 : i32 to index
      %swap3A_2119 = arith.constant 64 : index
      %swap3A_2120 = tpu.vector_load %arg7[%swap3A_2118, %swap3A_2119] {strides = array<i32>} : memref<64x256xf32, #tpu.memory_space<vmem>>, vector<1x16xf32>,
      %swap3A_2121 = vector.shape_cast %swap3A_2120 : vector<1x16xf32> to vector<16xf32>
      %swap3A_2122 = vector.shape_cast %select_n3A_2115 : vector<16xf32> to vector<1x16xf32>
      tpu.vector_store %arg7[%swap3A_2118, %swap3A_2119], %swap3A_2122 {strides = array<i32>} : memref<64x256xf32, #tpu.memory_space<vmem>>, vector<1x16xf32>,
      %sub3A_2123 = vector.broadcast %squeeze3A_2051 : i32 to vector<16xi32>
      %sub3A_2124 = arith.subi %add3A_20, %sub3A_2123 : vector<16xi32>
      %bitcast3A_2125 = vector.bitcast %sub3A_2124 : vector<16xi32> to vector<16xi32>
      %le3A_2126 = vector.broadcast %squeeze3A_2057 : i32 to vector<16xi32>
      %le3A_2127 = arith.cmpi ule, %bitcast3A_2125, %le3A_2126 : vector<16xi32>
      %select_n3A_2128 = arith.select %le3A_2127, %broadcast_in_dim3A_51, %broadcast_in_dim3A_53 : vector<16xi1>, vector<16xf32>
      %add3A_2129 = arith.constant 9 : i32
      %add3A_2130 = arith.addi %mul3A_108, %add3A_2129 : i32
      %swap3A_2131 = arith.index_cast %add3A_2130 : i32 to index
      %swap3A_2132 = arith.constant 80 : index
      %swap3A_2133 = tpu.vector_load %arg7[%swap3A_2131, %swap3A_2132] {strides = array<i32>} : memref<64x256xf32, #tpu.memory_space<vmem>>, vector<1x16xf32>,
      %swap3A_2134 = vector.shape_cast %swap3A_2133 : vector<1x16xf32> to vector<16xf32>
      %swap3A_2135 = vector.shape_cast %select_n3A_2128 : vector<16xf32> to vector<1x16xf32>
      tpu.vector_store %arg7[%swap3A_2131, %swap3A_2132], %swap3A_2135 {strides = array<i32>} : memref<64x256xf32, #tpu.memory_space<vmem>>, vector<1x16xf32>,
      %sub3A_2136 = vector.broadcast %squeeze3A_2051 : i32 to vector<16xi32>
      %sub3A_2137 = arith.subi %add3A_23, %sub3A_2136 : vector<16xi32>
      %bitcast3A_2138 = vector.bitcast %sub3A_2137 : vector<16xi32> to vector<16xi32>
      %le3A_2139 = vector.broadcast %squeeze3A_2057 : i32 to vector<16xi32>
      %le3A_2140 = arith.cmpi ule, %bitcast3A_2138, %le3A_2139 : vector<16xi32>
      %select_n3A_2141 = arith.select %le3A_2140, %broadcast_in_dim3A_51, %broadcast_in_dim3A_53 : vector<16xi1>, vector<16xf32>
      %add3A_2142 = arith.constant 9 : i32
      %add3A_2143 = arith.addi %mul3A_108, %add3A_2142 : i32
      %swap3A_2144 = arith.index_cast %add3A_2143 : i32 to index
      %swap3A_2145 = arith.constant 96 : index
      %swap3A_2146 = tpu.vector_load %arg7[%swap3A_2144, %swap3A_2145] {strides = array<i32>} : memref<64x256xf32, #tpu.memory_space<vmem>>, vector<1x16xf32>,
      %swap3A_2147 = vector.shape_cast %swap3A_2146 : vector<1x16xf32> to vector<16xf32>
      %swap3A_2148 = vector.shape_cast %select_n3A_2141 : vector<16xf32> to vector<1x16xf32>
      tpu.vector_store %arg7[%swap3A_2144, %swap3A_2145], %swap3A_2148 {strides = array<i32>} : memref<64x256xf32, #tpu.memory_space<vmem>>, vector<1x16xf32>,
      %sub3A_2149 = vector.broadcast %squeeze3A_2051 : i32 to vector<16xi32>
      %sub3A_2150 = arith.subi %add3A_26, %sub3A_2149 : vector<16xi32>
      %bitcast3A_2151 = vector.bitcast %sub3A_2150 : vector<16xi32> to vector<16xi32>
      %le3A_2152 = vector.broadcast %squeeze3A_2057 : i32 to vector<16xi32>
      %le3A_2153 = arith.cmpi ule, %bitcast3A_2151, %le3A_2152 : vector<16xi32>
      %select_n3A_2154 = arith.select %le3A_2153, %broadcast_in_dim3A_51, %broadcast_in_dim3A_53 : vector<16xi1>, vector<16xf32>
      %add3A_2155 = arith.constant 9 : i32
      %add3A_2156 = arith.addi %mul3A_108, %add3A_2155 : i32
      %swap3A_2157 = arith.index_cast %add3A_2156 : i32 to index
      %swap3A_2158 = arith.constant 112 : index
      %swap3A_2159 = tpu.vector_load %arg7[%swap3A_2157, %swap3A_2158] {strides = array<i32>} : memref<64x256xf32, #tpu.memory_space<vmem>>, vector<1x16xf32>,
      %swap3A_2160 = vector.shape_cast %swap3A_2159 : vector<1x16xf32> to vector<16xf32>
      %swap3A_2161 = vector.shape_cast %select_n3A_2154 : vector<16xf32> to vector<1x16xf32>
      tpu.vector_store %arg7[%swap3A_2157, %swap3A_2158], %swap3A_2161 {strides = array<i32>} : memref<64x256xf32, #tpu.memory_space<vmem>>, vector<1x16xf32>,
      %sub3A_2162 = vector.broadcast %squeeze3A_2051 : i32 to vector<16xi32>
      %sub3A_2163 = arith.subi %add3A_29, %sub3A_2162 : vector<16xi32>
      %bitcast3A_2164 = vector.bitcast %sub3A_2163 : vector<16xi32> to vector<16xi32>
      %le3A_2165 = vector.broadcast %squeeze3A_2057 : i32 to vector<16xi32>
      %le3A_2166 = arith.cmpi ule, %bitcast3A_2164, %le3A_2165 : vector<16xi32>
      %select_n3A_2167 = arith.select %le3A_2166, %broadcast_in_dim3A_51, %broadcast_in_dim3A_53 : vector<16xi1>, vector<16xf32>
      %add3A_2168 = arith.constant 9 : i32
      %add3A_2169 = arith.addi %mul3A_108, %add3A_2168 : i32
      %swap3A_2170 = arith.index_cast %add3A_2169 : i32 to index
      %swap3A_2171 = arith.constant 128 : index
      %swap3A_2172 = tpu.vector_load %arg7[%swap3A_2170, %swap3A_2171] {strides = array<i32>} : memref<64x256xf32, #tpu.memory_space<vmem>>, vector<1x16xf32>,
      %swap3A_2173 = vector.shape_cast %swap3A_2172 : vector<1x16xf32> to vector<16xf32>
      %swap3A_2174 = vector.shape_cast %select_n3A_2167 : vector<16xf32> to vector<1x16xf32>
      tpu.vector_store %arg7[%swap3A_2170, %swap3A_2171], %swap3A_2174 {strides = array<i32>} : memref<64x256xf32, #tpu.memory_space<vmem>>, vector<1x16xf32>,
      %sub3A_2175 = vector.broadcast %squeeze3A_2051 : i32 to vector<16xi32>
      %sub3A_2176 = arith.subi %add3A_32, %sub3A_2175 : vector<16xi32>
      %bitcast3A_2177 = vector.bitcast %sub3A_2176 : vector<16xi32> to vector<16xi32>
      %le3A_2178 = vector.broadcast %squeeze3A_2057 : i32 to vector<16xi32>
      %le3A_2179 = arith.cmpi ule, %bitcast3A_2177, %le3A_2178 : vector<16xi32>
      %select_n3A_2180 = arith.select %le3A_2179, %broadcast_in_dim3A_51, %broadcast_in_dim3A_53 : vector<16xi1>, vector<16xf32>
      %add3A_2181 = arith.constant 9 : i32
      %add3A_2182 = arith.addi %mul3A_108, %add3A_2181 : i32
      %swap3A_2183 = arith.index_cast %add3A_2182 : i32 to index
      %swap3A_2184 = arith.constant 144 : index
      %swap3A_2185 = tpu.vector_load %arg7[%swap3A_2183, %swap3A_2184] {strides = array<i32>} : memref<64x256xf32, #tpu.memory_space<vmem>>, vector<1x16xf32>,
      %swap3A_2186 = vector.shape_cast %swap3A_2185 : vector<1x16xf32> to vector<16xf32>
      %swap3A_2187 = vector.shape_cast %select_n3A_2180 : vector<16xf32> to vector<1x16xf32>
      tpu.vector_store %arg7[%swap3A_2183, %swap3A_2184], %swap3A_2187 {strides = array<i32>} : memref<64x256xf32, #tpu.memory_space<vmem>>, vector<1x16xf32>,
      %sub3A_2188 = vector.broadcast %squeeze3A_2051 : i32 to vector<16xi32>
      %sub3A_2189 = arith.subi %add3A_35, %sub3A_2188 : vector<16xi32>
      %bitcast3A_2190 = vector.bitcast %sub3A_2189 : vector<16xi32> to vector<16xi32>
      %le3A_2191 = vector.broadcast %squeeze3A_2057 : i32 to vector<16xi32>
      %le3A_2192 = arith.cmpi ule, %bitcast3A_2190, %le3A_2191 : vector<16xi32>
      %select_n3A_2193 = arith.select %le3A_2192, %broadcast_in_dim3A_51, %broadcast_in_dim3A_53 : vector<16xi1>, vector<16xf32>
      %add3A_2194 = arith.constant 9 : i32
      %add3A_2195 = arith.addi %mul3A_108, %add3A_2194 : i32
      %swap3A_2196 = arith.index_cast %add3A_2195 : i32 to index
      %swap3A_2197 = arith.constant 160 : index
      %swap3A_2198 = tpu.vector_load %arg7[%swap3A_2196, %swap3A_2197] {strides = array<i32>} : memref<64x256xf32, #tpu.memory_space<vmem>>, vector<1x16xf32>,
      %swap3A_2199 = vector.shape_cast %swap3A_2198 : vector<1x16xf32> to vector<16xf32>
      %swap3A_2200 = vector.shape_cast %select_n3A_2193 : vector<16xf32> to vector<1x16xf32>
      tpu.vector_store %arg7[%swap3A_2196, %swap3A_2197], %swap3A_2200 {strides = array<i32>} : memref<64x256xf32, #tpu.memory_space<vmem>>, vector<1x16xf32>,
      %sub3A_2201 = vector.broadcast %squeeze3A_2051 : i32 to vector<16xi32>
      %sub3A_2202 = arith.subi %add3A_38, %sub3A_2201 : vector<16xi32>
      %bitcast3A_2203 = vector.bitcast %sub3A_2202 : vector<16xi32> to vector<16xi32>
      %le3A_2204 = vector.broadcast %squeeze3A_2057 : i32 to vector<16xi32>
      %le3A_2205 = arith.cmpi ule, %bitcast3A_2203, %le3A_2204 : vector<16xi32>
      %select_n3A_2206 = arith.select %le3A_2205, %broadcast_in_dim3A_51, %broadcast_in_dim3A_53 : vector<16xi1>, vector<16xf32>
      %add3A_2207 = arith.constant 9 : i32
      %add3A_2208 = arith.addi %mul3A_108, %add3A_2207 : i32
      %swap3A_2209 = arith.index_cast %add3A_2208 : i32 to index
      %swap3A_2210 = arith.constant 176 : index
      %swap3A_2211 = tpu.vector_load %arg7[%swap3A_2209, %swap3A_2210] {strides = array<i32>} : memref<64x256xf32, #tpu.memory_space<vmem>>, vector<1x16xf32>,
      %swap3A_2212 = vector.shape_cast %swap3A_2211 : vector<1x16xf32> to vector<16xf32>
      %swap3A_2213 = vector.shape_cast %select_n3A_2206 : vector<16xf32> to vector<1x16xf32>
      tpu.vector_store %arg7[%swap3A_2209, %swap3A_2210], %swap3A_2213 {strides = array<i32>} : memref<64x256xf32, #tpu.memory_space<vmem>>, vector<1x16xf32>,
      %sub3A_2214 = vector.broadcast %squeeze3A_2051 : i32 to vector<16xi32>
      %sub3A_2215 = arith.subi %add3A_41, %sub3A_2214 : vector<16xi32>
      %bitcast3A_2216 = vector.bitcast %sub3A_2215 : vector<16xi32> to vector<16xi32>
      %le3A_2217 = vector.broadcast %squeeze3A_2057 : i32 to vector<16xi32>
      %le3A_2218 = arith.cmpi ule, %bitcast3A_2216, %le3A_2217 : vector<16xi32>
      %select_n3A_2219 = arith.select %le3A_2218, %broadcast_in_dim3A_51, %broadcast_in_dim3A_53 : vector<16xi1>, vector<16xf32>
      %add3A_2220 = arith.constant 9 : i32
      %add3A_2221 = arith.addi %mul3A_108, %add3A_2220 : i32
      %swap3A_2222 = arith.index_cast %add3A_2221 : i32 to index
      %swap3A_2223 = arith.constant 192 : index
      %swap3A_2224 = tpu.vector_load %arg7[%swap3A_2222, %swap3A_2223] {strides = array<i32>} : memref<64x256xf32, #tpu.memory_space<vmem>>, vector<1x16xf32>,
      %swap3A_2225 = vector.shape_cast %swap3A_2224 : vector<1x16xf32> to vector<16xf32>
      %swap3A_2226 = vector.shape_cast %select_n3A_2219 : vector<16xf32> to vector<1x16xf32>
      tpu.vector_store %arg7[%swap3A_2222, %swap3A_2223], %swap3A_2226 {strides = array<i32>} : memref<64x256xf32, #tpu.memory_space<vmem>>, vector<1x16xf32>,
      %sub3A_2227 = vector.broadcast %squeeze3A_2051 : i32 to vector<16xi32>
      %sub3A_2228 = arith.subi %add3A_44, %sub3A_2227 : vector<16xi32>
      %bitcast3A_2229 = vector.bitcast %sub3A_2228 : vector<16xi32> to vector<16xi32>
      %le3A_2230 = vector.broadcast %squeeze3A_2057 : i32 to vector<16xi32>
      %le3A_2231 = arith.cmpi ule, %bitcast3A_2229, %le3A_2230 : vector<16xi32>
      %select_n3A_2232 = arith.select %le3A_2231, %broadcast_in_dim3A_51, %broadcast_in_dim3A_53 : vector<16xi1>, vector<16xf32>
      %add3A_2233 = arith.constant 9 : i32
      %add3A_2234 = arith.addi %mul3A_108, %add3A_2233 : i32
      %swap3A_2235 = arith.index_cast %add3A_2234 : i32 to index
      %swap3A_2236 = arith.constant 208 : index
      %swap3A_2237 = tpu.vector_load %arg7[%swap3A_2235, %swap3A_2236] {strides = array<i32>} : memref<64x256xf32, #tpu.memory_space<vmem>>, vector<1x16xf32>,
      %swap3A_2238 = vector.shape_cast %swap3A_2237 : vector<1x16xf32> to vector<16xf32>
      %swap3A_2239 = vector.shape_cast %select_n3A_2232 : vector<16xf32> to vector<1x16xf32>
      tpu.vector_store %arg7[%swap3A_2235, %swap3A_2236], %swap3A_2239 {strides = array<i32>} : memref<64x256xf32, #tpu.memory_space<vmem>>, vector<1x16xf32>,
      %sub3A_2240 = vector.broadcast %squeeze3A_2051 : i32 to vector<16xi32>
      %sub3A_2241 = arith.subi %add3A_47, %sub3A_2240 : vector<16xi32>
      %bitcast3A_2242 = vector.bitcast %sub3A_2241 : vector<16xi32> to vector<16xi32>
      %le3A_2243 = vector.broadcast %squeeze3A_2057 : i32 to vector<16xi32>
      %le3A_2244 = arith.cmpi ule, %bitcast3A_2242, %le3A_2243 : vector<16xi32>
      %select_n3A_2245 = arith.select %le3A_2244, %broadcast_in_dim3A_51, %broadcast_in_dim3A_53 : vector<16xi1>, vector<16xf32>
      %add3A_2246 = arith.constant 9 : i32
      %add3A_2247 = arith.addi %mul3A_108, %add3A_2246 : i32
      %swap3A_2248 = arith.index_cast %add3A_2247 : i32 to index
      %swap3A_2249 = arith.constant 224 : index
      %swap3A_2250 = tpu.vector_load %arg7[%swap3A_2248, %swap3A_2249] {strides = array<i32>} : memref<64x256xf32, #tpu.memory_space<vmem>>, vector<1x16xf32>,
      %swap3A_2251 = vector.shape_cast %swap3A_2250 : vector<1x16xf32> to vector<16xf32>
      %swap3A_2252 = vector.shape_cast %select_n3A_2245 : vector<16xf32> to vector<1x16xf32>
      tpu.vector_store %arg7[%swap3A_2248, %swap3A_2249], %swap3A_2252 {strides = array<i32>} : memref<64x256xf32, #tpu.memory_space<vmem>>, vector<1x16xf32>,
      %sub3A_2253 = vector.broadcast %squeeze3A_2051 : i32 to vector<16xi32>
      %sub3A_2254 = arith.subi %add3A_50, %sub3A_2253 : vector<16xi32>
      %bitcast3A_2255 = vector.bitcast %sub3A_2254 : vector<16xi32> to vector<16xi32>
      %le3A_2256 = vector.broadcast %squeeze3A_2057 : i32 to vector<16xi32>
      %le3A_2257 = arith.cmpi ule, %bitcast3A_2255, %le3A_2256 : vector<16xi32>
      %select_n3A_2258 = arith.select %le3A_2257, %broadcast_in_dim3A_51, %broadcast_in_dim3A_53 : vector<16xi1>, vector<16xf32>
      %add3A_2259 = arith.constant 9 : i32
      %add3A_2260 = arith.addi %mul3A_108, %add3A_2259 : i32
      %swap3A_2261 = arith.index_cast %add3A_2260 : i32 to index
      %swap3A_2262 = arith.constant 240 : index
      %swap3A_2263 = tpu.vector_load %arg7[%swap3A_2261, %swap3A_2262] {strides = array<i32>} : memref<64x256xf32, #tpu.memory_space<vmem>>, vector<1x16xf32>,
      %swap3A_2264 = vector.shape_cast %swap3A_2263 : vector<1x16xf32> to vector<16xf32>
      %swap3A_2265 = vector.shape_cast %select_n3A_2258 : vector<16xf32> to vector<1x16xf32>
      tpu.vector_store %arg7[%swap3A_2261, %swap3A_2262], %swap3A_2265 {strides = array<i32>} : memref<64x256xf32, #tpu.memory_space<vmem>>, vector<1x16xf32>,
      %slice3A_2266 = vector.extract_strided_slice %get3A_110 {offsets = [10], sizes = [1], strides = [1]} : vector<16xi32> to vector<1xi32>
      %squeeze3A_2267 = vector.extract %slice3A_2266[0] : i32 from vector<1xi32>
      %slice3A_2268 = vector.extract_strided_slice %get3A_113 {offsets = [10], sizes = [1], strides = [1]} : vector<16xi32> to vector<1xi32>
      %squeeze3A_2269 = vector.extract %slice3A_2268[0] : i32 from vector<1xi32>
      %sub3A_2270 = arith.subi %squeeze3A_2269, %squeeze3A_2267 : i32
      %reshape3A_2271 = vector.broadcast %sub3A_2270 : i32 to vector<1xi32>
      %bitcast3A_2272 = vector.bitcast %reshape3A_2271 : vector<1xi32> to vector<1xi32>
      %squeeze3A_2273 = vector.extract %bitcast3A_2272[0] : i32 from vector<1xi32>
      %sub3A_2274 = vector.broadcast %squeeze3A_2267 : i32 to vector<16xi32>
      %sub3A_2275 = arith.subi %add3A_5, %sub3A_2274 : vector<16xi32>
      %bitcast3A_2276 = vector.bitcast %sub3A_2275 : vector<16xi32> to vector<16xi32>
      %le3A_2277 = vector.broadcast %squeeze3A_2273 : i32 to vector<16xi32>
      %le3A_2278 = arith.cmpi ule, %bitcast3A_2276, %le3A_2277 : vector<16xi32>
      %select_n3A_2279 = arith.select %le3A_2278, %broadcast_in_dim3A_51, %broadcast_in_dim3A_53 : vector<16xi1>, vector<16xf32>
      %add3A_2280 = arith.constant 10 : i32
      %add3A_2281 = arith.addi %mul3A_108, %add3A_2280 : i32
      %swap3A_2282 = arith.index_cast %add3A_2281 : i32 to index
      %swap3A_2283 = arith.constant 0 : index
      %swap3A_2284 = tpu.vector_load %arg7[%swap3A_2282, %swap3A_2283] {strides = array<i32>} : memref<64x256xf32, #tpu.memory_space<vmem>>, vector<1x16xf32>,
      %swap3A_2285 = vector.shape_cast %swap3A_2284 : vector<1x16xf32> to vector<16xf32>
      %swap3A_2286 = vector.shape_cast %select_n3A_2279 : vector<16xf32> to vector<1x16xf32>
      tpu.vector_store %arg7[%swap3A_2282, %swap3A_2283], %swap3A_2286 {strides = array<i32>} : memref<64x256xf32, #tpu.memory_space<vmem>>, vector<1x16xf32>,
      %sub3A_2287 = vector.broadcast %squeeze3A_2267 : i32 to vector<16xi32>
      %sub3A_2288 = arith.subi %add3A_8, %sub3A_2287 : vector<16xi32>
      %bitcast3A_2289 = vector.bitcast %sub3A_2288 : vector<16xi32> to vector<16xi32>
      %le3A_2290 = vector.broadcast %squeeze3A_2273 : i32 to vector<16xi32>
      %le3A_2291 = arith.cmpi ule, %bitcast3A_2289, %le3A_2290 : vector<16xi32>
      %select_n3A_2292 = arith.select %le3A_2291, %broadcast_in_dim3A_51, %broadcast_in_dim3A_53 : vector<16xi1>, vector<16xf32>
      %add3A_2293 = arith.constant 10 : i32
      %add3A_2294 = arith.addi %mul3A_108, %add3A_2293 : i32
      %swap3A_2295 = arith.index_cast %add3A_2294 : i32 to index
      %swap3A_2296 = arith.constant 16 : index
      %swap3A_2297 = tpu.vector_load %arg7[%swap3A_2295, %swap3A_2296] {strides = array<i32>} : memref<64x256xf32, #tpu.memory_space<vmem>>, vector<1x16xf32>,
      %swap3A_2298 = vector.shape_cast %swap3A_2297 : vector<1x16xf32> to vector<16xf32>
      %swap3A_2299 = vector.shape_cast %select_n3A_2292 : vector<16xf32> to vector<1x16xf32>
      tpu.vector_store %arg7[%swap3A_2295, %swap3A_2296], %swap3A_2299 {strides = array<i32>} : memref<64x256xf32, #tpu.memory_space<vmem>>, vector<1x16xf32>,
      %sub3A_2300 = vector.broadcast %squeeze3A_2267 : i32 to vector<16xi32>
      %sub3A_2301 = arith.subi %add3A_11, %sub3A_2300 : vector<16xi32>
      %bitcast3A_2302 = vector.bitcast %sub3A_2301 : vector<16xi32> to vector<16xi32>
      %le3A_2303 = vector.broadcast %squeeze3A_2273 : i32 to vector<16xi32>
      %le3A_2304 = arith.cmpi ule, %bitcast3A_2302, %le3A_2303 : vector<16xi32>
      %select_n3A_2305 = arith.select %le3A_2304, %broadcast_in_dim3A_51, %broadcast_in_dim3A_53 : vector<16xi1>, vector<16xf32>
      %add3A_2306 = arith.constant 10 : i32
      %add3A_2307 = arith.addi %mul3A_108, %add3A_2306 : i32
      %swap3A_2308 = arith.index_cast %add3A_2307 : i32 to index
      %swap3A_2309 = arith.constant 32 : index
      %swap3A_2310 = tpu.vector_load %arg7[%swap3A_2308, %swap3A_2309] {strides = array<i32>} : memref<64x256xf32, #tpu.memory_space<vmem>>, vector<1x16xf32>,
      %swap3A_2311 = vector.shape_cast %swap3A_2310 : vector<1x16xf32> to vector<16xf32>
      %swap3A_2312 = vector.shape_cast %select_n3A_2305 : vector<16xf32> to vector<1x16xf32>
      tpu.vector_store %arg7[%swap3A_2308, %swap3A_2309], %swap3A_2312 {strides = array<i32>} : memref<64x256xf32, #tpu.memory_space<vmem>>, vector<1x16xf32>,
      %sub3A_2313 = vector.broadcast %squeeze3A_2267 : i32 to vector<16xi32>
      %sub3A_2314 = arith.subi %add3A_14, %sub3A_2313 : vector<16xi32>
      %bitcast3A_2315 = vector.bitcast %sub3A_2314 : vector<16xi32> to vector<16xi32>
      %le3A_2316 = vector.broadcast %squeeze3A_2273 : i32 to vector<16xi32>
      %le3A_2317 = arith.cmpi ule, %bitcast3A_2315, %le3A_2316 : vector<16xi32>
      %select_n3A_2318 = arith.select %le3A_2317, %broadcast_in_dim3A_51, %broadcast_in_dim3A_53 : vector<16xi1>, vector<16xf32>
      %add3A_2319 = arith.constant 10 : i32
      %add3A_2320 = arith.addi %mul3A_108, %add3A_2319 : i32
      %swap3A_2321 = arith.index_cast %add3A_2320 : i32 to index
      %swap3A_2322 = arith.constant 48 : index
      %swap3A_2323 = tpu.vector_load %arg7[%swap3A_2321, %swap3A_2322] {strides = array<i32>} : memref<64x256xf32, #tpu.memory_space<vmem>>, vector<1x16xf32>,
      %swap3A_2324 = vector.shape_cast %swap3A_2323 : vector<1x16xf32> to vector<16xf32>
      %swap3A_2325 = vector.shape_cast %select_n3A_2318 : vector<16xf32> to vector<1x16xf32>
      tpu.vector_store %arg7[%swap3A_2321, %swap3A_2322], %swap3A_2325 {strides = array<i32>} : memref<64x256xf32, #tpu.memory_space<vmem>>, vector<1x16xf32>,
      %sub3A_2326 = vector.broadcast %squeeze3A_2267 : i32 to vector<16xi32>
      %sub3A_2327 = arith.subi %add3A_17, %sub3A_2326 : vector<16xi32>
      %bitcast3A_2328 = vector.bitcast %sub3A_2327 : vector<16xi32> to vector<16xi32>
      %le3A_2329 = vector.broadcast %squeeze3A_2273 : i32 to vector<16xi32>
      %le3A_2330 = arith.cmpi ule, %bitcast3A_2328, %le3A_2329 : vector<16xi32>
      %select_n3A_2331 = arith.select %le3A_2330, %broadcast_in_dim3A_51, %broadcast_in_dim3A_53 : vector<16xi1>, vector<16xf32>
      %add3A_2332 = arith.constant 10 : i32
      %add3A_2333 = arith.addi %mul3A_108, %add3A_2332 : i32
      %swap3A_2334 = arith.index_cast %add3A_2333 : i32 to index
      %swap3A_2335 = arith.constant 64 : index
      %swap3A_2336 = tpu.vector_load %arg7[%swap3A_2334, %swap3A_2335] {strides = array<i32>} : memref<64x256xf32, #tpu.memory_space<vmem>>, vector<1x16xf32>,
      %swap3A_2337 = vector.shape_cast %swap3A_2336 : vector<1x16xf32> to vector<16xf32>
      %swap3A_2338 = vector.shape_cast %select_n3A_2331 : vector<16xf32> to vector<1x16xf32>
      tpu.vector_store %arg7[%swap3A_2334, %swap3A_2335], %swap3A_2338 {strides = array<i32>} : memref<64x256xf32, #tpu.memory_space<vmem>>, vector<1x16xf32>,
      %sub3A_2339 = vector.broadcast %squeeze3A_2267 : i32 to vector<16xi32>
      %sub3A_2340 = arith.subi %add3A_20, %sub3A_2339 : vector<16xi32>
      %bitcast3A_2341 = vector.bitcast %sub3A_2340 : vector<16xi32> to vector<16xi32>
      %le3A_2342 = vector.broadcast %squeeze3A_2273 : i32 to vector<16xi32>
      %le3A_2343 = arith.cmpi ule, %bitcast3A_2341, %le3A_2342 : vector<16xi32>
      %select_n3A_2344 = arith.select %le3A_2343, %broadcast_in_dim3A_51, %broadcast_in_dim3A_53 : vector<16xi1>, vector<16xf32>
      %add3A_2345 = arith.constant 10 : i32
      %add3A_2346 = arith.addi %mul3A_108, %add3A_2345 : i32
      %swap3A_2347 = arith.index_cast %add3A_2346 : i32 to index
      %swap3A_2348 = arith.constant 80 : index
      %swap3A_2349 = tpu.vector_load %arg7[%swap3A_2347, %swap3A_2348] {strides = array<i32>} : memref<64x256xf32, #tpu.memory_space<vmem>>, vector<1x16xf32>,
      %swap3A_2350 = vector.shape_cast %swap3A_2349 : vector<1x16xf32> to vector<16xf32>
      %swap3A_2351 = vector.shape_cast %select_n3A_2344 : vector<16xf32> to vector<1x16xf32>
      tpu.vector_store %arg7[%swap3A_2347, %swap3A_2348], %swap3A_2351 {strides = array<i32>} : memref<64x256xf32, #tpu.memory_space<vmem>>, vector<1x16xf32>,
      %sub3A_2352 = vector.broadcast %squeeze3A_2267 : i32 to vector<16xi32>
      %sub3A_2353 = arith.subi %add3A_23, %sub3A_2352 : vector<16xi32>
      %bitcast3A_2354 = vector.bitcast %sub3A_2353 : vector<16xi32> to vector<16xi32>
      %le3A_2355 = vector.broadcast %squeeze3A_2273 : i32 to vector<16xi32>
      %le3A_2356 = arith.cmpi ule, %bitcast3A_2354, %le3A_2355 : vector<16xi32>
      %select_n3A_2357 = arith.select %le3A_2356, %broadcast_in_dim3A_51, %broadcast_in_dim3A_53 : vector<16xi1>, vector<16xf32>
      %add3A_2358 = arith.constant 10 : i32
      %add3A_2359 = arith.addi %mul3A_108, %add3A_2358 : i32
      %swap3A_2360 = arith.index_cast %add3A_2359 : i32 to index
      %swap3A_2361 = arith.constant 96 : index
      %swap3A_2362 = tpu.vector_load %arg7[%swap3A_2360, %swap3A_2361] {strides = array<i32>} : memref<64x256xf32, #tpu.memory_space<vmem>>, vector<1x16xf32>,
      %swap3A_2363 = vector.shape_cast %swap3A_2362 : vector<1x16xf32> to vector<16xf32>
      %swap3A_2364 = vector.shape_cast %select_n3A_2357 : vector<16xf32> to vector<1x16xf32>
      tpu.vector_store %arg7[%swap3A_2360, %swap3A_2361], %swap3A_2364 {strides = array<i32>} : memref<64x256xf32, #tpu.memory_space<vmem>>, vector<1x16xf32>,
      %sub3A_2365 = vector.broadcast %squeeze3A_2267 : i32 to vector<16xi32>
      %sub3A_2366 = arith.subi %add3A_26, %sub3A_2365 : vector<16xi32>
      %bitcast3A_2367 = vector.bitcast %sub3A_2366 : vector<16xi32> to vector<16xi32>
      %le3A_2368 = vector.broadcast %squeeze3A_2273 : i32 to vector<16xi32>
      %le3A_2369 = arith.cmpi ule, %bitcast3A_2367, %le3A_2368 : vector<16xi32>
      %select_n3A_2370 = arith.select %le3A_2369, %broadcast_in_dim3A_51, %broadcast_in_dim3A_53 : vector<16xi1>, vector<16xf32>
      %add3A_2371 = arith.constant 10 : i32
      %add3A_2372 = arith.addi %mul3A_108, %add3A_2371 : i32
      %swap3A_2373 = arith.index_cast %add3A_2372 : i32 to index
      %swap3A_2374 = arith.constant 112 : index
      %swap3A_2375 = tpu.vector_load %arg7[%swap3A_2373, %swap3A_2374] {strides = array<i32>} : memref<64x256xf32, #tpu.memory_space<vmem>>, vector<1x16xf32>,
      %swap3A_2376 = vector.shape_cast %swap3A_2375 : vector<1x16xf32> to vector<16xf32>
      %swap3A_2377 = vector.shape_cast %select_n3A_2370 : vector<16xf32> to vector<1x16xf32>
      tpu.vector_store %arg7[%swap3A_2373, %swap3A_2374], %swap3A_2377 {strides = array<i32>} : memref<64x256xf32, #tpu.memory_space<vmem>>, vector<1x16xf32>,
      %sub3A_2378 = vector.broadcast %squeeze3A_2267 : i32 to vector<16xi32>
      %sub3A_2379 = arith.subi %add3A_29, %sub3A_2378 : vector<16xi32>
      %bitcast3A_2380 = vector.bitcast %sub3A_2379 : vector<16xi32> to vector<16xi32>
      %le3A_2381 = vector.broadcast %squeeze3A_2273 : i32 to vector<16xi32>
      %le3A_2382 = arith.cmpi ule, %bitcast3A_2380, %le3A_2381 : vector<16xi32>
      %select_n3A_2383 = arith.select %le3A_2382, %broadcast_in_dim3A_51, %broadcast_in_dim3A_53 : vector<16xi1>, vector<16xf32>
      %add3A_2384 = arith.constant 10 : i32
      %add3A_2385 = arith.addi %mul3A_108, %add3A_2384 : i32
      %swap3A_2386 = arith.index_cast %add3A_2385 : i32 to index
      %swap3A_2387 = arith.constant 128 : index
      %swap3A_2388 = tpu.vector_load %arg7[%swap3A_2386, %swap3A_2387] {strides = array<i32>} : memref<64x256xf32, #tpu.memory_space<vmem>>, vector<1x16xf32>,
      %swap3A_2389 = vector.shape_cast %swap3A_2388 : vector<1x16xf32> to vector<16xf32>
      %swap3A_2390 = vector.shape_cast %select_n3A_2383 : vector<16xf32> to vector<1x16xf32>
      tpu.vector_store %arg7[%swap3A_2386, %swap3A_2387], %swap3A_2390 {strides = array<i32>} : memref<64x256xf32, #tpu.memory_space<vmem>>, vector<1x16xf32>,
      %sub3A_2391 = vector.broadcast %squeeze3A_2267 : i32 to vector<16xi32>
      %sub3A_2392 = arith.subi %add3A_32, %sub3A_2391 : vector<16xi32>
      %bitcast3A_2393 = vector.bitcast %sub3A_2392 : vector<16xi32> to vector<16xi32>
      %le3A_2394 = vector.broadcast %squeeze3A_2273 : i32 to vector<16xi32>
      %le3A_2395 = arith.cmpi ule, %bitcast3A_2393, %le3A_2394 : vector<16xi32>
      %select_n3A_2396 = arith.select %le3A_2395, %broadcast_in_dim3A_51, %broadcast_in_dim3A_53 : vector<16xi1>, vector<16xf32>
      %add3A_2397 = arith.constant 10 : i32
      %add3A_2398 = arith.addi %mul3A_108, %add3A_2397 : i32
      %swap3A_2399 = arith.index_cast %add3A_2398 : i32 to index
      %swap3A_2400 = arith.constant 144 : index
      %swap3A_2401 = tpu.vector_load %arg7[%swap3A_2399, %swap3A_2400] {strides = array<i32>} : memref<64x256xf32, #tpu.memory_space<vmem>>, vector<1x16xf32>,
      %swap3A_2402 = vector.shape_cast %swap3A_2401 : vector<1x16xf32> to vector<16xf32>
      %swap3A_2403 = vector.shape_cast %select_n3A_2396 : vector<16xf32> to vector<1x16xf32>
      tpu.vector_store %arg7[%swap3A_2399, %swap3A_2400], %swap3A_2403 {strides = array<i32>} : memref<64x256xf32, #tpu.memory_space<vmem>>, vector<1x16xf32>,
      %sub3A_2404 = vector.broadcast %squeeze3A_2267 : i32 to vector<16xi32>
      %sub3A_2405 = arith.subi %add3A_35, %sub3A_2404 : vector<16xi32>
      %bitcast3A_2406 = vector.bitcast %sub3A_2405 : vector<16xi32> to vector<16xi32>
      %le3A_2407 = vector.broadcast %squeeze3A_2273 : i32 to vector<16xi32>
      %le3A_2408 = arith.cmpi ule, %bitcast3A_2406, %le3A_2407 : vector<16xi32>
      %select_n3A_2409 = arith.select %le3A_2408, %broadcast_in_dim3A_51, %broadcast_in_dim3A_53 : vector<16xi1>, vector<16xf32>
      %add3A_2410 = arith.constant 10 : i32
      %add3A_2411 = arith.addi %mul3A_108, %add3A_2410 : i32
      %swap3A_2412 = arith.index_cast %add3A_2411 : i32 to index
      %swap3A_2413 = arith.constant 160 : index
      %swap3A_2414 = tpu.vector_load %arg7[%swap3A_2412, %swap3A_2413] {strides = array<i32>} : memref<64x256xf32, #tpu.memory_space<vmem>>, vector<1x16xf32>,
      %swap3A_2415 = vector.shape_cast %swap3A_2414 : vector<1x16xf32> to vector<16xf32>
      %swap3A_2416 = vector.shape_cast %select_n3A_2409 : vector<16xf32> to vector<1x16xf32>
      tpu.vector_store %arg7[%swap3A_2412, %swap3A_2413], %swap3A_2416 {strides = array<i32>} : memref<64x256xf32, #tpu.memory_space<vmem>>, vector<1x16xf32>,
      %sub3A_2417 = vector.broadcast %squeeze3A_2267 : i32 to vector<16xi32>
      %sub3A_2418 = arith.subi %add3A_38, %sub3A_2417 : vector<16xi32>
      %bitcast3A_2419 = vector.bitcast %sub3A_2418 : vector<16xi32> to vector<16xi32>
      %le3A_2420 = vector.broadcast %squeeze3A_2273 : i32 to vector<16xi32>
      %le3A_2421 = arith.cmpi ule, %bitcast3A_2419, %le3A_2420 : vector<16xi32>
      %select_n3A_2422 = arith.select %le3A_2421, %broadcast_in_dim3A_51, %broadcast_in_dim3A_53 : vector<16xi1>, vector<16xf32>
      %add3A_2423 = arith.constant 10 : i32
      %add3A_2424 = arith.addi %mul3A_108, %add3A_2423 : i32
      %swap3A_2425 = arith.index_cast %add3A_2424 : i32 to index
      %swap3A_2426 = arith.constant 176 : index
      %swap3A_2427 = tpu.vector_load %arg7[%swap3A_2425, %swap3A_2426] {strides = array<i32>} : memref<64x256xf32, #tpu.memory_space<vmem>>, vector<1x16xf32>,
      %swap3A_2428 = vector.shape_cast %swap3A_2427 : vector<1x16xf32> to vector<16xf32>
      %swap3A_2429 = vector.shape_cast %select_n3A_2422 : vector<16xf32> to vector<1x16xf32>
      tpu.vector_store %arg7[%swap3A_2425, %swap3A_2426], %swap3A_2429 {strides = array<i32>} : memref<64x256xf32, #tpu.memory_space<vmem>>, vector<1x16xf32>,
      %sub3A_2430 = vector.broadcast %squeeze3A_2267 : i32 to vector<16xi32>
      %sub3A_2431 = arith.subi %add3A_41, %sub3A_2430 : vector<16xi32>
      %bitcast3A_2432 = vector.bitcast %sub3A_2431 : vector<16xi32> to vector<16xi32>
      %le3A_2433 = vector.broadcast %squeeze3A_2273 : i32 to vector<16xi32>
      %le3A_2434 = arith.cmpi ule, %bitcast3A_2432, %le3A_2433 : vector<16xi32>
      %select_n3A_2435 = arith.select %le3A_2434, %broadcast_in_dim3A_51, %broadcast_in_dim3A_53 : vector<16xi1>, vector<16xf32>
      %add3A_2436 = arith.constant 10 : i32
      %add3A_2437 = arith.addi %mul3A_108, %add3A_2436 : i32
      %swap3A_2438 = arith.index_cast %add3A_2437 : i32 to index
      %swap3A_2439 = arith.constant 192 : index
      %swap3A_2440 = tpu.vector_load %arg7[%swap3A_2438, %swap3A_2439] {strides = array<i32>} : memref<64x256xf32, #tpu.memory_space<vmem>>, vector<1x16xf32>,
      %swap3A_2441 = vector.shape_cast %swap3A_2440 : vector<1x16xf32> to vector<16xf32>
      %swap3A_2442 = vector.shape_cast %select_n3A_2435 : vector<16xf32> to vector<1x16xf32>
      tpu.vector_store %arg7[%swap3A_2438, %swap3A_2439], %swap3A_2442 {strides = array<i32>} : memref<64x256xf32, #tpu.memory_space<vmem>>, vector<1x16xf32>,
      %sub3A_2443 = vector.broadcast %squeeze3A_2267 : i32 to vector<16xi32>
      %sub3A_2444 = arith.subi %add3A_44, %sub3A_2443 : vector<16xi32>
      %bitcast3A_2445 = vector.bitcast %sub3A_2444 : vector<16xi32> to vector<16xi32>
      %le3A_2446 = vector.broadcast %squeeze3A_2273 : i32 to vector<16xi32>
      %le3A_2447 = arith.cmpi ule, %bitcast3A_2445, %le3A_2446 : vector<16xi32>
      %select_n3A_2448 = arith.select %le3A_2447, %broadcast_in_dim3A_51, %broadcast_in_dim3A_53 : vector<16xi1>, vector<16xf32>
      %add3A_2449 = arith.constant 10 : i32
      %add3A_2450 = arith.addi %mul3A_108, %add3A_2449 : i32
      %swap3A_2451 = arith.index_cast %add3A_2450 : i32 to index
      %swap3A_2452 = arith.constant 208 : index
      %swap3A_2453 = tpu.vector_load %arg7[%swap3A_2451, %swap3A_2452] {strides = array<i32>} : memref<64x256xf32, #tpu.memory_space<vmem>>, vector<1x16xf32>,
      %swap3A_2454 = vector.shape_cast %swap3A_2453 : vector<1x16xf32> to vector<16xf32>
      %swap3A_2455 = vector.shape_cast %select_n3A_2448 : vector<16xf32> to vector<1x16xf32>
      tpu.vector_store %arg7[%swap3A_2451, %swap3A_2452], %swap3A_2455 {strides = array<i32>} : memref<64x256xf32, #tpu.memory_space<vmem>>, vector<1x16xf32>,
      %sub3A_2456 = vector.broadcast %squeeze3A_2267 : i32 to vector<16xi32>
      %sub3A_2457 = arith.subi %add3A_47, %sub3A_2456 : vector<16xi32>
      %bitcast3A_2458 = vector.bitcast %sub3A_2457 : vector<16xi32> to vector<16xi32>
      %le3A_2459 = vector.broadcast %squeeze3A_2273 : i32 to vector<16xi32>
      %le3A_2460 = arith.cmpi ule, %bitcast3A_2458, %le3A_2459 : vector<16xi32>
      %select_n3A_2461 = arith.select %le3A_2460, %broadcast_in_dim3A_51, %broadcast_in_dim3A_53 : vector<16xi1>, vector<16xf32>
      %add3A_2462 = arith.constant 10 : i32
      %add3A_2463 = arith.addi %mul3A_108, %add3A_2462 : i32
      %swap3A_2464 = arith.index_cast %add3A_2463 : i32 to index
      %swap3A_2465 = arith.constant 224 : index
      %swap3A_2466 = tpu.vector_load %arg7[%swap3A_2464, %swap3A_2465] {strides = array<i32>} : memref<64x256xf32, #tpu.memory_space<vmem>>, vector<1x16xf32>,
      %swap3A_2467 = vector.shape_cast %swap3A_2466 : vector<1x16xf32> to vector<16xf32>
      %swap3A_2468 = vector.shape_cast %select_n3A_2461 : vector<16xf32> to vector<1x16xf32>
      tpu.vector_store %arg7[%swap3A_2464, %swap3A_2465], %swap3A_2468 {strides = array<i32>} : memref<64x256xf32, #tpu.memory_space<vmem>>, vector<1x16xf32>,
      %sub3A_2469 = vector.broadcast %squeeze3A_2267 : i32 to vector<16xi32>
      %sub3A_2470 = arith.subi %add3A_50, %sub3A_2469 : vector<16xi32>
      %bitcast3A_2471 = vector.bitcast %sub3A_2470 : vector<16xi32> to vector<16xi32>
      %le3A_2472 = vector.broadcast %squeeze3A_2273 : i32 to vector<16xi32>
      %le3A_2473 = arith.cmpi ule, %bitcast3A_2471, %le3A_2472 : vector<16xi32>
      %select_n3A_2474 = arith.select %le3A_2473, %broadcast_in_dim3A_51, %broadcast_in_dim3A_53 : vector<16xi1>, vector<16xf32>
      %add3A_2475 = arith.constant 10 : i32
      %add3A_2476 = arith.addi %mul3A_108, %add3A_2475 : i32
      %swap3A_2477 = arith.index_cast %add3A_2476 : i32 to index
      %swap3A_2478 = arith.constant 240 : index
      %swap3A_2479 = tpu.vector_load %arg7[%swap3A_2477, %swap3A_2478] {strides = array<i32>} : memref<64x256xf32, #tpu.memory_space<vmem>>, vector<1x16xf32>,
      %swap3A_2480 = vector.shape_cast %swap3A_2479 : vector<1x16xf32> to vector<16xf32>
      %swap3A_2481 = vector.shape_cast %select_n3A_2474 : vector<16xf32> to vector<1x16xf32>
      tpu.vector_store %arg7[%swap3A_2477, %swap3A_2478], %swap3A_2481 {strides = array<i32>} : memref<64x256xf32, #tpu.memory_space<vmem>>, vector<1x16xf32>,
      %slice3A_2482 = vector.extract_strided_slice %get3A_110 {offsets = [11], sizes = [1], strides = [1]} : vector<16xi32> to vector<1xi32>
      %squeeze3A_2483 = vector.extract %slice3A_2482[0] : i32 from vector<1xi32>
      %slice3A_2484 = vector.extract_strided_slice %get3A_113 {offsets = [11], sizes = [1], strides = [1]} : vector<16xi32> to vector<1xi32>
      %squeeze3A_2485 = vector.extract %slice3A_2484[0] : i32 from vector<1xi32>
      %sub3A_2486 = arith.subi %squeeze3A_2485, %squeeze3A_2483 : i32
      %reshape3A_2487 = vector.broadcast %sub3A_2486 : i32 to vector<1xi32>
      %bitcast3A_2488 = vector.bitcast %reshape3A_2487 : vector<1xi32> to vector<1xi32>
      %squeeze3A_2489 = vector.extract %bitcast3A_2488[0] : i32 from vector<1xi32>
      %sub3A_2490 = vector.broadcast %squeeze3A_2483 : i32 to vector<16xi32>
      %sub3A_2491 = arith.subi %add3A_5, %sub3A_2490 : vector<16xi32>
      %bitcast3A_2492 = vector.bitcast %sub3A_2491 : vector<16xi32> to vector<16xi32>
      %le3A_2493 = vector.broadcast %squeeze3A_2489 : i32 to vector<16xi32>
      %le3A_2494 = arith.cmpi ule, %bitcast3A_2492, %le3A_2493 : vector<16xi32>
      %select_n3A_2495 = arith.select %le3A_2494, %broadcast_in_dim3A_51, %broadcast_in_dim3A_53 : vector<16xi1>, vector<16xf32>
      %add3A_2496 = arith.constant 11 : i32
      %add3A_2497 = arith.addi %mul3A_108, %add3A_2496 : i32
      %swap3A_2498 = arith.index_cast %add3A_2497 : i32 to index
      %swap3A_2499 = arith.constant 0 : index
      %swap3A_2500 = tpu.vector_load %arg7[%swap3A_2498, %swap3A_2499] {strides = array<i32>} : memref<64x256xf32, #tpu.memory_space<vmem>>, vector<1x16xf32>,
      %swap3A_2501 = vector.shape_cast %swap3A_2500 : vector<1x16xf32> to vector<16xf32>
      %swap3A_2502 = vector.shape_cast %select_n3A_2495 : vector<16xf32> to vector<1x16xf32>
      tpu.vector_store %arg7[%swap3A_2498, %swap3A_2499], %swap3A_2502 {strides = array<i32>} : memref<64x256xf32, #tpu.memory_space<vmem>>, vector<1x16xf32>,
      %sub3A_2503 = vector.broadcast %squeeze3A_2483 : i32 to vector<16xi32>
      %sub3A_2504 = arith.subi %add3A_8, %sub3A_2503 : vector<16xi32>
      %bitcast3A_2505 = vector.bitcast %sub3A_2504 : vector<16xi32> to vector<16xi32>
      %le3A_2506 = vector.broadcast %squeeze3A_2489 : i32 to vector<16xi32>
      %le3A_2507 = arith.cmpi ule, %bitcast3A_2505, %le3A_2506 : vector<16xi32>
      %select_n3A_2508 = arith.select %le3A_2507, %broadcast_in_dim3A_51, %broadcast_in_dim3A_53 : vector<16xi1>, vector<16xf32>
      %add3A_2509 = arith.constant 11 : i32
      %add3A_2510 = arith.addi %mul3A_108, %add3A_2509 : i32
      %swap3A_2511 = arith.index_cast %add3A_2510 : i32 to index
      %swap3A_2512 = arith.constant 16 : index
      %swap3A_2513 = tpu.vector_load %arg7[%swap3A_2511, %swap3A_2512] {strides = array<i32>} : memref<64x256xf32, #tpu.memory_space<vmem>>, vector<1x16xf32>,
      %swap3A_2514 = vector.shape_cast %swap3A_2513 : vector<1x16xf32> to vector<16xf32>
      %swap3A_2515 = vector.shape_cast %select_n3A_2508 : vector<16xf32> to vector<1x16xf32>
      tpu.vector_store %arg7[%swap3A_2511, %swap3A_2512], %swap3A_2515 {strides = array<i32>} : memref<64x256xf32, #tpu.memory_space<vmem>>, vector<1x16xf32>,
      %sub3A_2516 = vector.broadcast %squeeze3A_2483 : i32 to vector<16xi32>
      %sub3A_2517 = arith.subi %add3A_11, %sub3A_2516 : vector<16xi32>
      %bitcast3A_2518 = vector.bitcast %sub3A_2517 : vector<16xi32> to vector<16xi32>
      %le3A_2519 = vector.broadcast %squeeze3A_2489 : i32 to vector<16xi32>
      %le3A_2520 = arith.cmpi ule, %bitcast3A_2518, %le3A_2519 : vector<16xi32>
      %select_n3A_2521 = arith.select %le3A_2520, %broadcast_in_dim3A_51, %broadcast_in_dim3A_53 : vector<16xi1>, vector<16xf32>
      %add3A_2522 = arith.constant 11 : i32
      %add3A_2523 = arith.addi %mul3A_108, %add3A_2522 : i32
      %swap3A_2524 = arith.index_cast %add3A_2523 : i32 to index
      %swap3A_2525 = arith.constant 32 : index
      %swap3A_2526 = tpu.vector_load %arg7[%swap3A_2524, %swap3A_2525] {strides = array<i32>} : memref<64x256xf32, #tpu.memory_space<vmem>>, vector<1x16xf32>,
      %swap3A_2527 = vector.shape_cast %swap3A_2526 : vector<1x16xf32> to vector<16xf32>
      %swap3A_2528 = vector.shape_cast %select_n3A_2521 : vector<16xf32> to vector<1x16xf32>
      tpu.vector_store %arg7[%swap3A_2524, %swap3A_2525], %swap3A_2528 {strides = array<i32>} : memref<64x256xf32, #tpu.memory_space<vmem>>, vector<1x16xf32>,
      %sub3A_2529 = vector.broadcast %squeeze3A_2483 : i32 to vector<16xi32>
      %sub3A_2530 = arith.subi %add3A_14, %sub3A_2529 : vector<16xi32>
      %bitcast3A_2531 = vector.bitcast %sub3A_2530 : vector<16xi32> to vector<16xi32>
      %le3A_2532 = vector.broadcast %squeeze3A_2489 : i32 to vector<16xi32>
      %le3A_2533 = arith.cmpi ule, %bitcast3A_2531, %le3A_2532 : vector<16xi32>
      %select_n3A_2534 = arith.select %le3A_2533, %broadcast_in_dim3A_51, %broadcast_in_dim3A_53 : vector<16xi1>, vector<16xf32>
      %add3A_2535 = arith.constant 11 : i32
      %add3A_2536 = arith.addi %mul3A_108, %add3A_2535 : i32
      %swap3A_2537 = arith.index_cast %add3A_2536 : i32 to index
      %swap3A_2538 = arith.constant 48 : index
      %swap3A_2539 = tpu.vector_load %arg7[%swap3A_2537, %swap3A_2538] {strides = array<i32>} : memref<64x256xf32, #tpu.memory_space<vmem>>, vector<1x16xf32>,
      %swap3A_2540 = vector.shape_cast %swap3A_2539 : vector<1x16xf32> to vector<16xf32>
      %swap3A_2541 = vector.shape_cast %select_n3A_2534 : vector<16xf32> to vector<1x16xf32>
      tpu.vector_store %arg7[%swap3A_2537, %swap3A_2538], %swap3A_2541 {strides = array<i32>} : memref<64x256xf32, #tpu.memory_space<vmem>>, vector<1x16xf32>,
      %sub3A_2542 = vector.broadcast %squeeze3A_2483 : i32 to vector<16xi32>
      %sub3A_2543 = arith.subi %add3A_17, %sub3A_2542 : vector<16xi32>
      %bitcast3A_2544 = vector.bitcast %sub3A_2543 : vector<16xi32> to vector<16xi32>
      %le3A_2545 = vector.broadcast %squeeze3A_2489 : i32 to vector<16xi32>
      %le3A_2546 = arith.cmpi ule, %bitcast3A_2544, %le3A_2545 : vector<16xi32>
      %select_n3A_2547 = arith.select %le3A_2546, %broadcast_in_dim3A_51, %broadcast_in_dim3A_53 : vector<16xi1>, vector<16xf32>
      %add3A_2548 = arith.constant 11 : i32
      %add3A_2549 = arith.addi %mul3A_108, %add3A_2548 : i32
      %swap3A_2550 = arith.index_cast %add3A_2549 : i32 to index
      %swap3A_2551 = arith.constant 64 : index
      %swap3A_2552 = tpu.vector_load %arg7[%swap3A_2550, %swap3A_2551] {strides = array<i32>} : memref<64x256xf32, #tpu.memory_space<vmem>>, vector<1x16xf32>,
      %swap3A_2553 = vector.shape_cast %swap3A_2552 : vector<1x16xf32> to vector<16xf32>
      %swap3A_2554 = vector.shape_cast %select_n3A_2547 : vector<16xf32> to vector<1x16xf32>
      tpu.vector_store %arg7[%swap3A_2550, %swap3A_2551], %swap3A_2554 {strides = array<i32>} : memref<64x256xf32, #tpu.memory_space<vmem>>, vector<1x16xf32>,
      %sub3A_2555 = vector.broadcast %squeeze3A_2483 : i32 to vector<16xi32>
      %sub3A_2556 = arith.subi %add3A_20, %sub3A_2555 : vector<16xi32>
      %bitcast3A_2557 = vector.bitcast %sub3A_2556 : vector<16xi32> to vector<16xi32>
      %le3A_2558 = vector.broadcast %squeeze3A_2489 : i32 to vector<16xi32>
      %le3A_2559 = arith.cmpi ule, %bitcast3A_2557, %le3A_2558 : vector<16xi32>
      %select_n3A_2560 = arith.select %le3A_2559, %broadcast_in_dim3A_51, %broadcast_in_dim3A_53 : vector<16xi1>, vector<16xf32>
      %add3A_2561 = arith.constant 11 : i32
      %add3A_2562 = arith.addi %mul3A_108, %add3A_2561 : i32
      %swap3A_2563 = arith.index_cast %add3A_2562 : i32 to index
      %swap3A_2564 = arith.constant 80 : index
      %swap3A_2565 = tpu.vector_load %arg7[%swap3A_2563, %swap3A_2564] {strides = array<i32>} : memref<64x256xf32, #tpu.memory_space<vmem>>, vector<1x16xf32>,
      %swap3A_2566 = vector.shape_cast %swap3A_2565 : vector<1x16xf32> to vector<16xf32>
      %swap3A_2567 = vector.shape_cast %select_n3A_2560 : vector<16xf32> to vector<1x16xf32>
      tpu.vector_store %arg7[%swap3A_2563, %swap3A_2564], %swap3A_2567 {strides = array<i32>} : memref<64x256xf32, #tpu.memory_space<vmem>>, vector<1x16xf32>,
      %sub3A_2568 = vector.broadcast %squeeze3A_2483 : i32 to vector<16xi32>
      %sub3A_2569 = arith.subi %add3A_23, %sub3A_2568 : vector<16xi32>
      %bitcast3A_2570 = vector.bitcast %sub3A_2569 : vector<16xi32> to vector<16xi32>
      %le3A_2571 = vector.broadcast %squeeze3A_2489 : i32 to vector<16xi32>
      %le3A_2572 = arith.cmpi ule, %bitcast3A_2570, %le3A_2571 : vector<16xi32>
      %select_n3A_2573 = arith.select %le3A_2572, %broadcast_in_dim3A_51, %broadcast_in_dim3A_53 : vector<16xi1>, vector<16xf32>
      %add3A_2574 = arith.constant 11 : i32
      %add3A_2575 = arith.addi %mul3A_108, %add3A_2574 : i32
      %swap3A_2576 = arith.index_cast %add3A_2575 : i32 to index
      %swap3A_2577 = arith.constant 96 : index
      %swap3A_2578 = tpu.vector_load %arg7[%swap3A_2576, %swap3A_2577] {strides = array<i32>} : memref<64x256xf32, #tpu.memory_space<vmem>>, vector<1x16xf32>,
      %swap3A_2579 = vector.shape_cast %swap3A_2578 : vector<1x16xf32> to vector<16xf32>
      %swap3A_2580 = vector.shape_cast %select_n3A_2573 : vector<16xf32> to vector<1x16xf32>
      tpu.vector_store %arg7[%swap3A_2576, %swap3A_2577], %swap3A_2580 {strides = array<i32>} : memref<64x256xf32, #tpu.memory_space<vmem>>, vector<1x16xf32>,
      %sub3A_2581 = vector.broadcast %squeeze3A_2483 : i32 to vector<16xi32>
      %sub3A_2582 = arith.subi %add3A_26, %sub3A_2581 : vector<16xi32>
      %bitcast3A_2583 = vector.bitcast %sub3A_2582 : vector<16xi32> to vector<16xi32>
      %le3A_2584 = vector.broadcast %squeeze3A_2489 : i32 to vector<16xi32>
      %le3A_2585 = arith.cmpi ule, %bitcast3A_2583, %le3A_2584 : vector<16xi32>
      %select_n3A_2586 = arith.select %le3A_2585, %broadcast_in_dim3A_51, %broadcast_in_dim3A_53 : vector<16xi1>, vector<16xf32>
      %add3A_2587 = arith.constant 11 : i32
      %add3A_2588 = arith.addi %mul3A_108, %add3A_2587 : i32
      %swap3A_2589 = arith.index_cast %add3A_2588 : i32 to index
      %swap3A_2590 = arith.constant 112 : index
      %swap3A_2591 = tpu.vector_load %arg7[%swap3A_2589, %swap3A_2590] {strides = array<i32>} : memref<64x256xf32, #tpu.memory_space<vmem>>, vector<1x16xf32>,
      %swap3A_2592 = vector.shape_cast %swap3A_2591 : vector<1x16xf32> to vector<16xf32>
      %swap3A_2593 = vector.shape_cast %select_n3A_2586 : vector<16xf32> to vector<1x16xf32>
      tpu.vector_store %arg7[%swap3A_2589, %swap3A_2590], %swap3A_2593 {strides = array<i32>} : memref<64x256xf32, #tpu.memory_space<vmem>>, vector<1x16xf32>,
      %sub3A_2594 = vector.broadcast %squeeze3A_2483 : i32 to vector<16xi32>
      %sub3A_2595 = arith.subi %add3A_29, %sub3A_2594 : vector<16xi32>
      %bitcast3A_2596 = vector.bitcast %sub3A_2595 : vector<16xi32> to vector<16xi32>
      %le3A_2597 = vector.broadcast %squeeze3A_2489 : i32 to vector<16xi32>
      %le3A_2598 = arith.cmpi ule, %bitcast3A_2596, %le3A_2597 : vector<16xi32>
      %select_n3A_2599 = arith.select %le3A_2598, %broadcast_in_dim3A_51, %broadcast_in_dim3A_53 : vector<16xi1>, vector<16xf32>
      %add3A_2600 = arith.constant 11 : i32
      %add3A_2601 = arith.addi %mul3A_108, %add3A_2600 : i32
      %swap3A_2602 = arith.index_cast %add3A_2601 : i32 to index
      %swap3A_2603 = arith.constant 128 : index
      %swap3A_2604 = tpu.vector_load %arg7[%swap3A_2602, %swap3A_2603] {strides = array<i32>} : memref<64x256xf32, #tpu.memory_space<vmem>>, vector<1x16xf32>,
      %swap3A_2605 = vector.shape_cast %swap3A_2604 : vector<1x16xf32> to vector<16xf32>
      %swap3A_2606 = vector.shape_cast %select_n3A_2599 : vector<16xf32> to vector<1x16xf32>
      tpu.vector_store %arg7[%swap3A_2602, %swap3A_2603], %swap3A_2606 {strides = array<i32>} : memref<64x256xf32, #tpu.memory_space<vmem>>, vector<1x16xf32>,
      %sub3A_2607 = vector.broadcast %squeeze3A_2483 : i32 to vector<16xi32>
      %sub3A_2608 = arith.subi %add3A_32, %sub3A_2607 : vector<16xi32>
      %bitcast3A_2609 = vector.bitcast %sub3A_2608 : vector<16xi32> to vector<16xi32>
      %le3A_2610 = vector.broadcast %squeeze3A_2489 : i32 to vector<16xi32>
      %le3A_2611 = arith.cmpi ule, %bitcast3A_2609, %le3A_2610 : vector<16xi32>
      %select_n3A_2612 = arith.select %le3A_2611, %broadcast_in_dim3A_51, %broadcast_in_dim3A_53 : vector<16xi1>, vector<16xf32>
      %add3A_2613 = arith.constant 11 : i32
      %add3A_2614 = arith.addi %mul3A_108, %add3A_2613 : i32
      %swap3A_2615 = arith.index_cast %add3A_2614 : i32 to index
      %swap3A_2616 = arith.constant 144 : index
      %swap3A_2617 = tpu.vector_load %arg7[%swap3A_2615, %swap3A_2616] {strides = array<i32>} : memref<64x256xf32, #tpu.memory_space<vmem>>, vector<1x16xf32>,
      %swap3A_2618 = vector.shape_cast %swap3A_2617 : vector<1x16xf32> to vector<16xf32>
      %swap3A_2619 = vector.shape_cast %select_n3A_2612 : vector<16xf32> to vector<1x16xf32>
      tpu.vector_store %arg7[%swap3A_2615, %swap3A_2616], %swap3A_2619 {strides = array<i32>} : memref<64x256xf32, #tpu.memory_space<vmem>>, vector<1x16xf32>,
      %sub3A_2620 = vector.broadcast %squeeze3A_2483 : i32 to vector<16xi32>
      %sub3A_2621 = arith.subi %add3A_35, %sub3A_2620 : vector<16xi32>
      %bitcast3A_2622 = vector.bitcast %sub3A_2621 : vector<16xi32> to vector<16xi32>
      %le3A_2623 = vector.broadcast %squeeze3A_2489 : i32 to vector<16xi32>
      %le3A_2624 = arith.cmpi ule, %bitcast3A_2622, %le3A_2623 : vector<16xi32>
      %select_n3A_2625 = arith.select %le3A_2624, %broadcast_in_dim3A_51, %broadcast_in_dim3A_53 : vector<16xi1>, vector<16xf32>
      %add3A_2626 = arith.constant 11 : i32
      %add3A_2627 = arith.addi %mul3A_108, %add3A_2626 : i32
      %swap3A_2628 = arith.index_cast %add3A_2627 : i32 to index
      %swap3A_2629 = arith.constant 160 : index
      %swap3A_2630 = tpu.vector_load %arg7[%swap3A_2628, %swap3A_2629] {strides = array<i32>} : memref<64x256xf32, #tpu.memory_space<vmem>>, vector<1x16xf32>,
      %swap3A_2631 = vector.shape_cast %swap3A_2630 : vector<1x16xf32> to vector<16xf32>
      %swap3A_2632 = vector.shape_cast %select_n3A_2625 : vector<16xf32> to vector<1x16xf32>
      tpu.vector_store %arg7[%swap3A_2628, %swap3A_2629], %swap3A_2632 {strides = array<i32>} : memref<64x256xf32, #tpu.memory_space<vmem>>, vector<1x16xf32>,
      %sub3A_2633 = vector.broadcast %squeeze3A_2483 : i32 to vector<16xi32>
      %sub3A_2634 = arith.subi %add3A_38, %sub3A_2633 : vector<16xi32>
      %bitcast3A_2635 = vector.bitcast %sub3A_2634 : vector<16xi32> to vector<16xi32>
      %le3A_2636 = vector.broadcast %squeeze3A_2489 : i32 to vector<16xi32>
      %le3A_2637 = arith.cmpi ule, %bitcast3A_2635, %le3A_2636 : vector<16xi32>
      %select_n3A_2638 = arith.select %le3A_2637, %broadcast_in_dim3A_51, %broadcast_in_dim3A_53 : vector<16xi1>, vector<16xf32>
      %add3A_2639 = arith.constant 11 : i32
      %add3A_2640 = arith.addi %mul3A_108, %add3A_2639 : i32
      %swap3A_2641 = arith.index_cast %add3A_2640 : i32 to index
      %swap3A_2642 = arith.constant 176 : index
      %swap3A_2643 = tpu.vector_load %arg7[%swap3A_2641, %swap3A_2642] {strides = array<i32>} : memref<64x256xf32, #tpu.memory_space<vmem>>, vector<1x16xf32>,
      %swap3A_2644 = vector.shape_cast %swap3A_2643 : vector<1x16xf32> to vector<16xf32>
      %swap3A_2645 = vector.shape_cast %select_n3A_2638 : vector<16xf32> to vector<1x16xf32>
      tpu.vector_store %arg7[%swap3A_2641, %swap3A_2642], %swap3A_2645 {strides = array<i32>} : memref<64x256xf32, #tpu.memory_space<vmem>>, vector<1x16xf32>,
      %sub3A_2646 = vector.broadcast %squeeze3A_2483 : i32 to vector<16xi32>
      %sub3A_2647 = arith.subi %add3A_41, %sub3A_2646 : vector<16xi32>
      %bitcast3A_2648 = vector.bitcast %sub3A_2647 : vector<16xi32> to vector<16xi32>
      %le3A_2649 = vector.broadcast %squeeze3A_2489 : i32 to vector<16xi32>
      %le3A_2650 = arith.cmpi ule, %bitcast3A_2648, %le3A_2649 : vector<16xi32>
      %select_n3A_2651 = arith.select %le3A_2650, %broadcast_in_dim3A_51, %broadcast_in_dim3A_53 : vector<16xi1>, vector<16xf32>
      %add3A_2652 = arith.constant 11 : i32
      %add3A_2653 = arith.addi %mul3A_108, %add3A_2652 : i32
      %swap3A_2654 = arith.index_cast %add3A_2653 : i32 to index
      %swap3A_2655 = arith.constant 192 : index
      %swap3A_2656 = tpu.vector_load %arg7[%swap3A_2654, %swap3A_2655] {strides = array<i32>} : memref<64x256xf32, #tpu.memory_space<vmem>>, vector<1x16xf32>,
      %swap3A_2657 = vector.shape_cast %swap3A_2656 : vector<1x16xf32> to vector<16xf32>
      %swap3A_2658 = vector.shape_cast %select_n3A_2651 : vector<16xf32> to vector<1x16xf32>
      tpu.vector_store %arg7[%swap3A_2654, %swap3A_2655], %swap3A_2658 {strides = array<i32>} : memref<64x256xf32, #tpu.memory_space<vmem>>, vector<1x16xf32>,
      %sub3A_2659 = vector.broadcast %squeeze3A_2483 : i32 to vector<16xi32>
      %sub3A_2660 = arith.subi %add3A_44, %sub3A_2659 : vector<16xi32>
      %bitcast3A_2661 = vector.bitcast %sub3A_2660 : vector<16xi32> to vector<16xi32>
      %le3A_2662 = vector.broadcast %squeeze3A_2489 : i32 to vector<16xi32>
      %le3A_2663 = arith.cmpi ule, %bitcast3A_2661, %le3A_2662 : vector<16xi32>
      %select_n3A_2664 = arith.select %le3A_2663, %broadcast_in_dim3A_51, %broadcast_in_dim3A_53 : vector<16xi1>, vector<16xf32>
      %add3A_2665 = arith.constant 11 : i32
      %add3A_2666 = arith.addi %mul3A_108, %add3A_2665 : i32
      %swap3A_2667 = arith.index_cast %add3A_2666 : i32 to index
      %swap3A_2668 = arith.constant 208 : index
      %swap3A_2669 = tpu.vector_load %arg7[%swap3A_2667, %swap3A_2668] {strides = array<i32>} : memref<64x256xf32, #tpu.memory_space<vmem>>, vector<1x16xf32>,
      %swap3A_2670 = vector.shape_cast %swap3A_2669 : vector<1x16xf32> to vector<16xf32>
      %swap3A_2671 = vector.shape_cast %select_n3A_2664 : vector<16xf32> to vector<1x16xf32>
      tpu.vector_store %arg7[%swap3A_2667, %swap3A_2668], %swap3A_2671 {strides = array<i32>} : memref<64x256xf32, #tpu.memory_space<vmem>>, vector<1x16xf32>,
      %sub3A_2672 = vector.broadcast %squeeze3A_2483 : i32 to vector<16xi32>
      %sub3A_2673 = arith.subi %add3A_47, %sub3A_2672 : vector<16xi32>
      %bitcast3A_2674 = vector.bitcast %sub3A_2673 : vector<16xi32> to vector<16xi32>
      %le3A_2675 = vector.broadcast %squeeze3A_2489 : i32 to vector<16xi32>
      %le3A_2676 = arith.cmpi ule, %bitcast3A_2674, %le3A_2675 : vector<16xi32>
      %select_n3A_2677 = arith.select %le3A_2676, %broadcast_in_dim3A_51, %broadcast_in_dim3A_53 : vector<16xi1>, vector<16xf32>
      %add3A_2678 = arith.constant 11 : i32
      %add3A_2679 = arith.addi %mul3A_108, %add3A_2678 : i32
      %swap3A_2680 = arith.index_cast %add3A_2679 : i32 to index
      %swap3A_2681 = arith.constant 224 : index
      %swap3A_2682 = tpu.vector_load %arg7[%swap3A_2680, %swap3A_2681] {strides = array<i32>} : memref<64x256xf32, #tpu.memory_space<vmem>>, vector<1x16xf32>,
      %swap3A_2683 = vector.shape_cast %swap3A_2682 : vector<1x16xf32> to vector<16xf32>
      %swap3A_2684 = vector.shape_cast %select_n3A_2677 : vector<16xf32> to vector<1x16xf32>
      tpu.vector_store %arg7[%swap3A_2680, %swap3A_2681], %swap3A_2684 {strides = array<i32>} : memref<64x256xf32, #tpu.memory_space<vmem>>, vector<1x16xf32>,
      %sub3A_2685 = vector.broadcast %squeeze3A_2483 : i32 to vector<16xi32>
      %sub3A_2686 = arith.subi %add3A_50, %sub3A_2685 : vector<16xi32>
      %bitcast3A_2687 = vector.bitcast %sub3A_2686 : vector<16xi32> to vector<16xi32>
      %le3A_2688 = vector.broadcast %squeeze3A_2489 : i32 to vector<16xi32>
      %le3A_2689 = arith.cmpi ule, %bitcast3A_2687, %le3A_2688 : vector<16xi32>
      %select_n3A_2690 = arith.select %le3A_2689, %broadcast_in_dim3A_51, %broadcast_in_dim3A_53 : vector<16xi1>, vector<16xf32>
      %add3A_2691 = arith.constant 11 : i32
      %add3A_2692 = arith.addi %mul3A_108, %add3A_2691 : i32
      %swap3A_2693 = arith.index_cast %add3A_2692 : i32 to index
      %swap3A_2694 = arith.constant 240 : index
      %swap3A_2695 = tpu.vector_load %arg7[%swap3A_2693, %swap3A_2694] {strides = array<i32>} : memref<64x256xf32, #tpu.memory_space<vmem>>, vector<1x16xf32>,
      %swap3A_2696 = vector.shape_cast %swap3A_2695 : vector<1x16xf32> to vector<16xf32>
      %swap3A_2697 = vector.shape_cast %select_n3A_2690 : vector<16xf32> to vector<1x16xf32>
      tpu.vector_store %arg7[%swap3A_2693, %swap3A_2694], %swap3A_2697 {strides = array<i32>} : memref<64x256xf32, #tpu.memory_space<vmem>>, vector<1x16xf32>,
      %slice3A_2698 = vector.extract_strided_slice %get3A_110 {offsets = [12], sizes = [1], strides = [1]} : vector<16xi32> to vector<1xi32>
      %squeeze3A_2699 = vector.extract %slice3A_2698[0] : i32 from vector<1xi32>
      %slice3A_2700 = vector.extract_strided_slice %get3A_113 {offsets = [12], sizes = [1], strides = [1]} : vector<16xi32> to vector<1xi32>
      %squeeze3A_2701 = vector.extract %slice3A_2700[0] : i32 from vector<1xi32>
      %sub3A_2702 = arith.subi %squeeze3A_2701, %squeeze3A_2699 : i32
      %reshape3A_2703 = vector.broadcast %sub3A_2702 : i32 to vector<1xi32>
      %bitcast3A_2704 = vector.bitcast %reshape3A_2703 : vector<1xi32> to vector<1xi32>
      %squeeze3A_2705 = vector.extract %bitcast3A_2704[0] : i32 from vector<1xi32>
      %sub3A_2706 = vector.broadcast %squeeze3A_2699 : i32 to vector<16xi32>
      %sub3A_2707 = arith.subi %add3A_5, %sub3A_2706 : vector<16xi32>
      %bitcast3A_2708 = vector.bitcast %sub3A_2707 : vector<16xi32> to vector<16xi32>
      %le3A_2709 = vector.broadcast %squeeze3A_2705 : i32 to vector<16xi32>
      %le3A_2710 = arith.cmpi ule, %bitcast3A_2708, %le3A_2709 : vector<16xi32>
      %select_n3A_2711 = arith.select %le3A_2710, %broadcast_in_dim3A_51, %broadcast_in_dim3A_53 : vector<16xi1>, vector<16xf32>
      %add3A_2712 = arith.constant 12 : i32
      %add3A_2713 = arith.addi %mul3A_108, %add3A_2712 : i32
      %swap3A_2714 = arith.index_cast %add3A_2713 : i32 to index
      %swap3A_2715 = arith.constant 0 : index
      %swap3A_2716 = tpu.vector_load %arg7[%swap3A_2714, %swap3A_2715] {strides = array<i32>} : memref<64x256xf32, #tpu.memory_space<vmem>>, vector<1x16xf32>,
      %swap3A_2717 = vector.shape_cast %swap3A_2716 : vector<1x16xf32> to vector<16xf32>
      %swap3A_2718 = vector.shape_cast %select_n3A_2711 : vector<16xf32> to vector<1x16xf32>
      tpu.vector_store %arg7[%swap3A_2714, %swap3A_2715], %swap3A_2718 {strides = array<i32>} : memref<64x256xf32, #tpu.memory_space<vmem>>, vector<1x16xf32>,
      %sub3A_2719 = vector.broadcast %squeeze3A_2699 : i32 to vector<16xi32>
      %sub3A_2720 = arith.subi %add3A_8, %sub3A_2719 : vector<16xi32>
      %bitcast3A_2721 = vector.bitcast %sub3A_2720 : vector<16xi32> to vector<16xi32>
      %le3A_2722 = vector.broadcast %squeeze3A_2705 : i32 to vector<16xi32>
      %le3A_2723 = arith.cmpi ule, %bitcast3A_2721, %le3A_2722 : vector<16xi32>
      %select_n3A_2724 = arith.select %le3A_2723, %broadcast_in_dim3A_51, %broadcast_in_dim3A_53 : vector<16xi1>, vector<16xf32>
      %add3A_2725 = arith.constant 12 : i32
      %add3A_2726 = arith.addi %mul3A_108, %add3A_2725 : i32
      %swap3A_2727 = arith.index_cast %add3A_2726 : i32 to index
      %swap3A_2728 = arith.constant 16 : index
      %swap3A_2729 = tpu.vector_load %arg7[%swap3A_2727, %swap3A_2728] {strides = array<i32>} : memref<64x256xf32, #tpu.memory_space<vmem>>, vector<1x16xf32>,
      %swap3A_2730 = vector.shape_cast %swap3A_2729 : vector<1x16xf32> to vector<16xf32>
      %swap3A_2731 = vector.shape_cast %select_n3A_2724 : vector<16xf32> to vector<1x16xf32>
      tpu.vector_store %arg7[%swap3A_2727, %swap3A_2728], %swap3A_2731 {strides = array<i32>} : memref<64x256xf32, #tpu.memory_space<vmem>>, vector<1x16xf32>,
      %sub3A_2732 = vector.broadcast %squeeze3A_2699 : i32 to vector<16xi32>
      %sub3A_2733 = arith.subi %add3A_11, %sub3A_2732 : vector<16xi32>
      %bitcast3A_2734 = vector.bitcast %sub3A_2733 : vector<16xi32> to vector<16xi32>
      %le3A_2735 = vector.broadcast %squeeze3A_2705 : i32 to vector<16xi32>
      %le3A_2736 = arith.cmpi ule, %bitcast3A_2734, %le3A_2735 : vector<16xi32>
      %select_n3A_2737 = arith.select %le3A_2736, %broadcast_in_dim3A_51, %broadcast_in_dim3A_53 : vector<16xi1>, vector<16xf32>
      %add3A_2738 = arith.constant 12 : i32
      %add3A_2739 = arith.addi %mul3A_108, %add3A_2738 : i32
      %swap3A_2740 = arith.index_cast %add3A_2739 : i32 to index
      %swap3A_2741 = arith.constant 32 : index
      %swap3A_2742 = tpu.vector_load %arg7[%swap3A_2740, %swap3A_2741] {strides = array<i32>} : memref<64x256xf32, #tpu.memory_space<vmem>>, vector<1x16xf32>,
      %swap3A_2743 = vector.shape_cast %swap3A_2742 : vector<1x16xf32> to vector<16xf32>
      %swap3A_2744 = vector.shape_cast %select_n3A_2737 : vector<16xf32> to vector<1x16xf32>
      tpu.vector_store %arg7[%swap3A_2740, %swap3A_2741], %swap3A_2744 {strides = array<i32>} : memref<64x256xf32, #tpu.memory_space<vmem>>, vector<1x16xf32>,
      %sub3A_2745 = vector.broadcast %squeeze3A_2699 : i32 to vector<16xi32>
      %sub3A_2746 = arith.subi %add3A_14, %sub3A_2745 : vector<16xi32>
      %bitcast3A_2747 = vector.bitcast %sub3A_2746 : vector<16xi32> to vector<16xi32>
      %le3A_2748 = vector.broadcast %squeeze3A_2705 : i32 to vector<16xi32>
      %le3A_2749 = arith.cmpi ule, %bitcast3A_2747, %le3A_2748 : vector<16xi32>
      %select_n3A_2750 = arith.select %le3A_2749, %broadcast_in_dim3A_51, %broadcast_in_dim3A_53 : vector<16xi1>, vector<16xf32>
      %add3A_2751 = arith.constant 12 : i32
      %add3A_2752 = arith.addi %mul3A_108, %add3A_2751 : i32
      %swap3A_2753 = arith.index_cast %add3A_2752 : i32 to index
      %swap3A_2754 = arith.constant 48 : index
      %swap3A_2755 = tpu.vector_load %arg7[%swap3A_2753, %swap3A_2754] {strides = array<i32>} : memref<64x256xf32, #tpu.memory_space<vmem>>, vector<1x16xf32>,
      %swap3A_2756 = vector.shape_cast %swap3A_2755 : vector<1x16xf32> to vector<16xf32>
      %swap3A_2757 = vector.shape_cast %select_n3A_2750 : vector<16xf32> to vector<1x16xf32>
      tpu.vector_store %arg7[%swap3A_2753, %swap3A_2754], %swap3A_2757 {strides = array<i32>} : memref<64x256xf32, #tpu.memory_space<vmem>>, vector<1x16xf32>,
      %sub3A_2758 = vector.broadcast %squeeze3A_2699 : i32 to vector<16xi32>
      %sub3A_2759 = arith.subi %add3A_17, %sub3A_2758 : vector<16xi32>
      %bitcast3A_2760 = vector.bitcast %sub3A_2759 : vector<16xi32> to vector<16xi32>
      %le3A_2761 = vector.broadcast %squeeze3A_2705 : i32 to vector<16xi32>
      %le3A_2762 = arith.cmpi ule, %bitcast3A_2760, %le3A_2761 : vector<16xi32>
      %select_n3A_2763 = arith.select %le3A_2762, %broadcast_in_dim3A_51, %broadcast_in_dim3A_53 : vector<16xi1>, vector<16xf32>
      %add3A_2764 = arith.constant 12 : i32
      %add3A_2765 = arith.addi %mul3A_108, %add3A_2764 : i32
      %swap3A_2766 = arith.index_cast %add3A_2765 : i32 to index
      %swap3A_2767 = arith.constant 64 : index
      %swap3A_2768 = tpu.vector_load %arg7[%swap3A_2766, %swap3A_2767] {strides = array<i32>} : memref<64x256xf32, #tpu.memory_space<vmem>>, vector<1x16xf32>,
      %swap3A_2769 = vector.shape_cast %swap3A_2768 : vector<1x16xf32> to vector<16xf32>
      %swap3A_2770 = vector.shape_cast %select_n3A_2763 : vector<16xf32> to vector<1x16xf32>
      tpu.vector_store %arg7[%swap3A_2766, %swap3A_2767], %swap3A_2770 {strides = array<i32>} : memref<64x256xf32, #tpu.memory_space<vmem>>, vector<1x16xf32>,
      %sub3A_2771 = vector.broadcast %squeeze3A_2699 : i32 to vector<16xi32>
      %sub3A_2772 = arith.subi %add3A_20, %sub3A_2771 : vector<16xi32>
      %bitcast3A_2773 = vector.bitcast %sub3A_2772 : vector<16xi32> to vector<16xi32>
      %le3A_2774 = vector.broadcast %squeeze3A_2705 : i32 to vector<16xi32>
      %le3A_2775 = arith.cmpi ule, %bitcast3A_2773, %le3A_2774 : vector<16xi32>
      %select_n3A_2776 = arith.select %le3A_2775, %broadcast_in_dim3A_51, %broadcast_in_dim3A_53 : vector<16xi1>, vector<16xf32>
      %add3A_2777 = arith.constant 12 : i32
      %add3A_2778 = arith.addi %mul3A_108, %add3A_2777 : i32
      %swap3A_2779 = arith.index_cast %add3A_2778 : i32 to index
      %swap3A_2780 = arith.constant 80 : index
      %swap3A_2781 = tpu.vector_load %arg7[%swap3A_2779, %swap3A_2780] {strides = array<i32>} : memref<64x256xf32, #tpu.memory_space<vmem>>, vector<1x16xf32>,
      %swap3A_2782 = vector.shape_cast %swap3A_2781 : vector<1x16xf32> to vector<16xf32>
      %swap3A_2783 = vector.shape_cast %select_n3A_2776 : vector<16xf32> to vector<1x16xf32>
      tpu.vector_store %arg7[%swap3A_2779, %swap3A_2780], %swap3A_2783 {strides = array<i32>} : memref<64x256xf32, #tpu.memory_space<vmem>>, vector<1x16xf32>,
      %sub3A_2784 = vector.broadcast %squeeze3A_2699 : i32 to vector<16xi32>
      %sub3A_2785 = arith.subi %add3A_23, %sub3A_2784 : vector<16xi32>
      %bitcast3A_2786 = vector.bitcast %sub3A_2785 : vector<16xi32> to vector<16xi32>
      %le3A_2787 = vector.broadcast %squeeze3A_2705 : i32 to vector<16xi32>
      %le3A_2788 = arith.cmpi ule, %bitcast3A_2786, %le3A_2787 : vector<16xi32>
      %select_n3A_2789 = arith.select %le3A_2788, %broadcast_in_dim3A_51, %broadcast_in_dim3A_53 : vector<16xi1>, vector<16xf32>
      %add3A_2790 = arith.constant 12 : i32
      %add3A_2791 = arith.addi %mul3A_108, %add3A_2790 : i32
      %swap3A_2792 = arith.index_cast %add3A_2791 : i32 to index
      %swap3A_2793 = arith.constant 96 : index
      %swap3A_2794 = tpu.vector_load %arg7[%swap3A_2792, %swap3A_2793] {strides = array<i32>} : memref<64x256xf32, #tpu.memory_space<vmem>>, vector<1x16xf32>,
      %swap3A_2795 = vector.shape_cast %swap3A_2794 : vector<1x16xf32> to vector<16xf32>
      %swap3A_2796 = vector.shape_cast %select_n3A_2789 : vector<16xf32> to vector<1x16xf32>
      tpu.vector_store %arg7[%swap3A_2792, %swap3A_2793], %swap3A_2796 {strides = array<i32>} : memref<64x256xf32, #tpu.memory_space<vmem>>, vector<1x16xf32>,
      %sub3A_2797 = vector.broadcast %squeeze3A_2699 : i32 to vector<16xi32>
      %sub3A_2798 = arith.subi %add3A_26, %sub3A_2797 : vector<16xi32>
      %bitcast3A_2799 = vector.bitcast %sub3A_2798 : vector<16xi32> to vector<16xi32>
      %le3A_2800 = vector.broadcast %squeeze3A_2705 : i32 to vector<16xi32>
      %le3A_2801 = arith.cmpi ule, %bitcast3A_2799, %le3A_2800 : vector<16xi32>
      %select_n3A_2802 = arith.select %le3A_2801, %broadcast_in_dim3A_51, %broadcast_in_dim3A_53 : vector<16xi1>, vector<16xf32>
      %add3A_2803 = arith.constant 12 : i32
      %add3A_2804 = arith.addi %mul3A_108, %add3A_2803 : i32
      %swap3A_2805 = arith.index_cast %add3A_2804 : i32 to index
      %swap3A_2806 = arith.constant 112 : index
      %swap3A_2807 = tpu.vector_load %arg7[%swap3A_2805, %swap3A_2806] {strides = array<i32>} : memref<64x256xf32, #tpu.memory_space<vmem>>, vector<1x16xf32>,
      %swap3A_2808 = vector.shape_cast %swap3A_2807 : vector<1x16xf32> to vector<16xf32>
      %swap3A_2809 = vector.shape_cast %select_n3A_2802 : vector<16xf32> to vector<1x16xf32>
      tpu.vector_store %arg7[%swap3A_2805, %swap3A_2806], %swap3A_2809 {strides = array<i32>} : memref<64x256xf32, #tpu.memory_space<vmem>>, vector<1x16xf32>,
      %sub3A_2810 = vector.broadcast %squeeze3A_2699 : i32 to vector<16xi32>
      %sub3A_2811 = arith.subi %add3A_29, %sub3A_2810 : vector<16xi32>
      %bitcast3A_2812 = vector.bitcast %sub3A_2811 : vector<16xi32> to vector<16xi32>
      %le3A_2813 = vector.broadcast %squeeze3A_2705 : i32 to vector<16xi32>
      %le3A_2814 = arith.cmpi ule, %bitcast3A_2812, %le3A_2813 : vector<16xi32>
      %select_n3A_2815 = arith.select %le3A_2814, %broadcast_in_dim3A_51, %broadcast_in_dim3A_53 : vector<16xi1>, vector<16xf32>
      %add3A_2816 = arith.constant 12 : i32
      %add3A_2817 = arith.addi %mul3A_108, %add3A_2816 : i32
      %swap3A_2818 = arith.index_cast %add3A_2817 : i32 to index
      %swap3A_2819 = arith.constant 128 : index
      %swap3A_2820 = tpu.vector_load %arg7[%swap3A_2818, %swap3A_2819] {strides = array<i32>} : memref<64x256xf32, #tpu.memory_space<vmem>>, vector<1x16xf32>,
      %swap3A_2821 = vector.shape_cast %swap3A_2820 : vector<1x16xf32> to vector<16xf32>
      %swap3A_2822 = vector.shape_cast %select_n3A_2815 : vector<16xf32> to vector<1x16xf32>
      tpu.vector_store %arg7[%swap3A_2818, %swap3A_2819], %swap3A_2822 {strides = array<i32>} : memref<64x256xf32, #tpu.memory_space<vmem>>, vector<1x16xf32>,
      %sub3A_2823 = vector.broadcast %squeeze3A_2699 : i32 to vector<16xi32>
      %sub3A_2824 = arith.subi %add3A_32, %sub3A_2823 : vector<16xi32>
      %bitcast3A_2825 = vector.bitcast %sub3A_2824 : vector<16xi32> to vector<16xi32>
      %le3A_2826 = vector.broadcast %squeeze3A_2705 : i32 to vector<16xi32>
      %le3A_2827 = arith.cmpi ule, %bitcast3A_2825, %le3A_2826 : vector<16xi32>
      %select_n3A_2828 = arith.select %le3A_2827, %broadcast_in_dim3A_51, %broadcast_in_dim3A_53 : vector<16xi1>, vector<16xf32>
      %add3A_2829 = arith.constant 12 : i32
      %add3A_2830 = arith.addi %mul3A_108, %add3A_2829 : i32
      %swap3A_2831 = arith.index_cast %add3A_2830 : i32 to index
      %swap3A_2832 = arith.constant 144 : index
      %swap3A_2833 = tpu.vector_load %arg7[%swap3A_2831, %swap3A_2832] {strides = array<i32>} : memref<64x256xf32, #tpu.memory_space<vmem>>, vector<1x16xf32>,
      %swap3A_2834 = vector.shape_cast %swap3A_2833 : vector<1x16xf32> to vector<16xf32>
      %swap3A_2835 = vector.shape_cast %select_n3A_2828 : vector<16xf32> to vector<1x16xf32>
      tpu.vector_store %arg7[%swap3A_2831, %swap3A_2832], %swap3A_2835 {strides = array<i32>} : memref<64x256xf32, #tpu.memory_space<vmem>>, vector<1x16xf32>,
      %sub3A_2836 = vector.broadcast %squeeze3A_2699 : i32 to vector<16xi32>
      %sub3A_2837 = arith.subi %add3A_35, %sub3A_2836 : vector<16xi32>
      %bitcast3A_2838 = vector.bitcast %sub3A_2837 : vector<16xi32> to vector<16xi32>
      %le3A_2839 = vector.broadcast %squeeze3A_2705 : i32 to vector<16xi32>
      %le3A_2840 = arith.cmpi ule, %bitcast3A_2838, %le3A_2839 : vector<16xi32>
      %select_n3A_2841 = arith.select %le3A_2840, %broadcast_in_dim3A_51, %broadcast_in_dim3A_53 : vector<16xi1>, vector<16xf32>
      %add3A_2842 = arith.constant 12 : i32
      %add3A_2843 = arith.addi %mul3A_108, %add3A_2842 : i32
      %swap3A_2844 = arith.index_cast %add3A_2843 : i32 to index
      %swap3A_2845 = arith.constant 160 : index
      %swap3A_2846 = tpu.vector_load %arg7[%swap3A_2844, %swap3A_2845] {strides = array<i32>} : memref<64x256xf32, #tpu.memory_space<vmem>>, vector<1x16xf32>,
      %swap3A_2847 = vector.shape_cast %swap3A_2846 : vector<1x16xf32> to vector<16xf32>
      %swap3A_2848 = vector.shape_cast %select_n3A_2841 : vector<16xf32> to vector<1x16xf32>
      tpu.vector_store %arg7[%swap3A_2844, %swap3A_2845], %swap3A_2848 {strides = array<i32>} : memref<64x256xf32, #tpu.memory_space<vmem>>, vector<1x16xf32>,
      %sub3A_2849 = vector.broadcast %squeeze3A_2699 : i32 to vector<16xi32>
      %sub3A_2850 = arith.subi %add3A_38, %sub3A_2849 : vector<16xi32>
      %bitcast3A_2851 = vector.bitcast %sub3A_2850 : vector<16xi32> to vector<16xi32>
      %le3A_2852 = vector.broadcast %squeeze3A_2705 : i32 to vector<16xi32>
      %le3A_2853 = arith.cmpi ule, %bitcast3A_2851, %le3A_2852 : vector<16xi32>
      %select_n3A_2854 = arith.select %le3A_2853, %broadcast_in_dim3A_51, %broadcast_in_dim3A_53 : vector<16xi1>, vector<16xf32>
      %add3A_2855 = arith.constant 12 : i32
      %add3A_2856 = arith.addi %mul3A_108, %add3A_2855 : i32
      %swap3A_2857 = arith.index_cast %add3A_2856 : i32 to index
      %swap3A_2858 = arith.constant 176 : index
      %swap3A_2859 = tpu.vector_load %arg7[%swap3A_2857, %swap3A_2858] {strides = array<i32>} : memref<64x256xf32, #tpu.memory_space<vmem>>, vector<1x16xf32>,
      %swap3A_2860 = vector.shape_cast %swap3A_2859 : vector<1x16xf32> to vector<16xf32>
      %swap3A_2861 = vector.shape_cast %select_n3A_2854 : vector<16xf32> to vector<1x16xf32>
      tpu.vector_store %arg7[%swap3A_2857, %swap3A_2858], %swap3A_2861 {strides = array<i32>} : memref<64x256xf32, #tpu.memory_space<vmem>>, vector<1x16xf32>,
      %sub3A_2862 = vector.broadcast %squeeze3A_2699 : i32 to vector<16xi32>
      %sub3A_2863 = arith.subi %add3A_41, %sub3A_2862 : vector<16xi32>
      %bitcast3A_2864 = vector.bitcast %sub3A_2863 : vector<16xi32> to vector<16xi32>
      %le3A_2865 = vector.broadcast %squeeze3A_2705 : i32 to vector<16xi32>
      %le3A_2866 = arith.cmpi ule, %bitcast3A_2864, %le3A_2865 : vector<16xi32>
      %select_n3A_2867 = arith.select %le3A_2866, %broadcast_in_dim3A_51, %broadcast_in_dim3A_53 : vector<16xi1>, vector<16xf32>
      %add3A_2868 = arith.constant 12 : i32
      %add3A_2869 = arith.addi %mul3A_108, %add3A_2868 : i32
      %swap3A_2870 = arith.index_cast %add3A_2869 : i32 to index
      %swap3A_2871 = arith.constant 192 : index
      %swap3A_2872 = tpu.vector_load %arg7[%swap3A_2870, %swap3A_2871] {strides = array<i32>} : memref<64x256xf32, #tpu.memory_space<vmem>>, vector<1x16xf32>,
      %swap3A_2873 = vector.shape_cast %swap3A_2872 : vector<1x16xf32> to vector<16xf32>
      %swap3A_2874 = vector.shape_cast %select_n3A_2867 : vector<16xf32> to vector<1x16xf32>
      tpu.vector_store %arg7[%swap3A_2870, %swap3A_2871], %swap3A_2874 {strides = array<i32>} : memref<64x256xf32, #tpu.memory_space<vmem>>, vector<1x16xf32>,
      %sub3A_2875 = vector.broadcast %squeeze3A_2699 : i32 to vector<16xi32>
      %sub3A_2876 = arith.subi %add3A_44, %sub3A_2875 : vector<16xi32>
      %bitcast3A_2877 = vector.bitcast %sub3A_2876 : vector<16xi32> to vector<16xi32>
      %le3A_2878 = vector.broadcast %squeeze3A_2705 : i32 to vector<16xi32>
      %le3A_2879 = arith.cmpi ule, %bitcast3A_2877, %le3A_2878 : vector<16xi32>
      %select_n3A_2880 = arith.select %le3A_2879, %broadcast_in_dim3A_51, %broadcast_in_dim3A_53 : vector<16xi1>, vector<16xf32>
      %add3A_2881 = arith.constant 12 : i32
      %add3A_2882 = arith.addi %mul3A_108, %add3A_2881 : i32
      %swap3A_2883 = arith.index_cast %add3A_2882 : i32 to index
      %swap3A_2884 = arith.constant 208 : index
      %swap3A_2885 = tpu.vector_load %arg7[%swap3A_2883, %swap3A_2884] {strides = array<i32>} : memref<64x256xf32, #tpu.memory_space<vmem>>, vector<1x16xf32>,
      %swap3A_2886 = vector.shape_cast %swap3A_2885 : vector<1x16xf32> to vector<16xf32>
      %swap3A_2887 = vector.shape_cast %select_n3A_2880 : vector<16xf32> to vector<1x16xf32>
      tpu.vector_store %arg7[%swap3A_2883, %swap3A_2884], %swap3A_2887 {strides = array<i32>} : memref<64x256xf32, #tpu.memory_space<vmem>>, vector<1x16xf32>,
      %sub3A_2888 = vector.broadcast %squeeze3A_2699 : i32 to vector<16xi32>
      %sub3A_2889 = arith.subi %add3A_47, %sub3A_2888 : vector<16xi32>
      %bitcast3A_2890 = vector.bitcast %sub3A_2889 : vector<16xi32> to vector<16xi32>
      %le3A_2891 = vector.broadcast %squeeze3A_2705 : i32 to vector<16xi32>
      %le3A_2892 = arith.cmpi ule, %bitcast3A_2890, %le3A_2891 : vector<16xi32>
      %select_n3A_2893 = arith.select %le3A_2892, %broadcast_in_dim3A_51, %broadcast_in_dim3A_53 : vector<16xi1>, vector<16xf32>
      %add3A_2894 = arith.constant 12 : i32
      %add3A_2895 = arith.addi %mul3A_108, %add3A_2894 : i32
      %swap3A_2896 = arith.index_cast %add3A_2895 : i32 to index
      %swap3A_2897 = arith.constant 224 : index
      %swap3A_2898 = tpu.vector_load %arg7[%swap3A_2896, %swap3A_2897] {strides = array<i32>} : memref<64x256xf32, #tpu.memory_space<vmem>>, vector<1x16xf32>,
      %swap3A_2899 = vector.shape_cast %swap3A_2898 : vector<1x16xf32> to vector<16xf32>
      %swap3A_2900 = vector.shape_cast %select_n3A_2893 : vector<16xf32> to vector<1x16xf32>
      tpu.vector_store %arg7[%swap3A_2896, %swap3A_2897], %swap3A_2900 {strides = array<i32>} : memref<64x256xf32, #tpu.memory_space<vmem>>, vector<1x16xf32>,
      %sub3A_2901 = vector.broadcast %squeeze3A_2699 : i32 to vector<16xi32>
      %sub3A_2902 = arith.subi %add3A_50, %sub3A_2901 : vector<16xi32>
      %bitcast3A_2903 = vector.bitcast %sub3A_2902 : vector<16xi32> to vector<16xi32>
      %le3A_2904 = vector.broadcast %squeeze3A_2705 : i32 to vector<16xi32>
      %le3A_2905 = arith.cmpi ule, %bitcast3A_2903, %le3A_2904 : vector<16xi32>
      %select_n3A_2906 = arith.select %le3A_2905, %broadcast_in_dim3A_51, %broadcast_in_dim3A_53 : vector<16xi1>, vector<16xf32>
      %add3A_2907 = arith.constant 12 : i32
      %add3A_2908 = arith.addi %mul3A_108, %add3A_2907 : i32
      %swap3A_2909 = arith.index_cast %add3A_2908 : i32 to index
      %swap3A_2910 = arith.constant 240 : index
      %swap3A_2911 = tpu.vector_load %arg7[%swap3A_2909, %swap3A_2910] {strides = array<i32>} : memref<64x256xf32, #tpu.memory_space<vmem>>, vector<1x16xf32>,
      %swap3A_2912 = vector.shape_cast %swap3A_2911 : vector<1x16xf32> to vector<16xf32>
      %swap3A_2913 = vector.shape_cast %select_n3A_2906 : vector<16xf32> to vector<1x16xf32>
      tpu.vector_store %arg7[%swap3A_2909, %swap3A_2910], %swap3A_2913 {strides = array<i32>} : memref<64x256xf32, #tpu.memory_space<vmem>>, vector<1x16xf32>,
      %slice3A_2914 = vector.extract_strided_slice %get3A_110 {offsets = [13], sizes = [1], strides = [1]} : vector<16xi32> to vector<1xi32>
      %squeeze3A_2915 = vector.extract %slice3A_2914[0] : i32 from vector<1xi32>
      %slice3A_2916 = vector.extract_strided_slice %get3A_113 {offsets = [13], sizes = [1], strides = [1]} : vector<16xi32> to vector<1xi32>
      %squeeze3A_2917 = vector.extract %slice3A_2916[0] : i32 from vector<1xi32>
      %sub3A_2918 = arith.subi %squeeze3A_2917, %squeeze3A_2915 : i32
      %reshape3A_2919 = vector.broadcast %sub3A_2918 : i32 to vector<1xi32>
      %bitcast3A_2920 = vector.bitcast %reshape3A_2919 : vector<1xi32> to vector<1xi32>
      %squeeze3A_2921 = vector.extract %bitcast3A_2920[0] : i32 from vector<1xi32>
      %sub3A_2922 = vector.broadcast %squeeze3A_2915 : i32 to vector<16xi32>
      %sub3A_2923 = arith.subi %add3A_5, %sub3A_2922 : vector<16xi32>
      %bitcast3A_2924 = vector.bitcast %sub3A_2923 : vector<16xi32> to vector<16xi32>
      %le3A_2925 = vector.broadcast %squeeze3A_2921 : i32 to vector<16xi32>
      %le3A_2926 = arith.cmpi ule, %bitcast3A_2924, %le3A_2925 : vector<16xi32>
      %select_n3A_2927 = arith.select %le3A_2926, %broadcast_in_dim3A_51, %broadcast_in_dim3A_53 : vector<16xi1>, vector<16xf32>
      %add3A_2928 = arith.constant 13 : i32
      %add3A_2929 = arith.addi %mul3A_108, %add3A_2928 : i32
      %swap3A_2930 = arith.index_cast %add3A_2929 : i32 to index
      %swap3A_2931 = arith.constant 0 : index
      %swap3A_2932 = tpu.vector_load %arg7[%swap3A_2930, %swap3A_2931] {strides = array<i32>} : memref<64x256xf32, #tpu.memory_space<vmem>>, vector<1x16xf32>,
      %swap3A_2933 = vector.shape_cast %swap3A_2932 : vector<1x16xf32> to vector<16xf32>
      %swap3A_2934 = vector.shape_cast %select_n3A_2927 : vector<16xf32> to vector<1x16xf32>
      tpu.vector_store %arg7[%swap3A_2930, %swap3A_2931], %swap3A_2934 {strides = array<i32>} : memref<64x256xf32, #tpu.memory_space<vmem>>, vector<1x16xf32>,
      %sub3A_2935 = vector.broadcast %squeeze3A_2915 : i32 to vector<16xi32>
      %sub3A_2936 = arith.subi %add3A_8, %sub3A_2935 : vector<16xi32>
      %bitcast3A_2937 = vector.bitcast %sub3A_2936 : vector<16xi32> to vector<16xi32>
      %le3A_2938 = vector.broadcast %squeeze3A_2921 : i32 to vector<16xi32>
      %le3A_2939 = arith.cmpi ule, %bitcast3A_2937, %le3A_2938 : vector<16xi32>
      %select_n3A_2940 = arith.select %le3A_2939, %broadcast_in_dim3A_51, %broadcast_in_dim3A_53 : vector<16xi1>, vector<16xf32>
      %add3A_2941 = arith.constant 13 : i32
      %add3A_2942 = arith.addi %mul3A_108, %add3A_2941 : i32
      %swap3A_2943 = arith.index_cast %add3A_2942 : i32 to index
      %swap3A_2944 = arith.constant 16 : index
      %swap3A_2945 = tpu.vector_load %arg7[%swap3A_2943, %swap3A_2944] {strides = array<i32>} : memref<64x256xf32, #tpu.memory_space<vmem>>, vector<1x16xf32>,
      %swap3A_2946 = vector.shape_cast %swap3A_2945 : vector<1x16xf32> to vector<16xf32>
      %swap3A_2947 = vector.shape_cast %select_n3A_2940 : vector<16xf32> to vector<1x16xf32>
      tpu.vector_store %arg7[%swap3A_2943, %swap3A_2944], %swap3A_2947 {strides = array<i32>} : memref<64x256xf32, #tpu.memory_space<vmem>>, vector<1x16xf32>,
      %sub3A_2948 = vector.broadcast %squeeze3A_2915 : i32 to vector<16xi32>
      %sub3A_2949 = arith.subi %add3A_11, %sub3A_2948 : vector<16xi32>
      %bitcast3A_2950 = vector.bitcast %sub3A_2949 : vector<16xi32> to vector<16xi32>
      %le3A_2951 = vector.broadcast %squeeze3A_2921 : i32 to vector<16xi32>
      %le3A_2952 = arith.cmpi ule, %bitcast3A_2950, %le3A_2951 : vector<16xi32>
      %select_n3A_2953 = arith.select %le3A_2952, %broadcast_in_dim3A_51, %broadcast_in_dim3A_53 : vector<16xi1>, vector<16xf32>
      %add3A_2954 = arith.constant 13 : i32
      %add3A_2955 = arith.addi %mul3A_108, %add3A_2954 : i32
      %swap3A_2956 = arith.index_cast %add3A_2955 : i32 to index
      %swap3A_2957 = arith.constant 32 : index
      %swap3A_2958 = tpu.vector_load %arg7[%swap3A_2956, %swap3A_2957] {strides = array<i32>} : memref<64x256xf32, #tpu.memory_space<vmem>>, vector<1x16xf32>,
      %swap3A_2959 = vector.shape_cast %swap3A_2958 : vector<1x16xf32> to vector<16xf32>
      %swap3A_2960 = vector.shape_cast %select_n3A_2953 : vector<16xf32> to vector<1x16xf32>
      tpu.vector_store %arg7[%swap3A_2956, %swap3A_2957], %swap3A_2960 {strides = array<i32>} : memref<64x256xf32, #tpu.memory_space<vmem>>, vector<1x16xf32>,
      %sub3A_2961 = vector.broadcast %squeeze3A_2915 : i32 to vector<16xi32>
      %sub3A_2962 = arith.subi %add3A_14, %sub3A_2961 : vector<16xi32>
      %bitcast3A_2963 = vector.bitcast %sub3A_2962 : vector<16xi32> to vector<16xi32>
      %le3A_2964 = vector.broadcast %squeeze3A_2921 : i32 to vector<16xi32>
      %le3A_2965 = arith.cmpi ule, %bitcast3A_2963, %le3A_2964 : vector<16xi32>
      %select_n3A_2966 = arith.select %le3A_2965, %broadcast_in_dim3A_51, %broadcast_in_dim3A_53 : vector<16xi1>, vector<16xf32>
      %add3A_2967 = arith.constant 13 : i32
      %add3A_2968 = arith.addi %mul3A_108, %add3A_2967 : i32
      %swap3A_2969 = arith.index_cast %add3A_2968 : i32 to index
      %swap3A_2970 = arith.constant 48 : index
      %swap3A_2971 = tpu.vector_load %arg7[%swap3A_2969, %swap3A_2970] {strides = array<i32>} : memref<64x256xf32, #tpu.memory_space<vmem>>, vector<1x16xf32>,
      %swap3A_2972 = vector.shape_cast %swap3A_2971 : vector<1x16xf32> to vector<16xf32>
      %swap3A_2973 = vector.shape_cast %select_n3A_2966 : vector<16xf32> to vector<1x16xf32>
      tpu.vector_store %arg7[%swap3A_2969, %swap3A_2970], %swap3A_2973 {strides = array<i32>} : memref<64x256xf32, #tpu.memory_space<vmem>>, vector<1x16xf32>,
      %sub3A_2974 = vector.broadcast %squeeze3A_2915 : i32 to vector<16xi32>
      %sub3A_2975 = arith.subi %add3A_17, %sub3A_2974 : vector<16xi32>
      %bitcast3A_2976 = vector.bitcast %sub3A_2975 : vector<16xi32> to vector<16xi32>
      %le3A_2977 = vector.broadcast %squeeze3A_2921 : i32 to vector<16xi32>
      %le3A_2978 = arith.cmpi ule, %bitcast3A_2976, %le3A_2977 : vector<16xi32>
      %select_n3A_2979 = arith.select %le3A_2978, %broadcast_in_dim3A_51, %broadcast_in_dim3A_53 : vector<16xi1>, vector<16xf32>
      %add3A_2980 = arith.constant 13 : i32
      %add3A_2981 = arith.addi %mul3A_108, %add3A_2980 : i32
      %swap3A_2982 = arith.index_cast %add3A_2981 : i32 to index
      %swap3A_2983 = arith.constant 64 : index
      %swap3A_2984 = tpu.vector_load %arg7[%swap3A_2982, %swap3A_2983] {strides = array<i32>} : memref<64x256xf32, #tpu.memory_space<vmem>>, vector<1x16xf32>,
      %swap3A_2985 = vector.shape_cast %swap3A_2984 : vector<1x16xf32> to vector<16xf32>
      %swap3A_2986 = vector.shape_cast %select_n3A_2979 : vector<16xf32> to vector<1x16xf32>
      tpu.vector_store %arg7[%swap3A_2982, %swap3A_2983], %swap3A_2986 {strides = array<i32>} : memref<64x256xf32, #tpu.memory_space<vmem>>, vector<1x16xf32>,
      %sub3A_2987 = vector.broadcast %squeeze3A_2915 : i32 to vector<16xi32>
      %sub3A_2988 = arith.subi %add3A_20, %sub3A_2987 : vector<16xi32>
      %bitcast3A_2989 = vector.bitcast %sub3A_2988 : vector<16xi32> to vector<16xi32>
      %le3A_2990 = vector.broadcast %squeeze3A_2921 : i32 to vector<16xi32>
      %le3A_2991 = arith.cmpi ule, %bitcast3A_2989, %le3A_2990 : vector<16xi32>
      %select_n3A_2992 = arith.select %le3A_2991, %broadcast_in_dim3A_51, %broadcast_in_dim3A_53 : vector<16xi1>, vector<16xf32>
      %add3A_2993 = arith.constant 13 : i32
      %add3A_2994 = arith.addi %mul3A_108, %add3A_2993 : i32
      %swap3A_2995 = arith.index_cast %add3A_2994 : i32 to index
      %swap3A_2996 = arith.constant 80 : index
      %swap3A_2997 = tpu.vector_load %arg7[%swap3A_2995, %swap3A_2996] {strides = array<i32>} : memref<64x256xf32, #tpu.memory_space<vmem>>, vector<1x16xf32>,
      %swap3A_2998 = vector.shape_cast %swap3A_2997 : vector<1x16xf32> to vector<16xf32>
      %swap3A_2999 = vector.shape_cast %select_n3A_2992 : vector<16xf32> to vector<1x16xf32>
      tpu.vector_store %arg7[%swap3A_2995, %swap3A_2996], %swap3A_2999 {strides = array<i32>} : memref<64x256xf32, #tpu.memory_space<vmem>>, vector<1x16xf32>,
      %sub3A_3000 = vector.broadcast %squeeze3A_2915 : i32 to vector<16xi32>
      %sub3A_3001 = arith.subi %add3A_23, %sub3A_3000 : vector<16xi32>
      %bitcast3A_3002 = vector.bitcast %sub3A_3001 : vector<16xi32> to vector<16xi32>
      %le3A_3003 = vector.broadcast %squeeze3A_2921 : i32 to vector<16xi32>
      %le3A_3004 = arith.cmpi ule, %bitcast3A_3002, %le3A_3003 : vector<16xi32>
      %select_n3A_3005 = arith.select %le3A_3004, %broadcast_in_dim3A_51, %broadcast_in_dim3A_53 : vector<16xi1>, vector<16xf32>
      %add3A_3006 = arith.constant 13 : i32
      %add3A_3007 = arith.addi %mul3A_108, %add3A_3006 : i32
      %swap3A_3008 = arith.index_cast %add3A_3007 : i32 to index
      %swap3A_3009 = arith.constant 96 : index
      %swap3A_3010 = tpu.vector_load %arg7[%swap3A_3008, %swap3A_3009] {strides = array<i32>} : memref<64x256xf32, #tpu.memory_space<vmem>>, vector<1x16xf32>,
      %swap3A_3011 = vector.shape_cast %swap3A_3010 : vector<1x16xf32> to vector<16xf32>
      %swap3A_3012 = vector.shape_cast %select_n3A_3005 : vector<16xf32> to vector<1x16xf32>
      tpu.vector_store %arg7[%swap3A_3008, %swap3A_3009], %swap3A_3012 {strides = array<i32>} : memref<64x256xf32, #tpu.memory_space<vmem>>, vector<1x16xf32>,
      %sub3A_3013 = vector.broadcast %squeeze3A_2915 : i32 to vector<16xi32>
      %sub3A_3014 = arith.subi %add3A_26, %sub3A_3013 : vector<16xi32>
      %bitcast3A_3015 = vector.bitcast %sub3A_3014 : vector<16xi32> to vector<16xi32>
      %le3A_3016 = vector.broadcast %squeeze3A_2921 : i32 to vector<16xi32>
      %le3A_3017 = arith.cmpi ule, %bitcast3A_3015, %le3A_3016 : vector<16xi32>
      %select_n3A_3018 = arith.select %le3A_3017, %broadcast_in_dim3A_51, %broadcast_in_dim3A_53 : vector<16xi1>, vector<16xf32>
      %add3A_3019 = arith.constant 13 : i32
      %add3A_3020 = arith.addi %mul3A_108, %add3A_3019 : i32
      %swap3A_3021 = arith.index_cast %add3A_3020 : i32 to index
      %swap3A_3022 = arith.constant 112 : index
      %swap3A_3023 = tpu.vector_load %arg7[%swap3A_3021, %swap3A_3022] {strides = array<i32>} : memref<64x256xf32, #tpu.memory_space<vmem>>, vector<1x16xf32>,
      %swap3A_3024 = vector.shape_cast %swap3A_3023 : vector<1x16xf32> to vector<16xf32>
      %swap3A_3025 = vector.shape_cast %select_n3A_3018 : vector<16xf32> to vector<1x16xf32>
      tpu.vector_store %arg7[%swap3A_3021, %swap3A_3022], %swap3A_3025 {strides = array<i32>} : memref<64x256xf32, #tpu.memory_space<vmem>>, vector<1x16xf32>,
      %sub3A_3026 = vector.broadcast %squeeze3A_2915 : i32 to vector<16xi32>
      %sub3A_3027 = arith.subi %add3A_29, %sub3A_3026 : vector<16xi32>
      %bitcast3A_3028 = vector.bitcast %sub3A_3027 : vector<16xi32> to vector<16xi32>
      %le3A_3029 = vector.broadcast %squeeze3A_2921 : i32 to vector<16xi32>
      %le3A_3030 = arith.cmpi ule, %bitcast3A_3028, %le3A_3029 : vector<16xi32>
      %select_n3A_3031 = arith.select %le3A_3030, %broadcast_in_dim3A_51, %broadcast_in_dim3A_53 : vector<16xi1>, vector<16xf32>
      %add3A_3032 = arith.constant 13 : i32
      %add3A_3033 = arith.addi %mul3A_108, %add3A_3032 : i32
      %swap3A_3034 = arith.index_cast %add3A_3033 : i32 to index
      %swap3A_3035 = arith.constant 128 : index
      %swap3A_3036 = tpu.vector_load %arg7[%swap3A_3034, %swap3A_3035] {strides = array<i32>} : memref<64x256xf32, #tpu.memory_space<vmem>>, vector<1x16xf32>,
      %swap3A_3037 = vector.shape_cast %swap3A_3036 : vector<1x16xf32> to vector<16xf32>
      %swap3A_3038 = vector.shape_cast %select_n3A_3031 : vector<16xf32> to vector<1x16xf32>
      tpu.vector_store %arg7[%swap3A_3034, %swap3A_3035], %swap3A_3038 {strides = array<i32>} : memref<64x256xf32, #tpu.memory_space<vmem>>, vector<1x16xf32>,
      %sub3A_3039 = vector.broadcast %squeeze3A_2915 : i32 to vector<16xi32>
      %sub3A_3040 = arith.subi %add3A_32, %sub3A_3039 : vector<16xi32>
      %bitcast3A_3041 = vector.bitcast %sub3A_3040 : vector<16xi32> to vector<16xi32>
      %le3A_3042 = vector.broadcast %squeeze3A_2921 : i32 to vector<16xi32>
      %le3A_3043 = arith.cmpi ule, %bitcast3A_3041, %le3A_3042 : vector<16xi32>
      %select_n3A_3044 = arith.select %le3A_3043, %broadcast_in_dim3A_51, %broadcast_in_dim3A_53 : vector<16xi1>, vector<16xf32>
      %add3A_3045 = arith.constant 13 : i32
      %add3A_3046 = arith.addi %mul3A_108, %add3A_3045 : i32
      %swap3A_3047 = arith.index_cast %add3A_3046 : i32 to index
      %swap3A_3048 = arith.constant 144 : index
      %swap3A_3049 = tpu.vector_load %arg7[%swap3A_3047, %swap3A_3048] {strides = array<i32>} : memref<64x256xf32, #tpu.memory_space<vmem>>, vector<1x16xf32>,
      %swap3A_3050 = vector.shape_cast %swap3A_3049 : vector<1x16xf32> to vector<16xf32>
      %swap3A_3051 = vector.shape_cast %select_n3A_3044 : vector<16xf32> to vector<1x16xf32>
      tpu.vector_store %arg7[%swap3A_3047, %swap3A_3048], %swap3A_3051 {strides = array<i32>} : memref<64x256xf32, #tpu.memory_space<vmem>>, vector<1x16xf32>,
      %sub3A_3052 = vector.broadcast %squeeze3A_2915 : i32 to vector<16xi32>
      %sub3A_3053 = arith.subi %add3A_35, %sub3A_3052 : vector<16xi32>
      %bitcast3A_3054 = vector.bitcast %sub3A_3053 : vector<16xi32> to vector<16xi32>
      %le3A_3055 = vector.broadcast %squeeze3A_2921 : i32 to vector<16xi32>
      %le3A_3056 = arith.cmpi ule, %bitcast3A_3054, %le3A_3055 : vector<16xi32>
      %select_n3A_3057 = arith.select %le3A_3056, %broadcast_in_dim3A_51, %broadcast_in_dim3A_53 : vector<16xi1>, vector<16xf32>
      %add3A_3058 = arith.constant 13 : i32
      %add3A_3059 = arith.addi %mul3A_108, %add3A_3058 : i32
      %swap3A_3060 = arith.index_cast %add3A_3059 : i32 to index
      %swap3A_3061 = arith.constant 160 : index
      %swap3A_3062 = tpu.vector_load %arg7[%swap3A_3060, %swap3A_3061] {strides = array<i32>} : memref<64x256xf32, #tpu.memory_space<vmem>>, vector<1x16xf32>,
      %swap3A_3063 = vector.shape_cast %swap3A_3062 : vector<1x16xf32> to vector<16xf32>
      %swap3A_3064 = vector.shape_cast %select_n3A_3057 : vector<16xf32> to vector<1x16xf32>
      tpu.vector_store %arg7[%swap3A_3060, %swap3A_3061], %swap3A_3064 {strides = array<i32>} : memref<64x256xf32, #tpu.memory_space<vmem>>, vector<1x16xf32>,
      %sub3A_3065 = vector.broadcast %squeeze3A_2915 : i32 to vector<16xi32>
      %sub3A_3066 = arith.subi %add3A_38, %sub3A_3065 : vector<16xi32>
      %bitcast3A_3067 = vector.bitcast %sub3A_3066 : vector<16xi32> to vector<16xi32>
      %le3A_3068 = vector.broadcast %squeeze3A_2921 : i32 to vector<16xi32>
      %le3A_3069 = arith.cmpi ule, %bitcast3A_3067, %le3A_3068 : vector<16xi32>
      %select_n3A_3070 = arith.select %le3A_3069, %broadcast_in_dim3A_51, %broadcast_in_dim3A_53 : vector<16xi1>, vector<16xf32>
      %add3A_3071 = arith.constant 13 : i32
      %add3A_3072 = arith.addi %mul3A_108, %add3A_3071 : i32
      %swap3A_3073 = arith.index_cast %add3A_3072 : i32 to index
      %swap3A_3074 = arith.constant 176 : index
      %swap3A_3075 = tpu.vector_load %arg7[%swap3A_3073, %swap3A_3074] {strides = array<i32>} : memref<64x256xf32, #tpu.memory_space<vmem>>, vector<1x16xf32>,
      %swap3A_3076 = vector.shape_cast %swap3A_3075 : vector<1x16xf32> to vector<16xf32>
      %swap3A_3077 = vector.shape_cast %select_n3A_3070 : vector<16xf32> to vector<1x16xf32>
      tpu.vector_store %arg7[%swap3A_3073, %swap3A_3074], %swap3A_3077 {strides = array<i32>} : memref<64x256xf32, #tpu.memory_space<vmem>>, vector<1x16xf32>,
      %sub3A_3078 = vector.broadcast %squeeze3A_2915 : i32 to vector<16xi32>
      %sub3A_3079 = arith.subi %add3A_41, %sub3A_3078 : vector<16xi32>
      %bitcast3A_3080 = vector.bitcast %sub3A_3079 : vector<16xi32> to vector<16xi32>
      %le3A_3081 = vector.broadcast %squeeze3A_2921 : i32 to vector<16xi32>
      %le3A_3082 = arith.cmpi ule, %bitcast3A_3080, %le3A_3081 : vector<16xi32>
      %select_n3A_3083 = arith.select %le3A_3082, %broadcast_in_dim3A_51, %broadcast_in_dim3A_53 : vector<16xi1>, vector<16xf32>
      %add3A_3084 = arith.constant 13 : i32
      %add3A_3085 = arith.addi %mul3A_108, %add3A_3084 : i32
      %swap3A_3086 = arith.index_cast %add3A_3085 : i32 to index
      %swap3A_3087 = arith.constant 192 : index
      %swap3A_3088 = tpu.vector_load %arg7[%swap3A_3086, %swap3A_3087] {strides = array<i32>} : memref<64x256xf32, #tpu.memory_space<vmem>>, vector<1x16xf32>,
      %swap3A_3089 = vector.shape_cast %swap3A_3088 : vector<1x16xf32> to vector<16xf32>
      %swap3A_3090 = vector.shape_cast %select_n3A_3083 : vector<16xf32> to vector<1x16xf32>
      tpu.vector_store %arg7[%swap3A_3086, %swap3A_3087], %swap3A_3090 {strides = array<i32>} : memref<64x256xf32, #tpu.memory_space<vmem>>, vector<1x16xf32>,
      %sub3A_3091 = vector.broadcast %squeeze3A_2915 : i32 to vector<16xi32>
      %sub3A_3092 = arith.subi %add3A_44, %sub3A_3091 : vector<16xi32>
      %bitcast3A_3093 = vector.bitcast %sub3A_3092 : vector<16xi32> to vector<16xi32>
      %le3A_3094 = vector.broadcast %squeeze3A_2921 : i32 to vector<16xi32>
      %le3A_3095 = arith.cmpi ule, %bitcast3A_3093, %le3A_3094 : vector<16xi32>
      %select_n3A_3096 = arith.select %le3A_3095, %broadcast_in_dim3A_51, %broadcast_in_dim3A_53 : vector<16xi1>, vector<16xf32>
      %add3A_3097 = arith.constant 13 : i32
      %add3A_3098 = arith.addi %mul3A_108, %add3A_3097 : i32
      %swap3A_3099 = arith.index_cast %add3A_3098 : i32 to index
      %swap3A_3100 = arith.constant 208 : index
      %swap3A_3101 = tpu.vector_load %arg7[%swap3A_3099, %swap3A_3100] {strides = array<i32>} : memref<64x256xf32, #tpu.memory_space<vmem>>, vector<1x16xf32>,
      %swap3A_3102 = vector.shape_cast %swap3A_3101 : vector<1x16xf32> to vector<16xf32>
      %swap3A_3103 = vector.shape_cast %select_n3A_3096 : vector<16xf32> to vector<1x16xf32>
      tpu.vector_store %arg7[%swap3A_3099, %swap3A_3100], %swap3A_3103 {strides = array<i32>} : memref<64x256xf32, #tpu.memory_space<vmem>>, vector<1x16xf32>,
      %sub3A_3104 = vector.broadcast %squeeze3A_2915 : i32 to vector<16xi32>
      %sub3A_3105 = arith.subi %add3A_47, %sub3A_3104 : vector<16xi32>
      %bitcast3A_3106 = vector.bitcast %sub3A_3105 : vector<16xi32> to vector<16xi32>
      %le3A_3107 = vector.broadcast %squeeze3A_2921 : i32 to vector<16xi32>
      %le3A_3108 = arith.cmpi ule, %bitcast3A_3106, %le3A_3107 : vector<16xi32>
      %select_n3A_3109 = arith.select %le3A_3108, %broadcast_in_dim3A_51, %broadcast_in_dim3A_53 : vector<16xi1>, vector<16xf32>
      %add3A_3110 = arith.constant 13 : i32
      %add3A_3111 = arith.addi %mul3A_108, %add3A_3110 : i32
      %swap3A_3112 = arith.index_cast %add3A_3111 : i32 to index
      %swap3A_3113 = arith.constant 224 : index
      %swap3A_3114 = tpu.vector_load %arg7[%swap3A_3112, %swap3A_3113] {strides = array<i32>} : memref<64x256xf32, #tpu.memory_space<vmem>>, vector<1x16xf32>,
      %swap3A_3115 = vector.shape_cast %swap3A_3114 : vector<1x16xf32> to vector<16xf32>
      %swap3A_3116 = vector.shape_cast %select_n3A_3109 : vector<16xf32> to vector<1x16xf32>
      tpu.vector_store %arg7[%swap3A_3112, %swap3A_3113], %swap3A_3116 {strides = array<i32>} : memref<64x256xf32, #tpu.memory_space<vmem>>, vector<1x16xf32>,
      %sub3A_3117 = vector.broadcast %squeeze3A_2915 : i32 to vector<16xi32>
      %sub3A_3118 = arith.subi %add3A_50, %sub3A_3117 : vector<16xi32>
      %bitcast3A_3119 = vector.bitcast %sub3A_3118 : vector<16xi32> to vector<16xi32>
      %le3A_3120 = vector.broadcast %squeeze3A_2921 : i32 to vector<16xi32>
      %le3A_3121 = arith.cmpi ule, %bitcast3A_3119, %le3A_3120 : vector<16xi32>
      %select_n3A_3122 = arith.select %le3A_3121, %broadcast_in_dim3A_51, %broadcast_in_dim3A_53 : vector<16xi1>, vector<16xf32>
      %add3A_3123 = arith.constant 13 : i32
      %add3A_3124 = arith.addi %mul3A_108, %add3A_3123 : i32
      %swap3A_3125 = arith.index_cast %add3A_3124 : i32 to index
      %swap3A_3126 = arith.constant 240 : index
      %swap3A_3127 = tpu.vector_load %arg7[%swap3A_3125, %swap3A_3126] {strides = array<i32>} : memref<64x256xf32, #tpu.memory_space<vmem>>, vector<1x16xf32>,
      %swap3A_3128 = vector.shape_cast %swap3A_3127 : vector<1x16xf32> to vector<16xf32>
      %swap3A_3129 = vector.shape_cast %select_n3A_3122 : vector<16xf32> to vector<1x16xf32>
      tpu.vector_store %arg7[%swap3A_3125, %swap3A_3126], %swap3A_3129 {strides = array<i32>} : memref<64x256xf32, #tpu.memory_space<vmem>>, vector<1x16xf32>,
      %slice3A_3130 = vector.extract_strided_slice %get3A_110 {offsets = [14], sizes = [1], strides = [1]} : vector<16xi32> to vector<1xi32>
      %squeeze3A_3131 = vector.extract %slice3A_3130[0] : i32 from vector<1xi32>
      %slice3A_3132 = vector.extract_strided_slice %get3A_113 {offsets = [14], sizes = [1], strides = [1]} : vector<16xi32> to vector<1xi32>
      %squeeze3A_3133 = vector.extract %slice3A_3132[0] : i32 from vector<1xi32>
      %sub3A_3134 = arith.subi %squeeze3A_3133, %squeeze3A_3131 : i32
      %reshape3A_3135 = vector.broadcast %sub3A_3134 : i32 to vector<1xi32>
      %bitcast3A_3136 = vector.bitcast %reshape3A_3135 : vector<1xi32> to vector<1xi32>
      %squeeze3A_3137 = vector.extract %bitcast3A_3136[0] : i32 from vector<1xi32>
      %sub3A_3138 = vector.broadcast %squeeze3A_3131 : i32 to vector<16xi32>
      %sub3A_3139 = arith.subi %add3A_5, %sub3A_3138 : vector<16xi32>
      %bitcast3A_3140 = vector.bitcast %sub3A_3139 : vector<16xi32> to vector<16xi32>
      %le3A_3141 = vector.broadcast %squeeze3A_3137 : i32 to vector<16xi32>
      %le3A_3142 = arith.cmpi ule, %bitcast3A_3140, %le3A_3141 : vector<16xi32>
      %select_n3A_3143 = arith.select %le3A_3142, %broadcast_in_dim3A_51, %broadcast_in_dim3A_53 : vector<16xi1>, vector<16xf32>
      %add3A_3144 = arith.constant 14 : i32
      %add3A_3145 = arith.addi %mul3A_108, %add3A_3144 : i32
      %swap3A_3146 = arith.index_cast %add3A_3145 : i32 to index
      %swap3A_3147 = arith.constant 0 : index
      %swap3A_3148 = tpu.vector_load %arg7[%swap3A_3146, %swap3A_3147] {strides = array<i32>} : memref<64x256xf32, #tpu.memory_space<vmem>>, vector<1x16xf32>,
      %swap3A_3149 = vector.shape_cast %swap3A_3148 : vector<1x16xf32> to vector<16xf32>
      %swap3A_3150 = vector.shape_cast %select_n3A_3143 : vector<16xf32> to vector<1x16xf32>
      tpu.vector_store %arg7[%swap3A_3146, %swap3A_3147], %swap3A_3150 {strides = array<i32>} : memref<64x256xf32, #tpu.memory_space<vmem>>, vector<1x16xf32>,
      %sub3A_3151 = vector.broadcast %squeeze3A_3131 : i32 to vector<16xi32>
      %sub3A_3152 = arith.subi %add3A_8, %sub3A_3151 : vector<16xi32>
      %bitcast3A_3153 = vector.bitcast %sub3A_3152 : vector<16xi32> to vector<16xi32>
      %le3A_3154 = vector.broadcast %squeeze3A_3137 : i32 to vector<16xi32>
      %le3A_3155 = arith.cmpi ule, %bitcast3A_3153, %le3A_3154 : vector<16xi32>
      %select_n3A_3156 = arith.select %le3A_3155, %broadcast_in_dim3A_51, %broadcast_in_dim3A_53 : vector<16xi1>, vector<16xf32>
      %add3A_3157 = arith.constant 14 : i32
      %add3A_3158 = arith.addi %mul3A_108, %add3A_3157 : i32
      %swap3A_3159 = arith.index_cast %add3A_3158 : i32 to index
      %swap3A_3160 = arith.constant 16 : index
      %swap3A_3161 = tpu.vector_load %arg7[%swap3A_3159, %swap3A_3160] {strides = array<i32>} : memref<64x256xf32, #tpu.memory_space<vmem>>, vector<1x16xf32>,
      %swap3A_3162 = vector.shape_cast %swap3A_3161 : vector<1x16xf32> to vector<16xf32>
      %swap3A_3163 = vector.shape_cast %select_n3A_3156 : vector<16xf32> to vector<1x16xf32>
      tpu.vector_store %arg7[%swap3A_3159, %swap3A_3160], %swap3A_3163 {strides = array<i32>} : memref<64x256xf32, #tpu.memory_space<vmem>>, vector<1x16xf32>,
      %sub3A_3164 = vector.broadcast %squeeze3A_3131 : i32 to vector<16xi32>
      %sub3A_3165 = arith.subi %add3A_11, %sub3A_3164 : vector<16xi32>
      %bitcast3A_3166 = vector.bitcast %sub3A_3165 : vector<16xi32> to vector<16xi32>
      %le3A_3167 = vector.broadcast %squeeze3A_3137 : i32 to vector<16xi32>
      %le3A_3168 = arith.cmpi ule, %bitcast3A_3166, %le3A_3167 : vector<16xi32>
      %select_n3A_3169 = arith.select %le3A_3168, %broadcast_in_dim3A_51, %broadcast_in_dim3A_53 : vector<16xi1>, vector<16xf32>
      %add3A_3170 = arith.constant 14 : i32
      %add3A_3171 = arith.addi %mul3A_108, %add3A_3170 : i32
      %swap3A_3172 = arith.index_cast %add3A_3171 : i32 to index
      %swap3A_3173 = arith.constant 32 : index
      %swap3A_3174 = tpu.vector_load %arg7[%swap3A_3172, %swap3A_3173] {strides = array<i32>} : memref<64x256xf32, #tpu.memory_space<vmem>>, vector<1x16xf32>,
      %swap3A_3175 = vector.shape_cast %swap3A_3174 : vector<1x16xf32> to vector<16xf32>
      %swap3A_3176 = vector.shape_cast %select_n3A_3169 : vector<16xf32> to vector<1x16xf32>
      tpu.vector_store %arg7[%swap3A_3172, %swap3A_3173], %swap3A_3176 {strides = array<i32>} : memref<64x256xf32, #tpu.memory_space<vmem>>, vector<1x16xf32>,
      %sub3A_3177 = vector.broadcast %squeeze3A_3131 : i32 to vector<16xi32>
      %sub3A_3178 = arith.subi %add3A_14, %sub3A_3177 : vector<16xi32>
      %bitcast3A_3179 = vector.bitcast %sub3A_3178 : vector<16xi32> to vector<16xi32>
      %le3A_3180 = vector.broadcast %squeeze3A_3137 : i32 to vector<16xi32>
      %le3A_3181 = arith.cmpi ule, %bitcast3A_3179, %le3A_3180 : vector<16xi32>
      %select_n3A_3182 = arith.select %le3A_3181, %broadcast_in_dim3A_51, %broadcast_in_dim3A_53 : vector<16xi1>, vector<16xf32>
      %add3A_3183 = arith.constant 14 : i32
      %add3A_3184 = arith.addi %mul3A_108, %add3A_3183 : i32
      %swap3A_3185 = arith.index_cast %add3A_3184 : i32 to index
      %swap3A_3186 = arith.constant 48 : index
      %swap3A_3187 = tpu.vector_load %arg7[%swap3A_3185, %swap3A_3186] {strides = array<i32>} : memref<64x256xf32, #tpu.memory_space<vmem>>, vector<1x16xf32>,
      %swap3A_3188 = vector.shape_cast %swap3A_3187 : vector<1x16xf32> to vector<16xf32>
      %swap3A_3189 = vector.shape_cast %select_n3A_3182 : vector<16xf32> to vector<1x16xf32>
      tpu.vector_store %arg7[%swap3A_3185, %swap3A_3186], %swap3A_3189 {strides = array<i32>} : memref<64x256xf32, #tpu.memory_space<vmem>>, vector<1x16xf32>,
      %sub3A_3190 = vector.broadcast %squeeze3A_3131 : i32 to vector<16xi32>
      %sub3A_3191 = arith.subi %add3A_17, %sub3A_3190 : vector<16xi32>
      %bitcast3A_3192 = vector.bitcast %sub3A_3191 : vector<16xi32> to vector<16xi32>
      %le3A_3193 = vector.broadcast %squeeze3A_3137 : i32 to vector<16xi32>
      %le3A_3194 = arith.cmpi ule, %bitcast3A_3192, %le3A_3193 : vector<16xi32>
      %select_n3A_3195 = arith.select %le3A_3194, %broadcast_in_dim3A_51, %broadcast_in_dim3A_53 : vector<16xi1>, vector<16xf32>
      %add3A_3196 = arith.constant 14 : i32
      %add3A_3197 = arith.addi %mul3A_108, %add3A_3196 : i32
      %swap3A_3198 = arith.index_cast %add3A_3197 : i32 to index
      %swap3A_3199 = arith.constant 64 : index
      %swap3A_3200 = tpu.vector_load %arg7[%swap3A_3198, %swap3A_3199] {strides = array<i32>} : memref<64x256xf32, #tpu.memory_space<vmem>>, vector<1x16xf32>,
      %swap3A_3201 = vector.shape_cast %swap3A_3200 : vector<1x16xf32> to vector<16xf32>
      %swap3A_3202 = vector.shape_cast %select_n3A_3195 : vector<16xf32> to vector<1x16xf32>
      tpu.vector_store %arg7[%swap3A_3198, %swap3A_3199], %swap3A_3202 {strides = array<i32>} : memref<64x256xf32, #tpu.memory_space<vmem>>, vector<1x16xf32>,
      %sub3A_3203 = vector.broadcast %squeeze3A_3131 : i32 to vector<16xi32>
      %sub3A_3204 = arith.subi %add3A_20, %sub3A_3203 : vector<16xi32>
      %bitcast3A_3205 = vector.bitcast %sub3A_3204 : vector<16xi32> to vector<16xi32>
      %le3A_3206 = vector.broadcast %squeeze3A_3137 : i32 to vector<16xi32>
      %le3A_3207 = arith.cmpi ule, %bitcast3A_3205, %le3A_3206 : vector<16xi32>
      %select_n3A_3208 = arith.select %le3A_3207, %broadcast_in_dim3A_51, %broadcast_in_dim3A_53 : vector<16xi1>, vector<16xf32>
      %add3A_3209 = arith.constant 14 : i32
      %add3A_3210 = arith.addi %mul3A_108, %add3A_3209 : i32
      %swap3A_3211 = arith.index_cast %add3A_3210 : i32 to index
      %swap3A_3212 = arith.constant 80 : index
      %swap3A_3213 = tpu.vector_load %arg7[%swap3A_3211, %swap3A_3212] {strides = array<i32>} : memref<64x256xf32, #tpu.memory_space<vmem>>, vector<1x16xf32>,
      %swap3A_3214 = vector.shape_cast %swap3A_3213 : vector<1x16xf32> to vector<16xf32>
      %swap3A_3215 = vector.shape_cast %select_n3A_3208 : vector<16xf32> to vector<1x16xf32>
      tpu.vector_store %arg7[%swap3A_3211, %swap3A_3212], %swap3A_3215 {strides = array<i32>} : memref<64x256xf32, #tpu.memory_space<vmem>>, vector<1x16xf32>,
      %sub3A_3216 = vector.broadcast %squeeze3A_3131 : i32 to vector<16xi32>
      %sub3A_3217 = arith.subi %add3A_23, %sub3A_3216 : vector<16xi32>
      %bitcast3A_3218 = vector.bitcast %sub3A_3217 : vector<16xi32> to vector<16xi32>
      %le3A_3219 = vector.broadcast %squeeze3A_3137 : i32 to vector<16xi32>
      %le3A_3220 = arith.cmpi ule, %bitcast3A_3218, %le3A_3219 : vector<16xi32>
      %select_n3A_3221 = arith.select %le3A_3220, %broadcast_in_dim3A_51, %broadcast_in_dim3A_53 : vector<16xi1>, vector<16xf32>
      %add3A_3222 = arith.constant 14 : i32
      %add3A_3223 = arith.addi %mul3A_108, %add3A_3222 : i32
      %swap3A_3224 = arith.index_cast %add3A_3223 : i32 to index
      %swap3A_3225 = arith.constant 96 : index
      %swap3A_3226 = tpu.vector_load %arg7[%swap3A_3224, %swap3A_3225] {strides = array<i32>} : memref<64x256xf32, #tpu.memory_space<vmem>>, vector<1x16xf32>,
      %swap3A_3227 = vector.shape_cast %swap3A_3226 : vector<1x16xf32> to vector<16xf32>
      %swap3A_3228 = vector.shape_cast %select_n3A_3221 : vector<16xf32> to vector<1x16xf32>
      tpu.vector_store %arg7[%swap3A_3224, %swap3A_3225], %swap3A_3228 {strides = array<i32>} : memref<64x256xf32, #tpu.memory_space<vmem>>, vector<1x16xf32>,
      %sub3A_3229 = vector.broadcast %squeeze3A_3131 : i32 to vector<16xi32>
      %sub3A_3230 = arith.subi %add3A_26, %sub3A_3229 : vector<16xi32>
      %bitcast3A_3231 = vector.bitcast %sub3A_3230 : vector<16xi32> to vector<16xi32>
      %le3A_3232 = vector.broadcast %squeeze3A_3137 : i32 to vector<16xi32>
      %le3A_3233 = arith.cmpi ule, %bitcast3A_3231, %le3A_3232 : vector<16xi32>
      %select_n3A_3234 = arith.select %le3A_3233, %broadcast_in_dim3A_51, %broadcast_in_dim3A_53 : vector<16xi1>, vector<16xf32>
      %add3A_3235 = arith.constant 14 : i32
      %add3A_3236 = arith.addi %mul3A_108, %add3A_3235 : i32
      %swap3A_3237 = arith.index_cast %add3A_3236 : i32 to index
      %swap3A_3238 = arith.constant 112 : index
      %swap3A_3239 = tpu.vector_load %arg7[%swap3A_3237, %swap3A_3238] {strides = array<i32>} : memref<64x256xf32, #tpu.memory_space<vmem>>, vector<1x16xf32>,
      %swap3A_3240 = vector.shape_cast %swap3A_3239 : vector<1x16xf32> to vector<16xf32>
      %swap3A_3241 = vector.shape_cast %select_n3A_3234 : vector<16xf32> to vector<1x16xf32>
      tpu.vector_store %arg7[%swap3A_3237, %swap3A_3238], %swap3A_3241 {strides = array<i32>} : memref<64x256xf32, #tpu.memory_space<vmem>>, vector<1x16xf32>,
      %sub3A_3242 = vector.broadcast %squeeze3A_3131 : i32 to vector<16xi32>
      %sub3A_3243 = arith.subi %add3A_29, %sub3A_3242 : vector<16xi32>
      %bitcast3A_3244 = vector.bitcast %sub3A_3243 : vector<16xi32> to vector<16xi32>
      %le3A_3245 = vector.broadcast %squeeze3A_3137 : i32 to vector<16xi32>
      %le3A_3246 = arith.cmpi ule, %bitcast3A_3244, %le3A_3245 : vector<16xi32>
      %select_n3A_3247 = arith.select %le3A_3246, %broadcast_in_dim3A_51, %broadcast_in_dim3A_53 : vector<16xi1>, vector<16xf32>
      %add3A_3248 = arith.constant 14 : i32
      %add3A_3249 = arith.addi %mul3A_108, %add3A_3248 : i32
      %swap3A_3250 = arith.index_cast %add3A_3249 : i32 to index
      %swap3A_3251 = arith.constant 128 : index
      %swap3A_3252 = tpu.vector_load %arg7[%swap3A_3250, %swap3A_3251] {strides = array<i32>} : memref<64x256xf32, #tpu.memory_space<vmem>>, vector<1x16xf32>,
      %swap3A_3253 = vector.shape_cast %swap3A_3252 : vector<1x16xf32> to vector<16xf32>
      %swap3A_3254 = vector.shape_cast %select_n3A_3247 : vector<16xf32> to vector<1x16xf32>
      tpu.vector_store %arg7[%swap3A_3250, %swap3A_3251], %swap3A_3254 {strides = array<i32>} : memref<64x256xf32, #tpu.memory_space<vmem>>, vector<1x16xf32>,
      %sub3A_3255 = vector.broadcast %squeeze3A_3131 : i32 to vector<16xi32>
      %sub3A_3256 = arith.subi %add3A_32, %sub3A_3255 : vector<16xi32>
      %bitcast3A_3257 = vector.bitcast %sub3A_3256 : vector<16xi32> to vector<16xi32>
      %le3A_3258 = vector.broadcast %squeeze3A_3137 : i32 to vector<16xi32>
      %le3A_3259 = arith.cmpi ule, %bitcast3A_3257, %le3A_3258 : vector<16xi32>
      %select_n3A_3260 = arith.select %le3A_3259, %broadcast_in_dim3A_51, %broadcast_in_dim3A_53 : vector<16xi1>, vector<16xf32>
      %add3A_3261 = arith.constant 14 : i32
      %add3A_3262 = arith.addi %mul3A_108, %add3A_3261 : i32
      %swap3A_3263 = arith.index_cast %add3A_3262 : i32 to index
      %swap3A_3264 = arith.constant 144 : index
      %swap3A_3265 = tpu.vector_load %arg7[%swap3A_3263, %swap3A_3264] {strides = array<i32>} : memref<64x256xf32, #tpu.memory_space<vmem>>, vector<1x16xf32>,
      %swap3A_3266 = vector.shape_cast %swap3A_3265 : vector<1x16xf32> to vector<16xf32>
      %swap3A_3267 = vector.shape_cast %select_n3A_3260 : vector<16xf32> to vector<1x16xf32>
      tpu.vector_store %arg7[%swap3A_3263, %swap3A_3264], %swap3A_3267 {strides = array<i32>} : memref<64x256xf32, #tpu.memory_space<vmem>>, vector<1x16xf32>,
      %sub3A_3268 = vector.broadcast %squeeze3A_3131 : i32 to vector<16xi32>
      %sub3A_3269 = arith.subi %add3A_35, %sub3A_3268 : vector<16xi32>
      %bitcast3A_3270 = vector.bitcast %sub3A_3269 : vector<16xi32> to vector<16xi32>
      %le3A_3271 = vector.broadcast %squeeze3A_3137 : i32 to vector<16xi32>
      %le3A_3272 = arith.cmpi ule, %bitcast3A_3270, %le3A_3271 : vector<16xi32>
      %select_n3A_3273 = arith.select %le3A_3272, %broadcast_in_dim3A_51, %broadcast_in_dim3A_53 : vector<16xi1>, vector<16xf32>
      %add3A_3274 = arith.constant 14 : i32
      %add3A_3275 = arith.addi %mul3A_108, %add3A_3274 : i32
      %swap3A_3276 = arith.index_cast %add3A_3275 : i32 to index
      %swap3A_3277 = arith.constant 160 : index
      %swap3A_3278 = tpu.vector_load %arg7[%swap3A_3276, %swap3A_3277] {strides = array<i32>} : memref<64x256xf32, #tpu.memory_space<vmem>>, vector<1x16xf32>,
      %swap3A_3279 = vector.shape_cast %swap3A_3278 : vector<1x16xf32> to vector<16xf32>
      %swap3A_3280 = vector.shape_cast %select_n3A_3273 : vector<16xf32> to vector<1x16xf32>
      tpu.vector_store %arg7[%swap3A_3276, %swap3A_3277], %swap3A_3280 {strides = array<i32>} : memref<64x256xf32, #tpu.memory_space<vmem>>, vector<1x16xf32>,
      %sub3A_3281 = vector.broadcast %squeeze3A_3131 : i32 to vector<16xi32>
      %sub3A_3282 = arith.subi %add3A_38, %sub3A_3281 : vector<16xi32>
      %bitcast3A_3283 = vector.bitcast %sub3A_3282 : vector<16xi32> to vector<16xi32>
      %le3A_3284 = vector.broadcast %squeeze3A_3137 : i32 to vector<16xi32>
      %le3A_3285 = arith.cmpi ule, %bitcast3A_3283, %le3A_3284 : vector<16xi32>
      %select_n3A_3286 = arith.select %le3A_3285, %broadcast_in_dim3A_51, %broadcast_in_dim3A_53 : vector<16xi1>, vector<16xf32>
      %add3A_3287 = arith.constant 14 : i32
      %add3A_3288 = arith.addi %mul3A_108, %add3A_3287 : i32
      %swap3A_3289 = arith.index_cast %add3A_3288 : i32 to index
      %swap3A_3290 = arith.constant 176 : index
      %swap3A_3291 = tpu.vector_load %arg7[%swap3A_3289, %swap3A_3290] {strides = array<i32>} : memref<64x256xf32, #tpu.memory_space<vmem>>, vector<1x16xf32>,
      %swap3A_3292 = vector.shape_cast %swap3A_3291 : vector<1x16xf32> to vector<16xf32>
      %swap3A_3293 = vector.shape_cast %select_n3A_3286 : vector<16xf32> to vector<1x16xf32>
      tpu.vector_store %arg7[%swap3A_3289, %swap3A_3290], %swap3A_3293 {strides = array<i32>} : memref<64x256xf32, #tpu.memory_space<vmem>>, vector<1x16xf32>,
      %sub3A_3294 = vector.broadcast %squeeze3A_3131 : i32 to vector<16xi32>
      %sub3A_3295 = arith.subi %add3A_41, %sub3A_3294 : vector<16xi32>
      %bitcast3A_3296 = vector.bitcast %sub3A_3295 : vector<16xi32> to vector<16xi32>
      %le3A_3297 = vector.broadcast %squeeze3A_3137 : i32 to vector<16xi32>
      %le3A_3298 = arith.cmpi ule, %bitcast3A_3296, %le3A_3297 : vector<16xi32>
      %select_n3A_3299 = arith.select %le3A_3298, %broadcast_in_dim3A_51, %broadcast_in_dim3A_53 : vector<16xi1>, vector<16xf32>
      %add3A_3300 = arith.constant 14 : i32
      %add3A_3301 = arith.addi %mul3A_108, %add3A_3300 : i32
      %swap3A_3302 = arith.index_cast %add3A_3301 : i32 to index
      %swap3A_3303 = arith.constant 192 : index
      %swap3A_3304 = tpu.vector_load %arg7[%swap3A_3302, %swap3A_3303] {strides = array<i32>} : memref<64x256xf32, #tpu.memory_space<vmem>>, vector<1x16xf32>,
      %swap3A_3305 = vector.shape_cast %swap3A_3304 : vector<1x16xf32> to vector<16xf32>
      %swap3A_3306 = vector.shape_cast %select_n3A_3299 : vector<16xf32> to vector<1x16xf32>
      tpu.vector_store %arg7[%swap3A_3302, %swap3A_3303], %swap3A_3306 {strides = array<i32>} : memref<64x256xf32, #tpu.memory_space<vmem>>, vector<1x16xf32>,
      %sub3A_3307 = vector.broadcast %squeeze3A_3131 : i32 to vector<16xi32>
      %sub3A_3308 = arith.subi %add3A_44, %sub3A_3307 : vector<16xi32>
      %bitcast3A_3309 = vector.bitcast %sub3A_3308 : vector<16xi32> to vector<16xi32>
      %le3A_3310 = vector.broadcast %squeeze3A_3137 : i32 to vector<16xi32>
      %le3A_3311 = arith.cmpi ule, %bitcast3A_3309, %le3A_3310 : vector<16xi32>
      %select_n3A_3312 = arith.select %le3A_3311, %broadcast_in_dim3A_51, %broadcast_in_dim3A_53 : vector<16xi1>, vector<16xf32>
      %add3A_3313 = arith.constant 14 : i32
      %add3A_3314 = arith.addi %mul3A_108, %add3A_3313 : i32
      %swap3A_3315 = arith.index_cast %add3A_3314 : i32 to index
      %swap3A_3316 = arith.constant 208 : index
      %swap3A_3317 = tpu.vector_load %arg7[%swap3A_3315, %swap3A_3316] {strides = array<i32>} : memref<64x256xf32, #tpu.memory_space<vmem>>, vector<1x16xf32>,
      %swap3A_3318 = vector.shape_cast %swap3A_3317 : vector<1x16xf32> to vector<16xf32>
      %swap3A_3319 = vector.shape_cast %select_n3A_3312 : vector<16xf32> to vector<1x16xf32>
      tpu.vector_store %arg7[%swap3A_3315, %swap3A_3316], %swap3A_3319 {strides = array<i32>} : memref<64x256xf32, #tpu.memory_space<vmem>>, vector<1x16xf32>,
      %sub3A_3320 = vector.broadcast %squeeze3A_3131 : i32 to vector<16xi32>
      %sub3A_3321 = arith.subi %add3A_47, %sub3A_3320 : vector<16xi32>
      %bitcast3A_3322 = vector.bitcast %sub3A_3321 : vector<16xi32> to vector<16xi32>
      %le3A_3323 = vector.broadcast %squeeze3A_3137 : i32 to vector<16xi32>
      %le3A_3324 = arith.cmpi ule, %bitcast3A_3322, %le3A_3323 : vector<16xi32>
      %select_n3A_3325 = arith.select %le3A_3324, %broadcast_in_dim3A_51, %broadcast_in_dim3A_53 : vector<16xi1>, vector<16xf32>
      %add3A_3326 = arith.constant 14 : i32
      %add3A_3327 = arith.addi %mul3A_108, %add3A_3326 : i32
      %swap3A_3328 = arith.index_cast %add3A_3327 : i32 to index
      %swap3A_3329 = arith.constant 224 : index
      %swap3A_3330 = tpu.vector_load %arg7[%swap3A_3328, %swap3A_3329] {strides = array<i32>} : memref<64x256xf32, #tpu.memory_space<vmem>>, vector<1x16xf32>,
      %swap3A_3331 = vector.shape_cast %swap3A_3330 : vector<1x16xf32> to vector<16xf32>
      %swap3A_3332 = vector.shape_cast %select_n3A_3325 : vector<16xf32> to vector<1x16xf32>
      tpu.vector_store %arg7[%swap3A_3328, %swap3A_3329], %swap3A_3332 {strides = array<i32>} : memref<64x256xf32, #tpu.memory_space<vmem>>, vector<1x16xf32>,
      %sub3A_3333 = vector.broadcast %squeeze3A_3131 : i32 to vector<16xi32>
      %sub3A_3334 = arith.subi %add3A_50, %sub3A_3333 : vector<16xi32>
      %bitcast3A_3335 = vector.bitcast %sub3A_3334 : vector<16xi32> to vector<16xi32>
      %le3A_3336 = vector.broadcast %squeeze3A_3137 : i32 to vector<16xi32>
      %le3A_3337 = arith.cmpi ule, %bitcast3A_3335, %le3A_3336 : vector<16xi32>
      %select_n3A_3338 = arith.select %le3A_3337, %broadcast_in_dim3A_51, %broadcast_in_dim3A_53 : vector<16xi1>, vector<16xf32>
      %add3A_3339 = arith.constant 14 : i32
      %add3A_3340 = arith.addi %mul3A_108, %add3A_3339 : i32
      %swap3A_3341 = arith.index_cast %add3A_3340 : i32 to index
      %swap3A_3342 = arith.constant 240 : index
      %swap3A_3343 = tpu.vector_load %arg7[%swap3A_3341, %swap3A_3342] {strides = array<i32>} : memref<64x256xf32, #tpu.memory_space<vmem>>, vector<1x16xf32>,
      %swap3A_3344 = vector.shape_cast %swap3A_3343 : vector<1x16xf32> to vector<16xf32>
      %swap3A_3345 = vector.shape_cast %select_n3A_3338 : vector<16xf32> to vector<1x16xf32>
      tpu.vector_store %arg7[%swap3A_3341, %swap3A_3342], %swap3A_3345 {strides = array<i32>} : memref<64x256xf32, #tpu.memory_space<vmem>>, vector<1x16xf32>,
      %slice3A_3346 = vector.extract_strided_slice %get3A_110 {offsets = [15], sizes = [1], strides = [1]} : vector<16xi32> to vector<1xi32>
      %squeeze3A_3347 = vector.extract %slice3A_3346[0] : i32 from vector<1xi32>
      %slice3A_3348 = vector.extract_strided_slice %get3A_113 {offsets = [15], sizes = [1], strides = [1]} : vector<16xi32> to vector<1xi32>
      %squeeze3A_3349 = vector.extract %slice3A_3348[0] : i32 from vector<1xi32>
      %sub3A_3350 = arith.subi %squeeze3A_3349, %squeeze3A_3347 : i32
      %reshape3A_3351 = vector.broadcast %sub3A_3350 : i32 to vector<1xi32>
      %bitcast3A_3352 = vector.bitcast %reshape3A_3351 : vector<1xi32> to vector<1xi32>
      %squeeze3A_3353 = vector.extract %bitcast3A_3352[0] : i32 from vector<1xi32>
      %sub3A_3354 = vector.broadcast %squeeze3A_3347 : i32 to vector<16xi32>
      %sub3A_3355 = arith.subi %add3A_5, %sub3A_3354 : vector<16xi32>
      %bitcast3A_3356 = vector.bitcast %sub3A_3355 : vector<16xi32> to vector<16xi32>
      %le3A_3357 = vector.broadcast %squeeze3A_3353 : i32 to vector<16xi32>
      %le3A_3358 = arith.cmpi ule, %bitcast3A_3356, %le3A_3357 : vector<16xi32>
      %select_n3A_3359 = arith.select %le3A_3358, %broadcast_in_dim3A_51, %broadcast_in_dim3A_53 : vector<16xi1>, vector<16xf32>
      %add3A_3360 = arith.constant 15 : i32
      %add3A_3361 = arith.addi %mul3A_108, %add3A_3360 : i32
      %swap3A_3362 = arith.index_cast %add3A_3361 : i32 to index
      %swap3A_3363 = arith.constant 0 : index
      %swap3A_3364 = tpu.vector_load %arg7[%swap3A_3362, %swap3A_3363] {strides = array<i32>} : memref<64x256xf32, #tpu.memory_space<vmem>>, vector<1x16xf32>,
      %swap3A_3365 = vector.shape_cast %swap3A_3364 : vector<1x16xf32> to vector<16xf32>
      %swap3A_3366 = vector.shape_cast %select_n3A_3359 : vector<16xf32> to vector<1x16xf32>
      tpu.vector_store %arg7[%swap3A_3362, %swap3A_3363], %swap3A_3366 {strides = array<i32>} : memref<64x256xf32, #tpu.memory_space<vmem>>, vector<1x16xf32>,
      %sub3A_3367 = vector.broadcast %squeeze3A_3347 : i32 to vector<16xi32>
      %sub3A_3368 = arith.subi %add3A_8, %sub3A_3367 : vector<16xi32>
      %bitcast3A_3369 = vector.bitcast %sub3A_3368 : vector<16xi32> to vector<16xi32>
      %le3A_3370 = vector.broadcast %squeeze3A_3353 : i32 to vector<16xi32>
      %le3A_3371 = arith.cmpi ule, %bitcast3A_3369, %le3A_3370 : vector<16xi32>
      %select_n3A_3372 = arith.select %le3A_3371, %broadcast_in_dim3A_51, %broadcast_in_dim3A_53 : vector<16xi1>, vector<16xf32>
      %add3A_3373 = arith.constant 15 : i32
      %add3A_3374 = arith.addi %mul3A_108, %add3A_3373 : i32
      %swap3A_3375 = arith.index_cast %add3A_3374 : i32 to index
      %swap3A_3376 = arith.constant 16 : index
      %swap3A_3377 = tpu.vector_load %arg7[%swap3A_3375, %swap3A_3376] {strides = array<i32>} : memref<64x256xf32, #tpu.memory_space<vmem>>, vector<1x16xf32>,
      %swap3A_3378 = vector.shape_cast %swap3A_3377 : vector<1x16xf32> to vector<16xf32>
      %swap3A_3379 = vector.shape_cast %select_n3A_3372 : vector<16xf32> to vector<1x16xf32>
      tpu.vector_store %arg7[%swap3A_3375, %swap3A_3376], %swap3A_3379 {strides = array<i32>} : memref<64x256xf32, #tpu.memory_space<vmem>>, vector<1x16xf32>,
      %sub3A_3380 = vector.broadcast %squeeze3A_3347 : i32 to vector<16xi32>
      %sub3A_3381 = arith.subi %add3A_11, %sub3A_3380 : vector<16xi32>
      %bitcast3A_3382 = vector.bitcast %sub3A_3381 : vector<16xi32> to vector<16xi32>
      %le3A_3383 = vector.broadcast %squeeze3A_3353 : i32 to vector<16xi32>
      %le3A_3384 = arith.cmpi ule, %bitcast3A_3382, %le3A_3383 : vector<16xi32>
      %select_n3A_3385 = arith.select %le3A_3384, %broadcast_in_dim3A_51, %broadcast_in_dim3A_53 : vector<16xi1>, vector<16xf32>
      %add3A_3386 = arith.constant 15 : i32
      %add3A_3387 = arith.addi %mul3A_108, %add3A_3386 : i32
      %swap3A_3388 = arith.index_cast %add3A_3387 : i32 to index
      %swap3A_3389 = arith.constant 32 : index
      %swap3A_3390 = tpu.vector_load %arg7[%swap3A_3388, %swap3A_3389] {strides = array<i32>} : memref<64x256xf32, #tpu.memory_space<vmem>>, vector<1x16xf32>,
      %swap3A_3391 = vector.shape_cast %swap3A_3390 : vector<1x16xf32> to vector<16xf32>
      %swap3A_3392 = vector.shape_cast %select_n3A_3385 : vector<16xf32> to vector<1x16xf32>
      tpu.vector_store %arg7[%swap3A_3388, %swap3A_3389], %swap3A_3392 {strides = array<i32>} : memref<64x256xf32, #tpu.memory_space<vmem>>, vector<1x16xf32>,
      %sub3A_3393 = vector.broadcast %squeeze3A_3347 : i32 to vector<16xi32>
      %sub3A_3394 = arith.subi %add3A_14, %sub3A_3393 : vector<16xi32>
      %bitcast3A_3395 = vector.bitcast %sub3A_3394 : vector<16xi32> to vector<16xi32>
      %le3A_3396 = vector.broadcast %squeeze3A_3353 : i32 to vector<16xi32>
      %le3A_3397 = arith.cmpi ule, %bitcast3A_3395, %le3A_3396 : vector<16xi32>
      %select_n3A_3398 = arith.select %le3A_3397, %broadcast_in_dim3A_51, %broadcast_in_dim3A_53 : vector<16xi1>, vector<16xf32>
      %add3A_3399 = arith.constant 15 : i32
      %add3A_3400 = arith.addi %mul3A_108, %add3A_3399 : i32
      %swap3A_3401 = arith.index_cast %add3A_3400 : i32 to index
      %swap3A_3402 = arith.constant 48 : index
      %swap3A_3403 = tpu.vector_load %arg7[%swap3A_3401, %swap3A_3402] {strides = array<i32>} : memref<64x256xf32, #tpu.memory_space<vmem>>, vector<1x16xf32>,
      %swap3A_3404 = vector.shape_cast %swap3A_3403 : vector<1x16xf32> to vector<16xf32>
      %swap3A_3405 = vector.shape_cast %select_n3A_3398 : vector<16xf32> to vector<1x16xf32>
      tpu.vector_store %arg7[%swap3A_3401, %swap3A_3402], %swap3A_3405 {strides = array<i32>} : memref<64x256xf32, #tpu.memory_space<vmem>>, vector<1x16xf32>,
      %sub3A_3406 = vector.broadcast %squeeze3A_3347 : i32 to vector<16xi32>
      %sub3A_3407 = arith.subi %add3A_17, %sub3A_3406 : vector<16xi32>
      %bitcast3A_3408 = vector.bitcast %sub3A_3407 : vector<16xi32> to vector<16xi32>
      %le3A_3409 = vector.broadcast %squeeze3A_3353 : i32 to vector<16xi32>
      %le3A_3410 = arith.cmpi ule, %bitcast3A_3408, %le3A_3409 : vector<16xi32>
      %select_n3A_3411 = arith.select %le3A_3410, %broadcast_in_dim3A_51, %broadcast_in_dim3A_53 : vector<16xi1>, vector<16xf32>
      %add3A_3412 = arith.constant 15 : i32
      %add3A_3413 = arith.addi %mul3A_108, %add3A_3412 : i32
      %swap3A_3414 = arith.index_cast %add3A_3413 : i32 to index
      %swap3A_3415 = arith.constant 64 : index
      %swap3A_3416 = tpu.vector_load %arg7[%swap3A_3414, %swap3A_3415] {strides = array<i32>} : memref<64x256xf32, #tpu.memory_space<vmem>>, vector<1x16xf32>,
      %swap3A_3417 = vector.shape_cast %swap3A_3416 : vector<1x16xf32> to vector<16xf32>
      %swap3A_3418 = vector.shape_cast %select_n3A_3411 : vector<16xf32> to vector<1x16xf32>
      tpu.vector_store %arg7[%swap3A_3414, %swap3A_3415], %swap3A_3418 {strides = array<i32>} : memref<64x256xf32, #tpu.memory_space<vmem>>, vector<1x16xf32>,
      %sub3A_3419 = vector.broadcast %squeeze3A_3347 : i32 to vector<16xi32>
      %sub3A_3420 = arith.subi %add3A_20, %sub3A_3419 : vector<16xi32>
      %bitcast3A_3421 = vector.bitcast %sub3A_3420 : vector<16xi32> to vector<16xi32>
      %le3A_3422 = vector.broadcast %squeeze3A_3353 : i32 to vector<16xi32>
      %le3A_3423 = arith.cmpi ule, %bitcast3A_3421, %le3A_3422 : vector<16xi32>
      %select_n3A_3424 = arith.select %le3A_3423, %broadcast_in_dim3A_51, %broadcast_in_dim3A_53 : vector<16xi1>, vector<16xf32>
      %add3A_3425 = arith.constant 15 : i32
      %add3A_3426 = arith.addi %mul3A_108, %add3A_3425 : i32
      %swap3A_3427 = arith.index_cast %add3A_3426 : i32 to index
      %swap3A_3428 = arith.constant 80 : index
      %swap3A_3429 = tpu.vector_load %arg7[%swap3A_3427, %swap3A_3428] {strides = array<i32>} : memref<64x256xf32, #tpu.memory_space<vmem>>, vector<1x16xf32>,
      %swap3A_3430 = vector.shape_cast %swap3A_3429 : vector<1x16xf32> to vector<16xf32>
      %swap3A_3431 = vector.shape_cast %select_n3A_3424 : vector<16xf32> to vector<1x16xf32>
      tpu.vector_store %arg7[%swap3A_3427, %swap3A_3428], %swap3A_3431 {strides = array<i32>} : memref<64x256xf32, #tpu.memory_space<vmem>>, vector<1x16xf32>,
      %sub3A_3432 = vector.broadcast %squeeze3A_3347 : i32 to vector<16xi32>
      %sub3A_3433 = arith.subi %add3A_23, %sub3A_3432 : vector<16xi32>
      %bitcast3A_3434 = vector.bitcast %sub3A_3433 : vector<16xi32> to vector<16xi32>
      %le3A_3435 = vector.broadcast %squeeze3A_3353 : i32 to vector<16xi32>
      %le3A_3436 = arith.cmpi ule, %bitcast3A_3434, %le3A_3435 : vector<16xi32>
      %select_n3A_3437 = arith.select %le3A_3436, %broadcast_in_dim3A_51, %broadcast_in_dim3A_53 : vector<16xi1>, vector<16xf32>
      %add3A_3438 = arith.constant 15 : i32
      %add3A_3439 = arith.addi %mul3A_108, %add3A_3438 : i32
      %swap3A_3440 = arith.index_cast %add3A_3439 : i32 to index
      %swap3A_3441 = arith.constant 96 : index
      %swap3A_3442 = tpu.vector_load %arg7[%swap3A_3440, %swap3A_3441] {strides = array<i32>} : memref<64x256xf32, #tpu.memory_space<vmem>>, vector<1x16xf32>,
      %swap3A_3443 = vector.shape_cast %swap3A_3442 : vector<1x16xf32> to vector<16xf32>
      %swap3A_3444 = vector.shape_cast %select_n3A_3437 : vector<16xf32> to vector<1x16xf32>
      tpu.vector_store %arg7[%swap3A_3440, %swap3A_3441], %swap3A_3444 {strides = array<i32>} : memref<64x256xf32, #tpu.memory_space<vmem>>, vector<1x16xf32>,
      %sub3A_3445 = vector.broadcast %squeeze3A_3347 : i32 to vector<16xi32>
      %sub3A_3446 = arith.subi %add3A_26, %sub3A_3445 : vector<16xi32>
      %bitcast3A_3447 = vector.bitcast %sub3A_3446 : vector<16xi32> to vector<16xi32>
      %le3A_3448 = vector.broadcast %squeeze3A_3353 : i32 to vector<16xi32>
      %le3A_3449 = arith.cmpi ule, %bitcast3A_3447, %le3A_3448 : vector<16xi32>
      %select_n3A_3450 = arith.select %le3A_3449, %broadcast_in_dim3A_51, %broadcast_in_dim3A_53 : vector<16xi1>, vector<16xf32>
      %add3A_3451 = arith.constant 15 : i32
      %add3A_3452 = arith.addi %mul3A_108, %add3A_3451 : i32
      %swap3A_3453 = arith.index_cast %add3A_3452 : i32 to index
      %swap3A_3454 = arith.constant 112 : index
      %swap3A_3455 = tpu.vector_load %arg7[%swap3A_3453, %swap3A_3454] {strides = array<i32>} : memref<64x256xf32, #tpu.memory_space<vmem>>, vector<1x16xf32>,
      %swap3A_3456 = vector.shape_cast %swap3A_3455 : vector<1x16xf32> to vector<16xf32>
      %swap3A_3457 = vector.shape_cast %select_n3A_3450 : vector<16xf32> to vector<1x16xf32>
      tpu.vector_store %arg7[%swap3A_3453, %swap3A_3454], %swap3A_3457 {strides = array<i32>} : memref<64x256xf32, #tpu.memory_space<vmem>>, vector<1x16xf32>,
      %sub3A_3458 = vector.broadcast %squeeze3A_3347 : i32 to vector<16xi32>
      %sub3A_3459 = arith.subi %add3A_29, %sub3A_3458 : vector<16xi32>
      %bitcast3A_3460 = vector.bitcast %sub3A_3459 : vector<16xi32> to vector<16xi32>
      %le3A_3461 = vector.broadcast %squeeze3A_3353 : i32 to vector<16xi32>
      %le3A_3462 = arith.cmpi ule, %bitcast3A_3460, %le3A_3461 : vector<16xi32>
      %select_n3A_3463 = arith.select %le3A_3462, %broadcast_in_dim3A_51, %broadcast_in_dim3A_53 : vector<16xi1>, vector<16xf32>
      %add3A_3464 = arith.constant 15 : i32
      %add3A_3465 = arith.addi %mul3A_108, %add3A_3464 : i32
      %swap3A_3466 = arith.index_cast %add3A_3465 : i32 to index
      %swap3A_3467 = arith.constant 128 : index
      %swap3A_3468 = tpu.vector_load %arg7[%swap3A_3466, %swap3A_3467] {strides = array<i32>} : memref<64x256xf32, #tpu.memory_space<vmem>>, vector<1x16xf32>,
      %swap3A_3469 = vector.shape_cast %swap3A_3468 : vector<1x16xf32> to vector<16xf32>
      %swap3A_3470 = vector.shape_cast %select_n3A_3463 : vector<16xf32> to vector<1x16xf32>
      tpu.vector_store %arg7[%swap3A_3466, %swap3A_3467], %swap3A_3470 {strides = array<i32>} : memref<64x256xf32, #tpu.memory_space<vmem>>, vector<1x16xf32>,
      %sub3A_3471 = vector.broadcast %squeeze3A_3347 : i32 to vector<16xi32>
      %sub3A_3472 = arith.subi %add3A_32, %sub3A_3471 : vector<16xi32>
      %bitcast3A_3473 = vector.bitcast %sub3A_3472 : vector<16xi32> to vector<16xi32>
      %le3A_3474 = vector.broadcast %squeeze3A_3353 : i32 to vector<16xi32>
      %le3A_3475 = arith.cmpi ule, %bitcast3A_3473, %le3A_3474 : vector<16xi32>
      %select_n3A_3476 = arith.select %le3A_3475, %broadcast_in_dim3A_51, %broadcast_in_dim3A_53 : vector<16xi1>, vector<16xf32>
      %add3A_3477 = arith.constant 15 : i32
      %add3A_3478 = arith.addi %mul3A_108, %add3A_3477 : i32
      %swap3A_3479 = arith.index_cast %add3A_3478 : i32 to index
      %swap3A_3480 = arith.constant 144 : index
      %swap3A_3481 = tpu.vector_load %arg7[%swap3A_3479, %swap3A_3480] {strides = array<i32>} : memref<64x256xf32, #tpu.memory_space<vmem>>, vector<1x16xf32>,
      %swap3A_3482 = vector.shape_cast %swap3A_3481 : vector<1x16xf32> to vector<16xf32>
      %swap3A_3483 = vector.shape_cast %select_n3A_3476 : vector<16xf32> to vector<1x16xf32>
      tpu.vector_store %arg7[%swap3A_3479, %swap3A_3480], %swap3A_3483 {strides = array<i32>} : memref<64x256xf32, #tpu.memory_space<vmem>>, vector<1x16xf32>,
      %sub3A_3484 = vector.broadcast %squeeze3A_3347 : i32 to vector<16xi32>
      %sub3A_3485 = arith.subi %add3A_35, %sub3A_3484 : vector<16xi32>
      %bitcast3A_3486 = vector.bitcast %sub3A_3485 : vector<16xi32> to vector<16xi32>
      %le3A_3487 = vector.broadcast %squeeze3A_3353 : i32 to vector<16xi32>
      %le3A_3488 = arith.cmpi ule, %bitcast3A_3486, %le3A_3487 : vector<16xi32>
      %select_n3A_3489 = arith.select %le3A_3488, %broadcast_in_dim3A_51, %broadcast_in_dim3A_53 : vector<16xi1>, vector<16xf32>
      %add3A_3490 = arith.constant 15 : i32
      %add3A_3491 = arith.addi %mul3A_108, %add3A_3490 : i32
      %swap3A_3492 = arith.index_cast %add3A_3491 : i32 to index
      %swap3A_3493 = arith.constant 160 : index
      %swap3A_3494 = tpu.vector_load %arg7[%swap3A_3492, %swap3A_3493] {strides = array<i32>} : memref<64x256xf32, #tpu.memory_space<vmem>>, vector<1x16xf32>,
      %swap3A_3495 = vector.shape_cast %swap3A_3494 : vector<1x16xf32> to vector<16xf32>
      %swap3A_3496 = vector.shape_cast %select_n3A_3489 : vector<16xf32> to vector<1x16xf32>
      tpu.vector_store %arg7[%swap3A_3492, %swap3A_3493], %swap3A_3496 {strides = array<i32>} : memref<64x256xf32, #tpu.memory_space<vmem>>, vector<1x16xf32>,
      %sub3A_3497 = vector.broadcast %squeeze3A_3347 : i32 to vector<16xi32>
      %sub3A_3498 = arith.subi %add3A_38, %sub3A_3497 : vector<16xi32>
      %bitcast3A_3499 = vector.bitcast %sub3A_3498 : vector<16xi32> to vector<16xi32>
      %le3A_3500 = vector.broadcast %squeeze3A_3353 : i32 to vector<16xi32>
      %le3A_3501 = arith.cmpi ule, %bitcast3A_3499, %le3A_3500 : vector<16xi32>
      %select_n3A_3502 = arith.select %le3A_3501, %broadcast_in_dim3A_51, %broadcast_in_dim3A_53 : vector<16xi1>, vector<16xf32>
      %add3A_3503 = arith.constant 15 : i32
      %add3A_3504 = arith.addi %mul3A_108, %add3A_3503 : i32
      %swap3A_3505 = arith.index_cast %add3A_3504 : i32 to index
      %swap3A_3506 = arith.constant 176 : index
      %swap3A_3507 = tpu.vector_load %arg7[%swap3A_3505, %swap3A_3506] {strides = array<i32>} : memref<64x256xf32, #tpu.memory_space<vmem>>, vector<1x16xf32>,
      %swap3A_3508 = vector.shape_cast %swap3A_3507 : vector<1x16xf32> to vector<16xf32>
      %swap3A_3509 = vector.shape_cast %select_n3A_3502 : vector<16xf32> to vector<1x16xf32>
      tpu.vector_store %arg7[%swap3A_3505, %swap3A_3506], %swap3A_3509 {strides = array<i32>} : memref<64x256xf32, #tpu.memory_space<vmem>>, vector<1x16xf32>,
      %sub3A_3510 = vector.broadcast %squeeze3A_3347 : i32 to vector<16xi32>
      %sub3A_3511 = arith.subi %add3A_41, %sub3A_3510 : vector<16xi32>
      %bitcast3A_3512 = vector.bitcast %sub3A_3511 : vector<16xi32> to vector<16xi32>
      %le3A_3513 = vector.broadcast %squeeze3A_3353 : i32 to vector<16xi32>
      %le3A_3514 = arith.cmpi ule, %bitcast3A_3512, %le3A_3513 : vector<16xi32>
      %select_n3A_3515 = arith.select %le3A_3514, %broadcast_in_dim3A_51, %broadcast_in_dim3A_53 : vector<16xi1>, vector<16xf32>
      %add3A_3516 = arith.constant 15 : i32
      %add3A_3517 = arith.addi %mul3A_108, %add3A_3516 : i32
      %swap3A_3518 = arith.index_cast %add3A_3517 : i32 to index
      %swap3A_3519 = arith.constant 192 : index
      %swap3A_3520 = tpu.vector_load %arg7[%swap3A_3518, %swap3A_3519] {strides = array<i32>} : memref<64x256xf32, #tpu.memory_space<vmem>>, vector<1x16xf32>,
      %swap3A_3521 = vector.shape_cast %swap3A_3520 : vector<1x16xf32> to vector<16xf32>
      %swap3A_3522 = vector.shape_cast %select_n3A_3515 : vector<16xf32> to vector<1x16xf32>
      tpu.vector_store %arg7[%swap3A_3518, %swap3A_3519], %swap3A_3522 {strides = array<i32>} : memref<64x256xf32, #tpu.memory_space<vmem>>, vector<1x16xf32>,
      %sub3A_3523 = vector.broadcast %squeeze3A_3347 : i32 to vector<16xi32>
      %sub3A_3524 = arith.subi %add3A_44, %sub3A_3523 : vector<16xi32>
      %bitcast3A_3525 = vector.bitcast %sub3A_3524 : vector<16xi32> to vector<16xi32>
      %le3A_3526 = vector.broadcast %squeeze3A_3353 : i32 to vector<16xi32>
      %le3A_3527 = arith.cmpi ule, %bitcast3A_3525, %le3A_3526 : vector<16xi32>
      %select_n3A_3528 = arith.select %le3A_3527, %broadcast_in_dim3A_51, %broadcast_in_dim3A_53 : vector<16xi1>, vector<16xf32>
      %add3A_3529 = arith.constant 15 : i32
      %add3A_3530 = arith.addi %mul3A_108, %add3A_3529 : i32
      %swap3A_3531 = arith.index_cast %add3A_3530 : i32 to index
      %swap3A_3532 = arith.constant 208 : index
      %swap3A_3533 = tpu.vector_load %arg7[%swap3A_3531, %swap3A_3532] {strides = array<i32>} : memref<64x256xf32, #tpu.memory_space<vmem>>, vector<1x16xf32>,
      %swap3A_3534 = vector.shape_cast %swap3A_3533 : vector<1x16xf32> to vector<16xf32>
      %swap3A_3535 = vector.shape_cast %select_n3A_3528 : vector<16xf32> to vector<1x16xf32>
      tpu.vector_store %arg7[%swap3A_3531, %swap3A_3532], %swap3A_3535 {strides = array<i32>} : memref<64x256xf32, #tpu.memory_space<vmem>>, vector<1x16xf32>,
      %sub3A_3536 = vector.broadcast %squeeze3A_3347 : i32 to vector<16xi32>
      %sub3A_3537 = arith.subi %add3A_47, %sub3A_3536 : vector<16xi32>
      %bitcast3A_3538 = vector.bitcast %sub3A_3537 : vector<16xi32> to vector<16xi32>
      %le3A_3539 = vector.broadcast %squeeze3A_3353 : i32 to vector<16xi32>
      %le3A_3540 = arith.cmpi ule, %bitcast3A_3538, %le3A_3539 : vector<16xi32>
      %select_n3A_3541 = arith.select %le3A_3540, %broadcast_in_dim3A_51, %broadcast_in_dim3A_53 : vector<16xi1>, vector<16xf32>
      %add3A_3542 = arith.constant 15 : i32
      %add3A_3543 = arith.addi %mul3A_108, %add3A_3542 : i32
      %swap3A_3544 = arith.index_cast %add3A_3543 : i32 to index
      %swap3A_3545 = arith.constant 224 : index
      %swap3A_3546 = tpu.vector_load %arg7[%swap3A_3544, %swap3A_3545] {strides = array<i32>} : memref<64x256xf32, #tpu.memory_space<vmem>>, vector<1x16xf32>,
      %swap3A_3547 = vector.shape_cast %swap3A_3546 : vector<1x16xf32> to vector<16xf32>
      %swap3A_3548 = vector.shape_cast %select_n3A_3541 : vector<16xf32> to vector<1x16xf32>
      tpu.vector_store %arg7[%swap3A_3544, %swap3A_3545], %swap3A_3548 {strides = array<i32>} : memref<64x256xf32, #tpu.memory_space<vmem>>, vector<1x16xf32>,
      %sub3A_3549 = vector.broadcast %squeeze3A_3347 : i32 to vector<16xi32>
      %sub3A_3550 = arith.subi %add3A_50, %sub3A_3549 : vector<16xi32>
      %bitcast3A_3551 = vector.bitcast %sub3A_3550 : vector<16xi32> to vector<16xi32>
      %le3A_3552 = vector.broadcast %squeeze3A_3353 : i32 to vector<16xi32>
      %le3A_3553 = arith.cmpi ule, %bitcast3A_3551, %le3A_3552 : vector<16xi32>
      %select_n3A_3554 = arith.select %le3A_3553, %broadcast_in_dim3A_51, %broadcast_in_dim3A_53 : vector<16xi1>, vector<16xf32>
      %add3A_3555 = arith.constant 15 : i32
      %add3A_3556 = arith.addi %mul3A_108, %add3A_3555 : i32
      %swap3A_3557 = arith.index_cast %add3A_3556 : i32 to index
      %swap3A_3558 = arith.constant 240 : index
      %swap3A_3559 = tpu.vector_load %arg7[%swap3A_3557, %swap3A_3558] {strides = array<i32>} : memref<64x256xf32, #tpu.memory_space<vmem>>, vector<1x16xf32>,
      %swap3A_3560 = vector.shape_cast %swap3A_3559 : vector<1x16xf32> to vector<16xf32>
      %swap3A_3561 = vector.shape_cast %select_n3A_3554 : vector<16xf32> to vector<1x16xf32>
      tpu.vector_store %arg7[%swap3A_3557, %swap3A_3558], %swap3A_3561 {strides = array<i32>} : memref<64x256xf32, #tpu.memory_space<vmem>>, vector<1x16xf32>,
      %add3A_3562 = arith.addi %mul3A_2, %mul3A_108 : i32
      %dma_start3A = arith.constant 0 : i32
      %dma_start3A_3563 = tpu.memref_slice %arg7[%mul3A_108, %dma_start3A] : memref<64x256xf32, #tpu.memory_space<vmem>> -> memref<16x256xf32, #tpu.memory_space<vmem>>
      %dma_start3A_3564 = arith.constant 0 : i32
      %dma_start3A_3565 = tpu.memref_slice %arg4[%add3A_3562, %dma_start3A_3564] : memref<2048x256xf32, #tpu.memory_space<hbm>> -> memref<16x256xf32, #tpu.memory_space<hbm>>
      %dma_start3A_3566 = arith.constant 0 : i32
      %dma_start3A_3567 = tpu.memref_slice %arg4[%add3A_3562, %dma_start3A_3566] : memref<2048x256xf32, #tpu.memory_space<hbm>> -> memref<16x256xf32, #tpu.memory_space<hbm>>
      %dma_start3A_3568 = arith.constant 0 : i32
      %dma_start3A_3569 = tpu.memref_slice %arg7[%mul3A_108, %dma_start3A_3568] : memref<64x256xf32, #tpu.memory_space<vmem>> -> memref<16x256xf32, #tpu.memory_space<vmem>>
      tpu.enqueue_dma source(%dma_start3A_3569 : memref<16x256xf32, #tpu.memory_space<vmem>>) target(%dma_start3A_3567 : memref<16x256xf32, #tpu.memory_space<hbm>>) target_semaphore(%arg8 : memref<!tpu.dma_semaphore, #tpu.memory_space<semaphore_mem>>)
    }
    %scan3A_58 = arith.constant 4 : i32
    %add3A_59 = arith.constant 0 : i32
    %add3A_60 = arith.addi %mul3A_2, %add3A_59 : i32
    %dma_wait3A = arith.constant 0 : i32
    %dma_wait3A_61 = arith.constant 0 : i32
    %dma_wait3A_62 = tpu.memref_slice %arg7[%dma_wait3A, %dma_wait3A_61] : memref<64x256xf32, #tpu.memory_space<vmem>> -> memref<16x256xf32, #tpu.memory_space<vmem>>
    %dma_wait3A_63 = arith.constant 0 : i32
    %dma_wait3A_64 = tpu.memref_slice %arg4[%add3A_60, %dma_wait3A_63] : memref<2048x256xf32, #tpu.memory_space<hbm>> -> memref<16x256xf32, #tpu.memory_space<hbm>>
    %dma_wait3A_65 = arith.constant 0 : i32
    %dma_wait3A_66 = tpu.memref_slice %arg4[%add3A_60, %dma_wait3A_65] : memref<2048x256xf32, #tpu.memory_space<hbm>> -> memref<16x256xf32, #tpu.memory_space<hbm>>
    %dma_wait3A_67 = arith.constant 0 : i32
    %dma_wait3A_68 = arith.constant 0 : i32
    %dma_wait3A_69 = tpu.memref_slice %arg7[%dma_wait3A_67, %dma_wait3A_68] : memref<64x256xf32, #tpu.memory_space<vmem>> -> memref<16x256xf32, #tpu.memory_space<vmem>>
    tpu.wait_dma2 semaphore(%arg8 : memref<!tpu.dma_semaphore, #tpu.memory_space<semaphore_mem>>) src(%dma_wait3A_69 : memref<16x256xf32, #tpu.memory_space<vmem>>) dst(%dma_wait3A_66 : memref<16x256xf32, #tpu.memory_space<hbm>>)
    %add3A_70 = arith.constant 16 : i32
    %add3A_71 = arith.addi %mul3A_2, %add3A_70 : i32
    %dma_wait3A_72 = arith.constant 16 : i32
    %dma_wait3A_73 = arith.constant 0 : i32
    %dma_wait3A_74 = tpu.memref_slice %arg7[%dma_wait3A_72, %dma_wait3A_73] : memref<64x256xf32, #tpu.memory_space<vmem>> -> memref<16x256xf32, #tpu.memory_space<vmem>>
    %dma_wait3A_75 = arith.constant 0 : i32
    %dma_wait3A_76 = tpu.memref_slice %arg4[%add3A_71, %dma_wait3A_75] : memref<2048x256xf32, #tpu.memory_space<hbm>> -> memref<16x256xf32, #tpu.memory_space<hbm>>
    %dma_wait3A_77 = arith.constant 0 : i32
    %dma_wait3A_78 = tpu.memref_slice %arg4[%add3A_71, %dma_wait3A_77] : memref<2048x256xf32, #tpu.memory_space<hbm>> -> memref<16x256xf32, #tpu.memory_space<hbm>>
    %dma_wait3A_79 = arith.constant 16 : i32
    %dma_wait3A_80 = arith.constant 0 : i32
    %dma_wait3A_81 = tpu.memref_slice %arg7[%dma_wait3A_79, %dma_wait3A_80] : memref<64x256xf32, #tpu.memory_space<vmem>> -> memref<16x256xf32, #tpu.memory_space<vmem>>
    tpu.wait_dma2 semaphore(%arg8 : memref<!tpu.dma_semaphore, #tpu.memory_space<semaphore_mem>>) src(%dma_wait3A_81 : memref<16x256xf32, #tpu.memory_space<vmem>>) dst(%dma_wait3A_78 : memref<16x256xf32, #tpu.memory_space<hbm>>)
    %add3A_82 = arith.constant 32 : i32
    %add3A_83 = arith.addi %mul3A_2, %add3A_82 : i32
    %dma_wait3A_84 = arith.constant 32 : i32
    %dma_wait3A_85 = arith.constant 0 : i32
    %dma_wait3A_86 = tpu.memref_slice %arg7[%dma_wait3A_84, %dma_wait3A_85] : memref<64x256xf32, #tpu.memory_space<vmem>> -> memref<16x256xf32, #tpu.memory_space<vmem>>
    %dma_wait3A_87 = arith.constant 0 : i32
    %dma_wait3A_88 = tpu.memref_slice %arg4[%add3A_83, %dma_wait3A_87] : memref<2048x256xf32, #tpu.memory_space<hbm>> -> memref<16x256xf32, #tpu.memory_space<hbm>>
    %dma_wait3A_89 = arith.constant 0 : i32
    %dma_wait3A_90 = tpu.memref_slice %arg4[%add3A_83, %dma_wait3A_89] : memref<2048x256xf32, #tpu.memory_space<hbm>> -> memref<16x256xf32, #tpu.memory_space<hbm>>
    %dma_wait3A_91 = arith.constant 32 : i32
    %dma_wait3A_92 = arith.constant 0 : i32
    %dma_wait3A_93 = tpu.memref_slice %arg7[%dma_wait3A_91, %dma_wait3A_92] : memref<64x256xf32, #tpu.memory_space<vmem>> -> memref<16x256xf32, #tpu.memory_space<vmem>>
    tpu.wait_dma2 semaphore(%arg8 : memref<!tpu.dma_semaphore, #tpu.memory_space<semaphore_mem>>) src(%dma_wait3A_93 : memref<16x256xf32, #tpu.memory_space<vmem>>) dst(%dma_wait3A_90 : memref<16x256xf32, #tpu.memory_space<hbm>>)
    %add3A_94 = arith.constant 48 : i32
    %add3A_95 = arith.addi %mul3A_2, %add3A_94 : i32
    %dma_wait3A_96 = arith.constant 48 : i32
    %dma_wait3A_97 = arith.constant 0 : i32
    %dma_wait3A_98 = tpu.memref_slice %arg7[%dma_wait3A_96, %dma_wait3A_97] : memref<64x256xf32, #tpu.memory_space<vmem>> -> memref<16x256xf32, #tpu.memory_space<vmem>>
    %dma_wait3A_99 = arith.constant 0 : i32
    %dma_wait3A_100 = tpu.memref_slice %arg4[%add3A_95, %dma_wait3A_99] : memref<2048x256xf32, #tpu.memory_space<hbm>> -> memref<16x256xf32, #tpu.memory_space<hbm>>
    %dma_wait3A_101 = arith.constant 0 : i32
    %dma_wait3A_102 = tpu.memref_slice %arg4[%add3A_95, %dma_wait3A_101] : memref<2048x256xf32, #tpu.memory_space<hbm>> -> memref<16x256xf32, #tpu.memory_space<hbm>>
    %dma_wait3A_103 = arith.constant 48 : i32
    %dma_wait3A_104 = arith.constant 0 : i32
    %dma_wait3A_105 = tpu.memref_slice %arg7[%dma_wait3A_103, %dma_wait3A_104] : memref<64x256xf32, #tpu.memory_space<vmem>> -> memref<16x256xf32, #tpu.memory_space<vmem>>
    tpu.wait_dma2 semaphore(%arg8 : memref<!tpu.dma_semaphore, #tpu.memory_space<semaphore_mem>>) src(%dma_wait3A_105 : memref<16x256xf32, #tpu.memory_space<vmem>>) dst(%dma_wait3A_102 : memref<16x256xf32, #tpu.memory_space<hbm>>)
    return
  }
}

module attributes {stable_mosaic.version = 14 : i64} {
  func.func @_tc_logits_body(%arg0: i32, %arg1: memref<4x256x512xf32, #tpu.memory_space<vmem>>, %arg2: memref<512x1xf32, #tpu.memory_space<vmem>>, %arg3: memref<1xf32, #tpu.memory_space<vmem>>, %arg4: memref<4x1x256xf32, #tpu.memory_space<vmem>>) attributes {dimension_semantics = [#tpu.dimension_semantics<arbitrary>], iteration_bounds = array<i64: 2>, scalar_prefetch = 0 : i64, scratch_operands = 0 : i64, tpu.core_type = #tpu.core_type<tc>, window_params = [{transform_indices = @transform_0, window_bounds = array<i64: 4, 256, 512>}, {pipeline_mode = #tpu.pipeline_mode<synchronous>, transform_indices = @transform_1, window_bounds = array<i64: 512, 1>}, {pipeline_mode = #tpu.pipeline_mode<synchronous>, transform_indices = @transform_2, window_bounds = array<i64: 1>}, {transform_indices = @transform_3, window_bounds = array<i64: 4, 1, 256>}]} {
    %get3A = arith.constant 0 : index
    %get3A_0 = arith.constant 0 : index
    %get3A_1 = arith.constant 0 : index
    %get3A_2 = vector.load %arg1[%get3A, %get3A_0, %get3A_1] : memref<4x256x512xf32, #tpu.memory_space<vmem>>, vector<4x256x512xf32>
    %reshape3A = vector.shape_cast %get3A_2 : vector<4x256x512xf32> to vector<1024x512xf32>
    %get3A_3 = arith.constant 0 : index
    %get3A_4 = arith.constant 0 : index
    %get3A_5 = vector.load %arg2[%get3A_3, %get3A_4] : memref<512x1xf32, #tpu.memory_space<vmem>>, vector<512x1xf32>
    %dot_general3A = arith.constant dense<0.000000e+00> : vector<1024x1xf32>
    %dot_general3A_6 = tpu.matmul %reshape3A, %get3A_5, %dot_general3A {dimension_numbers = #tpu.dot_dimension_numbers<[1], [0], [0], [1], [0, 0, 1, 1], [], []>, transpose_lhs_hint = false} : vector<1024x512xf32>, vector<512x1xf32>, vector<1024x1xf32> -> vector<1024x1xf32>
    %reshape3A_7 = vector.shape_cast %dot_general3A_6 : vector<1024x1xf32> to vector<4x256xf32>
    %get3A_8 = arith.constant 0 : index
    %get3A_9 = vector.load %arg3[%get3A_8] : memref<1xf32, #tpu.memory_space<vmem>>, vector<1xf32>
    %get3A_10 = vector.extract %get3A_9[0] : f32 from vector<1xf32>
    %add3A = vector.broadcast %get3A_10 : f32 to vector<4x256xf32>
    %add3A_11 = arith.addf %reshape3A_7, %add3A : vector<4x256xf32>
    %reduce_max3A = arith.constant dense<0xFF800000> : vector<4xf32>
    %reduce_max3A_12 = vector.multi_reduction <maximumf>, %add3A_11, %reduce_max3A [1] : vector<4x256xf32> to vector<4xf32>
    %broadcast_in_dim3A = vector.shape_cast %reduce_max3A_12 : vector<4xf32> to vector<4x1xf32>
    %sub3A = vector.broadcast %broadcast_in_dim3A : vector<4x1xf32> to vector<4x256xf32>
    %sub3A_13 = arith.subf %add3A_11, %sub3A : vector<4x256xf32>
    %exp3A = math.exp %sub3A_13 : vector<4x256xf32>
    %reshape3A_14 = vector.shape_cast %exp3A : vector<4x256xf32> to vector<4x1x256xf32>
    %swap3A = arith.constant 0 : index
    %swap3A_15 = arith.constant 0 : index
    %swap3A_16 = arith.constant 0 : index
    %swap3A_17 = vector.load %arg4[%swap3A, %swap3A_15, %swap3A_16] : memref<4x1x256xf32, #tpu.memory_space<vmem>>, vector<4x1x256xf32>
    tpu.vector_store %arg4[%swap3A, %swap3A_15, %swap3A_16], %reshape3A_14 {strides = array<i32>} : memref<4x1x256xf32, #tpu.memory_space<vmem>>, vector<4x1x256xf32>,
    return
  }
  func.func @transform_0(%arg0: i32) -> (i32, i32, i32) {
    %c0_i32 = arith.constant 0 : i32
    %c0_i32_0 = arith.constant 0 : i32
    %c0_i32_1 = arith.constant 0 : i32
    return %arg0, %c0_i32, %c0_i32_0 : i32, i32, i32
  }
  func.func @transform_1(%arg0: i32) -> (i32, i32) {
    %c0_i32 = arith.constant 0 : i32
    %c0_i32_0 = arith.constant 0 : i32
    %c0_i32_1 = arith.constant 0 : i32
    return %c0_i32, %c0_i32_0 : i32, i32
  }
  func.func @transform_2(%arg0: i32) -> i32 {
    %c0_i32 = arith.constant 0 : i32
    %c0_i32_0 = arith.constant 0 : i32
    return %c0_i32 : i32
  }
  func.func @transform_3(%arg0: i32) -> (i32, i32, i32) {
    %c0_i32 = arith.constant 0 : i32
    %c0_i32_0 = arith.constant 0 : i32
    %c0_i32_1 = arith.constant 0 : i32
    return %arg0, %c0_i32, %c0_i32_0 : i32, i32, i32
  }
}

module attributes {stable_mosaic.version = 14 : i64} {
  func.func @_tc_reduce_body(%arg0: i32, %arg1: memref<4x256x256xf32, #tpu.memory_space<vmem>>, %arg2: memref<4x1x256xf32, #tpu.memory_space<vmem>>, %arg3: memref<4x256x512xf32, #tpu.memory_space<vmem>>, %arg4: memref<4x256x512xf32, #tpu.memory_space<vmem>>) attributes {dimension_semantics = [#tpu.dimension_semantics<arbitrary>], iteration_bounds = array<i64: 2>, scalar_prefetch = 0 : i64, scratch_operands = 0 : i64, tpu.core_type = #tpu.core_type<tc>, window_params = [{transform_indices = @transform_0, window_bounds = array<i64: 4, 256, 256>}, {transform_indices = @transform_1, window_bounds = array<i64: 4, 1, 256>}, {transform_indices = @transform_2, window_bounds = array<i64: 4, 256, 512>}, {transform_indices = @transform_3, window_bounds = array<i64: 4, 256, 512>}]} {
    %get3A = arith.constant 0 : index
    %get3A_0 = arith.constant 0 : index
    %get3A_1 = arith.constant 0 : index
    %get3A_2 = vector.load %arg1[%get3A, %get3A_0, %get3A_1] : memref<4x256x256xf32, #tpu.memory_space<vmem>>, vector<1x256x256xf32>
    %get3A_3 = vector.shape_cast %get3A_2 : vector<1x256x256xf32> to vector<256x256xf32>
    %get3A_4 = arith.constant 0 : index
    %get3A_5 = arith.constant 0 : index
    %get3A_6 = arith.constant 0 : index
    %get3A_7 = vector.load %arg2[%get3A_4, %get3A_5, %get3A_6] : memref<4x1x256xf32, #tpu.memory_space<vmem>>, vector<1x1x256xf32>
    %get3A_8 = vector.shape_cast %get3A_7 : vector<1x1x256xf32> to vector<1x256xf32>
    %mul3A = vector.broadcast %get3A_8 : vector<1x256xf32> to vector<256x256xf32>
    %mul3A_9 = arith.mulf %get3A_3, %mul3A : vector<256x256xf32>
    %reduce_sum3A = arith.constant dense<0.000000e+00> : vector<256xf32>
    %reduce_sum3A_10 = vector.multi_reduction <add>, %mul3A_9, %reduce_sum3A [1] : vector<256x256xf32> to vector<256xf32>
    %broadcast_in_dim3A = vector.shape_cast %reduce_sum3A_10 : vector<256xf32> to vector<256x1xf32>
    %div3A = vector.broadcast %broadcast_in_dim3A : vector<256x1xf32> to vector<256x256xf32>
    %div3A_11 = arith.divf %mul3A_9, %div3A : vector<256x256xf32>
    %get3A_12 = arith.constant 0 : index
    %get3A_13 = arith.constant 0 : index
    %get3A_14 = arith.constant 0 : index
    %get3A_15 = vector.load %arg3[%get3A_12, %get3A_13, %get3A_14] : memref<4x256x512xf32, #tpu.memory_space<vmem>>, vector<1x256x512xf32>
    %get3A_16 = vector.shape_cast %get3A_15 : vector<1x256x512xf32> to vector<256x512xf32>
    %dot_general3A = arith.constant dense<0.000000e+00> : vector<256x512xf32>
    %dot_general3A_17 = tpu.matmul %div3A_11, %get3A_16, %dot_general3A {dimension_numbers = #tpu.dot_dimension_numbers<[1], [0], [0], [1], [0, 0, 1, 1], [], []>, transpose_lhs_hint = false} : vector<256x256xf32>, vector<256x512xf32>, vector<256x512xf32> -> vector<256x512xf32>
    %swap3A = arith.constant 0 : index
    %swap3A_18 = arith.constant 0 : index
    %swap3A_19 = arith.constant 0 : index
    %swap3A_20 = vector.load %arg4[%swap3A, %swap3A_18, %swap3A_19] : memref<4x256x512xf32, #tpu.memory_space<vmem>>, vector<1x256x512xf32>
    %swap3A_21 = vector.shape_cast %swap3A_20 : vector<1x256x512xf32> to vector<256x512xf32>
    %swap3A_22 = vector.shape_cast %dot_general3A_17 : vector<256x512xf32> to vector<1x256x512xf32>
    tpu.vector_store %arg4[%swap3A, %swap3A_18, %swap3A_19], %swap3A_22 {strides = array<i32>} : memref<4x256x512xf32, #tpu.memory_space<vmem>>, vector<1x256x512xf32>,
    %get3A_23 = arith.constant 1 : index
    %get3A_24 = arith.constant 0 : index
    %get3A_25 = arith.constant 0 : index
    %get3A_26 = vector.load %arg1[%get3A_23, %get3A_24, %get3A_25] : memref<4x256x256xf32, #tpu.memory_space<vmem>>, vector<1x256x256xf32>
    %get3A_27 = vector.shape_cast %get3A_26 : vector<1x256x256xf32> to vector<256x256xf32>
    %get3A_28 = arith.constant 1 : index
    %get3A_29 = arith.constant 0 : index
    %get3A_30 = arith.constant 0 : index
    %get3A_31 = vector.load %arg2[%get3A_28, %get3A_29, %get3A_30] : memref<4x1x256xf32, #tpu.memory_space<vmem>>, vector<1x1x256xf32>
    %get3A_32 = vector.shape_cast %get3A_31 : vector<1x1x256xf32> to vector<1x256xf32>
    %mul3A_33 = vector.broadcast %get3A_32 : vector<1x256xf32> to vector<256x256xf32>
    %mul3A_34 = arith.mulf %get3A_27, %mul3A_33 : vector<256x256xf32>
    %reduce_sum3A_35 = arith.constant dense<0.000000e+00> : vector<256xf32>
    %reduce_sum3A_36 = vector.multi_reduction <add>, %mul3A_34, %reduce_sum3A_35 [1] : vector<256x256xf32> to vector<256xf32>
    %broadcast_in_dim3A_37 = vector.shape_cast %reduce_sum3A_36 : vector<256xf32> to vector<256x1xf32>
    %div3A_38 = vector.broadcast %broadcast_in_dim3A_37 : vector<256x1xf32> to vector<256x256xf32>
    %div3A_39 = arith.divf %mul3A_34, %div3A_38 : vector<256x256xf32>
    %get3A_40 = arith.constant 1 : index
    %get3A_41 = arith.constant 0 : index
    %get3A_42 = arith.constant 0 : index
    %get3A_43 = vector.load %arg3[%get3A_40, %get3A_41, %get3A_42] : memref<4x256x512xf32, #tpu.memory_space<vmem>>, vector<1x256x512xf32>
    %get3A_44 = vector.shape_cast %get3A_43 : vector<1x256x512xf32> to vector<256x512xf32>
    %dot_general3A_45 = arith.constant dense<0.000000e+00> : vector<256x512xf32>
    %dot_general3A_46 = tpu.matmul %div3A_39, %get3A_44, %dot_general3A_45 {dimension_numbers = #tpu.dot_dimension_numbers<[1], [0], [0], [1], [0, 0, 1, 1], [], []>, transpose_lhs_hint = false} : vector<256x256xf32>, vector<256x512xf32>, vector<256x512xf32> -> vector<256x512xf32>
    %swap3A_47 = arith.constant 1 : index
    %swap3A_48 = arith.constant 0 : index
    %swap3A_49 = arith.constant 0 : index
    %swap3A_50 = vector.load %arg4[%swap3A_47, %swap3A_48, %swap3A_49] : memref<4x256x512xf32, #tpu.memory_space<vmem>>, vector<1x256x512xf32>
    %swap3A_51 = vector.shape_cast %swap3A_50 : vector<1x256x512xf32> to vector<256x512xf32>
    %swap3A_52 = vector.shape_cast %dot_general3A_46 : vector<256x512xf32> to vector<1x256x512xf32>
    tpu.vector_store %arg4[%swap3A_47, %swap3A_48, %swap3A_49], %swap3A_52 {strides = array<i32>} : memref<4x256x512xf32, #tpu.memory_space<vmem>>, vector<1x256x512xf32>,
    %get3A_53 = arith.constant 2 : index
    %get3A_54 = arith.constant 0 : index
    %get3A_55 = arith.constant 0 : index
    %get3A_56 = vector.load %arg1[%get3A_53, %get3A_54, %get3A_55] : memref<4x256x256xf32, #tpu.memory_space<vmem>>, vector<1x256x256xf32>
    %get3A_57 = vector.shape_cast %get3A_56 : vector<1x256x256xf32> to vector<256x256xf32>
    %get3A_58 = arith.constant 2 : index
    %get3A_59 = arith.constant 0 : index
    %get3A_60 = arith.constant 0 : index
    %get3A_61 = vector.load %arg2[%get3A_58, %get3A_59, %get3A_60] : memref<4x1x256xf32, #tpu.memory_space<vmem>>, vector<1x1x256xf32>
    %get3A_62 = vector.shape_cast %get3A_61 : vector<1x1x256xf32> to vector<1x256xf32>
    %mul3A_63 = vector.broadcast %get3A_62 : vector<1x256xf32> to vector<256x256xf32>
    %mul3A_64 = arith.mulf %get3A_57, %mul3A_63 : vector<256x256xf32>
    %reduce_sum3A_65 = arith.constant dense<0.000000e+00> : vector<256xf32>
    %reduce_sum3A_66 = vector.multi_reduction <add>, %mul3A_64, %reduce_sum3A_65 [1] : vector<256x256xf32> to vector<256xf32>
    %broadcast_in_dim3A_67 = vector.shape_cast %reduce_sum3A_66 : vector<256xf32> to vector<256x1xf32>
    %div3A_68 = vector.broadcast %broadcast_in_dim3A_67 : vector<256x1xf32> to vector<256x256xf32>
    %div3A_69 = arith.divf %mul3A_64, %div3A_68 : vector<256x256xf32>
    %get3A_70 = arith.constant 2 : index
    %get3A_71 = arith.constant 0 : index
    %get3A_72 = arith.constant 0 : index
    %get3A_73 = vector.load %arg3[%get3A_70, %get3A_71, %get3A_72] : memref<4x256x512xf32, #tpu.memory_space<vmem>>, vector<1x256x512xf32>
    %get3A_74 = vector.shape_cast %get3A_73 : vector<1x256x512xf32> to vector<256x512xf32>
    %dot_general3A_75 = arith.constant dense<0.000000e+00> : vector<256x512xf32>
    %dot_general3A_76 = tpu.matmul %div3A_69, %get3A_74, %dot_general3A_75 {dimension_numbers = #tpu.dot_dimension_numbers<[1], [0], [0], [1], [0, 0, 1, 1], [], []>, transpose_lhs_hint = false} : vector<256x256xf32>, vector<256x512xf32>, vector<256x512xf32> -> vector<256x512xf32>
    %swap3A_77 = arith.constant 2 : index
    %swap3A_78 = arith.constant 0 : index
    %swap3A_79 = arith.constant 0 : index
    %swap3A_80 = vector.load %arg4[%swap3A_77, %swap3A_78, %swap3A_79] : memref<4x256x512xf32, #tpu.memory_space<vmem>>, vector<1x256x512xf32>
    %swap3A_81 = vector.shape_cast %swap3A_80 : vector<1x256x512xf32> to vector<256x512xf32>
    %swap3A_82 = vector.shape_cast %dot_general3A_76 : vector<256x512xf32> to vector<1x256x512xf32>
    tpu.vector_store %arg4[%swap3A_77, %swap3A_78, %swap3A_79], %swap3A_82 {strides = array<i32>} : memref<4x256x512xf32, #tpu.memory_space<vmem>>, vector<1x256x512xf32>,
    %get3A_83 = arith.constant 3 : index
    %get3A_84 = arith.constant 0 : index
    %get3A_85 = arith.constant 0 : index
    %get3A_86 = vector.load %arg1[%get3A_83, %get3A_84, %get3A_85] : memref<4x256x256xf32, #tpu.memory_space<vmem>>, vector<1x256x256xf32>
    %get3A_87 = vector.shape_cast %get3A_86 : vector<1x256x256xf32> to vector<256x256xf32>
    %get3A_88 = arith.constant 3 : index
    %get3A_89 = arith.constant 0 : index
    %get3A_90 = arith.constant 0 : index
    %get3A_91 = vector.load %arg2[%get3A_88, %get3A_89, %get3A_90] : memref<4x1x256xf32, #tpu.memory_space<vmem>>, vector<1x1x256xf32>
    %get3A_92 = vector.shape_cast %get3A_91 : vector<1x1x256xf32> to vector<1x256xf32>
    %mul3A_93 = vector.broadcast %get3A_92 : vector<1x256xf32> to vector<256x256xf32>
    %mul3A_94 = arith.mulf %get3A_87, %mul3A_93 : vector<256x256xf32>
    %reduce_sum3A_95 = arith.constant dense<0.000000e+00> : vector<256xf32>
    %reduce_sum3A_96 = vector.multi_reduction <add>, %mul3A_94, %reduce_sum3A_95 [1] : vector<256x256xf32> to vector<256xf32>
    %broadcast_in_dim3A_97 = vector.shape_cast %reduce_sum3A_96 : vector<256xf32> to vector<256x1xf32>
    %div3A_98 = vector.broadcast %broadcast_in_dim3A_97 : vector<256x1xf32> to vector<256x256xf32>
    %div3A_99 = arith.divf %mul3A_94, %div3A_98 : vector<256x256xf32>
    %get3A_100 = arith.constant 3 : index
    %get3A_101 = arith.constant 0 : index
    %get3A_102 = arith.constant 0 : index
    %get3A_103 = vector.load %arg3[%get3A_100, %get3A_101, %get3A_102] : memref<4x256x512xf32, #tpu.memory_space<vmem>>, vector<1x256x512xf32>
    %get3A_104 = vector.shape_cast %get3A_103 : vector<1x256x512xf32> to vector<256x512xf32>
    %dot_general3A_105 = arith.constant dense<0.000000e+00> : vector<256x512xf32>
    %dot_general3A_106 = tpu.matmul %div3A_99, %get3A_104, %dot_general3A_105 {dimension_numbers = #tpu.dot_dimension_numbers<[1], [0], [0], [1], [0, 0, 1, 1], [], []>, transpose_lhs_hint = false} : vector<256x256xf32>, vector<256x512xf32>, vector<256x512xf32> -> vector<256x512xf32>
    %swap3A_107 = arith.constant 3 : index
    %swap3A_108 = arith.constant 0 : index
    %swap3A_109 = arith.constant 0 : index
    %swap3A_110 = vector.load %arg4[%swap3A_107, %swap3A_108, %swap3A_109] : memref<4x256x512xf32, #tpu.memory_space<vmem>>, vector<1x256x512xf32>
    %swap3A_111 = vector.shape_cast %swap3A_110 : vector<1x256x512xf32> to vector<256x512xf32>
    %swap3A_112 = vector.shape_cast %dot_general3A_106 : vector<256x512xf32> to vector<1x256x512xf32>
    tpu.vector_store %arg4[%swap3A_107, %swap3A_108, %swap3A_109], %swap3A_112 {strides = array<i32>} : memref<4x256x512xf32, #tpu.memory_space<vmem>>, vector<1x256x512xf32>,
    return
  }
  func.func @transform_0(%arg0: i32) -> (i32, i32, i32) {
    %c0_i32 = arith.constant 0 : i32
    %c0_i32_0 = arith.constant 0 : i32
    %c0_i32_1 = arith.constant 0 : i32
    return %arg0, %c0_i32, %c0_i32_0 : i32, i32, i32
  }
  func.func @transform_1(%arg0: i32) -> (i32, i32, i32) {
    %c0_i32 = arith.constant 0 : i32
    %c0_i32_0 = arith.constant 0 : i32
    %c0_i32_1 = arith.constant 0 : i32
    return %arg0, %c0_i32, %c0_i32_0 : i32, i32, i32
  }
  func.func @transform_2(%arg0: i32) -> (i32, i32, i32) {
    %c0_i32 = arith.constant 0 : i32
    %c0_i32_0 = arith.constant 0 : i32
    %c0_i32_1 = arith.constant 0 : i32
    return %arg0, %c0_i32, %c0_i32_0 : i32, i32, i32
  }
  func.func @transform_3(%arg0: i32) -> (i32, i32, i32) {
    %c0_i32 = arith.constant 0 : i32
    %c0_i32_0 = arith.constant 0 : i32
    %c0_i32_1 = arith.constant 0 : i32
    return %arg0, %c0_i32, %c0_i32_0 : i32, i32, i32
  }
}

</mosaic_0001>

<sc_bundles>
// kernel: kernel.5.cloned.1.call-start
scs
__scs_entry_jumppad:
0x0: {  	(pc) =	sbr.rel $0x88, $3  }
0x1: {  	(tag) =	ssettag $0x0;
	lr =	simm.s32 $0x1  }
0x2: {  	[smem:$0x3F9D] =	sst lr;
	_ =	strace $0xD0000000  }
0x3: {  	_ = 	snop  }
0x4: {  	_ = 	snop  }
0x5: {  	_ = 	snop  }
0x6: {  	_ = 	snop  }
0x7: {  	_ = 	snop  }
__scs_overlays_trampoline_lowered:
0x8: {  	[smem:$0x3FAC] =	sst s0  }
0x9: {  	[smem:$0x3FAD] =	sst s1  }
0xa: {  	[smem:$0x3FAE] =	sst s2  }
0xb: {  	[smem:$0x3FAF] =	sst s3  }
0xc: {  	[smem:$0x3FB0] =	sst s4  }
0xd: {  	[smem:$0x3FB1] =	sst s5  }
0xe: {  	[smem:$0x3FB2] =	sst s6  }
0xf: {  	[smem:$0x3FB3] =	sst s7  }
0x10: {  	[smem:$0x3FB4] =	sst s8  }
0x11: {  	[smem:$0x3FB5] =	sst s9;
	s0 =	simm.s32 @!p0 $0x0  }
0x12: {  	s1 =	sld [smem:$0x3F9B];
	s0 =	simm.s32 @p0 $0x1  }
0x13: {  	[smem:$0x3FB6] =	sst s0;
	s0 =	simm.s32 @!p1 $0x0  }
0x14: {  	s2 =	sld [smem:$0x3F9A];
	s0 =	simm.s32 @p1 $0x1  }
0x15: {  	[smem:$0x3FB7] =	sst s0;
	s0 =	simm.s32 @!p2 $0x0  }
0x16: {  	s3 =	sld [smem:$0x3FDB];
	s0 =	simm.s32 @p2 $0x1  }
0x17: {  	s4 =	simm.s32 $0x1BF5;
	[smem:$0x3FB9] =	sst s0  }
0x18: {  	s0 =	sld [smem:$0x3F9C];
	_ =	swait.ge [sflag:s4], $0x0  }
0x19: {  	s7 =	sld [smem:$0x3F9D]  }
0x1a: {  	s8 =	sadd.s32 $0xFFFFE003, lr  }
0x1b: {  	s9 =	sadd.s32 $0xFFFFFEF7, lr;
	s5 =	simm.s32 $0xFFFFFFFF;
	p2 =	slt.u32 s8, $0xFFFFF086  }
0x1c: {  	p1 =	slt.u32 s9, $0xF7A;
	s5 =	simm.s32 @!p2 $0x0  }
0x1d: {  	s5 =	simm.s32 @p1 $0x1;
	p0 =	seq.s32 s7, s2  }
0x1e: {  	s7 =	smul.u32 @!p0 $0xF7A, s2;
	p2 =	seq.s32 @!p0 s5, $0x0  }
0x1f: {  	s9 =	smul.u32 $0xF7A, s1;
	s8 =	simm.s32 @!p0 $0x1BF5;
	p2 =	por !p2, p0  }
0x20: {  	[sflag:s8] =	ssyncset.s32 @!p0 $0xFFFFF086;
	s6 =	sadd.s32 @!p0 s3, s7;
	s7 =	simm.s32 @!p0 $0x108  }
0x21: {  	s3 =	sadd.s32 s3, s9;
	s6 =	sadd.s32 @!p0 $0x88, s6;
	s7 =	simm.s32 @p2 $0x1082  }
0x22: {  	[simem:s7], [sflag:s8] =	dma.local @!p0 [hbm:s6], $0xF7A  }
0x23: {  	s9 =	sor.u32 $0xD0000000, s2;
	s6 =	simm.s32 $0x108;
	_ =	swait.ge @!p0 [sflag:s8], $0x0  }
0x24: {  	s3 =	sadd.s32 $0x88, s3;
	s6 =	simm.s32 @!p1 $0x1082;
	[sflag:s4] =	ssyncset.s32 $0xFFFFF086  }
0x25: {  	[simem:s6], [sflag:s4] =	dma.local [hbm:s3], $0xF7A  }
0x26: {  	[smem:$0x3F9D] =	sst s1;
	(tag) =	ssettag s2;
	_ =	strace s9  }
0x27: {  	s1 =	sld [smem:$0x3FAD]  }
0x28: {  	s2 =	sld [smem:$0x3FAE]  }
0x29: {  	s4 =	sld [smem:$0x3FB0]  }
0x2a: {  	p0 =	seq.s32 s5, $0x0;
	s5 =	sld [smem:$0x3FB1]  }
0x2b: {  	s6 =	sld [smem:$0x3FB2]  }
0x2c: {  	s7 =	sld [smem:$0x3FB3]  }
0x2d: {  	s3 =	simm.s32 $0x108;
	s8 =	sld [smem:$0x3FB4]  }
0x2e: {  	s3 =	simm.s32 @!p0 $0x1082;
	s9 =	sld [smem:$0x3FB5]  }
0x2f: {  	lr =	sadd.s32 s0, s3;
	s0 =	sld [smem:$0x3FAC]  }
0x30: {  	s3 =	sld [smem:$0x3FAF]  }
0x31: {  	[smem:$0x3FB8] =	sst s10  }
0x32: {  	s10 =	sld [smem:$0x3FB6];
	_ =	sdelay $0x3  }
0x33: {  	p0 =	seq.s32 s10, $0x1;
	s10 =	sld [smem:$0x3FB8];
	_ =	sdelay $0x3  }
0x34: {  	[smem:$0x3FB8] =	sst s10  }
0x35: {  	s10 =	sld [smem:$0x3FB7];
	_ =	sdelay $0x3  }
0x36: {  	p1 =	seq.s32 s10, $0x1;
	s10 =	sld [smem:$0x3FB8];
	_ =	sdelay $0x3  }
0x37: {  	[smem:$0x3FB8] =	sst s10  }
0x38: {  	s10 =	sld [smem:$0x3FB9]  }
0x39: {  	_ = 	snop;
	(pc) =	sbr.ind lr, $3  }
0x3a: {  	_ = 	snop  }
0x3b: {  	_ = 	snop  }
0x3c: {  	p2 =	seq.s32 s10, $0x1;
	s10 =	sld [smem:$0x3FB8]  }
0x3d: {  	_ =	shalt  }
0x3e: {  	_ =	shalt  }
0x3f: {  	_ =	shalt  }
0x40: {  	_ =	shalt  }
0x41: {  	_ =	shalt  }
0x42: {  	_ =	shalt  }
0x43: {  	_ =	shalt  }
0x44: {  	_ =	shalt  }
0x45: {  	_ =	shalt  }
0x46: {  	_ =	shalt  }
0x47: {  	_ =	shalt  }
0x48: {  	_ =	shalt  }
0x49: {  	_ =	shalt  }
0x4a: {  	_ =	shalt  }
0x4b: {  	_ =	shalt  }
0x4c: {  	_ =	shalt  }
0x4d: {  	_ =	shalt  }
0x4e: {  	_ =	shalt  }
0x4f: {  	_ =	shalt  }
0x50: {  	_ =	shalt  }
0x51: {  	_ =	shalt  }
0x52: {  	_ =	shalt  }
0x53: {  	_ =	shalt  }
0x54: {  	_ =	shalt  }
0x55: {  	_ =	shalt  }
0x56: {  	_ =	shalt  }
0x57: {  	_ =	shalt  }
0x58: {  	_ =	shalt  }
0x59: {  	_ =	shalt  }
0x5a: {  	_ =	shalt  }
0x5b: {  	_ =	shalt  }
0x5c: {  	_ =	shalt  }
0x5d: {  	_ =	shalt  }
0x5e: {  	_ =	shalt  }
0x5f: {  	_ =	shalt  }
0x60: {  	_ =	shalt  }
0x61: {  	_ =	shalt  }
0x62: {  	_ =	shalt  }
0x63: {  	_ =	shalt  }
0x64: {  	_ =	shalt  }
0x65: {  	_ =	shalt  }
0x66: {  	_ =	shalt  }
0x67: {  	_ =	shalt  }
0x68: {  	_ =	shalt  }
0x69: {  	_ =	shalt  }
0x6a: {  	_ =	shalt  }
0x6b: {  	_ =	shalt  }
0x6c: {  	_ =	shalt  }
0x6d: {  	_ =	shalt  }
0x6e: {  	_ =	shalt  }
0x6f: {  	_ =	shalt  }
0x70: {  	_ =	shalt  }
0x71: {  	_ =	shalt  }
0x72: {  	_ =	shalt  }
0x73: {  	_ =	shalt  }
0x74: {  	_ =	shalt  }
0x75: {  	_ =	shalt  }
0x76: {  	_ =	shalt  }
0x77: {  	_ =	shalt  }
0x78: {  	_ =	shalt  }
0x79: {  	_ =	shalt  }
0x7a: {  	_ =	shalt  }
0x7b: {  	_ =	shalt  }
0x7c: {  	_ =	shalt  }
0x7d: {  	_ =	shalt  }
0x7e: {  	_ =	shalt  }
0x7f: {  	_ =	shalt  }
0x80: {  	_ =	shalt  }
0x81: {  	_ =	shalt  }
0x82: {  	_ =	shalt  }
0x83: {  	_ =	shalt  }
0x84: {  	_ =	shalt  }
0x85: {  	_ =	shalt  }
0x86: {  	_ =	shalt  }
0x87: {  	_ =	shalt  }
.Lfunc_end0:
.L_simem_size_0:
called_computation_lowered:
.L_overlay_start_0:
0x88: {  	s2 =	sld [smem:$0x3FD9]  }
0x89: {  	s3 =	sld [smem:$0x3FFE];
	_ =	sdelay $0x1  }
0x8a: {  	s1 =	srdreg.scid  }
0x8b: {  	s0 =	sand.u32 $0x1, s1  }
0x8c: {  	s17 =	sshll.u32 s0, $0xA;
	s2 =	sadd.s32 s3, s2  }
0x8d: {  	s2 =	sadd.s32 s2, s17  }
0x8e: {  	[smem:$0x3FC4] =	sst s2  }
0x8f: {  	_ = 	snop  }
0x90: {  	s2 =	sld [smem:$0x3FD0];
	(tm) =	ssettm $0x1  }
0x91: {  	s18 =	sld [smem:$0x3FFB];
	_ =	sdelay $0x3  }
0x92: {  	_ =	strace s18  }
0x93: {  	s3 =	sld [smem:$0x3FFC];
	_ =	sdelay $0x3  }
0x94: {  	_ =	strace s3  }
0x95: {  	s3 =	sld [smem:$0x3FFD];
	_ =	sdelay $0x3  }
0x96: {  	_ =	strace s3  }
0x97: {  	_ =	strace $0x8FFFFFFF  }
0x98: {  	s19 =	sld [smem:$0x3FDB];
	_ =	sdelay $0x1  }
0x99: {  	s4 =	simm.s32 $_scs_section_size  }
0x9a: {  	s5 =	simm.s32 $_size__tile_overlayer_lowered;
	s6 =	simm.s32 $_tile_overlayer_lowered  }
0x9b: {  	s22 =	simm.s32 $0x1BFF;
	s21 =	sshll.u32 s6, $0x1;
	s3 =	sadd.s32 s4, s19  }
0x9c: {  	s7 =	simm.s32 $0x0;
	s20 =	sshll.u32 s5, $0x1;
	s5 =	sadd.s32 s21, s3  }
0x9d: {  	[timem:s7], [sflag:s22] =	dma.local [hbm:s5], s20  }
0x9e: {  	_ =	swait.ge [sflag:s22], s20  }
0x9f: {  	s4 =	ssub.s32 $0x0, s20;
	[sflag:s22] =	ssyncset.done $0x0  }
0xa0: {  	[sflag:s22] =	ssyncadd.s32 s4;
	_ =	sdelay $0x1  }
0xa1: {  	s23 =	simm.s32 $0x1B8B  }
0xa2: {  	_ =	swait.ge [sflag:s23], $0x1  }
0xa3: {  	[sflag:s23] =	ssyncset.done $0x0  }
0xa4: {  	s25 =	simm.s32 $0x1B8E;
	s24 =	sld [smem:$0x3FFE];
	[sflag:s23] =	ssyncadd.s32 $0xFFFFFFFF  }
0xa5: {  	s26 =	simm.s32 $execute0_lowered;
	[smem:$0x3FD2] =	sst s25  }
0xa6: {  	s5 =	sshll.u32 s26, $0x1;
	_ =	strace $0x80000046;
	[dreg:$0x1] =	wrdreg $0xFFFFFFFF  }
0xa7: {  	s28 =	simm.s32 $_size_execute0_lowered;
	s3 =	sadd.s32 s3, s5;
	[dreg:$0x0] =	wrdreg $0x0  }
0xa8: {  	s5 =	sshll.u32 s28, $0x1;
	[dreg:$0x2] =	wrdreg s3  }
0xa9: {  	[dreg:$0x3] =	wrdreg s5  }
0xaa: {  	[dreg:$0x4] =	wrdreg $0xC0  }
0xab: {  	_ =	task [dreg:s7], $0x5FFFF  }
0xac: {  	[dreg:$0x1] =	wrdreg $0xFFFFFFFF  }
0xad: {  	[dreg:$0x0] =	wrdreg $0x60  }
0xae: {  	[dreg:$0x2] =	wrdreg s24  }
0xaf: {  	[dreg:$0x3] =	wrdreg s2  }
0xb0: {  	[dreg:$0x4] =	wrdreg $0x9  }
0xb1: {  	_ =	task.clear_ibuf [dreg:s7], $0x5FFFF;
	_ =	strace $0x90000046  }
0xb2: {  	s29 =	simm.s32 $0x9;
	_ =	strace $0x80000048  }
0xb3: {  	_ =	swait.ge [sflag:s29], $0x1  }
0xb4: {  	[sflag:s29] =	ssyncadd.s32 $0xFFFFFFFF  }
0xb5: {  	_ =	strace $0x90000048  }
0xb6: {  	_ =	sfence  }
0xb7: {  	s30 =	sld [smem:$0x0];
	_ =	sdelay $0x2  }
0xb8: {  	s31 =	sshll.u32 s1, $0xD;
	s1 =	sshrl.u32 s1, $0x2  }
0xb9: {  	s3 =	sand.u32 $0x4000, s31;
	s1 =	sadd.s32 s1, s30  }
0xba: {  	s0 =	sor.u32 s3, s0;
	s1 =	sshll.u32 s1, $0x11  }
0xbb: {  	s0 =	sor.u32 s1, s0  }
0xbc: {  	s0 =	sadd.s32 $0x8F2B, s0  }
0xbd: {  	[sflag:s0] =	ssyncadd.remote.s32 $0x1  }
0xbe: {  	_ =	sfence.sel $0xFFFF  }
0xbf: {  	[dreg:$0x0] =	wrdreg $0xFFFFFFFF;
	(pc) =	sbr.abs _section_cstart, $3  }
0xc0: {  	[dreg:$0x1] =	wrdreg $0xFFFFFFFF  }
0xc1: {  	_ =	task.clear_ibuf [dreg:s7], $0x2FFFF;
	_ =	strace $0x9FFFFFFF  }
0xc2: {  	(tm) =	ssettm $0x7FFFFFFF  }
0xc3: {  	_ =	shalt  }
tec
execute0_lowered:
.L_overlay_start_1:
0x0: {  	(tag) =	ssettag $0x1  }
0x1: {  	s4 =	rddreg [dreg:$0x0];
	s1 =	srdreg.scid  }
0x2: {  	s2 =	rddreg [dreg:$0x1];
	s0 =	stileid.u32  }
0x3: {  	s8 =	simm.s32 $0x80;
	s9 =	simm.s32 $0x1;
	s5 =	sand.u32 $0x1, s1  }
0x4: {  	v0 =	vlaneseq.u32;
	v1 =	vimm.f32 $1.000000000e+00;
	[dreg:$0x3] =	wrdreg s2;
	s30 =	sshll.u32 s0, $0x7;
	s3 =	sshll.u32 s5, $0x6  }
0x5: {  	s10 =	simm.s32 $0x0;
	s1 =	rddreg [dreg:$0x2];
	v2 =	vor.u32 $0x10, v0;
	v3 =	vor.u32 $0x20, v0;
	v4 =	vor.u32 $0x30, v0;
	s2 =	sor.u32 s3, s30  }
0x6: {  	v5 =	vor.u32 $0x40, v0;
	v6 =	vor.u32 $0x50, v0;
	v7 =	vor.u32 $0x60, v0;
	s5 =	ssub.s32 $0x2, s5;
	s3 =	simm.s32 $0x0;
	s6 =	sshrl.u32 s2, $0x3  }
0x7: {  	v8 =	vor.u32 $0x70, v0;
	v9 =	vor.u32 $0x80, v0;
	v10 =	vor.u32 $0x90, v0;
	s31 =	sshrl.u32 s5, $0x1;
	[smem:$0x7FF] =	sst s3;
	s6 =	sadd.s32 s6, s4  }
0x8: {  	v11 =	vor.u32 $0xA0, v0;
	v12 =	vor.u32 $0xB0, v0;
	v13 =	vor.u32 $0xC0, v0;
	s7 =	ssub.s32 s5, s31;
	_ =	strace $0x80000047;
	s4 =	sadd.s32 $0xC00, s6  }
0x9: {  	v14 =	vor.u32 $0xD0, v0;
	v15 =	vor.u32 $0xE0, v0;
	v16 =	vor.u32 $0xF0, v0;
	s5 =	sadd.s32 $0xA00, s6;
	s6 =	smax.u32 s7, $0x1;
	s7 =	simm.s32 $0x2  }
.LBB2_1:
0xa: {  	[tilespmem:s3], [sflag:$0x2] =	stream.linear.gather [hbm4b:s4+s3], $0x40, $0x38;
	[tilespmem:$0x4100] =	vst v63  }
0xb: {  	_ =	swait.ge [sflag:s7], $0x40  }
0xc: {  	[sflag:s7] =	ssyncset.done $0x0  }
0xd: {  	[sflag:s7] =	ssyncadd.s32 $0xFFFFFFC0  }
0xe: {  	[tilespmem:s8], [sflag:$0x2] =	stream.linear.gather [hbm4b:s5+s3], $0x40, $0x38;
	[tilespmem:$0x4100] =	vst v63  }
0xf: {  	_ =	swait.ge [sflag:s7], $0x40  }
0x10: {  	[sflag:s7] =	ssyncset.done $0x0  }
0x11: {  	s11 =	simm.s32 $0x0;
	[sflag:s7] =	ssyncadd.s32 $0xFFFFFFC0  }
.LBB2_2:
0x12: {  	s12 =	sshll.u32 s11, $0x4  }
0x13: {  	v17 =	vld [tilespmem:s12+$0x0]  }
0x14: {  	v18 =	vld [tilespmem:s12+$0x80];
	_ =	sdelay $0x3  }
0x15: {  	(v2sf) =	vpush v17, $0x0  }
0x16: {  	(v2sf) =	vpush v18, $0x0;
	_ =	sdelay $0x5  }
0x17: {  	v19 =	vbroadcast v17, $0x0;
	_ =	sdelay $0x1  }
0x18: {  	v63 =	vbroadcast v17, $0x1;
	v20 =	vsub.s32 v0, v19;
	v58 =	vsub.s32 v2, v19  }
0x19: {  	v21 =	vsub.s32 v3, v19;
	v23 =	vsub.s32 v4, v19;
	v59 =	vsub.s32 v5, v19  }
0x1a: {  	v24 =	vsub.s32 v6, v19;
	v26 =	vsub.s32 v7, v19;
	v60 =	vsub.s32 v8, v19  }
0x1b: {  	v27 =	vsub.s32 v9, v19;
	v29 =	vsub.s32 v10, v19;
	v61 =	vsub.s32 v11, v19  }
0x1c: {  	v30 =	vsub.s32 v12, v19;
	v32 =	vsub.s32 v13, v19;
	v62 =	vsub.s32 v14, v19  }
0x1d: {  	v33 =	vsub.s32 v15, v19;
	v19 =	vsub.s32 v16, v19;
	v36 =	vsub.s32 v0, v63  }
0x1e: {  	v42 =	vsub.s32 v2, v63;
	v43 =	vsub.s32 v3, v63;
	s13 =	spop (v2sf);
	(v2sf) =	vpush v17, $0x1  }
0x1f: {  	v44 =	vsub.s32 v4, v63;
	v46 =	vsub.s32 v5, v63;
	s14 =	spop (v2sf);
	(v2sf) =	vpush v18, $0x1  }
0x20: {  	v47 =	vsub.s32 v6, v63;
	v48 =	vsub.s32 v7, v63;
	v50 =	vsub.s32 v8, v63  }
0x21: {  	v51 =	vsub.s32 v9, v63;
	v52 =	vsub.s32 v10, v63;
	v54 =	vsub.s32 v11, v63;
	s15 =	ssub.s32 s14, s13  }
0x22: {  	v55 =	vsub.s32 v12, v63;
	v56 =	vsub.s32 v13, v63;
	vm0 =	vgt.u32 v20, s15  }
0x23: {  	vm15 =	vgt.u32 v58, s15;
	vm1 =	vgt.u32 v21, s15;
	vm4 =	vgt.u32 v23, s15  }
0x24: {  	vm5 =	vgt.u32 v59, s15;
	vm6 =	vgt.u32 v24, s15;
	vm7 =	vgt.u32 v26, s15  }
0x25: {  	vm8 =	vgt.u32 v60, s15;
	vm9 =	vgt.u32 v27, s15;
	vm10 =	vgt.u32 v29, s15  }
0x26: {  	vm11 =	vgt.u32 v61, s15;
	vm12 =	vgt.u32 v30, s15;
	vm13 =	vgt.u32 v32, s15  }
0x27: {  	s29 =	sshll.u32 s11, $0xC;
	vm14 =	vgt.u32 v62, s15;
	vm2 =	vgt.u32 v33, s15;
	v58 =	vsub.s32 v14, v63  }
0x28: {  	s13 =	sand.u32 $0x3FFFF000, s29;
	v59 =	vsub.s32 v15, v63;
	v60 =	vbroadcast v17, $0x2;
	v22 =	vsel vm0, $0x0, v1  }
0x29: {  	v32 =	vsub.s32 v16, v63;
	v20 =	vsel vm15, $0x0, v1;
	v21 =	vsel vm1, $0x0, v1;
	[tilespmem:s13+$0x100] =	vst v22  }
0x2a: {  	v25 =	vsel vm4, $0x0, v1;
	v23 =	vsel vm5, $0x0, v1;
	v24 =	vsel vm6, $0x0, v1;
	[tilespmem:s13+$0x110] =	vst v20  }
0x2b: {  	v28 =	vsel vm7, $0x0, v1;
	v26 =	vsel vm8, $0x0, v1;
	v27 =	vsel vm9, $0x0, v1;
	[tilespmem:s13+$0x120] =	vst v21  }
0x2c: {  	v31 =	vsel vm10, $0x0, v1;
	v29 =	vsel vm11, $0x0, v1;
	v30 =	vsel vm12, $0x0, v1;
	[tilespmem:s13+$0x130] =	vst v25  }
0x2d: {  	v40 =	vsel vm13, $0x0, v1;
	v34 =	vsel vm14, $0x0, v1;
	vm15 =	vgt.u32 v19, s15;
	[tilespmem:s13+$0x140] =	vst v23;
	s28 =	spop (v2sf)  }
0x2e: {  	v35 =	vsel vm2, $0x0, v1;
	v19 =	vsel vm15, $0x0, v1;
	[tilespmem:s13+$0x150] =	vst v24;
	v62 =	vsub.s32 v0, v60;
	s16 =	spop (v2sf)  }
0x2f: {  	[tilespmem:s13+$0x160] =	vst v28;
	v37 =	vsub.s32 v2, v60;
	v38 =	vsub.s32 v3, v60;
	(v2sf) =	vpush v17, $0x2;
	s14 =	ssub.s32 s16, s28  }
0x30: {  	[tilespmem:s13+$0x170] =	vst v26;
	v39 =	vsub.s32 v4, v60;
	(v2sf) =	vpush v18, $0x2;
	vm4 =	vgt.u32 v36, s14  }
0x31: {  	[tilespmem:s13+$0x500] =	vst v27;
	vm5 =	vgt.u32 v42, s14;
	vm6 =	vgt.u32 v43, s14;
	vm7 =	vgt.u32 v44, s14  }
0x32: {  	[tilespmem:s13+$0x510] =	vst v31;
	vm8 =	vgt.u32 v46, s14;
	vm9 =	vgt.u32 v47, s14;
	vm10 =	vgt.u32 v48, s14  }
0x33: {  	[tilespmem:s13+$0x520] =	vst v29;
	vm11 =	vgt.u32 v50, s14;
	vm12 =	vgt.u32 v51, s14;
	vm13 =	vgt.u32 v52, s14  }
0x34: {  	[tilespmem:s13+$0x530] =	vst v30;
	vm14 =	vgt.u32 v54, s14;
	vm15 =	vgt.u32 v55, s14;
	v42 =	vsub.s32 v5, v60  }
0x35: {  	[tilespmem:s13+$0x540] =	vst v40;
	v43 =	vsub.s32 v6, v60;
	v44 =	vsub.s32 v7, v60;
	v47 =	vsub.s32 v8, v60  }
0x36: {  	[tilespmem:s13+$0x550] =	vst v34;
	v48 =	vsub.s32 v9, v60;
	v52 =	vsub.s32 v11, v60;
	v54 =	vsub.s32 v13, v60  }
0x37: {  	[tilespmem:s13+$0x560] =	vst v35;
	v41 =	vsel vm4, $0x0, v1;
	v45 =	vsel vm5, $0x0, v1;
	v21 =	vsel vm6, $0x0, v1  }
0x38: {  	[tilespmem:s13+$0x570] =	vst v19;
	v22 =	vsel vm7, $0x0, v1;
	v49 =	vsel vm8, $0x0, v1;
	v23 =	vsel vm9, $0x0, v1  }
0x39: {  	v24 =	vsel vm10, $0x0, v1;
	v53 =	vsel vm11, $0x0, v1;
	v26 =	vsel vm12, $0x0, v1;
	[tilespmem:s13+$0x180] =	vst v41  }
0x3a: {  	v27 =	vsel vm13, $0x0, v1;
	v57 =	vsel vm14, $0x0, v1;
	vm4 =	vgt.u32 v56, s14;
	[tilespmem:s13+$0x190] =	vst v45  }
0x3b: {  	v29 =	vsel vm15, $0x0, v1;
	vm5 =	vgt.u32 v58, s14;
	vm6 =	vgt.u32 v59, s14;
	[tilespmem:s13+$0x1A0] =	vst v21  }
0x3c: {  	vm7 =	vgt.u32 v32, s14;
	v58 =	vsub.s32 v15, v60;
	v59 =	vsub.s32 v16, v60;
	[tilespmem:s13+$0x1C0] =	vst v49  }
0x3d: {  	v30 =	vsel vm4, $0x0, v1;
	v19 =	vsel vm5, $0x0, v1;
	[tilespmem:s13+$0x1F0] =	vst v53;
	v49 =	vsub.s32 v10, v60  }
0x3e: {  	[tilespmem:s13+$0x5A0] =	vst v57;
	v53 =	vsub.s32 v12, v60;
	v57 =	vsub.s32 v14, v60;
	v60 =	vbroadcast v17, $0x3;
	s30 =	spop (v2sf)  }
0x3f: {  	v61 =	vsel vm6, $0x0, v1;
	v63 =	vsel vm7, $0x0, v1;
	[tilespmem:s13+$0x1D0] =	vst v23;
	v23 =	vbroadcast v17, $0x4;
	s31 =	spop (v2sf)  }
0x40: {  	[tilespmem:s13+$0x5F0] =	vst v63;
	v63 =	vsub.s32 v0, v60;
	v21 =	vsub.s32 v16, v60;
	(v2sf) =	vpush v17, $0x3;
	s16 =	ssub.s32 s31, s30  }
0x41: {  	[tilespmem:s13+$0x1B0] =	vst v22;
	(v2sf) =	vpush v18, $0x3;
	vm8 =	vgt.u32 v62, s16;
	vm9 =	vgt.u32 v37, s16  }
0x42: {  	[tilespmem:s13+$0x1E0] =	vst v24;
	vm10 =	vgt.u32 v38, s16;
	vm11 =	vgt.u32 v39, s16;
	vm12 =	vgt.u32 v42, s16  }
0x43: {  	[tilespmem:s13+$0x580] =	vst v26;
	vm13 =	vgt.u32 v43, s16;
	vm14 =	vgt.u32 v44, s16;
	vm15 =	vgt.u32 v47, s16  }
0x44: {  	[tilespmem:s13+$0x590] =	vst v27;
	vm4 =	vgt.u32 v48, s16;
	vm5 =	vgt.u32 v49, s16;
	vm6 =	vgt.u32 v52, s16  }
0x45: {  	[tilespmem:s13+$0x5B0] =	vst v29;
	vm7 =	vgt.u32 v53, s16;
	v38 =	vsub.s32 v3, v60;
	v39 =	vsub.s32 v4, v60  }
0x46: {  	[tilespmem:s13+$0x5C0] =	vst v30;
	v42 =	vsub.s32 v6, v60;
	v43 =	vsub.s32 v7, v60;
	v44 =	vsub.s32 v8, v60  }
0x47: {  	[tilespmem:s13+$0x5D0] =	vst v19;
	v47 =	vsub.s32 v9, v60;
	v48 =	vsub.s32 v10, v60;
	v49 =	vsub.s32 v11, v60  }
0x48: {  	[tilespmem:s13+$0x5E0] =	vst v61;
	v52 =	vsub.s32 v12, v60;
	v53 =	vsub.s32 v13, v60;
	v36 =	vsel vm8, $0x0, v1  }
0x49: {  	v40 =	vsel vm9, $0x0, v1;
	v22 =	vsel vm10, $0x0, v1;
	v41 =	vsel vm11, $0x0, v1;
	[tilespmem:s13+$0x200] =	vst v36  }
0x4a: {  	v45 =	vsel vm12, $0x0, v1;
	v24 =	vsel vm13, $0x0, v1;
	v46 =	vsel vm14, $0x0, v1;
	[tilespmem:s13+$0x210] =	vst v40  }
0x4b: {  	v50 =	vsel vm15, $0x0, v1;
	v27 =	vsel vm4, $0x0, v1;
	v51 =	vsel vm5, $0x0, v1;
	[tilespmem:s13+$0x220] =	vst v22  }
0x4c: {  	v19 =	vsel vm6, $0x0, v1;
	vm8 =	vgt.u32 v54, s16;
	v55 =	vsel vm7, $0x0, v1;
	[tilespmem:s13+$0x230] =	vst v41  }
0x4d: {  	vm9 =	vgt.u32 v57, s16;
	vm10 =	vgt.u32 v58, s16;
	vm11 =	vgt.u32 v59, s16;
	[tilespmem:s13+$0x240] =	vst v45  }
0x4e: {  	v54 =	vsub.s32 v14, v60;
	v58 =	vsub.s32 v15, v60;
	v56 =	vsel vm8, $0x0, v1;
	[tilespmem:s13+$0x250] =	vst v24  }
0x4f: {  	v61 =	vsel vm9, $0x0, v1;
	v62 =	vsel vm10, $0x0, v1;
	v32 =	vsel vm11, $0x0, v1;
	[tilespmem:s13+$0x260] =	vst v46;
	s17 =	spop (v2sf)  }
0x50: {  	v36 =	vsub.s32 v2, v60;
	v40 =	vsub.s32 v5, v60;
	[tilespmem:s13+$0x270] =	vst v50;
	(v2sf) =	vpush v17, $0x4;
	s18 =	spop (v2sf)  }
0x51: {  	v60 =	vsub.s32 v0, v23;
	[tilespmem:s13+$0x650] =	vst v61;
	v61 =	vsub.s32 v2, v23;
	(v2sf) =	vpush v18, $0x4;
	s14 =	ssub.s32 s18, s17  }
0x52: {  	[tilespmem:s13+$0x660] =	vst v62;
	v62 =	vsub.s32 v3, v23;
	vm12 =	vgt.u32 v63, s14;
	vm13 =	vgt.u32 v36, s14  }
0x53: {  	[tilespmem:s13+$0x600] =	vst v27;
	vm14 =	vgt.u32 v38, s14;
	vm15 =	vgt.u32 v39, s14;
	vm4 =	vgt.u32 v40, s14  }
0x54: {  	[tilespmem:s13+$0x610] =	vst v51;
	vm5 =	vgt.u32 v42, s14;
	vm6 =	vgt.u32 v43, s14;
	vm7 =	vgt.u32 v44, s14  }
0x55: {  	[tilespmem:s13+$0x620] =	vst v19;
	vm8 =	vgt.u32 v47, s14;
	vm9 =	vgt.u32 v48, s14;
	vm10 =	vgt.u32 v49, s14  }
0x56: {  	[tilespmem:s13+$0x630] =	vst v55;
	vm11 =	vgt.u32 v52, s14;
	v38 =	vsub.s32 v5, v23;
	v39 =	vsub.s32 v6, v23  }
0x57: {  	[tilespmem:s13+$0x640] =	vst v56;
	v43 =	vsub.s32 v7, v23;
	v44 =	vsub.s32 v8, v23;
	v49 =	vsub.s32 v10, v23  }
0x58: {  	[tilespmem:s13+$0x670] =	vst v32;
	v22 =	vsel vm12, $0x0, v1;
	v37 =	vsel vm13, $0x0, v1;
	v41 =	vsel vm14, $0x0, v1  }
0x59: {  	v24 =	vsel vm15, $0x0, v1;
	v31 =	vsel vm4, $0x0, v1;
	v45 =	vsel vm5, $0x0, v1;
	[tilespmem:s13+$0x280] =	vst v22  }
0x5a: {  	v19 =	vsel vm6, $0x0, v1;
	v46 =	vsel vm7, $0x0, v1;
	v50 =	vsel vm8, $0x0, v1;
	[tilespmem:s13+$0x290] =	vst v37  }
0x5b: {  	v20 =	vsel vm9, $0x0, v1;
	v51 =	vsel vm10, $0x0, v1;
	v55 =	vsel vm11, $0x0, v1;
	[tilespmem:s13+$0x2A0] =	vst v41  }
0x5c: {  	vm12 =	vgt.u32 v53, s14;
	vm13 =	vgt.u32 v54, s14;
	vm14 =	vgt.u32 v58, s14;
	[tilespmem:s13+$0x2D0] =	vst v45  }
0x5d: {  	vm15 =	vgt.u32 v21, s14;
	v56 =	vsel vm12, $0x0, v1;
	v57 =	vsel vm13, $0x0, v1;
	[tilespmem:s13+$0x680] =	vst v50  }
0x5e: {  	v59 =	vsel vm14, $0x0, v1;
	v21 =	vsel vm15, $0x0, v1;
	v37 =	vsub.s32 v4, v23;
	[tilespmem:s13+$0x6A0] =	vst v51  }
0x5f: {  	v45 =	vsub.s32 v9, v23;
	[tilespmem:s13+$0x6B0] =	vst v55;
	v50 =	vsub.s32 v11, v23;
	v51 =	vsub.s32 v12, v23;
	s19 =	spop (v2sf)  }
0x60: {  	v55 =	vsub.s32 v13, v23;
	[tilespmem:s13+$0x6C0] =	vst v56;
	v56 =	vsub.s32 v14, v23;
	(v2sf) =	vpush v17, $0x5;
	s20 =	spop (v2sf)  }
0x61: {  	[tilespmem:s13+$0x6D0] =	vst v57;
	v57 =	vsub.s32 v15, v23;
	v23 =	vsub.s32 v16, v23;
	(v2sf) =	vpush v18, $0x5;
	s14 =	ssub.s32 s20, s19  }
0x62: {  	[tilespmem:s13+$0x2B0] =	vst v24;
	vm4 =	vgt.u32 v60, s14;
	vm5 =	vgt.u32 v61, s14;
	vm6 =	vgt.u32 v62, s14  }
0x63: {  	[tilespmem:s13+$0x2C0] =	vst v31;
	vm7 =	vgt.u32 v37, s14;
	vm8 =	vgt.u32 v38, s14;
	vm9 =	vgt.u32 v39, s14  }
0x64: {  	[tilespmem:s13+$0x2E0] =	vst v19;
	vm10 =	vgt.u32 v43, s14;
	vm11 =	vgt.u32 v44, s14;
	vm12 =	vgt.u32 v45, s14  }
0x65: {  	[tilespmem:s13+$0x2F0] =	vst v46;
	vm13 =	vgt.u32 v49, s14;
	vm14 =	vgt.u32 v50, s14;
	vm15 =	vgt.u32 v51, s14  }
0x66: {  	[tilespmem:s13+$0x690] =	vst v20;
	v63 =	vsel vm4, $0x0, v1;
	v19 =	vsel vm5, $0x0, v1;
	v36 =	vsel vm6, $0x0, v1  }
0x67: {  	[tilespmem:s13+$0x6E0] =	vst v59;
	v40 =	vsel vm7, $0x0, v1;
	v41 =	vsel vm8, $0x0, v1;
	v42 =	vsel vm9, $0x0, v1  }
0x68: {  	[tilespmem:s13+$0x6F0] =	vst v21;
	v46 =	vsel vm10, $0x0, v1;
	v47 =	vsel vm11, $0x0, v1;
	v48 =	vsel vm12, $0x0, v1  }
0x69: {  	v52 =	vsel vm13, $0x0, v1;
	v53 =	vsel vm14, $0x0, v1;
	v54 =	vsel vm15, $0x0, v1;
	[tilespmem:s13+$0x300] =	vst v63  }
0x6a: {  	vm4 =	vgt.u32 v55, s14;
	vm5 =	vgt.u32 v56, s14;
	vm6 =	vgt.u32 v57, s14;
	[tilespmem:s13+$0x310] =	vst v19  }
0x6b: {  	vm7 =	vgt.u32 v23, s14;
	v19 =	vbroadcast v17, $0x5;
	[tilespmem:s13+$0x320] =	vst v36;
	v58 =	vsel vm4, $0x0, v1  }
0x6c: {  	v29 =	vsel vm5, $0x0, v1;
	v31 =	vsel vm6, $0x0, v1;
	[tilespmem:s13+$0x330] =	vst v40;
	v60 =	vsel vm7, $0x0, v1  }
0x6d: {  	[tilespmem:s13+$0x720] =	vst v53;
	v53 =	vbroadcast v17, $0x6;
	v59 =	vsub.s32 v0, v19;
	v62 =	vsub.s32 v2, v19  }
0x6e: {  	[tilespmem:s13+$0x350] =	vst v42;
	v63 =	vsub.s32 v3, v19;
	v33 =	vsub.s32 v4, v19;
	v37 =	vsub.s32 v5, v19  }
0x6f: {  	[tilespmem:s13+$0x360] =	vst v46;
	v38 =	vsub.s32 v6, v19;
	v39 =	vsub.s32 v7, v19;
	v42 =	vsub.s32 v8, v19  }
0x70: {  	[tilespmem:s13+$0x370] =	vst v47;
	v43 =	vsub.s32 v9, v19;
	v44 =	vsub.s32 v10, v19;
	v46 =	vsub.s32 v11, v19  }
0x71: {  	[tilespmem:s13+$0x700] =	vst v48;
	v47 =	vsub.s32 v12, v19;
	v48 =	vsub.s32 v13, v19;
	v51 =	vsub.s32 v14, v19;
	s21 =	spop (v2sf)  }
0x72: {  	[tilespmem:s13+$0x710] =	vst v52;
	v52 =	vsub.s32 v15, v19;
	v19 =	vsub.s32 v16, v19;
	(v2sf) =	vpush v17, $0x6;
	s22 =	spop (v2sf)  }
0x73: {  	[tilespmem:s13+$0x740] =	vst v58;
	v57 =	vsub.s32 v2, v53;
	v58 =	vsub.s32 v3, v53;
	(v2sf) =	vpush v18, $0x6;
	s15 =	ssub.s32 s22, s21  }
0x74: {  	[tilespmem:s13+$0x340] =	vst v41;
	vm8 =	vgt.u32 v59, s15;
	vm9 =	vgt.u32 v62, s15;
	vm10 =	vgt.u32 v63, s15  }
0x75: {  	[tilespmem:s13+$0x730] =	vst v54;
	vm11 =	vgt.u32 v33, s15;
	vm12 =	vgt.u32 v37, s15;
	vm13 =	vgt.u32 v38, s15  }
0x76: {  	[tilespmem:s13+$0x750] =	vst v29;
	vm14 =	vgt.u32 v39, s15;
	vm15 =	vgt.u32 v42, s15;
	vm4 =	vgt.u32 v43, s15  }
0x77: {  	[tilespmem:s13+$0x760] =	vst v31;
	vm5 =	vgt.u32 v44, s15;
	vm6 =	vgt.u32 v46, s15;
	vm7 =	vgt.u32 v47, s15  }
0x78: {  	[tilespmem:s13+$0x770] =	vst v60;
	v59 =	vsub.s32 v4, v53;
	v62 =	vsub.s32 v6, v53;
	v61 =	vsel vm8, $0x0, v1  }
0x79: {  	v63 =	vsub.s32 v7, v53;
	v37 =	vsub.s32 v10, v53;
	v34 =	vsel vm9, $0x0, v1;
	[tilespmem:s13+$0x380] =	vst v61  }
0x7a: {  	v44 =	vsub.s32 v14, v53;
	v46 =	vsub.s32 v16, v53;
	v35 =	vsel vm10, $0x0, v1;
	[tilespmem:s13+$0x390] =	vst v34  }
0x7b: {  	v47 =	vbroadcast v17, $0x7;
	v36 =	vsel vm11, $0x0, v1;
	v40 =	vsel vm12, $0x0, v1;
	[tilespmem:s13+$0x3A0] =	vst v35  }
0x7c: {  	v26 =	vsel vm13, $0x0, v1;
	v41 =	vsel vm14, $0x0, v1;
	v45 =	vsel vm15, $0x0, v1;
	[tilespmem:s13+$0x3B0] =	vst v36  }
0x7d: {  	v24 =	vsel vm4, $0x0, v1;
	v30 =	vsel vm5, $0x0, v1;
	v49 =	vsel vm6, $0x0, v1;
	[tilespmem:s13+$0x3C0] =	vst v40  }
0x7e: {  	vm8 =	vgt.u32 v48, s15;
	v20 =	vsel vm7, $0x0, v1;
	vm9 =	vgt.u32 v51, s15;
	[tilespmem:s13+$0x3D0] =	vst v26  }
0x7f: {  	vm10 =	vgt.u32 v52, s15;
	vm11 =	vgt.u32 v19, s15;
	v19 =	vsub.s32 v0, v53;
	[tilespmem:s13+$0x3E0] =	vst v41  }
0x80: {  	v50 =	vsel vm8, $0x0, v1;
	v54 =	vsel vm9, $0x0, v1;
	v55 =	vsel vm10, $0x0, v1;
	[tilespmem:s13+$0x3F0] =	vst v45  }
0x81: {  	v56 =	vsel vm11, $0x0, v1;
	v61 =	vsub.s32 v5, v53;
	[tilespmem:s13+$0x7A0] =	vst v49;
	v35 =	vsub.s32 v8, v53  }
0x82: {  	[tilespmem:s13+$0x7B0] =	vst v20;
	v36 =	vsub.s32 v9, v53;
	v40 =	vsub.s32 v11, v53;
	v41 =	vsub.s32 v13, v53;
	s23 =	spop (v2sf)  }
0x83: {  	v45 =	vsub.s32 v15, v53;
	v49 =	vsub.s32 v0, v47;
	v20 =	vsub.s32 v16, v47;
	[tilespmem:s13+$0x7C0] =	vst v50;
	s24 =	spop (v2sf)  }
0x84: {  	[tilespmem:s13+$0x7D0] =	vst v54;
	v50 =	vsub.s32 v2, v47;
	v54 =	vsub.s32 v4, v47;
	(v2sf) =	vpush v17, $0x7;
	s14 =	ssub.s32 s24, s23  }
0x85: {  	[tilespmem:s13+$0x7E0] =	vst v55;
	v55 =	vsub.s32 v5, v47;
	(v2sf) =	vpush v18, $0x7;
	vm12 =	vgt.u32 v19, s14  }
0x86: {  	[tilespmem:s13+$0x780] =	vst v24;
	vm13 =	vgt.u32 v57, s14;
	vm14 =	vgt.u32 v58, s14;
	vm15 =	vgt.u32 v59, s14  }
0x87: {  	[tilespmem:s13+$0x790] =	vst v30;
	vm4 =	vgt.u32 v61, s14;
	vm5 =	vgt.u32 v62, s14;
	vm6 =	vgt.u32 v63, s14  }
0x88: {  	[tilespmem:s13+$0x7F0] =	vst v56;
	vm7 =	vgt.u32 v35, s14;
	vm8 =	vgt.u32 v36, s14;
	v19 =	vsel vm12, $0x0, v1  }
0x89: {  	vm9 =	vgt.u32 v37, s14;
	vm10 =	vgt.u32 v40, s14;
	v60 =	vsel vm13, $0x0, v1;
	[tilespmem:s13+$0x400] =	vst v19  }
0x8a: {  	v58 =	vsub.s32 v6, v47;
	v59 =	vsub.s32 v7, v47;
	v27 =	vsel vm14, $0x0, v1;
	[tilespmem:s13+$0x410] =	vst v60  }
0x8b: {  	v62 =	vsub.s32 v9, v47;
	v63 =	vsub.s32 v10, v47;
	v28 =	vsel vm15, $0x0, v1;
	[tilespmem:s13+$0x420] =	vst v27  }
0x8c: {  	v36 =	vsub.s32 v12, v47;
	v37 =	vsub.s32 v13, v47;
	v32 =	vsel vm4, $0x0, v1;
	[tilespmem:s13+$0x430] =	vst v28  }
0x8d: {  	v40 =	vsub.s32 v15, v47;
	v33 =	vsel vm5, $0x0, v1;
	v34 =	vsel vm6, $0x0, v1;
	[tilespmem:s13+$0x440] =	vst v32  }
0x8e: {  	v38 =	vsel vm7, $0x0, v1;
	v25 =	vsel vm8, $0x0, v1;
	v39 =	vsel vm9, $0x0, v1;
	[tilespmem:s13+$0x450] =	vst v33  }
0x8f: {  	v42 =	vsel vm10, $0x0, v1;
	vm12 =	vgt.u32 v41, s14;
	vm13 =	vgt.u32 v44, s14;
	[tilespmem:s13+$0x460] =	vst v34  }
0x90: {  	vm14 =	vgt.u32 v45, s14;
	vm15 =	vgt.u32 v46, s14;
	v41 =	vbroadcast v17, $0x8;
	[tilespmem:s13+$0x470] =	vst v38  }
0x91: {  	v19 =	vsub.s32 v12, v53;
	v43 =	vsel vm12, $0x0, v1;
	v48 =	vsel vm13, $0x0, v1;
	[tilespmem:s13+$0x800] =	vst v25  }
0x92: {  	v28 =	vsel vm14, $0x0, v1;
	v29 =	vsel vm15, $0x0, v1;
	v53 =	vsub.s32 v3, v47;
	[tilespmem:s13+$0x810] =	vst v39  }
0x93: {  	[tilespmem:s13+$0x820] =	vst v42;
	v60 =	vsub.s32 v8, v47;
	v32 =	vsub.s32 v11, v47;
	s25 =	spop (v2sf);
	(v2sf) =	vpush v17, $0x8  }
0x94: {  	v38 =	vsub.s32 v14, v47;
	vm11 =	vgt.u32 v19, s14;
	[tilespmem:s13+$0x840] =	vst v43;
	s26 =	spop (v2sf);
	(v2sf) =	vpush v18, $0x8  }
0x95: {  	[tilespmem:s13+$0x850] =	vst v48;
	v43 =	vsub.s32 v0, v41;
	v44 =	vsub.s32 v2, v41;
	v45 =	vsub.s32 v3, v41  }
0x96: {  	[tilespmem:s13+$0x860] =	vst v28;
	v47 =	vsub.s32 v4, v41;
	v48 =	vsub.s32 v6, v41;
	v22 =	vsub.s32 v16, v41;
	s14 =	ssub.s32 s26, s25  }
0x97: {  	[tilespmem:s13+$0x870] =	vst v29;
	v19 =	vsel vm11, $0x0, v1;
	vm4 =	vgt.u32 v49, s14;
	vm5 =	vgt.u32 v50, s14  }
0x98: {  	[tilespmem:s13+$0x830] =	vst v19;
	vm6 =	vgt.u32 v53, s14;
	vm7 =	vgt.u32 v54, s14;
	v51 =	vsel vm4, $0x0, v1  }
0x99: {  	vm8 =	vgt.u32 v55, s14;
	vm9 =	vgt.u32 v58, s14;
	v52 =	vsel vm5, $0x0, v1;
	[tilespmem:s13+$0x480] =	vst v51  }
0x9a: {  	vm10 =	vgt.u32 v59, s14;
	vm11 =	vgt.u32 v60, s14;
	v56 =	vsel vm6, $0x0, v1;
	[tilespmem:s13+$0x490] =	vst v52  }
0x9b: {  	vm12 =	vgt.u32 v62, s14;
	vm13 =	vgt.u32 v63, s14;
	v19 =	vsel vm7, $0x0, v1;
	[tilespmem:s13+$0x4A0] =	vst v56  }
0x9c: {  	vm14 =	vgt.u32 v32, s14;
	vm15 =	vgt.u32 v36, s14;
	v57 =	vsel vm8, $0x0, v1;
	[tilespmem:s13+$0x4B0] =	vst v19  }
0x9d: {  	v53 =	vsub.s32 v9, v41;
	v58 =	vsub.s32 v11, v41;
	v61 =	vsel vm9, $0x0, v1;
	[tilespmem:s13+$0x4C0] =	vst v57  }
0x9e: {  	v59 =	vsub.s32 v12, v41;
	v62 =	vsub.s32 v13, v41;
	v26 =	vsel vm10, $0x0, v1;
	[tilespmem:s13+$0x4D0] =	vst v61  }
0x9f: {  	v63 =	vsub.s32 v15, v41;
	v27 =	vsel vm11, $0x0, v1;
	v33 =	vsel vm12, $0x0, v1;
	[tilespmem:s13+$0x4E0] =	vst v26  }
0xa0: {  	v34 =	vsel vm13, $0x0, v1;
	v35 =	vsel vm14, $0x0, v1;
	vm4 =	vgt.u32 v37, s14;
	[tilespmem:s13+$0x4F0] =	vst v27  }
0xa1: {  	vm5 =	vgt.u32 v38, s14;
	vm6 =	vgt.u32 v40, s14;
	vm7 =	vgt.u32 v20, s14;
	[tilespmem:s13+$0x880] =	vst v33  }
0xa2: {  	v19 =	vsel vm15, $0x0, v1;
	v24 =	vsel vm4, $0x0, v1;
	v39 =	vsel vm5, $0x0, v1;
	[tilespmem:s13+$0x890] =	vst v34;
	s28 =	spop (v2sf)  }
0xa3: {  	v42 =	vsel vm6, $0x0, v1;
	v20 =	vsel vm7, $0x0, v1;
	[tilespmem:s13+$0x8A0] =	vst v35;
	v51 =	vsub.s32 v7, v41;
	s29 =	spop (v2sf)  }
0xa4: {  	v52 =	vsub.s32 v8, v41;
	v57 =	vsub.s32 v10, v41;
	[tilespmem:s13+$0x8B0] =	vst v19;
	(v2sf) =	vpush v17, $0x9;
	s14 =	ssub.s32 s29, s28  }
0xa5: {  	v19 =	vsub.s32 v5, v41;
	[tilespmem:s13+$0x8C0] =	vst v24;
	(v2sf) =	vpush v18, $0x9;
	vm8 =	vgt.u32 v43, s14  }
0xa6: {  	[tilespmem:s13+$0x8D0] =	vst v39;
	vm9 =	vgt.u32 v44, s14;
	vm10 =	vgt.u32 v45, s14;
	vm11 =	vgt.u32 v47, s14  }
0xa7: {  	[tilespmem:s13+$0x8E0] =	vst v42;
	vm12 =	vgt.u32 v19, s14;
	vm13 =	vgt.u32 v48, s14;
	vm14 =	vgt.u32 v51, s14  }
0xa8: {  	[tilespmem:s13+$0x8F0] =	vst v20;
	vm15 =	vgt.u32 v52, s14;
	vm4 =	vgt.u32 v53, s14;
	v46 =	vsel vm8, $0x0, v1  }
0xa9: {  	vm5 =	vgt.u32 v57, s14;
	vm6 =	vgt.u32 v58, s14;
	v21 =	vsel vm9, $0x0, v1;
	[tilespmem:s13+$0x900] =	vst v46  }
0xaa: {  	vm7 =	vgt.u32 v59, s14;
	v27 =	vsel vm10, $0x0, v1;
	v49 =	vsel vm11, $0x0, v1;
	[tilespmem:s13+$0x910] =	vst v21  }
0xab: {  	v19 =	vsel vm12, $0x0, v1;
	v50 =	vsel vm13, $0x0, v1;
	v54 =	vsel vm14, $0x0, v1;
	[tilespmem:s13+$0x920] =	vst v27  }
0xac: {  	v55 =	vsel vm15, $0x0, v1;
	v56 =	vsel vm4, $0x0, v1;
	v60 =	vsel vm5, $0x0, v1;
	[tilespmem:s13+$0x930] =	vst v49  }
0xad: {  	v61 =	vsel vm7, $0x0, v1;
	vm8 =	vgt.u32 v62, s14;
	vm10 =	vgt.u32 v63, s14;
	[tilespmem:s13+$0x940] =	vst v19  }
0xae: {  	vm11 =	vgt.u32 v22, s14;
	v21 =	vsel vm6, $0x0, v1;
	v19 =	vsub.s32 v14, v41;
	[tilespmem:s13+$0x950] =	vst v50  }
0xaf: {  	v32 =	vsel vm8, $0x0, v1;
	v28 =	vsel vm10, $0x0, v1;
	[tilespmem:s13+$0xD10] =	vst v60;
	v60 =	vbroadcast v17, $0xA  }
0xb0: {  	[tilespmem:s13+$0x960] =	vst v54;
	v22 =	vsel vm11, $0x0, v1;
	vm9 =	vgt.u32 v19, s14;
	v19 =	vbroadcast v17, $0x9  }
0xb1: {  	[tilespmem:s13+$0xD60] =	vst v28;
	v33 =	vsel vm9, $0x0, v1;
	v28 =	vsub.s32 v2, v60;
	v29 =	vsub.s32 v3, v60  }
0xb2: {  	[tilespmem:s13+$0x970] =	vst v55;
	v30 =	vsub.s32 v4, v60;
	v34 =	vsub.s32 v0, v19;
	v35 =	vsub.s32 v2, v19  }
0xb3: {  	[tilespmem:s13+$0xD00] =	vst v56;
	v36 =	vsub.s32 v3, v19;
	v37 =	vsub.s32 v4, v19;
	v41 =	vsub.s32 v5, v19  }
0xb4: {  	[tilespmem:s13+$0xD30] =	vst v61;
	v42 =	vsub.s32 v6, v19;
	v43 =	vsub.s32 v7, v19;
	v47 =	vsub.s32 v8, v19;
	s30 =	spop (v2sf)  }
0xb5: {  	[tilespmem:s13+$0xD20] =	vst v21;
	v48 =	vsub.s32 v9, v19;
	v49 =	vsub.s32 v10, v19;
	(v2sf) =	vpush v17, $0xA;
	s31 =	spop (v2sf)  }
0xb6: {  	[tilespmem:s13+$0xD40] =	vst v32;
	v53 =	vsub.s32 v11, v19;
	v54 =	vsub.s32 v12, v19;
	(v2sf) =	vpush v18, $0xA;
	s15 =	ssub.s32 s31, s30  }
0xb7: {  	[tilespmem:s13+$0xD70] =	vst v22;
	v55 =	vsub.s32 v13, v19;
	v58 =	vsub.s32 v14, v19;
	vm12 =	vgt.u32 v34, s15  }
0xb8: {  	[tilespmem:s13+$0xD50] =	vst v33;
	v59 =	vsub.s32 v15, v19;
	vm13 =	vgt.u32 v35, s15;
	v23 =	vsel vm12, $0x0, v1  }
0xb9: {  	v19 =	vsub.s32 v16, v19;
	vm14 =	vgt.u32 v36, s15;
	v38 =	vsel vm13, $0x0, v1;
	[tilespmem:s13+$0x980] =	vst v23  }
0xba: {  	v33 =	vsub.s32 v5, v60;
	vm15 =	vgt.u32 v37, s15;
	v39 =	vsel vm14, $0x0, v1;
	[tilespmem:s13+$0x990] =	vst v38  }
0xbb: {  	vm4 =	vgt.u32 v41, s15;
	vm5 =	vgt.u32 v42, s15;
	v40 =	vsel vm15, $0x0, v1;
	[tilespmem:s13+$0x9A0] =	vst v39  }
0xbc: {  	vm6 =	vgt.u32 v43, s15;
	vm7 =	vgt.u32 v47, s15;
	v44 =	vsel vm4, $0x0, v1;
	[tilespmem:s13+$0x9B0] =	vst v40  }
0xbd: {  	vm8 =	vgt.u32 v48, s15;
	vm9 =	vgt.u32 v49, s15;
	v45 =	vsel vm5, $0x0, v1;
	[tilespmem:s13+$0x9C0] =	vst v44  }
0xbe: {  	vm10 =	vgt.u32 v53, s15;
	vm11 =	vgt.u32 v54, s15;
	v46 =	vsel vm6, $0x0, v1;
	[tilespmem:s13+$0x9D0] =	vst v45  }
0xbf: {  	v34 =	vsub.s32 v6, v60;
	v35 =	vsub.s32 v7, v60;
	v50 =	vsel vm7, $0x0, v1;
	[tilespmem:s13+$0x9E0] =	vst v46  }
0xc0: {  	v43 =	vsub.s32 v11, v60;
	v48 =	vsub.s32 v14, v60;
	v51 =	vsel vm8, $0x0, v1;
	[tilespmem:s13+$0x9F0] =	vst v50  }
0xc1: {  	v49 =	vsub.s32 v15, v60;
	v52 =	vsel vm9, $0x0, v1;
	v56 =	vsel vm10, $0x0, v1;
	[tilespmem:s13+$0xD80] =	vst v51  }
0xc2: {  	vm12 =	vgt.u32 v55, s15;
	v21 =	vsel vm11, $0x0, v1;
	vm13 =	vgt.u32 v58, s15;
	[tilespmem:s13+$0xD90] =	vst v52  }
0xc3: {  	vm14 =	vgt.u32 v59, s15;
	vm15 =	vgt.u32 v19, s15;
	v19 =	vsub.s32 v0, v60;
	[tilespmem:s13+$0xDA0] =	vst v56  }
0xc4: {  	v57 =	vsel vm12, $0x0, v1;
	v61 =	vsel vm13, $0x0, v1;
	v62 =	vsel vm14, $0x0, v1;
	[tilespmem:s13+$0xDB0] =	vst v21;
	s16 =	spop (v2sf)  }
0xc5: {  	v63 =	vsel vm15, $0x0, v1;
	v38 =	vsub.s32 v8, v60;
	[tilespmem:s13+$0xDC0] =	vst v57;
	(v2sf) =	vpush v17, $0xB;
	s17 =	spop (v2sf)  }
0xc6: {  	v39 =	vsub.s32 v9, v60;
	v40 =	vsub.s32 v10, v60;
	[tilespmem:s13+$0xDD0] =	vst v61;
	(v2sf) =	vpush v18, $0xB;
	s14 =	ssub.s32 s17, s16  }
0xc7: {  	v44 =	vsub.s32 v12, v60;
	v45 =	vsub.s32 v13, v60;
	[tilespmem:s13+$0xDE0] =	vst v62;
	vm4 =	vgt.u32 v19, s14  }
0xc8: {  	v51 =	vbroadcast v17, $0xB;
	[tilespmem:s13+$0xDF0] =	vst v63;
	vm5 =	vgt.u32 v28, s14;
	v19 =	vsel vm4, $0x0, v1  }
0xc9: {  	v50 =	vsub.s32 v16, v60;
	vm6 =	vgt.u32 v29, s14;
	v31 =	vsel vm5, $0x0, v1;
	[tilespmem:s13+$0xA00] =	vst v19  }
0xca: {  	v54 =	vsub.s32 v2, v51;
	vm7 =	vgt.u32 v30, s14;
	v21 =	vsel vm6, $0x0, v1;
	[tilespmem:s13+$0xA10] =	vst v31  }
0xcb: {  	v56 =	vsub.s32 v3, v51;
	vm8 =	vgt.u32 v33, s14;
	v32 =	vsel vm7, $0x0, v1;
	[tilespmem:s13+$0xA20] =	vst v21  }
0xcc: {  	v57 =	vsub.s32 v4, v51;
	vm10 =	vgt.u32 v35, s14;
	v36 =	vsel vm8, $0x0, v1;
	[tilespmem:s13+$0xA30] =	vst v32  }
0xcd: {  	v58 =	vsub.s32 v5, v51;
	vm11 =	vgt.u32 v38, s14;
	v37 =	vsel vm10, $0x0, v1;
	[tilespmem:s13+$0xA40] =	vst v36  }
0xce: {  	v60 =	vsub.s32 v6, v51;
	vm12 =	vgt.u32 v39, s14;
	v41 =	vsel vm11, $0x0, v1;
	[tilespmem:s13+$0xA60] =	vst v37  }
0xcf: {  	v61 =	vsub.s32 v8, v51;
	vm13 =	vgt.u32 v40, s14;
	v22 =	vsel vm12, $0x0, v1;
	[tilespmem:s13+$0xA70] =	vst v41  }
0xd0: {  	vm9 =	vgt.u32 v34, s14;
	vm15 =	vgt.u32 v44, s14;
	v42 =	vsel vm13, $0x0, v1;
	[tilespmem:s13+$0xE00] =	vst v22  }
0xd1: {  	vm14 =	vgt.u32 v43, s14;
	v28 =	vsub.s32 v9, v51;
	v46 =	vsel vm15, $0x0, v1;
	[tilespmem:s13+$0xE10] =	vst v42  }
0xd2: {  	v29 =	vsub.s32 v10, v51;
	vm4 =	vgt.u32 v45, s14;
	v19 =	vsel vm9, $0x0, v1;
	[tilespmem:s13+$0xE30] =	vst v46  }
0xd3: {  	v30 =	vsub.s32 v11, v51;
	vm5 =	vgt.u32 v48, s14;
	v47 =	vsel vm4, $0x0, v1;
	[tilespmem:s13+$0xA50] =	vst v19  }
0xd4: {  	v34 =	vsub.s32 v12, v51;
	vm6 =	vgt.u32 v49, s14;
	v52 =	vsel vm5, $0x0, v1;
	[tilespmem:s13+$0xE40] =	vst v47;
	s18 =	spop (v2sf)  }
0xd5: {  	vm7 =	vgt.u32 v50, s14;
	v19 =	vsel vm14, $0x0, v1;
	[tilespmem:s13+$0xE50] =	vst v52;
	(v2sf) =	vpush v17, $0xC;
	s19 =	spop (v2sf)  }
0xd6: {  	v53 =	vsel vm6, $0x0, v1;
	[tilespmem:s13+$0xE20] =	vst v19;
	v19 =	vsub.s32 v0, v51;
	(v2sf) =	vpush v18, $0xC;
	s14 =	ssub.s32 s19, s18  }
0xd7: {  	v35 =	vsub.s32 v14, v51;
	v25 =	vsel vm7, $0x0, v1;
	[tilespmem:s13+$0xE60] =	vst v53;
	vm8 =	vgt.u32 v19, s14  }
0xd8: {  	v38 =	vsub.s32 v15, v51;
	[tilespmem:s13+$0xE70] =	vst v25;
	vm9 =	vgt.u32 v54, s14;
	v19 =	vsel vm8, $0x0, v1  }
0xd9: {  	v40 =	vbroadcast v17, $0xC;
	vm10 =	vgt.u32 v56, s14;
	v55 =	vsel vm9, $0x0, v1;
	[tilespmem:s13+$0xA80] =	vst v19  }
0xda: {  	v39 =	vsub.s32 v16, v51;
	vm11 =	vgt.u32 v57, s14;
	v59 =	vsel vm10, $0x0, v1;
	[tilespmem:s13+$0xA90] =	vst v55  }
0xdb: {  	v42 =	vsub.s32 v0, v40;
	vm12 =	vgt.u32 v58, s14;
	v22 =	vsel vm11, $0x0, v1;
	[tilespmem:s13+$0xAA0] =	vst v59  }
0xdc: {  	v43 =	vsub.s32 v3, v40;
	vm13 =	vgt.u32 v60, s14;
	v23 =	vsel vm12, $0x0, v1;
	[tilespmem:s13+$0xAB0] =	vst v22  }
0xdd: {  	v46 =	vsub.s32 v4, v40;
	vm15 =	vgt.u32 v61, s14;
	v62 =	vsel vm13, $0x0, v1;
	[tilespmem:s13+$0xAC0] =	vst v23  }
0xde: {  	v48 =	vsub.s32 v6, v40;
	vm4 =	vgt.u32 v28, s14;
	v63 =	vsel vm15, $0x0, v1;
	[tilespmem:s13+$0xAD0] =	vst v62  }
0xdf: {  	v47 =	vsub.s32 v5, v40;
	vm5 =	vgt.u32 v29, s14;
	v31 =	vsel vm4, $0x0, v1;
	[tilespmem:s13+$0xAF0] =	vst v63  }
0xe0: {  	v52 =	vsub.s32 v8, v40;
	vm6 =	vgt.u32 v30, s14;
	v32 =	vsel vm5, $0x0, v1;
	[tilespmem:s13+$0xE80] =	vst v31  }
0xe1: {  	vm7 =	vgt.u32 v34, s14;
	v33 =	vsel vm6, $0x0, v1;
	v19 =	vsub.s32 v7, v51;
	[tilespmem:s13+$0xE90] =	vst v32  }
0xe2: {  	v53 =	vsub.s32 v9, v40;
	v36 =	vsel vm7, $0x0, v1;
	[tilespmem:s13+$0xEA0] =	vst v33;
	vm14 =	vgt.u32 v19, s14  }
0xe3: {  	v56 =	vsub.s32 v10, v40;
	vm9 =	vgt.u32 v35, s14;
	[tilespmem:s13+$0xEB0] =	vst v36;
	v19 =	vsel vm14, $0x0, v1  }
0xe4: {  	vm10 =	vgt.u32 v38, s14;
	v37 =	vsel vm9, $0x0, v1;
	[tilespmem:s13+$0xAE0] =	vst v19;
	v19 =	vsub.s32 v13, v51;
	s20 =	spop (v2sf)  }
0xe5: {  	v41 =	vsel vm10, $0x0, v1;
	[tilespmem:s13+$0xED0] =	vst v37;
	vm8 =	vgt.u32 v19, s14;
	(v2sf) =	vpush v17, $0xD;
	s21 =	spop (v2sf)  }
0xe6: {  	vm11 =	vgt.u32 v39, s14;
	[tilespmem:s13+$0xEE0] =	vst v41;
	v19 =	vsel vm8, $0x0, v1;
	(v2sf) =	vpush v18, $0xD;
	s14 =	ssub.s32 s21, s20  }
0xe7: {  	v20 =	vsel vm11, $0x0, v1;
	[tilespmem:s13+$0xEC0] =	vst v19;
	v19 =	vsub.s32 v2, v40;
	vm12 =	vgt.u32 v42, s14  }
0xe8: {  	v57 =	vsub.s32 v11, v40;
	[tilespmem:s13+$0xEF0] =	vst v20;
	vm13 =	vgt.u32 v19, s14;
	v44 =	vsel vm12, $0x0, v1  }
0xe9: {  	v58 =	vsub.s32 v12, v40;
	vm14 =	vgt.u32 v43, s14;
	v19 =	vsel vm13, $0x0, v1;
	[tilespmem:s13+$0xB00] =	vst v44  }
0xea: {  	v61 =	vsub.s32 v13, v40;
	vm15 =	vgt.u32 v46, s14;
	v45 =	vsel vm14, $0x0, v1;
	[tilespmem:s13+$0xB10] =	vst v19  }
0xeb: {  	v51 =	vsub.s32 v7, v40;
	vm5 =	vgt.u32 v48, s14;
	v49 =	vsel vm15, $0x0, v1;
	[tilespmem:s13+$0xB20] =	vst v45  }
0xec: {  	v28 =	vbroadcast v17, $0xD;
	vm6 =	vgt.u32 v51, s14;
	v50 =	vsel vm5, $0x0, v1;
	[tilespmem:s13+$0xB30] =	vst v49  }
0xed: {  	v30 =	vsub.s32 v16, v40;
	vm8 =	vgt.u32 v53, s14;
	v54 =	vsel vm6, $0x0, v1;
	[tilespmem:s13+$0xB50] =	vst v50  }
0xee: {  	v62 =	vsub.s32 v14, v40;
	vm9 =	vgt.u32 v56, s14;
	v55 =	vsel vm8, $0x0, v1;
	[tilespmem:s13+$0xB60] =	vst v54  }
0xef: {  	v63 =	vsub.s32 v15, v40;
	vm11 =	vgt.u32 v58, s14;
	v59 =	vsel vm9, $0x0, v1;
	[tilespmem:s13+$0xF00] =	vst v55  }
0xf0: {  	v31 =	vsub.s32 v0, v28;
	vm4 =	vgt.u32 v47, s14;
	v60 =	vsel vm11, $0x0, v1;
	[tilespmem:s13+$0xF10] =	vst v59  }
0xf1: {  	v33 =	vsub.s32 v2, v28;
	vm12 =	vgt.u32 v61, s14;
	v19 =	vsel vm4, $0x0, v1;
	[tilespmem:s13+$0xF30] =	vst v60  }
0xf2: {  	v34 =	vsub.s32 v3, v28;
	vm14 =	vgt.u32 v63, s14;
	v29 =	vsel vm12, $0x0, v1;
	[tilespmem:s13+$0xB40] =	vst v19  }
0xf3: {  	v35 =	vsub.s32 v4, v28;
	vm7 =	vgt.u32 v52, s14;
	v24 =	vsel vm14, $0x0, v1;
	[tilespmem:s13+$0xF40] =	vst v29  }
0xf4: {  	v38 =	vsub.s32 v5, v28;
	vm10 =	vgt.u32 v57, s14;
	v19 =	vsel vm7, $0x0, v1;
	[tilespmem:s13+$0xF60] =	vst v24;
	s22 =	spop (v2sf)  }
0xf5: {  	vm13 =	vgt.u32 v62, s14;
	[tilespmem:s13+$0xB70] =	vst v19;
	v19 =	vsel vm10, $0x0, v1;
	(v2sf) =	vpush v17, $0xE;
	s23 =	spop (v2sf)  }
0xf6: {  	vm15 =	vgt.u32 v30, s14;
	[tilespmem:s13+$0xF20] =	vst v19;
	v19 =	vsel vm13, $0x0, v1;
	(v2sf) =	vpush v18, $0xE;
	s15 =	ssub.s32 s23, s22  }
0xf7: {  	v39 =	vsub.s32 v7, v28;
	[tilespmem:s13+$0xF50] =	vst v19;
	v19 =	vsel vm15, $0x0, v1;
	vm4 =	vgt.u32 v31, s15  }
0xf8: {  	v42 =	vsub.s32 v8, v28;
	[tilespmem:s13+$0xF70] =	vst v19;
	vm5 =	vgt.u32 v33, s15;
	v32 =	vsel vm4, $0x0, v1  }
0xf9: {  	v43 =	vsub.s32 v9, v28;
	vm6 =	vgt.u32 v34, s15;
	v19 =	vsel vm5, $0x0, v1;
	[tilespmem:s13+$0xB80] =	vst v32  }
0xfa: {  	v46 =	vsub.s32 v11, v28;
	vm7 =	vgt.u32 v35, s15;
	v36 =	vsel vm6, $0x0, v1;
	[tilespmem:s13+$0xB90] =	vst v19  }
0xfb: {  	v47 =	vsub.s32 v13, v28;
	vm8 =	vgt.u32 v38, s15;
	v37 =	vsel vm7, $0x0, v1;
	[tilespmem:s13+$0xBA0] =	vst v36  }
0xfc: {  	v51 =	vsub.s32 v15, v28;
	vm10 =	vgt.u32 v39, s15;
	v40 =	vsel vm8, $0x0, v1;
	[tilespmem:s13+$0xBB0] =	vst v37  }
0xfd: {  	v44 =	vsub.s32 v10, v28;
	vm12 =	vgt.u32 v43, s15;
	v41 =	vsel vm10, $0x0, v1;
	[tilespmem:s13+$0xBC0] =	vst v40  }
0xfe: {  	vm13 =	vgt.u32 v44, s15;
	v20 =	vsel vm12, $0x0, v1;
	v19 =	vsub.s32 v6, v28;
	[tilespmem:s13+$0xBE0] =	vst v41  }
0xff: {  	v52 =	vbroadcast v17, $0xE;
	v45 =	vsel vm13, $0x0, v1;
	[tilespmem:s13+$0xF80] =	vst v20;
	vm9 =	vgt.u32 v19, s15  }
0x100: {  	v53 =	vsub.s32 v16, v28;
	vm11 =	vgt.u32 v42, s15;
	[tilespmem:s13+$0xF90] =	vst v45;
	v19 =	vsel vm9, $0x0, v1  }
0x101: {  	v50 =	vsub.s32 v14, v28;
	vm14 =	vgt.u32 v46, s15;
	[tilespmem:s13+$0xBD0] =	vst v19;
	v19 =	vsel vm11, $0x0, v1  }
0x102: {  	v48 =	vsel vm14, $0x0, v1;
	vm4 =	vgt.u32 v47, s15;
	[tilespmem:s13+$0xBF0] =	vst v19;
	v19 =	vsub.s32 v12, v28  }
0x103: {  	v54 =	vsub.s32 v0, v52;
	v49 =	vsel vm4, $0x0, v1;
	[tilespmem:s13+$0xFA0] =	vst v48;
	vm15 =	vgt.u32 v19, s15  }
0x104: {  	v55 =	vsub.s32 v2, v52;
	vm5 =	vgt.u32 v50, s15;
	[tilespmem:s13+$0xFC0] =	vst v49;
	v19 =	vsel vm15, $0x0, v1;
	s24 =	spop (v2sf)  }
0x105: {  	vm7 =	vgt.u32 v53, s15;
	[tilespmem:s13+$0xFB0] =	vst v19;
	v19 =	vsel vm5, $0x0, v1;
	(v2sf) =	vpush v17, $0xF;
	s25 =	spop (v2sf)  }
0x106: {  	vm6 =	vgt.u32 v51, s15;
	[tilespmem:s13+$0xFD0] =	vst v19;
	(v2sf) =	vpush v18, $0xF;
	v18 =	vsel vm7, $0x0, v1;
	s14 =	ssub.s32 s25, s24  }
0x107: {  	v19 =	vsel vm6, $0x0, v1;
	[tilespmem:s13+$0xFF0] =	vst v18;
	v18 =	vsub.s32 v3, v52;
	vm8 =	vgt.u32 v54, s14  }
0x108: {  	v56 =	vsub.s32 v4, v52;
	[tilespmem:s13+$0xFE0] =	vst v19;
	vm10 =	vgt.u32 v18, s14;
	v19 =	vsel vm8, $0x0, v1  }
0x109: {  	v57 =	vsub.s32 v5, v52;
	vm9 =	vgt.u32 v55, s14;
	v18 =	vsel vm10, $0x0, v1;
	[tilespmem:s13+$0xC00] =	vst v19  }
0x10a: {  	v58 =	vsub.s32 v7, v52;
	vm11 =	vgt.u32 v56, s14;
	v19 =	vsel vm9, $0x0, v1;
	[tilespmem:s13+$0xC20] =	vst v18  }
0x10b: {  	vm12 =	vgt.u32 v57, s14;
	v18 =	vsub.s32 v6, v52;
	[tilespmem:s13+$0xC10] =	vst v19;
	v19 =	vsel vm11, $0x0, v1  }
0x10c: {  	v59 =	vsub.s32 v8, v52;
	vm13 =	vgt.u32 v18, s14;
	[tilespmem:s13+$0xC30] =	vst v19;
	v19 =	vsel vm12, $0x0, v1  }
0x10d: {  	v60 =	vsub.s32 v10, v52;
	vm14 =	vgt.u32 v58, s14;
	v18 =	vsel vm13, $0x0, v1;
	[tilespmem:s13+$0xC40] =	vst v19  }
0x10e: {  	vm15 =	vgt.u32 v59, s14;
	v19 =	vsel vm14, $0x0, v1;
	[tilespmem:s13+$0xC50] =	vst v18;
	v18 =	vsub.s32 v9, v52  }
0x10f: {  	v61 =	vsub.s32 v11, v52;
	[tilespmem:s13+$0xC60] =	vst v19;
	v19 =	vsel vm15, $0x0, v1;
	vm4 =	vgt.u32 v18, s14  }
0x110: {  	v62 =	vsub.s32 v13, v52;
	vm5 =	vgt.u32 v60, s14;
	[tilespmem:s13+$0xC70] =	vst v19;
	v18 =	vsel vm4, $0x0, v1  }
0x111: {  	vm6 =	vgt.u32 v61, s14;
	v19 =	vsel vm5, $0x0, v1;
	[tilespmem:s13+$0x1000] =	vst v18;
	v18 =	vsub.s32 v12, v52  }
0x112: {  	v63 =	vsub.s32 v14, v52;
	[tilespmem:s13+$0x1010] =	vst v19;
	v19 =	vsel vm6, $0x0, v1;
	vm7 =	vgt.u32 v18, s14  }
0x113: {  	v17 =	vbroadcast v17, $0xF;
	vm8 =	vgt.u32 v62, s14;
	[tilespmem:s13+$0x1020] =	vst v19;
	v18 =	vsel vm7, $0x0, v1  }
0x114: {  	vm9 =	vgt.u32 v63, s14;
	v19 =	vsel vm8, $0x0, v1;
	[tilespmem:s13+$0x1030] =	vst v18;
	v18 =	vsub.s32 v15, v52;
	s26 =	spop (v2sf)  }
0x115: {  	[tilespmem:s13+$0x1040] =	vst v19;
	v19 =	vsel vm9, $0x0, v1;
	vm10 =	vgt.u32 v18, s14;
	v18 =	vsub.s32 v16, v52;
	s28 =	spop (v2sf)  }
0x116: {  	[tilespmem:s13+$0x1050] =	vst v19;
	v19 =	vsel vm10, $0x0, v1;
	vm11 =	vgt.u32 v18, s14;
	v18 =	vsub.s32 v0, v17;
	s29 =	ssub.s32 s28, s26  }
0x117: {  	[tilespmem:s13+$0x1060] =	vst v19;
	v19 =	vsel vm11, $0x0, v1;
	vm12 =	vgt.u32 v18, s29;
	v18 =	vsub.s32 v2, v17  }
0x118: {  	[tilespmem:s13+$0x1070] =	vst v19;
	v19 =	vsel vm12, $0x0, v1;
	vm13 =	vgt.u32 v18, s29;
	v18 =	vsub.s32 v3, v17  }
0x119: {  	[tilespmem:s13+$0xC80] =	vst v19;
	v19 =	vsel vm13, $0x0, v1;
	vm14 =	vgt.u32 v18, s29;
	v18 =	vsub.s32 v4, v17  }
0x11a: {  	[tilespmem:s13+$0xC90] =	vst v19;
	v19 =	vsel vm14, $0x0, v1;
	vm15 =	vgt.u32 v18, s29;
	v18 =	vsub.s32 v5, v17  }
0x11b: {  	[tilespmem:s13+$0xCA0] =	vst v19;
	v19 =	vsel vm15, $0x0, v1;
	vm4 =	vgt.u32 v18, s29;
	v18 =	vsub.s32 v6, v17  }
0x11c: {  	[tilespmem:s13+$0xCB0] =	vst v19;
	v19 =	vsel vm4, $0x0, v1;
	vm5 =	vgt.u32 v18, s29;
	v18 =	vsub.s32 v7, v17  }
0x11d: {  	[tilespmem:s13+$0xCC0] =	vst v19;
	v19 =	vsel vm5, $0x0, v1;
	vm6 =	vgt.u32 v18, s29;
	v18 =	vsub.s32 v8, v17  }
0x11e: {  	[tilespmem:s13+$0xCD0] =	vst v19;
	v19 =	vsel vm6, $0x0, v1;
	vm7 =	vgt.u32 v18, s29;
	v18 =	vsub.s32 v9, v17  }
0x11f: {  	[tilespmem:s13+$0xCE0] =	vst v19;
	v19 =	vsel vm7, $0x0, v1;
	vm8 =	vgt.u32 v18, s29;
	v18 =	vsub.s32 v10, v17  }
0x120: {  	[tilespmem:s13+$0xCF0] =	vst v19;
	v19 =	vsel vm8, $0x0, v1;
	vm9 =	vgt.u32 v18, s29;
	v18 =	vsub.s32 v11, v17  }
0x121: {  	[tilespmem:s13+$0x1080] =	vst v19;
	v19 =	vsel vm9, $0x0, v1;
	vm10 =	vgt.u32 v18, s29;
	v18 =	vsub.s32 v12, v17  }
0x122: {  	[tilespmem:s13+$0x1090] =	vst v19;
	v19 =	vsel vm10, $0x0, v1;
	vm11 =	vgt.u32 v18, s29;
	v18 =	vsub.s32 v13, v17  }
0x123: {  	[tilespmem:s13+$0x10A0] =	vst v19;
	v19 =	vsel vm11, $0x0, v1;
	vm12 =	vgt.u32 v18, s29;
	v18 =	vsub.s32 v14, v17  }
0x124: {  	p0 =	sne.s32 s11, $0x3;
	[tilespmem:s13+$0x10B0] =	vst v19;
	v19 =	vsel vm12, $0x0, v1;
	vm13 =	vgt.u32 v18, s29;
	v18 =	vsub.s32 v16, v17  }
.Ltmp0:
0x125: {  	v17 =	vsub.s32 v15, v17;
	[tilespmem:s13+$0x10C0] =	vst v19;
	v19 =	vsel vm13, $0x0, v1;
	vm14 =	vgt.u32 v18, s29;
	(pc) =	sbr.rel @p0 .LBB2_2-.Ltmp0, $4  }
0x126: {  	s12 =	sadd.s32 s2, s12;
	vm15 =	vgt.u32 v17, s29;
	[tilespmem:s13+$0x10D0] =	vst v19;
	v18 =	vsel vm14, $0x0, v1  }
0x127: {  	s12 =	sshll.u32 s12, $0x5;
	s30 =	rddreg [dreg:$0x3];
	v17 =	vsel vm15, $0x0, v1;
	[tilespmem:s13+$0x10F0] =	vst v18  }
0x128: {  	s11 =	sadd.s32 $0x1, s11;
	s31 =	sor.u32 $0x100, s13;
	s12 =	sadd.s32 s30, s12;
	[tilespmem:s13+$0x10E0] =	vst v17  }
0x129: {  	[hbm4b:s12+s3] =	stream.linear.scatter [tilespmem:s31], [sflag:$0x1], $0x1000, $0x38;
	[tilespmem:$0x4100] =	vst v63  }
0x12a: {  	_ =	swait.ge [sflag:s9], $0x1000  }
0x12b: {  	[sflag:s9] =	ssyncset.done $0x0  }
0x12c: {  	[sflag:s9] =	ssyncadd.s32 $0xFFFFF000  }
0x12d: {  	_ =	swait.ge [sflag:s9], $0x1000  }
0x12e: {  	[sflag:s9] =	ssyncset.done $0x0  }
0x12f: {  	s10 =	sadd.s32 $0x1, s10;
	[sflag:s9] =	ssyncadd.s32 $0xFFFFF000  }
0x130: {  	p0 =	sne.s32 s10, s6;
	_ =	swait.ge [sflag:s9], $0x1000  }
.Ltmp1:
0x131: {  	[sflag:s9] =	ssyncset.done $0x0;
	(pc) =	sbr.rel @p0 .LBB2_1-.Ltmp1, $4  }
0x132: {  	[sflag:s9] =	ssyncadd.s32 $0xFFFFF000  }
0x133: {  	_ =	swait.ge [sflag:s9], $0x1000  }
0x134: {  	[sflag:s9] =	ssyncset.done $0x0  }
0x135: {  	[sflag:s9] =	ssyncadd.s32 $0xFFFFF000  }
0x136: {  	_ =	sfence.sel $0x180000  }
0x137: {  	[bflag:$0x0] =	sbarrier.arrive $0xFFFF  }
0x138: {  	p0 =	sne.s32 s0, $0x0;
	_ =	strace $0x90000047  }
0x139: {  	s0 =	sadd.s32 @!p0 $0x100000, s1;
	[bflag:$0x2] =	sbarrier.arrive $0xFFFF  }
0x13a: {  	[sflag:s0] =	ssyncadd.tile.s32 @!p0 $0x1;
	_ =	shalt  }
.Lfunc_end2:
_tile_overlayer_lowered:
.L_overlay_start_2:
0x13b: {  	(tag) =	ssettag $0x2  }
0x13c: {  	s0 =	rddreg [dreg:$0x0];
	s2 =	stileid.u32  }
0x13d: {  	s1 =	rddreg [dreg:$0x1];
	p0 =	sne.s32 s2, $0x0  }
0x13e: {  	s3 =	rddreg [dreg:$0x2];
	[bflag:$0x3] =	sbarrier.arrive $0xFFFF;
	s2 =	simm.s32 @!p0 $0x1C02  }
0x13f: {  	[timem:s3], [sflag:s2] =	dma.local @!p0 [hbm:s0], s1  }
0x140: {  	s0 =	simm.s32 @!p0 $0x2  }
0x141: {  	_ =	swait.ge @!p0 [sflag:s0], s1  }
0x142: {  	s1 =	ssub.s32 @!p0 $0x0, s1;
	[sflag:s0] =	ssyncset.done @!p0 $0x0  }
0x143: {  	[sflag:s0] =	ssyncadd.s32 @!p0 s1  }
0x144: {  	[bflag:$0x3] =	sbarrier.arrive $0xFFFF  }
0x145: {  	_ =	shalt  }

</sc_bundles>
